<compile_context>
chip_gen: v7x
topology: tpu7x:2x2x1
jax: 0.10.2.dev20260603
libtpu: 0.0.44.dev20260713+nightly
codegen_flags: <defaults>
</compile_context>

<pallas_src>
import functools

import jax
import jax.numpy as jnp
from jax import lax
from jax.experimental import pallas as pl
from jax.experimental.pallas import tpu as pltpu
from jax.experimental.pallas import tpu_sc as plsc

NUM_EMB = 1000000
DIM = 16
BATCH = 16384
HIST = 200

_info = plsc.get_sparse_core_info()
NC, NS = _info.num_cores, _info.num_subcores
NW = NC * NS

TT = HIST // 8
BT = BATCH // 128
UNITS = TT * BT
U_PER_W = UNITS // NW

VT = 7816
VPAD = VT * 128 - NUM_EMB
VT4 = VT // 4
A_PER_W = -(-VT4 // NW)

_mesh = plsc.VectorSubcoreMesh(core_axis_name="c", subcore_axis_name="s")


@functools.partial(
    pl.kernel,
    mesh=_mesh,
    out_type=jax.ShapeDtypeStruct((VT * 128, DIM), jnp.float32),
    scratch_types=[
        pltpu.VMEM((4, DIM, 136), jnp.float32),
        pltpu.VMEM((4, DIM, 136), jnp.float32),
        pltpu.VMEM((512, DIM), jnp.float32),
        pltpu.VMEM((512, DIM), jnp.float32),
        pltpu.SemaphoreType.DMA,
        pltpu.SemaphoreType.DMA,
        pltpu.SemaphoreType.DMA,
        pltpu.SemaphoreType.DMA,
    ],
    compiler_params=pltpu.CompilerParams(
        use_tc_tiling_on_sc=False, needs_layout_passes=False
    ),
)
def _wt_kernel(wphys_hbm, wlin_hbm, tb0, tb1, lb0, lb1, ts0, ts1, os0, os1):
    tb = (tb0, tb1)
    lb = (lb0, lb1)
    tsem = (ts0, ts1)
    osem = (os0, os1)

    wid = lax.axis_index("s") * NC + lax.axis_index("c")
    base = wid * A_PER_W
    nmy = jnp.clip(VT4 - base, 0, A_PER_W)
    lane_iota = lax.iota(jnp.int32, 16)
    zero16 = jnp.zeros((16,), jnp.int32)

    def start_in(k, b):
        vt0 = (base + k) * 4
        pltpu.async_copy(
            wphys_hbm.at[0, pl.ds(vt0, 4)],
            tb[b].at[:, pl.ds(0, 8), pl.ds(0, 128)],
            tsem[b],
        )
        pltpu.async_copy(
            wphys_hbm.at[1, pl.ds(vt0, 4)],
            tb[b].at[:, pl.ds(8, 8), pl.ds(0, 128)],
            tsem[b],
        )

    def wait_in(b):
        pltpu.make_async_copy(
            wphys_hbm.at[0, pl.ds(0, 4)],
            tb[b].at[:, pl.ds(0, 8), pl.ds(0, 128)],
            tsem[b],
        ).wait()
        pltpu.make_async_copy(
            wphys_hbm.at[1, pl.ds(0, 4)],
            tb[b].at[:, pl.ds(8, 8), pl.ds(0, 128)],
            tsem[b],
        ).wait()

    def start_out(k, b):
        pltpu.async_copy(
            lb[b], wlin_hbm.at[pl.ds((base + k) * 512, 512)], osem[b]
        )

    def wait_out(b):
        pltpu.make_async_copy(
            lb[b], wlin_hbm.at[pl.ds(0, 512)], osem[b]
        ).wait()

    def transpose(b):
        lbuf = lb[b]
        for vti in range(4):
            tbuf = tb[b].at[vti]

            @plsc.parallel_loop(0, 128, 1, unroll=4)
            def tbody(r):
                v = plsc.load_gather(tbuf, [lane_iota, zero16 + r])
                lbuf[vti * 128 + r] = v

    @pl.when(nmy > 0)
    def _():
        start_in(0, 0)

    @pl.when(nmy > 1)
    def _():
        start_in(1, 1)

    def outer(o, carry):
        for b in (0, 1):
            k = o * 2 + b

            @pl.when(k < nmy)
            def _():
                wait_in(b)

                @pl.when(k >= 2)
                def _():
                    wait_out(b)

                transpose(b)

                @pl.when(k + 2 < nmy)
                def _():
                    start_in(k + 2, b)

                start_out(k, b)
        return carry

    lax.fori_loop(0, (A_PER_W + 1) // 2, outer, 0)

    @pl.when(nmy > 0)
    def _():
        wait_out(0)

    @pl.when(nmy > 1)
    def _():
        wait_out(1)


@functools.partial(
    pl.kernel,
    mesh=_mesh,
    out_type=jax.ShapeDtypeStruct((HIST, 2, BT, 8, 128), jnp.float32),
    scratch_types=[
        pltpu.VMEM((1024,), jnp.int32),
        pltpu.VMEM((1024,), jnp.int32),
        pltpu.VMEM((1024, DIM), jnp.float32),
        pltpu.VMEM((1024, DIM), jnp.float32),
        pltpu.VMEM((8, 2, 8, 128), jnp.float32),
        pltpu.VMEM((8, 2, 8, 128), jnp.float32),
        pltpu.SemaphoreType.DMA,
        pltpu.SemaphoreType.DMA,
        pltpu.SemaphoreType.DMA,
        pltpu.SemaphoreType.DMA,
        pltpu.SemaphoreType.DMA,
        pltpu.SemaphoreType.DMA,
    ],
    compiler_params=pltpu.CompilerParams(
        use_tc_tiling_on_sc=False, needs_layout_passes=False
    ),
)
def _gather_kernel(
    w_hbm,
    idxp_hbm,
    outp_hbm,
    idx_v0,
    idx_v1,
    rows_v0,
    rows_v1,
    ob0,
    ob1,
    isem0,
    isem1,
    gsem0,
    gsem1,
    osem0,
    osem1,
):
    idx_v = (idx_v0, idx_v1)
    rows_v = (rows_v0, rows_v1)
    ob = (ob0, ob1)
    isem = (isem0, isem1)
    gsem = (gsem0, gsem1)
    osem = (osem0, osem1)

    wid = lax.axis_index("s") * NC + lax.axis_index("c")
    u0 = wid * U_PER_W
    lane_iota = lax.iota(jnp.int32, 16)
    dcol = [jnp.full((16,), d, jnp.int32) for d in range(DIM)]

    def start_idx(u, b):
        tt = u // BT
        bt = u % BT
        pltpu.async_copy(idxp_hbm.at[tt, bt], idx_v[b], isem[b])

    def wait_idx(b):
        pltpu.make_async_copy(idxp_hbm.at[0, 0], idx_v[b], isem[b]).wait()

    def start_gather(b):
        pltpu.async_copy(w_hbm.at[idx_v[b]], rows_v[b], gsem[b])

    def wait_gather(b):
        pltpu.make_async_copy(
            w_hbm.at[idx_v[b]], rows_v[b], gsem[b]
        ).wait()

    def start_out(u, b):
        tt = u // BT
        bt = u % BT
        pltpu.async_copy(ob[b], outp_hbm.at[pl.ds(tt * 8, 8), :, bt], osem[b])

    def wait_out(b):
        pltpu.make_async_copy(
            ob[b], outp_hbm.at[pl.ds(0, 8), :, 0], osem[b]
        ).wait()

    def transpose(b):
        rows = rows_v[b]
        obuf = ob[b]

        @plsc.parallel_loop(0, 64, 1, unroll=2)
        def tbody(g):
            ts = g // 8
            r0 = g % 8
            iv_row = lane_iota + g * 16
            for d in range(DIM):
                v = plsc.load_gather(rows, [iv_row, dcol[d]])
                obuf[ts, d // 8, d % 8, pl.ds(r0 * 16, 16)] = v

    start_idx(u0, 0)
    start_idx(u0 + 1, 1)
    wait_idx(0)
    start_gather(0)

    def outer(o, carry):
        for b in (0, 1):
            k = o * 2 + b
            nb = 1 - b
            wait_gather(b)

            @pl.when(k + 1 < U_PER_W)
            def _():
                wait_idx(nb)
                start_gather(nb)

            @pl.when(k + 2 < U_PER_W)
            def _():
                start_idx(u0 + k + 2, b)

            @pl.when(k >= 2)
            def _():
                wait_out(b)

            transpose(b)
            start_out(u0 + k, b)
        return carry

    lax.fori_loop(0, U_PER_W // 2, outer, 0)
    wait_out(0)
    wait_out(1)


def kernel(indices, weight):
    wpad = jnp.concatenate(
        [weight, jnp.zeros((VPAD, DIM), jnp.float32)], axis=0
    )
    wphys = wpad.reshape(VT, 128, 2, 8).transpose(2, 0, 3, 1)
    w_lin = _wt_kernel(wphys)
    idx_phys = (
        indices.reshape(BT, 128, TT, 8)
        .transpose(2, 0, 3, 1)
        .reshape(TT, BT, 1024)
    )
    out_phys = _gather_kernel(w_lin, idx_phys)
    return out_phys.transpose(2, 4, 0, 1, 3).reshape(BATCH, HIST, DIM)

# --- scband reference (transcript-rebuilt; emitter-appended) ---
"""Pipeline reference for scband-learned-positional-encodings-62835371540916 (READ-ONLY COPY).

The authoritative reference and input builder live on the scoring server;
editing this copy changes nothing except your own understanding.
"""

import jax, jax.numpy as jnp
import numpy as np

NUM_EMBEDDINGS = 1000000
EMBEDDING_DIM = 16
BATCH = 16384
HIST_LEN = 200


def setup_inputs(seed: int = 0) -> dict:
    key = jax.random.key(seed)
    k_idx, k_w = jax.random.split(key)
    indices = jax.random.randint(k_idx, (BATCH, HIST_LEN), 0, NUM_EMBEDDINGS, dtype=jnp.int64 if jax.config.jax_enable_x64 else jnp.int32)
    weight = jax.random.normal(k_w, (NUM_EMBEDDINGS, EMBEDDING_DIM), dtype=jnp.float32)
    return {"indices": indices, "weight": weight}


def reference(indices, weight):
    # Faithful translation of: return self.weight[indices]
    return jnp.take(weight, indices, axis=0)

if __name__ == "__main__":
    import jax
    _d = setup_inputs()
    print(jax.jit(kernel)(*tuple(_d.values())))

</pallas_src>

<mosaic_0001>
#map = affine_map<(d0, d1) -> (0, 0)>
#map1 = affine_map<(d0, d1) -> (0, 0, 0)>
#map2 = affine_map<(d0, d1) -> (0, 0, 0, 0, 0)>
module attributes {stable_mosaic.version = 14 : i64} {
  func.func @_gather_kernel(%arg0: i32, %arg1: i32, %arg2: memref<1000448x16xf32, #tpu.memory_space<hbm>>, %arg3: memref<25x128x1024xi32, #tpu.memory_space<hbm>>, %arg4: memref<200x2x128x8x128xf32, #tpu.memory_space<hbm>>, %arg5: memref<1024xi32, #tpu.memory_space<vmem>>, %arg6: memref<1024xi32, #tpu.memory_space<vmem>>, %arg7: memref<1024x16xf32, #tpu.memory_space<vmem>>, %arg8: memref<1024x16xf32, #tpu.memory_space<vmem>>, %arg9: memref<8x2x8x128xf32, #tpu.memory_space<vmem>>, %arg10: memref<8x2x8x128xf32, #tpu.memory_space<vmem>>, %arg11: memref<!tpu.dma_semaphore, #tpu.memory_space<semaphore_mem>>, %arg12: memref<!tpu.dma_semaphore, #tpu.memory_space<semaphore_mem>>, %arg13: memref<!tpu.dma_semaphore, #tpu.memory_space<semaphore_mem>>, %arg14: memref<!tpu.dma_semaphore, #tpu.memory_space<semaphore_mem>>, %arg15: memref<!tpu.dma_semaphore, #tpu.memory_space<semaphore_mem>>, %arg16: memref<!tpu.dma_semaphore, #tpu.memory_space<semaphore_mem>>) attributes {dimension_semantics = [#tpu.dimension_semantics<core_parallel>, #tpu.dimension_semantics<subcore_parallel>], iteration_bounds = array<i64: 2, 16>, scalar_prefetch = 0 : i64, scratch_operands = 12 : i64, tpu.core_type = #tpu.core_type<sc_vector_subcore>, window_params = [{transform_indices = #map}, {transform_indices = #map1}, {transform_indices = #map2}]} {
    %mul3A = arith.constant 2 : i32
    %mul3A_0 = arith.muli %arg1, %mul3A : i32
    %add3A = arith.addi %mul3A_0, %arg0 : i32
    %mul3A_1 = arith.constant 100 : i32
    %mul3A_2 = arith.muli %add3A, %mul3A_1 : i32
    %iota3A = tpu.iota {dimensions = array<i32: 0>} : vector<16xi32>
    %broadcast_in_dim3A = arith.constant 0 : i32
    %broadcast_in_dim3A_3 = vector.broadcast %broadcast_in_dim3A : i32 to vector<16xi32>
    %broadcast_in_dim3A_4 = arith.constant 1 : i32
    %broadcast_in_dim3A_5 = vector.broadcast %broadcast_in_dim3A_4 : i32 to vector<16xi32>
    %broadcast_in_dim3A_6 = arith.constant 2 : i32
    %broadcast_in_dim3A_7 = vector.broadcast %broadcast_in_dim3A_6 : i32 to vector<16xi32>
    %broadcast_in_dim3A_8 = arith.constant 3 : i32
    %broadcast_in_dim3A_9 = vector.broadcast %broadcast_in_dim3A_8 : i32 to vector<16xi32>
    %broadcast_in_dim3A_10 = arith.constant 4 : i32
    %broadcast_in_dim3A_11 = vector.broadcast %broadcast_in_dim3A_10 : i32 to vector<16xi32>
    %broadcast_in_dim3A_12 = arith.constant 5 : i32
    %broadcast_in_dim3A_13 = vector.broadcast %broadcast_in_dim3A_12 : i32 to vector<16xi32>
    %broadcast_in_dim3A_14 = arith.constant 6 : i32
    %broadcast_in_dim3A_15 = vector.broadcast %broadcast_in_dim3A_14 : i32 to vector<16xi32>
    %broadcast_in_dim3A_16 = arith.constant 7 : i32
    %broadcast_in_dim3A_17 = vector.broadcast %broadcast_in_dim3A_16 : i32 to vector<16xi32>
    %broadcast_in_dim3A_18 = arith.constant 8 : i32
    %broadcast_in_dim3A_19 = vector.broadcast %broadcast_in_dim3A_18 : i32 to vector<16xi32>
    %broadcast_in_dim3A_20 = arith.constant 9 : i32
    %broadcast_in_dim3A_21 = vector.broadcast %broadcast_in_dim3A_20 : i32 to vector<16xi32>
    %broadcast_in_dim3A_22 = arith.constant 10 : i32
    %broadcast_in_dim3A_23 = vector.broadcast %broadcast_in_dim3A_22 : i32 to vector<16xi32>
    %broadcast_in_dim3A_24 = arith.constant 11 : i32
    %broadcast_in_dim3A_25 = vector.broadcast %broadcast_in_dim3A_24 : i32 to vector<16xi32>
    %broadcast_in_dim3A_26 = arith.constant 12 : i32
    %broadcast_in_dim3A_27 = vector.broadcast %broadcast_in_dim3A_26 : i32 to vector<16xi32>
    %broadcast_in_dim3A_28 = arith.constant 13 : i32
    %broadcast_in_dim3A_29 = vector.broadcast %broadcast_in_dim3A_28 : i32 to vector<16xi32>
    %broadcast_in_dim3A_30 = arith.constant 14 : i32
    %broadcast_in_dim3A_31 = vector.broadcast %broadcast_in_dim3A_30 : i32 to vector<16xi32>
    %broadcast_in_dim3A_32 = arith.constant 15 : i32
    %broadcast_in_dim3A_33 = vector.broadcast %broadcast_in_dim3A_32 : i32 to vector<16xi32>
    %jit3A = arith.constant 128 : i32
    %div3A = arith.divsi %mul3A_2, %jit3A : i32
    %sign3A = arith.constant 0 : i32
    %sign3A_34 = arith.cmpi sgt, %mul3A_2, %sign3A : i32
    %sign3A_35 = arith.extui %sign3A_34 : i1 to i32
    %sign3A_36 = arith.constant 0 : i32
    %sign3A_37 = arith.cmpi slt, %mul3A_2, %sign3A_36 : i32
    %sign3A_38 = arith.extui %sign3A_37 : i1 to i32
    %sign3A_39 = arith.subi %sign3A_35, %sign3A_38 : i32
    %sign3A_40 = arith.constant 0 : i32
    %sign3A_41 = arith.cmpi sgt, %jit3A, %sign3A_40 : i32
    %sign3A_42 = arith.extui %sign3A_41 : i1 to i32
    %sign3A_43 = arith.constant 0 : i32
    %sign3A_44 = arith.cmpi slt, %jit3A, %sign3A_43 : i32
    %sign3A_45 = arith.extui %sign3A_44 : i1 to i32
    %sign3A_46 = arith.subi %sign3A_42, %sign3A_45 : i32
    %ne3A = arith.cmpi ne, %sign3A_39, %sign3A_46 : i32
    %rem3A = arith.remsi %mul3A_2, %jit3A : i32
    %ne3A_47 = arith.constant 0 : i32
    %ne3A_48 = arith.cmpi ne, %rem3A, %ne3A_47 : i32
    %and3A = arith.andi %ne3A, %ne3A_48 : i1
    %sub3A = arith.constant 1 : i32
    %sub3A_49 = arith.subi %div3A, %sub3A : i32
    %select_n3A = arith.select %and3A, %sub3A_49, %div3A : i32
    %jit3A_50 = arith.constant 128 : i32
    %eq3A = arith.constant 0 : i32
    %eq3A_51 = arith.cmpi eq, %jit3A_50, %eq3A : i32
    %jit3A_52 = arith.constant 1 : i32
    %select_n3A_53 = arith.select %eq3A_51, %jit3A_52, %jit3A_50 : i32
    %rem3A_54 = arith.remsi %mul3A_2, %select_n3A_53 : i32
    %ne3A_55 = arith.constant 0 : i32
    %ne3A_56 = arith.cmpi ne, %rem3A_54, %ne3A_55 : i32
    %lt3A = arith.constant 0 : i32
    %lt3A_57 = arith.cmpi slt, %rem3A_54, %lt3A : i32
    %lt3A_58 = arith.constant 0 : i32
    %lt3A_59 = arith.cmpi slt, %select_n3A_53, %lt3A_58 : i32
    %ne3A_60 = arith.xori %lt3A_57, %lt3A_59 : i1
    %and3A_61 = arith.andi %ne3A_60, %ne3A_56 : i1
    %add3A_62 = arith.addi %rem3A_54, %select_n3A_53 : i32
    %select_n3A_63 = arith.select %and3A_61, %add3A_62, %rem3A_54 : i32
    %dma_start3A = arith.constant 0 : i32
    %dma_start3A_64 = tpu.memref_slice %arg3[%select_n3A, %select_n3A_63, %dma_start3A] : memref<25x128x1024xi32, #tpu.memory_space<hbm>> -> memref<1x1x1024xi32, #tpu.memory_space<hbm>>
    %dma_start3A_65 = tpu.memref_squeeze %dma_start3A_64 : memref<1x1x1024xi32, #tpu.memory_space<hbm>> -> memref<1024xi32, #tpu.memory_space<hbm>>
    %dma_start3A_66 = arith.constant 0 : i32
    %dma_start3A_67 = tpu.memref_slice %arg3[%select_n3A, %select_n3A_63, %dma_start3A_66] : memref<25x128x1024xi32, #tpu.memory_space<hbm>> -> memref<1x1x1024xi32, #tpu.memory_space<hbm>>
    %dma_start3A_68 = tpu.memref_squeeze %dma_start3A_67 : memref<1x1x1024xi32, #tpu.memory_space<hbm>> -> memref<1024xi32, #tpu.memory_space<hbm>>
    tpu.enqueue_dma source(%dma_start3A_68 : memref<1024xi32, #tpu.memory_space<hbm>>) target(%arg5 : memref<1024xi32, #tpu.memory_space<vmem>>) target_semaphore(%arg11 : memref<!tpu.dma_semaphore, #tpu.memory_space<semaphore_mem>>)
    %add3A_69 = arith.constant 1 : i32
    %add3A_70 = arith.addi %mul3A_2, %add3A_69 : i32
    %jit3A_71 = arith.constant 128 : i32
    %div3A_72 = arith.divsi %add3A_70, %jit3A_71 : i32
    %sign3A_73 = arith.constant 0 : i32
    %sign3A_74 = arith.cmpi sgt, %add3A_70, %sign3A_73 : i32
    %sign3A_75 = arith.extui %sign3A_74 : i1 to i32
    %sign3A_76 = arith.constant 0 : i32
    %sign3A_77 = arith.cmpi slt, %add3A_70, %sign3A_76 : i32
    %sign3A_78 = arith.extui %sign3A_77 : i1 to i32
    %sign3A_79 = arith.subi %sign3A_75, %sign3A_78 : i32
    %sign3A_80 = arith.constant 0 : i32
    %sign3A_81 = arith.cmpi sgt, %jit3A_71, %sign3A_80 : i32
    %sign3A_82 = arith.extui %sign3A_81 : i1 to i32
    %sign3A_83 = arith.constant 0 : i32
    %sign3A_84 = arith.cmpi slt, %jit3A_71, %sign3A_83 : i32
    %sign3A_85 = arith.extui %sign3A_84 : i1 to i32
    %sign3A_86 = arith.subi %sign3A_82, %sign3A_85 : i32
    %ne3A_87 = arith.cmpi ne, %sign3A_79, %sign3A_86 : i32
    %rem3A_88 = arith.remsi %add3A_70, %jit3A_71 : i32
    %ne3A_89 = arith.constant 0 : i32
    %ne3A_90 = arith.cmpi ne, %rem3A_88, %ne3A_89 : i32
    %and3A_91 = arith.andi %ne3A_87, %ne3A_90 : i1
    %sub3A_92 = arith.constant 1 : i32
    %sub3A_93 = arith.subi %div3A_72, %sub3A_92 : i32
    %select_n3A_94 = arith.select %and3A_91, %sub3A_93, %div3A_72 : i32
    %jit3A_95 = arith.constant 128 : i32
    %eq3A_96 = arith.constant 0 : i32
    %eq3A_97 = arith.cmpi eq, %jit3A_95, %eq3A_96 : i32
    %jit3A_98 = arith.constant 1 : i32
    %select_n3A_99 = arith.select %eq3A_97, %jit3A_98, %jit3A_95 : i32
    %rem3A_100 = arith.remsi %add3A_70, %select_n3A_99 : i32
    %ne3A_101 = arith.constant 0 : i32
    %ne3A_102 = arith.cmpi ne, %rem3A_100, %ne3A_101 : i32
    %lt3A_103 = arith.constant 0 : i32
    %lt3A_104 = arith.cmpi slt, %rem3A_100, %lt3A_103 : i32
    %lt3A_105 = arith.constant 0 : i32
    %lt3A_106 = arith.cmpi slt, %select_n3A_99, %lt3A_105 : i32
    %ne3A_107 = arith.xori %lt3A_104, %lt3A_106 : i1
    %and3A_108 = arith.andi %ne3A_107, %ne3A_102 : i1
    %add3A_109 = arith.addi %rem3A_100, %select_n3A_99 : i32
    %select_n3A_110 = arith.select %and3A_108, %add3A_109, %rem3A_100 : i32
    %dma_start3A_111 = arith.constant 0 : i32
    %dma_start3A_112 = tpu.memref_slice %arg3[%select_n3A_94, %select_n3A_110, %dma_start3A_111] : memref<25x128x1024xi32, #tpu.memory_space<hbm>> -> memref<1x1x1024xi32, #tpu.memory_space<hbm>>
    %dma_start3A_113 = tpu.memref_squeeze %dma_start3A_112 : memref<1x1x1024xi32, #tpu.memory_space<hbm>> -> memref<1024xi32, #tpu.memory_space<hbm>>
    %dma_start3A_114 = arith.constant 0 : i32
    %dma_start3A_115 = tpu.memref_slice %arg3[%select_n3A_94, %select_n3A_110, %dma_start3A_114] : memref<25x128x1024xi32, #tpu.memory_space<hbm>> -> memref<1x1x1024xi32, #tpu.memory_space<hbm>>
    %dma_start3A_116 = tpu.memref_squeeze %dma_start3A_115 : memref<1x1x1024xi32, #tpu.memory_space<hbm>> -> memref<1024xi32, #tpu.memory_space<hbm>>
    tpu.enqueue_dma source(%dma_start3A_116 : memref<1024xi32, #tpu.memory_space<hbm>>) target(%arg6 : memref<1024xi32, #tpu.memory_space<vmem>>) target_semaphore(%arg12 : memref<!tpu.dma_semaphore, #tpu.memory_space<semaphore_mem>>)
    %dma_wait3A = arith.constant 0 : i32
    %dma_wait3A_117 = arith.constant 0 : i32
    %dma_wait3A_118 = arith.constant 0 : i32
    %dma_wait3A_119 = tpu.memref_slice %arg3[%dma_wait3A, %dma_wait3A_117, %dma_wait3A_118] : memref<25x128x1024xi32, #tpu.memory_space<hbm>> -> memref<1x1x1024xi32, #tpu.memory_space<hbm>>
    %dma_wait3A_120 = tpu.memref_squeeze %dma_wait3A_119 : memref<1x1x1024xi32, #tpu.memory_space<hbm>> -> memref<1024xi32, #tpu.memory_space<hbm>>
    %dma_wait3A_121 = arith.constant 0 : i32
    %dma_wait3A_122 = tpu.memref_slice %arg3[%dma_wait3A, %dma_wait3A_117, %dma_wait3A_121] : memref<25x128x1024xi32, #tpu.memory_space<hbm>> -> memref<1x1x1024xi32, #tpu.memory_space<hbm>>
    %dma_wait3A_123 = tpu.memref_squeeze %dma_wait3A_122 : memref<1x1x1024xi32, #tpu.memory_space<hbm>> -> memref<1024xi32, #tpu.memory_space<hbm>>
    tpu.wait_dma2 semaphore(%arg11 : memref<!tpu.dma_semaphore, #tpu.memory_space<semaphore_mem>>) src(%dma_wait3A_123 : memref<1024xi32, #tpu.memory_space<hbm>>) dst(%arg5 : memref<1024xi32, #tpu.memory_space<vmem>>)
    %dma_start3A_124 = arith.constant 0 : i32
    %dma_start3A_125 = arith.constant 0 : i32
    %dma_start3A_126 = tpu.memref_slice %arg2[%dma_start3A_124, %dma_start3A_125] : memref<1000448x16xf32, #tpu.memory_space<hbm>> -> memref<1000448x16xf32, #tpu.memory_space<hbm>>
    tpu.enqueue_indirect_dma source(%dma_start3A_126 : memref<1000448x16xf32, #tpu.memory_space<hbm>>) target(%arg7 : memref<1024x16xf32, #tpu.memory_space<vmem>>) offsets(%arg5 : memref<1024xi32, #tpu.memory_space<vmem>>) semaphore(%arg13 : memref<!tpu.dma_semaphore, #tpu.memory_space<semaphore_mem>>)
    %scan3A = arith.constant 0 : i32
    %scan3A_127 = arith.constant 0 : i32
    %scan3A_128 = arith.constant 50 : i32
    %scan3A_129 = arith.addi %scan3A_127, %scan3A_128 : i32
    %scan3A_130 = arith.constant 1 : i32
    scf.for %scan3A_158 = %scan3A_127 to %scan3A_129 step %scan3A_130  : i32 {
      %mul3A_159 = arith.constant 2 : i32
      %mul3A_160 = arith.muli %scan3A_158, %mul3A_159 : i32
      %add3A_161 = arith.constant 0 : i32
      %add3A_162 = arith.addi %mul3A_160, %add3A_161 : i32
      %dma_wait3A_163 = arith.constant 0 : i32
      %dma_wait3A_164 = arith.constant 0 : i32
      %dma_wait3A_165 = tpu.memref_slice %arg2[%dma_wait3A_163, %dma_wait3A_164] : memref<1000448x16xf32, #tpu.memory_space<hbm>> -> memref<1000448x16xf32, #tpu.memory_space<hbm>>
      tpu.wait_indirect_dma semaphore(%arg13 : memref<!tpu.dma_semaphore, #tpu.memory_space<semaphore_mem>>) src(%dma_wait3A_165 : memref<1000448x16xf32, #tpu.memory_space<hbm>>) dst(%arg7 : memref<1024x16xf32, #tpu.memory_space<vmem>>)
      %add3A_166 = arith.constant 1 : i32
      %add3A_167 = arith.addi %add3A_162, %add3A_166 : i32
      %lt3A_168 = arith.constant 100 : i32
      %lt3A_169 = arith.cmpi slt, %add3A_167, %lt3A_168 : i32
      %convert_element_type3A = arith.extui %lt3A_169 : i1 to i32
      %cond3A = arith.constant 0 : i32
      %cond3A_170 = arith.cmpi ne, %convert_element_type3A, %cond3A : i32
      scf.if %cond3A_170 {
        %dma_wait3A_319 = arith.constant 0 : i32
        %dma_wait3A_320 = arith.constant 0 : i32
        %dma_wait3A_321 = arith.constant 0 : i32
        %dma_wait3A_322 = tpu.memref_slice %arg3[%dma_wait3A_319, %dma_wait3A_320, %dma_wait3A_321] : memref<25x128x1024xi32, #tpu.memory_space<hbm>> -> memref<1x1x1024xi32, #tpu.memory_space<hbm>>
        %dma_wait3A_323 = tpu.memref_squeeze %dma_wait3A_322 : memref<1x1x1024xi32, #tpu.memory_space<hbm>> -> memref<1024xi32, #tpu.memory_space<hbm>>
        %dma_wait3A_324 = arith.constant 0 : i32
        %dma_wait3A_325 = tpu.memref_slice %arg3[%dma_wait3A_319, %dma_wait3A_320, %dma_wait3A_324] : memref<25x128x1024xi32, #tpu.memory_space<hbm>> -> memref<1x1x1024xi32, #tpu.memory_space<hbm>>
        %dma_wait3A_326 = tpu.memref_squeeze %dma_wait3A_325 : memref<1x1x1024xi32, #tpu.memory_space<hbm>> -> memref<1024xi32, #tpu.memory_space<hbm>>
        tpu.wait_dma2 semaphore(%arg12 : memref<!tpu.dma_semaphore, #tpu.memory_space<semaphore_mem>>) src(%dma_wait3A_326 : memref<1024xi32, #tpu.memory_space<hbm>>) dst(%arg6 : memref<1024xi32, #tpu.memory_space<vmem>>)
        %dma_start3A_327 = arith.constant 0 : i32
        %dma_start3A_328 = arith.constant 0 : i32
        %dma_start3A_329 = tpu.memref_slice %arg2[%dma_start3A_327, %dma_start3A_328] : memref<1000448x16xf32, #tpu.memory_space<hbm>> -> memref<1000448x16xf32, #tpu.memory_space<hbm>>
        tpu.enqueue_indirect_dma source(%dma_start3A_329 : memref<1000448x16xf32, #tpu.memory_space<hbm>>) target(%arg8 : memref<1024x16xf32, #tpu.memory_space<vmem>>) offsets(%arg6 : memref<1024xi32, #tpu.memory_space<vmem>>) semaphore(%arg14 : memref<!tpu.dma_semaphore, #tpu.memory_space<semaphore_mem>>)
      } else {
      }
      %add3A_171 = arith.constant 2 : i32
      %add3A_172 = arith.addi %add3A_162, %add3A_171 : i32
      %lt3A_173 = arith.constant 100 : i32
      %lt3A_174 = arith.cmpi slt, %add3A_172, %lt3A_173 : i32
      %convert_element_type3A_175 = arith.extui %lt3A_174 : i1 to i32
      %cond3A_176 = arith.constant 0 : i32
      %cond3A_177 = arith.cmpi ne, %convert_element_type3A_175, %cond3A_176 : i32
      scf.if %cond3A_177 {
        %add3A_319 = arith.addi %mul3A_2, %add3A_162 : i32
        %add3A_320 = arith.constant 2 : i32
        %add3A_321 = arith.addi %add3A_319, %add3A_320 : i32
        %jit3A_322 = arith.constant 128 : i32
        %div3A_323 = arith.divsi %add3A_321, %jit3A_322 : i32
        %sign3A_324 = arith.constant 0 : i32
        %sign3A_325 = arith.cmpi sgt, %add3A_321, %sign3A_324 : i32
        %sign3A_326 = arith.extui %sign3A_325 : i1 to i32
        %sign3A_327 = arith.constant 0 : i32
        %sign3A_328 = arith.cmpi slt, %add3A_321, %sign3A_327 : i32
        %sign3A_329 = arith.extui %sign3A_328 : i1 to i32
        %sign3A_330 = arith.subi %sign3A_326, %sign3A_329 : i32
        %sign3A_331 = arith.constant 0 : i32
        %sign3A_332 = arith.cmpi sgt, %jit3A_322, %sign3A_331 : i32
        %sign3A_333 = arith.extui %sign3A_332 : i1 to i32
        %sign3A_334 = arith.constant 0 : i32
        %sign3A_335 = arith.cmpi slt, %jit3A_322, %sign3A_334 : i32
        %sign3A_336 = arith.extui %sign3A_335 : i1 to i32
        %sign3A_337 = arith.subi %sign3A_333, %sign3A_336 : i32
        %ne3A_338 = arith.cmpi ne, %sign3A_330, %sign3A_337 : i32
        %rem3A_339 = arith.remsi %add3A_321, %jit3A_322 : i32
        %ne3A_340 = arith.constant 0 : i32
        %ne3A_341 = arith.cmpi ne, %rem3A_339, %ne3A_340 : i32
        %and3A_342 = arith.andi %ne3A_338, %ne3A_341 : i1
        %sub3A_343 = arith.constant 1 : i32
        %sub3A_344 = arith.subi %div3A_323, %sub3A_343 : i32
        %select_n3A_345 = arith.select %and3A_342, %sub3A_344, %div3A_323 : i32
        %jit3A_346 = arith.constant 128 : i32
        %eq3A_347 = arith.constant 0 : i32
        %eq3A_348 = arith.cmpi eq, %jit3A_346, %eq3A_347 : i32
        %jit3A_349 = arith.constant 1 : i32
        %select_n3A_350 = arith.select %eq3A_348, %jit3A_349, %jit3A_346 : i32
        %rem3A_351 = arith.remsi %add3A_321, %select_n3A_350 : i32
        %ne3A_352 = arith.constant 0 : i32
        %ne3A_353 = arith.cmpi ne, %rem3A_351, %ne3A_352 : i32
        %lt3A_354 = arith.constant 0 : i32
        %lt3A_355 = arith.cmpi slt, %rem3A_351, %lt3A_354 : i32
        %lt3A_356 = arith.constant 0 : i32
        %lt3A_357 = arith.cmpi slt, %select_n3A_350, %lt3A_356 : i32
        %ne3A_358 = arith.xori %lt3A_355, %lt3A_357 : i1
        %and3A_359 = arith.andi %ne3A_358, %ne3A_353 : i1
        %add3A_360 = arith.addi %rem3A_351, %select_n3A_350 : i32
        %select_n3A_361 = arith.select %and3A_359, %add3A_360, %rem3A_351 : i32
        %dma_start3A_362 = arith.constant 0 : i32
        %dma_start3A_363 = tpu.memref_slice %arg3[%select_n3A_345, %select_n3A_361, %dma_start3A_362] : memref<25x128x1024xi32, #tpu.memory_space<hbm>> -> memref<1x1x1024xi32, #tpu.memory_space<hbm>>
        %dma_start3A_364 = tpu.memref_squeeze %dma_start3A_363 : memref<1x1x1024xi32, #tpu.memory_space<hbm>> -> memref<1024xi32, #tpu.memory_space<hbm>>
        %dma_start3A_365 = arith.constant 0 : i32
        %dma_start3A_366 = tpu.memref_slice %arg3[%select_n3A_345, %select_n3A_361, %dma_start3A_365] : memref<25x128x1024xi32, #tpu.memory_space<hbm>> -> memref<1x1x1024xi32, #tpu.memory_space<hbm>>
        %dma_start3A_367 = tpu.memref_squeeze %dma_start3A_366 : memref<1x1x1024xi32, #tpu.memory_space<hbm>> -> memref<1024xi32, #tpu.memory_space<hbm>>
        tpu.enqueue_dma source(%dma_start3A_367 : memref<1024xi32, #tpu.memory_space<hbm>>) target(%arg5 : memref<1024xi32, #tpu.memory_space<vmem>>) target_semaphore(%arg11 : memref<!tpu.dma_semaphore, #tpu.memory_space<semaphore_mem>>)
      } else {
      }
      %ge3A = arith.constant 2 : i32
      %ge3A_178 = arith.cmpi sge, %add3A_162, %ge3A : i32
      %convert_element_type3A_179 = arith.extui %ge3A_178 : i1 to i32
      %cond3A_180 = arith.constant 0 : i32
      %cond3A_181 = arith.cmpi ne, %convert_element_type3A_179, %cond3A_180 : i32
      scf.if %cond3A_181 {
        %dma_wait3A_319 = arith.constant 0 : i32
        %dma_wait3A_320 = arith.constant 0 : i32
        %dma_wait3A_321 = arith.constant 0 : i32
        %dma_wait3A_322 = arith.constant 0 : i32
        %dma_wait3A_323 = arith.constant 0 : i32
        %dma_wait3A_324 = tpu.memref_slice %arg4[%dma_wait3A_320, %dma_wait3A_321, %dma_wait3A_319, %dma_wait3A_322, %dma_wait3A_323] : memref<200x2x128x8x128xf32, #tpu.memory_space<hbm>> -> memref<8x2x1x8x128xf32, #tpu.memory_space<hbm>>
        %dma_wait3A_325 = tpu.memref_squeeze %dma_wait3A_324 : memref<8x2x1x8x128xf32, #tpu.memory_space<hbm>> -> memref<8x2x8x128xf32, #tpu.memory_space<hbm>>
        %dma_wait3A_326 = arith.constant 0 : i32
        %dma_wait3A_327 = arith.constant 0 : i32
        %dma_wait3A_328 = arith.constant 0 : i32
        %dma_wait3A_329 = arith.constant 0 : i32
        %dma_wait3A_330 = tpu.memref_slice %arg4[%dma_wait3A_326, %dma_wait3A_327, %dma_wait3A_319, %dma_wait3A_328, %dma_wait3A_329] : memref<200x2x128x8x128xf32, #tpu.memory_space<hbm>> -> memref<8x2x1x8x128xf32, #tpu.memory_space<hbm>>
        %dma_wait3A_331 = tpu.memref_squeeze %dma_wait3A_330 : memref<8x2x1x8x128xf32, #tpu.memory_space<hbm>> -> memref<8x2x8x128xf32, #tpu.memory_space<hbm>>
        tpu.wait_dma2 semaphore(%arg15 : memref<!tpu.dma_semaphore, #tpu.memory_space<semaphore_mem>>) src(%arg9 : memref<8x2x8x128xf32, #tpu.memory_space<vmem>>) dst(%dma_wait3A_331 : memref<8x2x8x128xf32, #tpu.memory_space<hbm>>)
      } else {
      }
      %parallel_loop3A = arith.constant 0 : i32
      %parallel_loop3A_182 = arith.constant 64 : i32
      %parallel_loop3A_183 = arith.constant 1 : i32
      scf.for %parallel_loop3A_319 = %parallel_loop3A to %parallel_loop3A_182 step %parallel_loop3A_183  : i32 {
        %parallel_loop3A_320 = arith.constant 8 : i32
        %parallel_loop3A_321 = arith.divsi %parallel_loop3A_319, %parallel_loop3A_320 : i32
        %parallel_loop3A_322 = arith.constant 0 : i32
        %parallel_loop3A_323 = arith.cmpi sgt, %parallel_loop3A_319, %parallel_loop3A_322 : i32
        %parallel_loop3A_324 = arith.extui %parallel_loop3A_323 : i1 to i32
        %parallel_loop3A_325 = arith.constant 0 : i32
        %parallel_loop3A_326 = arith.cmpi slt, %parallel_loop3A_319, %parallel_loop3A_325 : i32
        %parallel_loop3A_327 = arith.extui %parallel_loop3A_326 : i1 to i32
        %parallel_loop3A_328 = arith.subi %parallel_loop3A_324, %parallel_loop3A_327 : i32
        %parallel_loop3A_329 = arith.constant 0 : i32
        %parallel_loop3A_330 = arith.cmpi sgt, %parallel_loop3A_320, %parallel_loop3A_329 : i32
        %parallel_loop3A_331 = arith.extui %parallel_loop3A_330 : i1 to i32
        %parallel_loop3A_332 = arith.constant 0 : i32
        %parallel_loop3A_333 = arith.cmpi slt, %parallel_loop3A_320, %parallel_loop3A_332 : i32
        %parallel_loop3A_334 = arith.extui %parallel_loop3A_333 : i1 to i32
        %parallel_loop3A_335 = arith.subi %parallel_loop3A_331, %parallel_loop3A_334 : i32
        %parallel_loop3A_336 = arith.cmpi ne, %parallel_loop3A_328, %parallel_loop3A_335 : i32
        %parallel_loop3A_337 = arith.remsi %parallel_loop3A_319, %parallel_loop3A_320 : i32
        %parallel_loop3A_338 = arith.constant 0 : i32
        %parallel_loop3A_339 = arith.cmpi ne, %parallel_loop3A_337, %parallel_loop3A_338 : i32
        %parallel_loop3A_340 = arith.andi %parallel_loop3A_336, %parallel_loop3A_339 : i1
        %parallel_loop3A_341 = arith.constant 1 : i32
        %parallel_loop3A_342 = arith.subi %parallel_loop3A_321, %parallel_loop3A_341 : i32
        %parallel_loop3A_343 = arith.select %parallel_loop3A_340, %parallel_loop3A_342, %parallel_loop3A_321 : i32
        %parallel_loop3A_344 = arith.constant 8 : i32
        %parallel_loop3A_345 = arith.constant 0 : i32
        %parallel_loop3A_346 = arith.cmpi eq, %parallel_loop3A_344, %parallel_loop3A_345 : i32
        %parallel_loop3A_347 = arith.constant 1 : i32
        %parallel_loop3A_348 = arith.select %parallel_loop3A_346, %parallel_loop3A_347, %parallel_loop3A_344 : i32
        %parallel_loop3A_349 = arith.remsi %parallel_loop3A_319, %parallel_loop3A_348 : i32
        %parallel_loop3A_350 = arith.constant 0 : i32
        %parallel_loop3A_351 = arith.cmpi ne, %parallel_loop3A_349, %parallel_loop3A_350 : i32
        %parallel_loop3A_352 = arith.constant 0 : i32
        %parallel_loop3A_353 = arith.cmpi slt, %parallel_loop3A_349, %parallel_loop3A_352 : i32
        %parallel_loop3A_354 = arith.constant 0 : i32
        %parallel_loop3A_355 = arith.cmpi slt, %parallel_loop3A_348, %parallel_loop3A_354 : i32
        %parallel_loop3A_356 = arith.xori %parallel_loop3A_353, %parallel_loop3A_355 : i1
        %parallel_loop3A_357 = arith.andi %parallel_loop3A_356, %parallel_loop3A_351 : i1
        %parallel_loop3A_358 = arith.addi %parallel_loop3A_349, %parallel_loop3A_348 : i32
        %parallel_loop3A_359 = arith.select %parallel_loop3A_357, %parallel_loop3A_358, %parallel_loop3A_349 : i32
        %parallel_loop3A_360 = arith.constant 16 : i32
        %parallel_loop3A_361 = arith.muli %parallel_loop3A_319, %parallel_loop3A_360 : i32
        %parallel_loop3A_362 = vector.broadcast %parallel_loop3A_361 : i32 to vector<16xi32>
        %parallel_loop3A_363 = arith.addi %iota3A, %parallel_loop3A_362 : vector<16xi32>
        %parallel_loop3A_364 = tpu.vector_load_idx %arg7[%parallel_loop3A_363, %broadcast_in_dim3A_3] : memref<1024x16xf32, #tpu.memory_space<vmem>>[vector<16xi32>, vector<16xi32>], vector<16xf32>,
        %parallel_loop3A_365 = arith.constant 16 : i32
        %parallel_loop3A_366 = arith.muli %parallel_loop3A_359, %parallel_loop3A_365 : i32
        %parallel_loop3A_367 = arith.constant 0 : i32
        %parallel_loop3A_368 = arith.constant 0 : i32
        %parallel_loop3A_369 = arith.index_cast %parallel_loop3A_343 : i32 to index
        %parallel_loop3A_370 = arith.index_cast %parallel_loop3A_367 : i32 to index
        %parallel_loop3A_371 = arith.index_cast %parallel_loop3A_368 : i32 to index
        %parallel_loop3A_372 = arith.index_cast %parallel_loop3A_366 : i32 to index
        %parallel_loop3A_373 = tpu.vector_load %arg9[%parallel_loop3A_369, %parallel_loop3A_370, %parallel_loop3A_371, %parallel_loop3A_372] {strides = array<i32>} : memref<8x2x8x128xf32, #tpu.memory_space<vmem>>, vector<16xf32>,
        tpu.vector_store %arg9[%parallel_loop3A_369, %parallel_loop3A_370, %parallel_loop3A_371, %parallel_loop3A_372], %parallel_loop3A_364 {strides = array<i32>} : memref<8x2x8x128xf32, #tpu.memory_space<vmem>>, vector<16xf32>,
        %parallel_loop3A_374 = tpu.vector_load_idx %arg7[%parallel_loop3A_363, %broadcast_in_dim3A_5] : memref<1024x16xf32, #tpu.memory_space<vmem>>[vector<16xi32>, vector<16xi32>], vector<16xf32>,
        %parallel_loop3A_375 = arith.constant 16 : i32
        %parallel_loop3A_376 = arith.muli %parallel_loop3A_359, %parallel_loop3A_375 : i32
        %parallel_loop3A_377 = arith.constant 0 : i32
        %parallel_loop3A_378 = arith.constant 1 : i32
        %parallel_loop3A_379 = arith.index_cast %parallel_loop3A_343 : i32 to index
        %parallel_loop3A_380 = arith.index_cast %parallel_loop3A_377 : i32 to index
        %parallel_loop3A_381 = arith.index_cast %parallel_loop3A_378 : i32 to index
        %parallel_loop3A_382 = arith.index_cast %parallel_loop3A_376 : i32 to index
        %parallel_loop3A_383 = tpu.vector_load %arg9[%parallel_loop3A_379, %parallel_loop3A_380, %parallel_loop3A_381, %parallel_loop3A_382] {strides = array<i32>} : memref<8x2x8x128xf32, #tpu.memory_space<vmem>>, vector<16xf32>,
        tpu.vector_store %arg9[%parallel_loop3A_379, %parallel_loop3A_380, %parallel_loop3A_381, %parallel_loop3A_382], %parallel_loop3A_374 {strides = array<i32>} : memref<8x2x8x128xf32, #tpu.memory_space<vmem>>, vector<16xf32>,
        %parallel_loop3A_384 = tpu.vector_load_idx %arg7[%parallel_loop3A_363, %broadcast_in_dim3A_7] : memref<1024x16xf32, #tpu.memory_space<vmem>>[vector<16xi32>, vector<16xi32>], vector<16xf32>,
        %parallel_loop3A_385 = arith.constant 16 : i32
        %parallel_loop3A_386 = arith.muli %parallel_loop3A_359, %parallel_loop3A_385 : i32
        %parallel_loop3A_387 = arith.constant 0 : i32
        %parallel_loop3A_388 = arith.constant 2 : i32
        %parallel_loop3A_389 = arith.index_cast %parallel_loop3A_343 : i32 to index
        %parallel_loop3A_390 = arith.index_cast %parallel_loop3A_387 : i32 to index
        %parallel_loop3A_391 = arith.index_cast %parallel_loop3A_388 : i32 to index
        %parallel_loop3A_392 = arith.index_cast %parallel_loop3A_386 : i32 to index
        %parallel_loop3A_393 = tpu.vector_load %arg9[%parallel_loop3A_389, %parallel_loop3A_390, %parallel_loop3A_391, %parallel_loop3A_392] {strides = array<i32>} : memref<8x2x8x128xf32, #tpu.memory_space<vmem>>, vector<16xf32>,
        tpu.vector_store %arg9[%parallel_loop3A_389, %parallel_loop3A_390, %parallel_loop3A_391, %parallel_loop3A_392], %parallel_loop3A_384 {strides = array<i32>} : memref<8x2x8x128xf32, #tpu.memory_space<vmem>>, vector<16xf32>,
        %parallel_loop3A_394 = tpu.vector_load_idx %arg7[%parallel_loop3A_363, %broadcast_in_dim3A_9] : memref<1024x16xf32, #tpu.memory_space<vmem>>[vector<16xi32>, vector<16xi32>], vector<16xf32>,
        %parallel_loop3A_395 = arith.constant 16 : i32
        %parallel_loop3A_396 = arith.muli %parallel_loop3A_359, %parallel_loop3A_395 : i32
        %parallel_loop3A_397 = arith.constant 0 : i32
        %parallel_loop3A_398 = arith.constant 3 : i32
        %parallel_loop3A_399 = arith.index_cast %parallel_loop3A_343 : i32 to index
        %parallel_loop3A_400 = arith.index_cast %parallel_loop3A_397 : i32 to index
        %parallel_loop3A_401 = arith.index_cast %parallel_loop3A_398 : i32 to index
        %parallel_loop3A_402 = arith.index_cast %parallel_loop3A_396 : i32 to index
        %parallel_loop3A_403 = tpu.vector_load %arg9[%parallel_loop3A_399, %parallel_loop3A_400, %parallel_loop3A_401, %parallel_loop3A_402] {strides = array<i32>} : memref<8x2x8x128xf32, #tpu.memory_space<vmem>>, vector<16xf32>,
        tpu.vector_store %arg9[%parallel_loop3A_399, %parallel_loop3A_400, %parallel_loop3A_401, %parallel_loop3A_402], %parallel_loop3A_394 {strides = array<i32>} : memref<8x2x8x128xf32, #tpu.memory_space<vmem>>, vector<16xf32>,
        %parallel_loop3A_404 = tpu.vector_load_idx %arg7[%parallel_loop3A_363, %broadcast_in_dim3A_11] : memref<1024x16xf32, #tpu.memory_space<vmem>>[vector<16xi32>, vector<16xi32>], vector<16xf32>,
        %parallel_loop3A_405 = arith.constant 16 : i32
        %parallel_loop3A_406 = arith.muli %parallel_loop3A_359, %parallel_loop3A_405 : i32
        %parallel_loop3A_407 = arith.constant 0 : i32
        %parallel_loop3A_408 = arith.constant 4 : i32
        %parallel_loop3A_409 = arith.index_cast %parallel_loop3A_343 : i32 to index
        %parallel_loop3A_410 = arith.index_cast %parallel_loop3A_407 : i32 to index
        %parallel_loop3A_411 = arith.index_cast %parallel_loop3A_408 : i32 to index
        %parallel_loop3A_412 = arith.index_cast %parallel_loop3A_406 : i32 to index
        %parallel_loop3A_413 = tpu.vector_load %arg9[%parallel_loop3A_409, %parallel_loop3A_410, %parallel_loop3A_411, %parallel_loop3A_412] {strides = array<i32>} : memref<8x2x8x128xf32, #tpu.memory_space<vmem>>, vector<16xf32>,
        tpu.vector_store %arg9[%parallel_loop3A_409, %parallel_loop3A_410, %parallel_loop3A_411, %parallel_loop3A_412], %parallel_loop3A_404 {strides = array<i32>} : memref<8x2x8x128xf32, #tpu.memory_space<vmem>>, vector<16xf32>,
        %parallel_loop3A_414 = tpu.vector_load_idx %arg7[%parallel_loop3A_363, %broadcast_in_dim3A_13] : memref<1024x16xf32, #tpu.memory_space<vmem>>[vector<16xi32>, vector<16xi32>], vector<16xf32>,
        %parallel_loop3A_415 = arith.constant 16 : i32
        %parallel_loop3A_416 = arith.muli %parallel_loop3A_359, %parallel_loop3A_415 : i32
        %parallel_loop3A_417 = arith.constant 0 : i32
        %parallel_loop3A_418 = arith.constant 5 : i32
        %parallel_loop3A_419 = arith.index_cast %parallel_loop3A_343 : i32 to index
        %parallel_loop3A_420 = arith.index_cast %parallel_loop3A_417 : i32 to index
        %parallel_loop3A_421 = arith.index_cast %parallel_loop3A_418 : i32 to index
        %parallel_loop3A_422 = arith.index_cast %parallel_loop3A_416 : i32 to index
        %parallel_loop3A_423 = tpu.vector_load %arg9[%parallel_loop3A_419, %parallel_loop3A_420, %parallel_loop3A_421, %parallel_loop3A_422] {strides = array<i32>} : memref<8x2x8x128xf32, #tpu.memory_space<vmem>>, vector<16xf32>,
        tpu.vector_store %arg9[%parallel_loop3A_419, %parallel_loop3A_420, %parallel_loop3A_421, %parallel_loop3A_422], %parallel_loop3A_414 {strides = array<i32>} : memref<8x2x8x128xf32, #tpu.memory_space<vmem>>, vector<16xf32>,
        %parallel_loop3A_424 = tpu.vector_load_idx %arg7[%parallel_loop3A_363, %broadcast_in_dim3A_15] : memref<1024x16xf32, #tpu.memory_space<vmem>>[vector<16xi32>, vector<16xi32>], vector<16xf32>,
        %parallel_loop3A_425 = arith.constant 16 : i32
        %parallel_loop3A_426 = arith.muli %parallel_loop3A_359, %parallel_loop3A_425 : i32
        %parallel_loop3A_427 = arith.constant 0 : i32
        %parallel_loop3A_428 = arith.constant 6 : i32
        %parallel_loop3A_429 = arith.index_cast %parallel_loop3A_343 : i32 to index
        %parallel_loop3A_430 = arith.index_cast %parallel_loop3A_427 : i32 to index
        %parallel_loop3A_431 = arith.index_cast %parallel_loop3A_428 : i32 to index
        %parallel_loop3A_432 = arith.index_cast %parallel_loop3A_426 : i32 to index
        %parallel_loop3A_433 = tpu.vector_load %arg9[%parallel_loop3A_429, %parallel_loop3A_430, %parallel_loop3A_431, %parallel_loop3A_432] {strides = array<i32>} : memref<8x2x8x128xf32, #tpu.memory_space<vmem>>, vector<16xf32>,
        tpu.vector_store %arg9[%parallel_loop3A_429, %parallel_loop3A_430, %parallel_loop3A_431, %parallel_loop3A_432], %parallel_loop3A_424 {strides = array<i32>} : memref<8x2x8x128xf32, #tpu.memory_space<vmem>>, vector<16xf32>,
        %parallel_loop3A_434 = tpu.vector_load_idx %arg7[%parallel_loop3A_363, %broadcast_in_dim3A_17] : memref<1024x16xf32, #tpu.memory_space<vmem>>[vector<16xi32>, vector<16xi32>], vector<16xf32>,
        %parallel_loop3A_435 = arith.constant 16 : i32
        %parallel_loop3A_436 = arith.muli %parallel_loop3A_359, %parallel_loop3A_435 : i32
        %parallel_loop3A_437 = arith.constant 0 : i32
        %parallel_loop3A_438 = arith.constant 7 : i32
        %parallel_loop3A_439 = arith.index_cast %parallel_loop3A_343 : i32 to index
        %parallel_loop3A_440 = arith.index_cast %parallel_loop3A_437 : i32 to index
        %parallel_loop3A_441 = arith.index_cast %parallel_loop3A_438 : i32 to index
        %parallel_loop3A_442 = arith.index_cast %parallel_loop3A_436 : i32 to index
        %parallel_loop3A_443 = tpu.vector_load %arg9[%parallel_loop3A_439, %parallel_loop3A_440, %parallel_loop3A_441, %parallel_loop3A_442] {strides = array<i32>} : memref<8x2x8x128xf32, #tpu.memory_space<vmem>>, vector<16xf32>,
        tpu.vector_store %arg9[%parallel_loop3A_439, %parallel_loop3A_440, %parallel_loop3A_441, %parallel_loop3A_442], %parallel_loop3A_434 {strides = array<i32>} : memref<8x2x8x128xf32, #tpu.memory_space<vmem>>, vector<16xf32>,
        %parallel_loop3A_444 = tpu.vector_load_idx %arg7[%parallel_loop3A_363, %broadcast_in_dim3A_19] : memref<1024x16xf32, #tpu.memory_space<vmem>>[vector<16xi32>, vector<16xi32>], vector<16xf32>,
        %parallel_loop3A_445 = arith.constant 16 : i32
        %parallel_loop3A_446 = arith.muli %parallel_loop3A_359, %parallel_loop3A_445 : i32
        %parallel_loop3A_447 = arith.constant 1 : i32
        %parallel_loop3A_448 = arith.constant 0 : i32
        %parallel_loop3A_449 = arith.index_cast %parallel_loop3A_343 : i32 to index
        %parallel_loop3A_450 = arith.index_cast %parallel_loop3A_447 : i32 to index
        %parallel_loop3A_451 = arith.index_cast %parallel_loop3A_448 : i32 to index
        %parallel_loop3A_452 = arith.index_cast %parallel_loop3A_446 : i32 to index
        %parallel_loop3A_453 = tpu.vector_load %arg9[%parallel_loop3A_449, %parallel_loop3A_450, %parallel_loop3A_451, %parallel_loop3A_452] {strides = array<i32>} : memref<8x2x8x128xf32, #tpu.memory_space<vmem>>, vector<16xf32>,
        tpu.vector_store %arg9[%parallel_loop3A_449, %parallel_loop3A_450, %parallel_loop3A_451, %parallel_loop3A_452], %parallel_loop3A_444 {strides = array<i32>} : memref<8x2x8x128xf32, #tpu.memory_space<vmem>>, vector<16xf32>,
        %parallel_loop3A_454 = tpu.vector_load_idx %arg7[%parallel_loop3A_363, %broadcast_in_dim3A_21] : memref<1024x16xf32, #tpu.memory_space<vmem>>[vector<16xi32>, vector<16xi32>], vector<16xf32>,
        %parallel_loop3A_455 = arith.constant 16 : i32
        %parallel_loop3A_456 = arith.muli %parallel_loop3A_359, %parallel_loop3A_455 : i32
        %parallel_loop3A_457 = arith.constant 1 : i32
        %parallel_loop3A_458 = arith.constant 1 : i32
        %parallel_loop3A_459 = arith.index_cast %parallel_loop3A_343 : i32 to index
        %parallel_loop3A_460 = arith.index_cast %parallel_loop3A_457 : i32 to index
        %parallel_loop3A_461 = arith.index_cast %parallel_loop3A_458 : i32 to index
        %parallel_loop3A_462 = arith.index_cast %parallel_loop3A_456 : i32 to index
        %parallel_loop3A_463 = tpu.vector_load %arg9[%parallel_loop3A_459, %parallel_loop3A_460, %parallel_loop3A_461, %parallel_loop3A_462] {strides = array<i32>} : memref<8x2x8x128xf32, #tpu.memory_space<vmem>>, vector<16xf32>,
        tpu.vector_store %arg9[%parallel_loop3A_459, %parallel_loop3A_460, %parallel_loop3A_461, %parallel_loop3A_462], %parallel_loop3A_454 {strides = array<i32>} : memref<8x2x8x128xf32, #tpu.memory_space<vmem>>, vector<16xf32>,
        %parallel_loop3A_464 = tpu.vector_load_idx %arg7[%parallel_loop3A_363, %broadcast_in_dim3A_23] : memref<1024x16xf32, #tpu.memory_space<vmem>>[vector<16xi32>, vector<16xi32>], vector<16xf32>,
        %parallel_loop3A_465 = arith.constant 16 : i32
        %parallel_loop3A_466 = arith.muli %parallel_loop3A_359, %parallel_loop3A_465 : i32
        %parallel_loop3A_467 = arith.constant 1 : i32
        %parallel_loop3A_468 = arith.constant 2 : i32
        %parallel_loop3A_469 = arith.index_cast %parallel_loop3A_343 : i32 to index
        %parallel_loop3A_470 = arith.index_cast %parallel_loop3A_467 : i32 to index
        %parallel_loop3A_471 = arith.index_cast %parallel_loop3A_468 : i32 to index
        %parallel_loop3A_472 = arith.index_cast %parallel_loop3A_466 : i32 to index
        %parallel_loop3A_473 = tpu.vector_load %arg9[%parallel_loop3A_469, %parallel_loop3A_470, %parallel_loop3A_471, %parallel_loop3A_472] {strides = array<i32>} : memref<8x2x8x128xf32, #tpu.memory_space<vmem>>, vector<16xf32>,
        tpu.vector_store %arg9[%parallel_loop3A_469, %parallel_loop3A_470, %parallel_loop3A_471, %parallel_loop3A_472], %parallel_loop3A_464 {strides = array<i32>} : memref<8x2x8x128xf32, #tpu.memory_space<vmem>>, vector<16xf32>,
        %parallel_loop3A_474 = tpu.vector_load_idx %arg7[%parallel_loop3A_363, %broadcast_in_dim3A_25] : memref<1024x16xf32, #tpu.memory_space<vmem>>[vector<16xi32>, vector<16xi32>], vector<16xf32>,
        %parallel_loop3A_475 = arith.constant 16 : i32
        %parallel_loop3A_476 = arith.muli %parallel_loop3A_359, %parallel_loop3A_475 : i32
        %parallel_loop3A_477 = arith.constant 1 : i32
        %parallel_loop3A_478 = arith.constant 3 : i32
        %parallel_loop3A_479 = arith.index_cast %parallel_loop3A_343 : i32 to index
        %parallel_loop3A_480 = arith.index_cast %parallel_loop3A_477 : i32 to index
        %parallel_loop3A_481 = arith.index_cast %parallel_loop3A_478 : i32 to index
        %parallel_loop3A_482 = arith.index_cast %parallel_loop3A_476 : i32 to index
        %parallel_loop3A_483 = tpu.vector_load %arg9[%parallel_loop3A_479, %parallel_loop3A_480, %parallel_loop3A_481, %parallel_loop3A_482] {strides = array<i32>} : memref<8x2x8x128xf32, #tpu.memory_space<vmem>>, vector<16xf32>,
        tpu.vector_store %arg9[%parallel_loop3A_479, %parallel_loop3A_480, %parallel_loop3A_481, %parallel_loop3A_482], %parallel_loop3A_474 {strides = array<i32>} : memref<8x2x8x128xf32, #tpu.memory_space<vmem>>, vector<16xf32>,
        %parallel_loop3A_484 = tpu.vector_load_idx %arg7[%parallel_loop3A_363, %broadcast_in_dim3A_27] : memref<1024x16xf32, #tpu.memory_space<vmem>>[vector<16xi32>, vector<16xi32>], vector<16xf32>,
        %parallel_loop3A_485 = arith.constant 16 : i32
        %parallel_loop3A_486 = arith.muli %parallel_loop3A_359, %parallel_loop3A_485 : i32
        %parallel_loop3A_487 = arith.constant 1 : i32
        %parallel_loop3A_488 = arith.constant 4 : i32
        %parallel_loop3A_489 = arith.index_cast %parallel_loop3A_343 : i32 to index
        %parallel_loop3A_490 = arith.index_cast %parallel_loop3A_487 : i32 to index
        %parallel_loop3A_491 = arith.index_cast %parallel_loop3A_488 : i32 to index
        %parallel_loop3A_492 = arith.index_cast %parallel_loop3A_486 : i32 to index
        %parallel_loop3A_493 = tpu.vector_load %arg9[%parallel_loop3A_489, %parallel_loop3A_490, %parallel_loop3A_491, %parallel_loop3A_492] {strides = array<i32>} : memref<8x2x8x128xf32, #tpu.memory_space<vmem>>, vector<16xf32>,
        tpu.vector_store %arg9[%parallel_loop3A_489, %parallel_loop3A_490, %parallel_loop3A_491, %parallel_loop3A_492], %parallel_loop3A_484 {strides = array<i32>} : memref<8x2x8x128xf32, #tpu.memory_space<vmem>>, vector<16xf32>,
        %parallel_loop3A_494 = tpu.vector_load_idx %arg7[%parallel_loop3A_363, %broadcast_in_dim3A_29] : memref<1024x16xf32, #tpu.memory_space<vmem>>[vector<16xi32>, vector<16xi32>], vector<16xf32>,
        %parallel_loop3A_495 = arith.constant 16 : i32
        %parallel_loop3A_496 = arith.muli %parallel_loop3A_359, %parallel_loop3A_495 : i32
        %parallel_loop3A_497 = arith.constant 1 : i32
        %parallel_loop3A_498 = arith.constant 5 : i32
        %parallel_loop3A_499 = arith.index_cast %parallel_loop3A_343 : i32 to index
        %parallel_loop3A_500 = arith.index_cast %parallel_loop3A_497 : i32 to index
        %parallel_loop3A_501 = arith.index_cast %parallel_loop3A_498 : i32 to index
        %parallel_loop3A_502 = arith.index_cast %parallel_loop3A_496 : i32 to index
        %parallel_loop3A_503 = tpu.vector_load %arg9[%parallel_loop3A_499, %parallel_loop3A_500, %parallel_loop3A_501, %parallel_loop3A_502] {strides = array<i32>} : memref<8x2x8x128xf32, #tpu.memory_space<vmem>>, vector<16xf32>,
        tpu.vector_store %arg9[%parallel_loop3A_499, %parallel_loop3A_500, %parallel_loop3A_501, %parallel_loop3A_502], %parallel_loop3A_494 {strides = array<i32>} : memref<8x2x8x128xf32, #tpu.memory_space<vmem>>, vector<16xf32>,
        %parallel_loop3A_504 = tpu.vector_load_idx %arg7[%parallel_loop3A_363, %broadcast_in_dim3A_31] : memref<1024x16xf32, #tpu.memory_space<vmem>>[vector<16xi32>, vector<16xi32>], vector<16xf32>,
        %parallel_loop3A_505 = arith.constant 16 : i32
        %parallel_loop3A_506 = arith.muli %parallel_loop3A_359, %parallel_loop3A_505 : i32
        %parallel_loop3A_507 = arith.constant 1 : i32
        %parallel_loop3A_508 = arith.constant 6 : i32
        %parallel_loop3A_509 = arith.index_cast %parallel_loop3A_343 : i32 to index
        %parallel_loop3A_510 = arith.index_cast %parallel_loop3A_507 : i32 to index
        %parallel_loop3A_511 = arith.index_cast %parallel_loop3A_508 : i32 to index
        %parallel_loop3A_512 = arith.index_cast %parallel_loop3A_506 : i32 to index
        %parallel_loop3A_513 = tpu.vector_load %arg9[%parallel_loop3A_509, %parallel_loop3A_510, %parallel_loop3A_511, %parallel_loop3A_512] {strides = array<i32>} : memref<8x2x8x128xf32, #tpu.memory_space<vmem>>, vector<16xf32>,
        tpu.vector_store %arg9[%parallel_loop3A_509, %parallel_loop3A_510, %parallel_loop3A_511, %parallel_loop3A_512], %parallel_loop3A_504 {strides = array<i32>} : memref<8x2x8x128xf32, #tpu.memory_space<vmem>>, vector<16xf32>,
        %parallel_loop3A_514 = tpu.vector_load_idx %arg7[%parallel_loop3A_363, %broadcast_in_dim3A_33] : memref<1024x16xf32, #tpu.memory_space<vmem>>[vector<16xi32>, vector<16xi32>], vector<16xf32>,
        %parallel_loop3A_515 = arith.constant 16 : i32
        %parallel_loop3A_516 = arith.muli %parallel_loop3A_359, %parallel_loop3A_515 : i32
        %parallel_loop3A_517 = arith.constant 1 : i32
        %parallel_loop3A_518 = arith.constant 7 : i32
        %parallel_loop3A_519 = arith.index_cast %parallel_loop3A_343 : i32 to index
        %parallel_loop3A_520 = arith.index_cast %parallel_loop3A_517 : i32 to index
        %parallel_loop3A_521 = arith.index_cast %parallel_loop3A_518 : i32 to index
        %parallel_loop3A_522 = arith.index_cast %parallel_loop3A_516 : i32 to index
        %parallel_loop3A_523 = tpu.vector_load %arg9[%parallel_loop3A_519, %parallel_loop3A_520, %parallel_loop3A_521, %parallel_loop3A_522] {strides = array<i32>} : memref<8x2x8x128xf32, #tpu.memory_space<vmem>>, vector<16xf32>,
        tpu.vector_store %arg9[%parallel_loop3A_519, %parallel_loop3A_520, %parallel_loop3A_521, %parallel_loop3A_522], %parallel_loop3A_514 {strides = array<i32>} : memref<8x2x8x128xf32, #tpu.memory_space<vmem>>, vector<16xf32>,
      } {sc.loop_unroll_factor = 2 : i64, sc.parallel_access}
      %add3A_184 = arith.addi %mul3A_2, %add3A_162 : i32
      %jit3A_185 = arith.constant 128 : i32
      %div3A_186 = arith.divsi %add3A_184, %jit3A_185 : i32
      %sign3A_187 = arith.constant 0 : i32
      %sign3A_188 = arith.cmpi sgt, %add3A_184, %sign3A_187 : i32
      %sign3A_189 = arith.extui %sign3A_188 : i1 to i32
      %sign3A_190 = arith.constant 0 : i32
      %sign3A_191 = arith.cmpi slt, %add3A_184, %sign3A_190 : i32
      %sign3A_192 = arith.extui %sign3A_191 : i1 to i32
      %sign3A_193 = arith.subi %sign3A_189, %sign3A_192 : i32
      %sign3A_194 = arith.constant 0 : i32
      %sign3A_195 = arith.cmpi sgt, %jit3A_185, %sign3A_194 : i32
      %sign3A_196 = arith.extui %sign3A_195 : i1 to i32
      %sign3A_197 = arith.constant 0 : i32
      %sign3A_198 = arith.cmpi slt, %jit3A_185, %sign3A_197 : i32
      %sign3A_199 = arith.extui %sign3A_198 : i1 to i32
      %sign3A_200 = arith.subi %sign3A_196, %sign3A_199 : i32
      %ne3A_201 = arith.cmpi ne, %sign3A_193, %sign3A_200 : i32
      %rem3A_202 = arith.remsi %add3A_184, %jit3A_185 : i32
      %ne3A_203 = arith.constant 0 : i32
      %ne3A_204 = arith.cmpi ne, %rem3A_202, %ne3A_203 : i32
      %and3A_205 = arith.andi %ne3A_201, %ne3A_204 : i1
      %sub3A_206 = arith.constant 1 : i32
      %sub3A_207 = arith.subi %div3A_186, %sub3A_206 : i32
      %select_n3A_208 = arith.select %and3A_205, %sub3A_207, %div3A_186 : i32
      %jit3A_209 = arith.constant 128 : i32
      %eq3A_210 = arith.constant 0 : i32
      %eq3A_211 = arith.cmpi eq, %jit3A_209, %eq3A_210 : i32
      %jit3A_212 = arith.constant 1 : i32
      %select_n3A_213 = arith.select %eq3A_211, %jit3A_212, %jit3A_209 : i32
      %rem3A_214 = arith.remsi %add3A_184, %select_n3A_213 : i32
      %ne3A_215 = arith.constant 0 : i32
      %ne3A_216 = arith.cmpi ne, %rem3A_214, %ne3A_215 : i32
      %lt3A_217 = arith.constant 0 : i32
      %lt3A_218 = arith.cmpi slt, %rem3A_214, %lt3A_217 : i32
      %lt3A_219 = arith.constant 0 : i32
      %lt3A_220 = arith.cmpi slt, %select_n3A_213, %lt3A_219 : i32
      %ne3A_221 = arith.xori %lt3A_218, %lt3A_220 : i1
      %and3A_222 = arith.andi %ne3A_221, %ne3A_216 : i1
      %add3A_223 = arith.addi %rem3A_214, %select_n3A_213 : i32
      %select_n3A_224 = arith.select %and3A_222, %add3A_223, %rem3A_214 : i32
      %mul3A_225 = arith.constant 8 : i32
      %mul3A_226 = arith.muli %select_n3A_208, %mul3A_225 : i32
      %dma_start3A_227 = arith.constant 0 : i32
      %dma_start3A_228 = arith.constant 0 : i32
      %dma_start3A_229 = arith.constant 0 : i32
      %dma_start3A_230 = tpu.memref_slice %arg4[%mul3A_226, %dma_start3A_227, %select_n3A_224, %dma_start3A_228, %dma_start3A_229] : memref<200x2x128x8x128xf32, #tpu.memory_space<hbm>> -> memref<8x2x1x8x128xf32, #tpu.memory_space<hbm>>
      %dma_start3A_231 = tpu.memref_squeeze %dma_start3A_230 : memref<8x2x1x8x128xf32, #tpu.memory_space<hbm>> -> memref<8x2x8x128xf32, #tpu.memory_space<hbm>>
      %dma_start3A_232 = arith.constant 0 : i32
      %dma_start3A_233 = arith.constant 0 : i32
      %dma_start3A_234 = arith.constant 0 : i32
      %dma_start3A_235 = tpu.memref_slice %arg4[%mul3A_226, %dma_start3A_232, %select_n3A_224, %dma_start3A_233, %dma_start3A_234] : memref<200x2x128x8x128xf32, #tpu.memory_space<hbm>> -> memref<8x2x1x8x128xf32, #tpu.memory_space<hbm>>
      %dma_start3A_236 = tpu.memref_squeeze %dma_start3A_235 : memref<8x2x1x8x128xf32, #tpu.memory_space<hbm>> -> memref<8x2x8x128xf32, #tpu.memory_space<hbm>>
      tpu.enqueue_dma source(%arg9 : memref<8x2x8x128xf32, #tpu.memory_space<vmem>>) target(%dma_start3A_236 : memref<8x2x8x128xf32, #tpu.memory_space<hbm>>) target_semaphore(%arg15 : memref<!tpu.dma_semaphore, #tpu.memory_space<semaphore_mem>>)
      %mul3A_237 = arith.constant 2 : i32
      %mul3A_238 = arith.muli %scan3A_158, %mul3A_237 : i32
      %add3A_239 = arith.constant 1 : i32
      %add3A_240 = arith.addi %mul3A_238, %add3A_239 : i32
      %dma_wait3A_241 = arith.constant 0 : i32
      %dma_wait3A_242 = arith.constant 0 : i32
      %dma_wait3A_243 = tpu.memref_slice %arg2[%dma_wait3A_241, %dma_wait3A_242] : memref<1000448x16xf32, #tpu.memory_space<hbm>> -> memref<1000448x16xf32, #tpu.memory_space<hbm>>
      tpu.wait_indirect_dma semaphore(%arg14 : memref<!tpu.dma_semaphore, #tpu.memory_space<semaphore_mem>>) src(%dma_wait3A_243 : memref<1000448x16xf32, #tpu.memory_space<hbm>>) dst(%arg8 : memref<1024x16xf32, #tpu.memory_space<vmem>>)
      %add3A_244 = arith.constant 1 : i32
      %add3A_245 = arith.addi %add3A_240, %add3A_244 : i32
      %lt3A_246 = arith.constant 100 : i32
      %lt3A_247 = arith.cmpi slt, %add3A_245, %lt3A_246 : i32
      %convert_element_type3A_248 = arith.extui %lt3A_247 : i1 to i32
      %cond3A_249 = arith.constant 0 : i32
      %cond3A_250 = arith.cmpi ne, %convert_element_type3A_248, %cond3A_249 : i32
      scf.if %cond3A_250 {
        %dma_wait3A_319 = arith.constant 0 : i32
        %dma_wait3A_320 = arith.constant 0 : i32
        %dma_wait3A_321 = arith.constant 0 : i32
        %dma_wait3A_322 = tpu.memref_slice %arg3[%dma_wait3A_319, %dma_wait3A_320, %dma_wait3A_321] : memref<25x128x1024xi32, #tpu.memory_space<hbm>> -> memref<1x1x1024xi32, #tpu.memory_space<hbm>>
        %dma_wait3A_323 = tpu.memref_squeeze %dma_wait3A_322 : memref<1x1x1024xi32, #tpu.memory_space<hbm>> -> memref<1024xi32, #tpu.memory_space<hbm>>
        %dma_wait3A_324 = arith.constant 0 : i32
        %dma_wait3A_325 = tpu.memref_slice %arg3[%dma_wait3A_319, %dma_wait3A_320, %dma_wait3A_324] : memref<25x128x1024xi32, #tpu.memory_space<hbm>> -> memref<1x1x1024xi32, #tpu.memory_space<hbm>>
        %dma_wait3A_326 = tpu.memref_squeeze %dma_wait3A_325 : memref<1x1x1024xi32, #tpu.memory_space<hbm>> -> memref<1024xi32, #tpu.memory_space<hbm>>
        tpu.wait_dma2 semaphore(%arg11 : memref<!tpu.dma_semaphore, #tpu.memory_space<semaphore_mem>>) src(%dma_wait3A_326 : memref<1024xi32, #tpu.memory_space<hbm>>) dst(%arg5 : memref<1024xi32, #tpu.memory_space<vmem>>)
        %dma_start3A_327 = arith.constant 0 : i32
        %dma_start3A_328 = arith.constant 0 : i32
        %dma_start3A_329 = tpu.memref_slice %arg2[%dma_start3A_327, %dma_start3A_328] : memref<1000448x16xf32, #tpu.memory_space<hbm>> -> memref<1000448x16xf32, #tpu.memory_space<hbm>>
        tpu.enqueue_indirect_dma source(%dma_start3A_329 : memref<1000448x16xf32, #tpu.memory_space<hbm>>) target(%arg7 : memref<1024x16xf32, #tpu.memory_space<vmem>>) offsets(%arg5 : memref<1024xi32, #tpu.memory_space<vmem>>) semaphore(%arg13 : memref<!tpu.dma_semaphore, #tpu.memory_space<semaphore_mem>>)
      } else {
      }
      %add3A_251 = arith.constant 2 : i32
      %add3A_252 = arith.addi %add3A_240, %add3A_251 : i32
      %lt3A_253 = arith.constant 100 : i32
      %lt3A_254 = arith.cmpi slt, %add3A_252, %lt3A_253 : i32
      %convert_element_type3A_255 = arith.extui %lt3A_254 : i1 to i32
      %cond3A_256 = arith.constant 0 : i32
      %cond3A_257 = arith.cmpi ne, %convert_element_type3A_255, %cond3A_256 : i32
      scf.if %cond3A_257 {
        %add3A_319 = arith.addi %mul3A_2, %add3A_240 : i32
        %add3A_320 = arith.constant 2 : i32
        %add3A_321 = arith.addi %add3A_319, %add3A_320 : i32
        %jit3A_322 = arith.constant 128 : i32
        %div3A_323 = arith.divsi %add3A_321, %jit3A_322 : i32
        %sign3A_324 = arith.constant 0 : i32
        %sign3A_325 = arith.cmpi sgt, %add3A_321, %sign3A_324 : i32
        %sign3A_326 = arith.extui %sign3A_325 : i1 to i32
        %sign3A_327 = arith.constant 0 : i32
        %sign3A_328 = arith.cmpi slt, %add3A_321, %sign3A_327 : i32
        %sign3A_329 = arith.extui %sign3A_328 : i1 to i32
        %sign3A_330 = arith.subi %sign3A_326, %sign3A_329 : i32
        %sign3A_331 = arith.constant 0 : i32
        %sign3A_332 = arith.cmpi sgt, %jit3A_322, %sign3A_331 : i32
        %sign3A_333 = arith.extui %sign3A_332 : i1 to i32
        %sign3A_334 = arith.constant 0 : i32
        %sign3A_335 = arith.cmpi slt, %jit3A_322, %sign3A_334 : i32
        %sign3A_336 = arith.extui %sign3A_335 : i1 to i32
        %sign3A_337 = arith.subi %sign3A_333, %sign3A_336 : i32
        %ne3A_338 = arith.cmpi ne, %sign3A_330, %sign3A_337 : i32
        %rem3A_339 = arith.remsi %add3A_321, %jit3A_322 : i32
        %ne3A_340 = arith.constant 0 : i32
        %ne3A_341 = arith.cmpi ne, %rem3A_339, %ne3A_340 : i32
        %and3A_342 = arith.andi %ne3A_338, %ne3A_341 : i1
        %sub3A_343 = arith.constant 1 : i32
        %sub3A_344 = arith.subi %div3A_323, %sub3A_343 : i32
        %select_n3A_345 = arith.select %and3A_342, %sub3A_344, %div3A_323 : i32
        %jit3A_346 = arith.constant 128 : i32
        %eq3A_347 = arith.constant 0 : i32
        %eq3A_348 = arith.cmpi eq, %jit3A_346, %eq3A_347 : i32
        %jit3A_349 = arith.constant 1 : i32
        %select_n3A_350 = arith.select %eq3A_348, %jit3A_349, %jit3A_346 : i32
        %rem3A_351 = arith.remsi %add3A_321, %select_n3A_350 : i32
        %ne3A_352 = arith.constant 0 : i32
        %ne3A_353 = arith.cmpi ne, %rem3A_351, %ne3A_352 : i32
        %lt3A_354 = arith.constant 0 : i32
        %lt3A_355 = arith.cmpi slt, %rem3A_351, %lt3A_354 : i32
        %lt3A_356 = arith.constant 0 : i32
        %lt3A_357 = arith.cmpi slt, %select_n3A_350, %lt3A_356 : i32
        %ne3A_358 = arith.xori %lt3A_355, %lt3A_357 : i1
        %and3A_359 = arith.andi %ne3A_358, %ne3A_353 : i1
        %add3A_360 = arith.addi %rem3A_351, %select_n3A_350 : i32
        %select_n3A_361 = arith.select %and3A_359, %add3A_360, %rem3A_351 : i32
        %dma_start3A_362 = arith.constant 0 : i32
        %dma_start3A_363 = tpu.memref_slice %arg3[%select_n3A_345, %select_n3A_361, %dma_start3A_362] : memref<25x128x1024xi32, #tpu.memory_space<hbm>> -> memref<1x1x1024xi32, #tpu.memory_space<hbm>>
        %dma_start3A_364 = tpu.memref_squeeze %dma_start3A_363 : memref<1x1x1024xi32, #tpu.memory_space<hbm>> -> memref<1024xi32, #tpu.memory_space<hbm>>
        %dma_start3A_365 = arith.constant 0 : i32
        %dma_start3A_366 = tpu.memref_slice %arg3[%select_n3A_345, %select_n3A_361, %dma_start3A_365] : memref<25x128x1024xi32, #tpu.memory_space<hbm>> -> memref<1x1x1024xi32, #tpu.memory_space<hbm>>
        %dma_start3A_367 = tpu.memref_squeeze %dma_start3A_366 : memref<1x1x1024xi32, #tpu.memory_space<hbm>> -> memref<1024xi32, #tpu.memory_space<hbm>>
        tpu.enqueue_dma source(%dma_start3A_367 : memref<1024xi32, #tpu.memory_space<hbm>>) target(%arg6 : memref<1024xi32, #tpu.memory_space<vmem>>) target_semaphore(%arg12 : memref<!tpu.dma_semaphore, #tpu.memory_space<semaphore_mem>>)
      } else {
      }
      %ge3A_258 = arith.constant 2 : i32
      %ge3A_259 = arith.cmpi sge, %add3A_240, %ge3A_258 : i32
      %convert_element_type3A_260 = arith.extui %ge3A_259 : i1 to i32
      %cond3A_261 = arith.constant 0 : i32
      %cond3A_262 = arith.cmpi ne, %convert_element_type3A_260, %cond3A_261 : i32
      scf.if %cond3A_262 {
        %dma_wait3A_319 = arith.constant 0 : i32
        %dma_wait3A_320 = arith.constant 0 : i32
        %dma_wait3A_321 = arith.constant 0 : i32
        %dma_wait3A_322 = arith.constant 0 : i32
        %dma_wait3A_323 = arith.constant 0 : i32
        %dma_wait3A_324 = tpu.memref_slice %arg4[%dma_wait3A_320, %dma_wait3A_321, %dma_wait3A_319, %dma_wait3A_322, %dma_wait3A_323] : memref<200x2x128x8x128xf32, #tpu.memory_space<hbm>> -> memref<8x2x1x8x128xf32, #tpu.memory_space<hbm>>
        %dma_wait3A_325 = tpu.memref_squeeze %dma_wait3A_324 : memref<8x2x1x8x128xf32, #tpu.memory_space<hbm>> -> memref<8x2x8x128xf32, #tpu.memory_space<hbm>>
        %dma_wait3A_326 = arith.constant 0 : i32
        %dma_wait3A_327 = arith.constant 0 : i32
        %dma_wait3A_328 = arith.constant 0 : i32
        %dma_wait3A_329 = arith.constant 0 : i32
        %dma_wait3A_330 = tpu.memref_slice %arg4[%dma_wait3A_326, %dma_wait3A_327, %dma_wait3A_319, %dma_wait3A_328, %dma_wait3A_329] : memref<200x2x128x8x128xf32, #tpu.memory_space<hbm>> -> memref<8x2x1x8x128xf32, #tpu.memory_space<hbm>>
        %dma_wait3A_331 = tpu.memref_squeeze %dma_wait3A_330 : memref<8x2x1x8x128xf32, #tpu.memory_space<hbm>> -> memref<8x2x8x128xf32, #tpu.memory_space<hbm>>
        tpu.wait_dma2 semaphore(%arg16 : memref<!tpu.dma_semaphore, #tpu.memory_space<semaphore_mem>>) src(%arg10 : memref<8x2x8x128xf32, #tpu.memory_space<vmem>>) dst(%dma_wait3A_331 : memref<8x2x8x128xf32, #tpu.memory_space<hbm>>)
      } else {
      }
      %parallel_loop3A_263 = arith.constant 0 : i32
      %parallel_loop3A_264 = arith.constant 64 : i32
      %parallel_loop3A_265 = arith.constant 1 : i32
      scf.for %parallel_loop3A_319 = %parallel_loop3A_263 to %parallel_loop3A_264 step %parallel_loop3A_265  : i32 {
        %parallel_loop3A_320 = arith.constant 8 : i32
        %parallel_loop3A_321 = arith.divsi %parallel_loop3A_319, %parallel_loop3A_320 : i32
        %parallel_loop3A_322 = arith.constant 0 : i32
        %parallel_loop3A_323 = arith.cmpi sgt, %parallel_loop3A_319, %parallel_loop3A_322 : i32
        %parallel_loop3A_324 = arith.extui %parallel_loop3A_323 : i1 to i32
        %parallel_loop3A_325 = arith.constant 0 : i32
        %parallel_loop3A_326 = arith.cmpi slt, %parallel_loop3A_319, %parallel_loop3A_325 : i32
        %parallel_loop3A_327 = arith.extui %parallel_loop3A_326 : i1 to i32
        %parallel_loop3A_328 = arith.subi %parallel_loop3A_324, %parallel_loop3A_327 : i32
        %parallel_loop3A_329 = arith.constant 0 : i32
        %parallel_loop3A_330 = arith.cmpi sgt, %parallel_loop3A_320, %parallel_loop3A_329 : i32
        %parallel_loop3A_331 = arith.extui %parallel_loop3A_330 : i1 to i32
        %parallel_loop3A_332 = arith.constant 0 : i32
        %parallel_loop3A_333 = arith.cmpi slt, %parallel_loop3A_320, %parallel_loop3A_332 : i32
        %parallel_loop3A_334 = arith.extui %parallel_loop3A_333 : i1 to i32
        %parallel_loop3A_335 = arith.subi %parallel_loop3A_331, %parallel_loop3A_334 : i32
        %parallel_loop3A_336 = arith.cmpi ne, %parallel_loop3A_328, %parallel_loop3A_335 : i32
        %parallel_loop3A_337 = arith.remsi %parallel_loop3A_319, %parallel_loop3A_320 : i32
        %parallel_loop3A_338 = arith.constant 0 : i32
        %parallel_loop3A_339 = arith.cmpi ne, %parallel_loop3A_337, %parallel_loop3A_338 : i32
        %parallel_loop3A_340 = arith.andi %parallel_loop3A_336, %parallel_loop3A_339 : i1
        %parallel_loop3A_341 = arith.constant 1 : i32
        %parallel_loop3A_342 = arith.subi %parallel_loop3A_321, %parallel_loop3A_341 : i32
        %parallel_loop3A_343 = arith.select %parallel_loop3A_340, %parallel_loop3A_342, %parallel_loop3A_321 : i32
        %parallel_loop3A_344 = arith.constant 8 : i32
        %parallel_loop3A_345 = arith.constant 0 : i32
        %parallel_loop3A_346 = arith.cmpi eq, %parallel_loop3A_344, %parallel_loop3A_345 : i32
        %parallel_loop3A_347 = arith.constant 1 : i32
        %parallel_loop3A_348 = arith.select %parallel_loop3A_346, %parallel_loop3A_347, %parallel_loop3A_344 : i32
        %parallel_loop3A_349 = arith.remsi %parallel_loop3A_319, %parallel_loop3A_348 : i32
        %parallel_loop3A_350 = arith.constant 0 : i32
        %parallel_loop3A_351 = arith.cmpi ne, %parallel_loop3A_349, %parallel_loop3A_350 : i32
        %parallel_loop3A_352 = arith.constant 0 : i32
        %parallel_loop3A_353 = arith.cmpi slt, %parallel_loop3A_349, %parallel_loop3A_352 : i32
        %parallel_loop3A_354 = arith.constant 0 : i32
        %parallel_loop3A_355 = arith.cmpi slt, %parallel_loop3A_348, %parallel_loop3A_354 : i32
        %parallel_loop3A_356 = arith.xori %parallel_loop3A_353, %parallel_loop3A_355 : i1
        %parallel_loop3A_357 = arith.andi %parallel_loop3A_356, %parallel_loop3A_351 : i1
        %parallel_loop3A_358 = arith.addi %parallel_loop3A_349, %parallel_loop3A_348 : i32
        %parallel_loop3A_359 = arith.select %parallel_loop3A_357, %parallel_loop3A_358, %parallel_loop3A_349 : i32
        %parallel_loop3A_360 = arith.constant 16 : i32
        %parallel_loop3A_361 = arith.muli %parallel_loop3A_319, %parallel_loop3A_360 : i32
        %parallel_loop3A_362 = vector.broadcast %parallel_loop3A_361 : i32 to vector<16xi32>
        %parallel_loop3A_363 = arith.addi %iota3A, %parallel_loop3A_362 : vector<16xi32>
        %parallel_loop3A_364 = tpu.vector_load_idx %arg8[%parallel_loop3A_363, %broadcast_in_dim3A_3] : memref<1024x16xf32, #tpu.memory_space<vmem>>[vector<16xi32>, vector<16xi32>], vector<16xf32>,
        %parallel_loop3A_365 = arith.constant 16 : i32
        %parallel_loop3A_366 = arith.muli %parallel_loop3A_359, %parallel_loop3A_365 : i32
        %parallel_loop3A_367 = arith.constant 0 : i32
        %parallel_loop3A_368 = arith.constant 0 : i32
        %parallel_loop3A_369 = arith.index_cast %parallel_loop3A_343 : i32 to index
        %parallel_loop3A_370 = arith.index_cast %parallel_loop3A_367 : i32 to index
        %parallel_loop3A_371 = arith.index_cast %parallel_loop3A_368 : i32 to index
        %parallel_loop3A_372 = arith.index_cast %parallel_loop3A_366 : i32 to index
        %parallel_loop3A_373 = tpu.vector_load %arg10[%parallel_loop3A_369, %parallel_loop3A_370, %parallel_loop3A_371, %parallel_loop3A_372] {strides = array<i32>} : memref<8x2x8x128xf32, #tpu.memory_space<vmem>>, vector<16xf32>,
        tpu.vector_store %arg10[%parallel_loop3A_369, %parallel_loop3A_370, %parallel_loop3A_371, %parallel_loop3A_372], %parallel_loop3A_364 {strides = array<i32>} : memref<8x2x8x128xf32, #tpu.memory_space<vmem>>, vector<16xf32>,
        %parallel_loop3A_374 = tpu.vector_load_idx %arg8[%parallel_loop3A_363, %broadcast_in_dim3A_5] : memref<1024x16xf32, #tpu.memory_space<vmem>>[vector<16xi32>, vector<16xi32>], vector<16xf32>,
        %parallel_loop3A_375 = arith.constant 16 : i32
        %parallel_loop3A_376 = arith.muli %parallel_loop3A_359, %parallel_loop3A_375 : i32
        %parallel_loop3A_377 = arith.constant 0 : i32
        %parallel_loop3A_378 = arith.constant 1 : i32
        %parallel_loop3A_379 = arith.index_cast %parallel_loop3A_343 : i32 to index
        %parallel_loop3A_380 = arith.index_cast %parallel_loop3A_377 : i32 to index
        %parallel_loop3A_381 = arith.index_cast %parallel_loop3A_378 : i32 to index
        %parallel_loop3A_382 = arith.index_cast %parallel_loop3A_376 : i32 to index
        %parallel_loop3A_383 = tpu.vector_load %arg10[%parallel_loop3A_379, %parallel_loop3A_380, %parallel_loop3A_381, %parallel_loop3A_382] {strides = array<i32>} : memref<8x2x8x128xf32, #tpu.memory_space<vmem>>, vector<16xf32>,
        tpu.vector_store %arg10[%parallel_loop3A_379, %parallel_loop3A_380, %parallel_loop3A_381, %parallel_loop3A_382], %parallel_loop3A_374 {strides = array<i32>} : memref<8x2x8x128xf32, #tpu.memory_space<vmem>>, vector<16xf32>,
        %parallel_loop3A_384 = tpu.vector_load_idx %arg8[%parallel_loop3A_363, %broadcast_in_dim3A_7] : memref<1024x16xf32, #tpu.memory_space<vmem>>[vector<16xi32>, vector<16xi32>], vector<16xf32>,
        %parallel_loop3A_385 = arith.constant 16 : i32
        %parallel_loop3A_386 = arith.muli %parallel_loop3A_359, %parallel_loop3A_385 : i32
        %parallel_loop3A_387 = arith.constant 0 : i32
        %parallel_loop3A_388 = arith.constant 2 : i32
        %parallel_loop3A_389 = arith.index_cast %parallel_loop3A_343 : i32 to index
        %parallel_loop3A_390 = arith.index_cast %parallel_loop3A_387 : i32 to index
        %parallel_loop3A_391 = arith.index_cast %parallel_loop3A_388 : i32 to index
        %parallel_loop3A_392 = arith.index_cast %parallel_loop3A_386 : i32 to index
        %parallel_loop3A_393 = tpu.vector_load %arg10[%parallel_loop3A_389, %parallel_loop3A_390, %parallel_loop3A_391, %parallel_loop3A_392] {strides = array<i32>} : memref<8x2x8x128xf32, #tpu.memory_space<vmem>>, vector<16xf32>,
        tpu.vector_store %arg10[%parallel_loop3A_389, %parallel_loop3A_390, %parallel_loop3A_391, %parallel_loop3A_392], %parallel_loop3A_384 {strides = array<i32>} : memref<8x2x8x128xf32, #tpu.memory_space<vmem>>, vector<16xf32>,
        %parallel_loop3A_394 = tpu.vector_load_idx %arg8[%parallel_loop3A_363, %broadcast_in_dim3A_9] : memref<1024x16xf32, #tpu.memory_space<vmem>>[vector<16xi32>, vector<16xi32>], vector<16xf32>,
        %parallel_loop3A_395 = arith.constant 16 : i32
        %parallel_loop3A_396 = arith.muli %parallel_loop3A_359, %parallel_loop3A_395 : i32
        %parallel_loop3A_397 = arith.constant 0 : i32
        %parallel_loop3A_398 = arith.constant 3 : i32
        %parallel_loop3A_399 = arith.index_cast %parallel_loop3A_343 : i32 to index
        %parallel_loop3A_400 = arith.index_cast %parallel_loop3A_397 : i32 to index
        %parallel_loop3A_401 = arith.index_cast %parallel_loop3A_398 : i32 to index
        %parallel_loop3A_402 = arith.index_cast %parallel_loop3A_396 : i32 to index
        %parallel_loop3A_403 = tpu.vector_load %arg10[%parallel_loop3A_399, %parallel_loop3A_400, %parallel_loop3A_401, %parallel_loop3A_402] {strides = array<i32>} : memref<8x2x8x128xf32, #tpu.memory_space<vmem>>, vector<16xf32>,
        tpu.vector_store %arg10[%parallel_loop3A_399, %parallel_loop3A_400, %parallel_loop3A_401, %parallel_loop3A_402], %parallel_loop3A_394 {strides = array<i32>} : memref<8x2x8x128xf32, #tpu.memory_space<vmem>>, vector<16xf32>,
        %parallel_loop3A_404 = tpu.vector_load_idx %arg8[%parallel_loop3A_363, %broadcast_in_dim3A_11] : memref<1024x16xf32, #tpu.memory_space<vmem>>[vector<16xi32>, vector<16xi32>], vector<16xf32>,
        %parallel_loop3A_405 = arith.constant 16 : i32
        %parallel_loop3A_406 = arith.muli %parallel_loop3A_359, %parallel_loop3A_405 : i32
        %parallel_loop3A_407 = arith.constant 0 : i32
        %parallel_loop3A_408 = arith.constant 4 : i32
        %parallel_loop3A_409 = arith.index_cast %parallel_loop3A_343 : i32 to index
        %parallel_loop3A_410 = arith.index_cast %parallel_loop3A_407 : i32 to index
        %parallel_loop3A_411 = arith.index_cast %parallel_loop3A_408 : i32 to index
        %parallel_loop3A_412 = arith.index_cast %parallel_loop3A_406 : i32 to index
        %parallel_loop3A_413 = tpu.vector_load %arg10[%parallel_loop3A_409, %parallel_loop3A_410, %parallel_loop3A_411, %parallel_loop3A_412] {strides = array<i32>} : memref<8x2x8x128xf32, #tpu.memory_space<vmem>>, vector<16xf32>,
        tpu.vector_store %arg10[%parallel_loop3A_409, %parallel_loop3A_410, %parallel_loop3A_411, %parallel_loop3A_412], %parallel_loop3A_404 {strides = array<i32>} : memref<8x2x8x128xf32, #tpu.memory_space<vmem>>, vector<16xf32>,
        %parallel_loop3A_414 = tpu.vector_load_idx %arg8[%parallel_loop3A_363, %broadcast_in_dim3A_13] : memref<1024x16xf32, #tpu.memory_space<vmem>>[vector<16xi32>, vector<16xi32>], vector<16xf32>,
        %parallel_loop3A_415 = arith.constant 16 : i32
        %parallel_loop3A_416 = arith.muli %parallel_loop3A_359, %parallel_loop3A_415 : i32
        %parallel_loop3A_417 = arith.constant 0 : i32
        %parallel_loop3A_418 = arith.constant 5 : i32
        %parallel_loop3A_419 = arith.index_cast %parallel_loop3A_343 : i32 to index
        %parallel_loop3A_420 = arith.index_cast %parallel_loop3A_417 : i32 to index
        %parallel_loop3A_421 = arith.index_cast %parallel_loop3A_418 : i32 to index
        %parallel_loop3A_422 = arith.index_cast %parallel_loop3A_416 : i32 to index
        %parallel_loop3A_423 = tpu.vector_load %arg10[%parallel_loop3A_419, %parallel_loop3A_420, %parallel_loop3A_421, %parallel_loop3A_422] {strides = array<i32>} : memref<8x2x8x128xf32, #tpu.memory_space<vmem>>, vector<16xf32>,
        tpu.vector_store %arg10[%parallel_loop3A_419, %parallel_loop3A_420, %parallel_loop3A_421, %parallel_loop3A_422], %parallel_loop3A_414 {strides = array<i32>} : memref<8x2x8x128xf32, #tpu.memory_space<vmem>>, vector<16xf32>,
        %parallel_loop3A_424 = tpu.vector_load_idx %arg8[%parallel_loop3A_363, %broadcast_in_dim3A_15] : memref<1024x16xf32, #tpu.memory_space<vmem>>[vector<16xi32>, vector<16xi32>], vector<16xf32>,
        %parallel_loop3A_425 = arith.constant 16 : i32
        %parallel_loop3A_426 = arith.muli %parallel_loop3A_359, %parallel_loop3A_425 : i32
        %parallel_loop3A_427 = arith.constant 0 : i32
        %parallel_loop3A_428 = arith.constant 6 : i32
        %parallel_loop3A_429 = arith.index_cast %parallel_loop3A_343 : i32 to index
        %parallel_loop3A_430 = arith.index_cast %parallel_loop3A_427 : i32 to index
        %parallel_loop3A_431 = arith.index_cast %parallel_loop3A_428 : i32 to index
        %parallel_loop3A_432 = arith.index_cast %parallel_loop3A_426 : i32 to index
        %parallel_loop3A_433 = tpu.vector_load %arg10[%parallel_loop3A_429, %parallel_loop3A_430, %parallel_loop3A_431, %parallel_loop3A_432] {strides = array<i32>} : memref<8x2x8x128xf32, #tpu.memory_space<vmem>>, vector<16xf32>,
        tpu.vector_store %arg10[%parallel_loop3A_429, %parallel_loop3A_430, %parallel_loop3A_431, %parallel_loop3A_432], %parallel_loop3A_424 {strides = array<i32>} : memref<8x2x8x128xf32, #tpu.memory_space<vmem>>, vector<16xf32>,
        %parallel_loop3A_434 = tpu.vector_load_idx %arg8[%parallel_loop3A_363, %broadcast_in_dim3A_17] : memref<1024x16xf32, #tpu.memory_space<vmem>>[vector<16xi32>, vector<16xi32>], vector<16xf32>,
        %parallel_loop3A_435 = arith.constant 16 : i32
        %parallel_loop3A_436 = arith.muli %parallel_loop3A_359, %parallel_loop3A_435 : i32
        %parallel_loop3A_437 = arith.constant 0 : i32
        %parallel_loop3A_438 = arith.constant 7 : i32
        %parallel_loop3A_439 = arith.index_cast %parallel_loop3A_343 : i32 to index
        %parallel_loop3A_440 = arith.index_cast %parallel_loop3A_437 : i32 to index
        %parallel_loop3A_441 = arith.index_cast %parallel_loop3A_438 : i32 to index
        %parallel_loop3A_442 = arith.index_cast %parallel_loop3A_436 : i32 to index
        %parallel_loop3A_443 = tpu.vector_load %arg10[%parallel_loop3A_439, %parallel_loop3A_440, %parallel_loop3A_441, %parallel_loop3A_442] {strides = array<i32>} : memref<8x2x8x128xf32, #tpu.memory_space<vmem>>, vector<16xf32>,
        tpu.vector_store %arg10[%parallel_loop3A_439, %parallel_loop3A_440, %parallel_loop3A_441, %parallel_loop3A_442], %parallel_loop3A_434 {strides = array<i32>} : memref<8x2x8x128xf32, #tpu.memory_space<vmem>>, vector<16xf32>,
        %parallel_loop3A_444 = tpu.vector_load_idx %arg8[%parallel_loop3A_363, %broadcast_in_dim3A_19] : memref<1024x16xf32, #tpu.memory_space<vmem>>[vector<16xi32>, vector<16xi32>], vector<16xf32>,
        %parallel_loop3A_445 = arith.constant 16 : i32
        %parallel_loop3A_446 = arith.muli %parallel_loop3A_359, %parallel_loop3A_445 : i32
        %parallel_loop3A_447 = arith.constant 1 : i32
        %parallel_loop3A_448 = arith.constant 0 : i32
        %parallel_loop3A_449 = arith.index_cast %parallel_loop3A_343 : i32 to index
        %parallel_loop3A_450 = arith.index_cast %parallel_loop3A_447 : i32 to index
        %parallel_loop3A_451 = arith.index_cast %parallel_loop3A_448 : i32 to index
        %parallel_loop3A_452 = arith.index_cast %parallel_loop3A_446 : i32 to index
        %parallel_loop3A_453 = tpu.vector_load %arg10[%parallel_loop3A_449, %parallel_loop3A_450, %parallel_loop3A_451, %parallel_loop3A_452] {strides = array<i32>} : memref<8x2x8x128xf32, #tpu.memory_space<vmem>>, vector<16xf32>,
        tpu.vector_store %arg10[%parallel_loop3A_449, %parallel_loop3A_450, %parallel_loop3A_451, %parallel_loop3A_452], %parallel_loop3A_444 {strides = array<i32>} : memref<8x2x8x128xf32, #tpu.memory_space<vmem>>, vector<16xf32>,
        %parallel_loop3A_454 = tpu.vector_load_idx %arg8[%parallel_loop3A_363, %broadcast_in_dim3A_21] : memref<1024x16xf32, #tpu.memory_space<vmem>>[vector<16xi32>, vector<16xi32>], vector<16xf32>,
        %parallel_loop3A_455 = arith.constant 16 : i32
        %parallel_loop3A_456 = arith.muli %parallel_loop3A_359, %parallel_loop3A_455 : i32
        %parallel_loop3A_457 = arith.constant 1 : i32
        %parallel_loop3A_458 = arith.constant 1 : i32
        %parallel_loop3A_459 = arith.index_cast %parallel_loop3A_343 : i32 to index
        %parallel_loop3A_460 = arith.index_cast %parallel_loop3A_457 : i32 to index
        %parallel_loop3A_461 = arith.index_cast %parallel_loop3A_458 : i32 to index
        %parallel_loop3A_462 = arith.index_cast %parallel_loop3A_456 : i32 to index
        %parallel_loop3A_463 = tpu.vector_load %arg10[%parallel_loop3A_459, %parallel_loop3A_460, %parallel_loop3A_461, %parallel_loop3A_462] {strides = array<i32>} : memref<8x2x8x128xf32, #tpu.memory_space<vmem>>, vector<16xf32>,
        tpu.vector_store %arg10[%parallel_loop3A_459, %parallel_loop3A_460, %parallel_loop3A_461, %parallel_loop3A_462], %parallel_loop3A_454 {strides = array<i32>} : memref<8x2x8x128xf32, #tpu.memory_space<vmem>>, vector<16xf32>,
        %parallel_loop3A_464 = tpu.vector_load_idx %arg8[%parallel_loop3A_363, %broadcast_in_dim3A_23] : memref<1024x16xf32, #tpu.memory_space<vmem>>[vector<16xi32>, vector<16xi32>], vector<16xf32>,
        %parallel_loop3A_465 = arith.constant 16 : i32
        %parallel_loop3A_466 = arith.muli %parallel_loop3A_359, %parallel_loop3A_465 : i32
        %parallel_loop3A_467 = arith.constant 1 : i32
        %parallel_loop3A_468 = arith.constant 2 : i32
        %parallel_loop3A_469 = arith.index_cast %parallel_loop3A_343 : i32 to index
        %parallel_loop3A_470 = arith.index_cast %parallel_loop3A_467 : i32 to index
        %parallel_loop3A_471 = arith.index_cast %parallel_loop3A_468 : i32 to index
        %parallel_loop3A_472 = arith.index_cast %parallel_loop3A_466 : i32 to index
        %parallel_loop3A_473 = tpu.vector_load %arg10[%parallel_loop3A_469, %parallel_loop3A_470, %parallel_loop3A_471, %parallel_loop3A_472] {strides = array<i32>} : memref<8x2x8x128xf32, #tpu.memory_space<vmem>>, vector<16xf32>,
        tpu.vector_store %arg10[%parallel_loop3A_469, %parallel_loop3A_470, %parallel_loop3A_471, %parallel_loop3A_472], %parallel_loop3A_464 {strides = array<i32>} : memref<8x2x8x128xf32, #tpu.memory_space<vmem>>, vector<16xf32>,
        %parallel_loop3A_474 = tpu.vector_load_idx %arg8[%parallel_loop3A_363, %broadcast_in_dim3A_25] : memref<1024x16xf32, #tpu.memory_space<vmem>>[vector<16xi32>, vector<16xi32>], vector<16xf32>,
        %parallel_loop3A_475 = arith.constant 16 : i32
        %parallel_loop3A_476 = arith.muli %parallel_loop3A_359, %parallel_loop3A_475 : i32
        %parallel_loop3A_477 = arith.constant 1 : i32
        %parallel_loop3A_478 = arith.constant 3 : i32
        %parallel_loop3A_479 = arith.index_cast %parallel_loop3A_343 : i32 to index
        %parallel_loop3A_480 = arith.index_cast %parallel_loop3A_477 : i32 to index
        %parallel_loop3A_481 = arith.index_cast %parallel_loop3A_478 : i32 to index
        %parallel_loop3A_482 = arith.index_cast %parallel_loop3A_476 : i32 to index
        %parallel_loop3A_483 = tpu.vector_load %arg10[%parallel_loop3A_479, %parallel_loop3A_480, %parallel_loop3A_481, %parallel_loop3A_482] {strides = array<i32>} : memref<8x2x8x128xf32, #tpu.memory_space<vmem>>, vector<16xf32>,
        tpu.vector_store %arg10[%parallel_loop3A_479, %parallel_loop3A_480, %parallel_loop3A_481, %parallel_loop3A_482], %parallel_loop3A_474 {strides = array<i32>} : memref<8x2x8x128xf32, #tpu.memory_space<vmem>>, vector<16xf32>,
        %parallel_loop3A_484 = tpu.vector_load_idx %arg8[%parallel_loop3A_363, %broadcast_in_dim3A_27] : memref<1024x16xf32, #tpu.memory_space<vmem>>[vector<16xi32>, vector<16xi32>], vector<16xf32>,
        %parallel_loop3A_485 = arith.constant 16 : i32
        %parallel_loop3A_486 = arith.muli %parallel_loop3A_359, %parallel_loop3A_485 : i32
        %parallel_loop3A_487 = arith.constant 1 : i32
        %parallel_loop3A_488 = arith.constant 4 : i32
        %parallel_loop3A_489 = arith.index_cast %parallel_loop3A_343 : i32 to index
        %parallel_loop3A_490 = arith.index_cast %parallel_loop3A_487 : i32 to index
        %parallel_loop3A_491 = arith.index_cast %parallel_loop3A_488 : i32 to index
        %parallel_loop3A_492 = arith.index_cast %parallel_loop3A_486 : i32 to index
        %parallel_loop3A_493 = tpu.vector_load %arg10[%parallel_loop3A_489, %parallel_loop3A_490, %parallel_loop3A_491, %parallel_loop3A_492] {strides = array<i32>} : memref<8x2x8x128xf32, #tpu.memory_space<vmem>>, vector<16xf32>,
        tpu.vector_store %arg10[%parallel_loop3A_489, %parallel_loop3A_490, %parallel_loop3A_491, %parallel_loop3A_492], %parallel_loop3A_484 {strides = array<i32>} : memref<8x2x8x128xf32, #tpu.memory_space<vmem>>, vector<16xf32>,
        %parallel_loop3A_494 = tpu.vector_load_idx %arg8[%parallel_loop3A_363, %broadcast_in_dim3A_29] : memref<1024x16xf32, #tpu.memory_space<vmem>>[vector<16xi32>, vector<16xi32>], vector<16xf32>,
        %parallel_loop3A_495 = arith.constant 16 : i32
        %parallel_loop3A_496 = arith.muli %parallel_loop3A_359, %parallel_loop3A_495 : i32
        %parallel_loop3A_497 = arith.constant 1 : i32
        %parallel_loop3A_498 = arith.constant 5 : i32
        %parallel_loop3A_499 = arith.index_cast %parallel_loop3A_343 : i32 to index
        %parallel_loop3A_500 = arith.index_cast %parallel_loop3A_497 : i32 to index
        %parallel_loop3A_501 = arith.index_cast %parallel_loop3A_498 : i32 to index
        %parallel_loop3A_502 = arith.index_cast %parallel_loop3A_496 : i32 to index
        %parallel_loop3A_503 = tpu.vector_load %arg10[%parallel_loop3A_499, %parallel_loop3A_500, %parallel_loop3A_501, %parallel_loop3A_502] {strides = array<i32>} : memref<8x2x8x128xf32, #tpu.memory_space<vmem>>, vector<16xf32>,
        tpu.vector_store %arg10[%parallel_loop3A_499, %parallel_loop3A_500, %parallel_loop3A_501, %parallel_loop3A_502], %parallel_loop3A_494 {strides = array<i32>} : memref<8x2x8x128xf32, #tpu.memory_space<vmem>>, vector<16xf32>,
        %parallel_loop3A_504 = tpu.vector_load_idx %arg8[%parallel_loop3A_363, %broadcast_in_dim3A_31] : memref<1024x16xf32, #tpu.memory_space<vmem>>[vector<16xi32>, vector<16xi32>], vector<16xf32>,
        %parallel_loop3A_505 = arith.constant 16 : i32
        %parallel_loop3A_506 = arith.muli %parallel_loop3A_359, %parallel_loop3A_505 : i32
        %parallel_loop3A_507 = arith.constant 1 : i32
        %parallel_loop3A_508 = arith.constant 6 : i32
        %parallel_loop3A_509 = arith.index_cast %parallel_loop3A_343 : i32 to index
        %parallel_loop3A_510 = arith.index_cast %parallel_loop3A_507 : i32 to index
        %parallel_loop3A_511 = arith.index_cast %parallel_loop3A_508 : i32 to index
        %parallel_loop3A_512 = arith.index_cast %parallel_loop3A_506 : i32 to index
        %parallel_loop3A_513 = tpu.vector_load %arg10[%parallel_loop3A_509, %parallel_loop3A_510, %parallel_loop3A_511, %parallel_loop3A_512] {strides = array<i32>} : memref<8x2x8x128xf32, #tpu.memory_space<vmem>>, vector<16xf32>,
        tpu.vector_store %arg10[%parallel_loop3A_509, %parallel_loop3A_510, %parallel_loop3A_511, %parallel_loop3A_512], %parallel_loop3A_504 {strides = array<i32>} : memref<8x2x8x128xf32, #tpu.memory_space<vmem>>, vector<16xf32>,
        %parallel_loop3A_514 = tpu.vector_load_idx %arg8[%parallel_loop3A_363, %broadcast_in_dim3A_33] : memref<1024x16xf32, #tpu.memory_space<vmem>>[vector<16xi32>, vector<16xi32>], vector<16xf32>,
        %parallel_loop3A_515 = arith.constant 16 : i32
        %parallel_loop3A_516 = arith.muli %parallel_loop3A_359, %parallel_loop3A_515 : i32
        %parallel_loop3A_517 = arith.constant 1 : i32
        %parallel_loop3A_518 = arith.constant 7 : i32
        %parallel_loop3A_519 = arith.index_cast %parallel_loop3A_343 : i32 to index
        %parallel_loop3A_520 = arith.index_cast %parallel_loop3A_517 : i32 to index
        %parallel_loop3A_521 = arith.index_cast %parallel_loop3A_518 : i32 to index
        %parallel_loop3A_522 = arith.index_cast %parallel_loop3A_516 : i32 to index
        %parallel_loop3A_523 = tpu.vector_load %arg10[%parallel_loop3A_519, %parallel_loop3A_520, %parallel_loop3A_521, %parallel_loop3A_522] {strides = array<i32>} : memref<8x2x8x128xf32, #tpu.memory_space<vmem>>, vector<16xf32>,
        tpu.vector_store %arg10[%parallel_loop3A_519, %parallel_loop3A_520, %parallel_loop3A_521, %parallel_loop3A_522], %parallel_loop3A_514 {strides = array<i32>} : memref<8x2x8x128xf32, #tpu.memory_space<vmem>>, vector<16xf32>,
      } {sc.loop_unroll_factor = 2 : i64, sc.parallel_access}
      %add3A_266 = arith.addi %mul3A_2, %add3A_240 : i32
      %jit3A_267 = arith.constant 128 : i32
      %div3A_268 = arith.divsi %add3A_266, %jit3A_267 : i32
      %sign3A_269 = arith.constant 0 : i32
      %sign3A_270 = arith.cmpi sgt, %add3A_266, %sign3A_269 : i32
      %sign3A_271 = arith.extui %sign3A_270 : i1 to i32
      %sign3A_272 = arith.constant 0 : i32
      %sign3A_273 = arith.cmpi slt, %add3A_266, %sign3A_272 : i32
      %sign3A_274 = arith.extui %sign3A_273 : i1 to i32
      %sign3A_275 = arith.subi %sign3A_271, %sign3A_274 : i32
      %sign3A_276 = arith.constant 0 : i32
      %sign3A_277 = arith.cmpi sgt, %jit3A_267, %sign3A_276 : i32
      %sign3A_278 = arith.extui %sign3A_277 : i1 to i32
      %sign3A_279 = arith.constant 0 : i32
      %sign3A_280 = arith.cmpi slt, %jit3A_267, %sign3A_279 : i32
      %sign3A_281 = arith.extui %sign3A_280 : i1 to i32
      %sign3A_282 = arith.subi %sign3A_278, %sign3A_281 : i32
      %ne3A_283 = arith.cmpi ne, %sign3A_275, %sign3A_282 : i32
      %rem3A_284 = arith.remsi %add3A_266, %jit3A_267 : i32
      %ne3A_285 = arith.constant 0 : i32
      %ne3A_286 = arith.cmpi ne, %rem3A_284, %ne3A_285 : i32
      %and3A_287 = arith.andi %ne3A_283, %ne3A_286 : i1
      %sub3A_288 = arith.constant 1 : i32
      %sub3A_289 = arith.subi %div3A_268, %sub3A_288 : i32
      %select_n3A_290 = arith.select %and3A_287, %sub3A_289, %div3A_268 : i32
      %jit3A_291 = arith.constant 128 : i32
      %eq3A_292 = arith.constant 0 : i32
      %eq3A_293 = arith.cmpi eq, %jit3A_291, %eq3A_292 : i32
      %jit3A_294 = arith.constant 1 : i32
      %select_n3A_295 = arith.select %eq3A_293, %jit3A_294, %jit3A_291 : i32
      %rem3A_296 = arith.remsi %add3A_266, %select_n3A_295 : i32
      %ne3A_297 = arith.constant 0 : i32
      %ne3A_298 = arith.cmpi ne, %rem3A_296, %ne3A_297 : i32
      %lt3A_299 = arith.constant 0 : i32
      %lt3A_300 = arith.cmpi slt, %rem3A_296, %lt3A_299 : i32
      %lt3A_301 = arith.constant 0 : i32
      %lt3A_302 = arith.cmpi slt, %select_n3A_295, %lt3A_301 : i32
      %ne3A_303 = arith.xori %lt3A_300, %lt3A_302 : i1
      %and3A_304 = arith.andi %ne3A_303, %ne3A_298 : i1
      %add3A_305 = arith.addi %rem3A_296, %select_n3A_295 : i32
      %select_n3A_306 = arith.select %and3A_304, %add3A_305, %rem3A_296 : i32
      %mul3A_307 = arith.constant 8 : i32
      %mul3A_308 = arith.muli %select_n3A_290, %mul3A_307 : i32
      %dma_start3A_309 = arith.constant 0 : i32
      %dma_start3A_310 = arith.constant 0 : i32
      %dma_start3A_311 = arith.constant 0 : i32
      %dma_start3A_312 = tpu.memref_slice %arg4[%mul3A_308, %dma_start3A_309, %select_n3A_306, %dma_start3A_310, %dma_start3A_311] : memref<200x2x128x8x128xf32, #tpu.memory_space<hbm>> -> memref<8x2x1x8x128xf32, #tpu.memory_space<hbm>>
      %dma_start3A_313 = tpu.memref_squeeze %dma_start3A_312 : memref<8x2x1x8x128xf32, #tpu.memory_space<hbm>> -> memref<8x2x8x128xf32, #tpu.memory_space<hbm>>
      %dma_start3A_314 = arith.constant 0 : i32
      %dma_start3A_315 = arith.constant 0 : i32
      %dma_start3A_316 = arith.constant 0 : i32
      %dma_start3A_317 = tpu.memref_slice %arg4[%mul3A_308, %dma_start3A_314, %select_n3A_306, %dma_start3A_315, %dma_start3A_316] : memref<200x2x128x8x128xf32, #tpu.memory_space<hbm>> -> memref<8x2x1x8x128xf32, #tpu.memory_space<hbm>>
      %dma_start3A_318 = tpu.memref_squeeze %dma_start3A_317 : memref<8x2x1x8x128xf32, #tpu.memory_space<hbm>> -> memref<8x2x8x128xf32, #tpu.memory_space<hbm>>
      tpu.enqueue_dma source(%arg10 : memref<8x2x8x128xf32, #tpu.memory_space<vmem>>) target(%dma_start3A_318 : memref<8x2x8x128xf32, #tpu.memory_space<hbm>>) target_semaphore(%arg16 : memref<!tpu.dma_semaphore, #tpu.memory_space<semaphore_mem>>)
    }
    %scan3A_131 = arith.constant 50 : i32
    %dma_wait3A_132 = arith.constant 0 : i32
    %dma_wait3A_133 = arith.constant 0 : i32
    %dma_wait3A_134 = arith.constant 0 : i32
    %dma_wait3A_135 = arith.constant 0 : i32
    %dma_wait3A_136 = arith.constant 0 : i32
    %dma_wait3A_137 = tpu.memref_slice %arg4[%dma_wait3A_133, %dma_wait3A_134, %dma_wait3A_132, %dma_wait3A_135, %dma_wait3A_136] : memref<200x2x128x8x128xf32, #tpu.memory_space<hbm>> -> memref<8x2x1x8x128xf32, #tpu.memory_space<hbm>>
    %dma_wait3A_138 = tpu.memref_squeeze %dma_wait3A_137 : memref<8x2x1x8x128xf32, #tpu.memory_space<hbm>> -> memref<8x2x8x128xf32, #tpu.memory_space<hbm>>
    %dma_wait3A_139 = arith.constant 0 : i32
    %dma_wait3A_140 = arith.constant 0 : i32
    %dma_wait3A_141 = arith.constant 0 : i32
    %dma_wait3A_142 = arith.constant 0 : i32
    %dma_wait3A_143 = tpu.memref_slice %arg4[%dma_wait3A_139, %dma_wait3A_140, %dma_wait3A_132, %dma_wait3A_141, %dma_wait3A_142] : memref<200x2x128x8x128xf32, #tpu.memory_space<hbm>> -> memref<8x2x1x8x128xf32, #tpu.memory_space<hbm>>
    %dma_wait3A_144 = tpu.memref_squeeze %dma_wait3A_143 : memref<8x2x1x8x128xf32, #tpu.memory_space<hbm>> -> memref<8x2x8x128xf32, #tpu.memory_space<hbm>>
    tpu.wait_dma2 semaphore(%arg15 : memref<!tpu.dma_semaphore, #tpu.memory_space<semaphore_mem>>) src(%arg9 : memref<8x2x8x128xf32, #tpu.memory_space<vmem>>) dst(%dma_wait3A_144 : memref<8x2x8x128xf32, #tpu.memory_space<hbm>>)
    %dma_wait3A_145 = arith.constant 0 : i32
    %dma_wait3A_146 = arith.constant 0 : i32
    %dma_wait3A_147 = arith.constant 0 : i32
    %dma_wait3A_148 = arith.constant 0 : i32
    %dma_wait3A_149 = arith.constant 0 : i32
    %dma_wait3A_150 = tpu.memref_slice %arg4[%dma_wait3A_146, %dma_wait3A_147, %dma_wait3A_145, %dma_wait3A_148, %dma_wait3A_149] : memref<200x2x128x8x128xf32, #tpu.memory_space<hbm>> -> memref<8x2x1x8x128xf32, #tpu.memory_space<hbm>>
    %dma_wait3A_151 = tpu.memref_squeeze %dma_wait3A_150 : memref<8x2x1x8x128xf32, #tpu.memory_space<hbm>> -> memref<8x2x8x128xf32, #tpu.memory_space<hbm>>
    %dma_wait3A_152 = arith.constant 0 : i32
    %dma_wait3A_153 = arith.constant 0 : i32
    %dma_wait3A_154 = arith.constant 0 : i32
    %dma_wait3A_155 = arith.constant 0 : i32
    %dma_wait3A_156 = tpu.memref_slice %arg4[%dma_wait3A_152, %dma_wait3A_153, %dma_wait3A_145, %dma_wait3A_154, %dma_wait3A_155] : memref<200x2x128x8x128xf32, #tpu.memory_space<hbm>> -> memref<8x2x1x8x128xf32, #tpu.memory_space<hbm>>
    %dma_wait3A_157 = tpu.memref_squeeze %dma_wait3A_156 : memref<8x2x1x8x128xf32, #tpu.memory_space<hbm>> -> memref<8x2x8x128xf32, #tpu.memory_space<hbm>>
    tpu.wait_dma2 semaphore(%arg16 : memref<!tpu.dma_semaphore, #tpu.memory_space<semaphore_mem>>) src(%arg10 : memref<8x2x8x128xf32, #tpu.memory_space<vmem>>) dst(%dma_wait3A_157 : memref<8x2x8x128xf32, #tpu.memory_space<hbm>>)
    return
  }
}

#map = affine_map<(d0, d1) -> (0, 0, 0, 0)>
#map1 = affine_map<(d0, d1) -> (0, 0)>
module attributes {stable_mosaic.version = 14 : i64} {
  func.func @_wt_kernel(%arg0: i32, %arg1: i32, %arg2: memref<2x7816x8x128xf32, #tpu.memory_space<hbm>>, %arg3: memref<1000448x16xf32, #tpu.memory_space<hbm>>, %arg4: memref<4x16x136xf32, #tpu.memory_space<vmem>>, %arg5: memref<4x16x136xf32, #tpu.memory_space<vmem>>, %arg6: memref<512x16xf32, #tpu.memory_space<vmem>>, %arg7: memref<512x16xf32, #tpu.memory_space<vmem>>, %arg8: memref<!tpu.dma_semaphore, #tpu.memory_space<semaphore_mem>>, %arg9: memref<!tpu.dma_semaphore, #tpu.memory_space<semaphore_mem>>, %arg10: memref<!tpu.dma_semaphore, #tpu.memory_space<semaphore_mem>>, %arg11: memref<!tpu.dma_semaphore, #tpu.memory_space<semaphore_mem>>) attributes {dimension_semantics = [#tpu.dimension_semantics<core_parallel>, #tpu.dimension_semantics<subcore_parallel>], iteration_bounds = array<i64: 2, 16>, scalar_prefetch = 0 : i64, scratch_operands = 8 : i64, tpu.core_type = #tpu.core_type<sc_vector_subcore>, window_params = [{transform_indices = #map}, {transform_indices = #map1}]} {
    %mul3A = arith.constant 2 : i32
    %mul3A_0 = arith.muli %arg1, %mul3A : i32
    %add3A = arith.addi %mul3A_0, %arg0 : i32
    %mul3A_1 = arith.constant 62 : i32
    %mul3A_2 = arith.muli %add3A, %mul3A_1 : i32
    %sub3A = arith.constant 1954 : i32
    %sub3A_3 = arith.subi %sub3A, %mul3A_2 : i32
    %jit3A = arith.constant 0 : i32
    %jit3A_4 = arith.constant 62 : i32
    %max3A = arith.maxsi %jit3A, %sub3A_3 : i32
    %min3A = arith.minsi %jit3A_4, %max3A : i32
    %iota3A = tpu.iota {dimensions = array<i32: 0>} : vector<16xi32>
    %broadcast_in_dim3A = arith.constant 0 : i32
    %broadcast_in_dim3A_5 = vector.broadcast %broadcast_in_dim3A : i32 to vector<16xi32>
    %gt3A = arith.constant 0 : i32
    %gt3A_6 = arith.cmpi sgt, %min3A, %gt3A : i32
    %convert_element_type3A = arith.extui %gt3A_6 : i1 to i32
    %cond3A = arith.constant 0 : i32
    %cond3A_7 = arith.cmpi ne, %convert_element_type3A, %cond3A : i32
    scf.if %cond3A_7 {
      %add3A_28 = arith.constant 0 : i32
      %add3A_29 = arith.addi %mul3A_2, %add3A_28 : i32
      %mul3A_30 = arith.constant 4 : i32
      %mul3A_31 = arith.muli %add3A_29, %mul3A_30 : i32
      %dma_start3A = arith.constant 0 : i32
      %dma_start3A_32 = arith.constant 0 : i32
      %dma_start3A_33 = arith.constant 0 : i32
      %dma_start3A_34 = arith.constant 0 : i32
      %dma_start3A_35 = tpu.memref_slice %arg4[%dma_start3A_32, %dma_start3A_33, %dma_start3A_34] : memref<4x16x136xf32, #tpu.memory_space<vmem>> -> memref<4x8x128xf32, #tpu.memory_space<vmem>>
      %dma_start3A_36 = arith.constant 0 : i32
      %dma_start3A_37 = arith.constant 0 : i32
      %dma_start3A_38 = tpu.memref_slice %arg2[%dma_start3A, %mul3A_31, %dma_start3A_36, %dma_start3A_37] : memref<2x7816x8x128xf32, #tpu.memory_space<hbm>> -> memref<1x4x8x128xf32, #tpu.memory_space<hbm>>
      %dma_start3A_39 = tpu.memref_squeeze %dma_start3A_38 : memref<1x4x8x128xf32, #tpu.memory_space<hbm>> -> memref<4x8x128xf32, #tpu.memory_space<hbm>>
      %dma_start3A_40 = arith.constant 0 : i32
      %dma_start3A_41 = arith.constant 0 : i32
      %dma_start3A_42 = arith.constant 0 : i32
      %dma_start3A_43 = tpu.memref_slice %arg4[%dma_start3A_40, %dma_start3A_41, %dma_start3A_42] : memref<4x16x136xf32, #tpu.memory_space<vmem>> -> memref<4x8x128xf32, #tpu.memory_space<vmem>>
      %dma_start3A_44 = arith.constant 0 : i32
      %dma_start3A_45 = arith.constant 0 : i32
      %dma_start3A_46 = tpu.memref_slice %arg2[%dma_start3A, %mul3A_31, %dma_start3A_44, %dma_start3A_45] : memref<2x7816x8x128xf32, #tpu.memory_space<hbm>> -> memref<1x4x8x128xf32, #tpu.memory_space<hbm>>
      %dma_start3A_47 = tpu.memref_squeeze %dma_start3A_46 : memref<1x4x8x128xf32, #tpu.memory_space<hbm>> -> memref<4x8x128xf32, #tpu.memory_space<hbm>>
      tpu.enqueue_dma source(%dma_start3A_47 : memref<4x8x128xf32, #tpu.memory_space<hbm>>) target(%dma_start3A_43 : memref<4x8x128xf32, #tpu.memory_space<vmem>>) target_semaphore(%arg8 : memref<!tpu.dma_semaphore, #tpu.memory_space<semaphore_mem>>)
      %dma_start3A_48 = arith.constant 1 : i32
      %dma_start3A_49 = arith.constant 0 : i32
      %dma_start3A_50 = arith.constant 8 : i32
      %dma_start3A_51 = arith.constant 0 : i32
      %dma_start3A_52 = tpu.memref_slice %arg4[%dma_start3A_49, %dma_start3A_50, %dma_start3A_51] : memref<4x16x136xf32, #tpu.memory_space<vmem>> -> memref<4x8x128xf32, #tpu.memory_space<vmem>>
      %dma_start3A_53 = arith.constant 0 : i32
      %dma_start3A_54 = arith.constant 0 : i32
      %dma_start3A_55 = tpu.memref_slice %arg2[%dma_start3A_48, %mul3A_31, %dma_start3A_53, %dma_start3A_54] : memref<2x7816x8x128xf32, #tpu.memory_space<hbm>> -> memref<1x4x8x128xf32, #tpu.memory_space<hbm>>
      %dma_start3A_56 = tpu.memref_squeeze %dma_start3A_55 : memref<1x4x8x128xf32, #tpu.memory_space<hbm>> -> memref<4x8x128xf32, #tpu.memory_space<hbm>>
      %dma_start3A_57 = arith.constant 0 : i32
      %dma_start3A_58 = arith.constant 8 : i32
      %dma_start3A_59 = arith.constant 0 : i32
      %dma_start3A_60 = tpu.memref_slice %arg4[%dma_start3A_57, %dma_start3A_58, %dma_start3A_59] : memref<4x16x136xf32, #tpu.memory_space<vmem>> -> memref<4x8x128xf32, #tpu.memory_space<vmem>>
      %dma_start3A_61 = arith.constant 0 : i32
      %dma_start3A_62 = arith.constant 0 : i32
      %dma_start3A_63 = tpu.memref_slice %arg2[%dma_start3A_48, %mul3A_31, %dma_start3A_61, %dma_start3A_62] : memref<2x7816x8x128xf32, #tpu.memory_space<hbm>> -> memref<1x4x8x128xf32, #tpu.memory_space<hbm>>
      %dma_start3A_64 = tpu.memref_squeeze %dma_start3A_63 : memref<1x4x8x128xf32, #tpu.memory_space<hbm>> -> memref<4x8x128xf32, #tpu.memory_space<hbm>>
      tpu.enqueue_dma source(%dma_start3A_64 : memref<4x8x128xf32, #tpu.memory_space<hbm>>) target(%dma_start3A_60 : memref<4x8x128xf32, #tpu.memory_space<vmem>>) target_semaphore(%arg8 : memref<!tpu.dma_semaphore, #tpu.memory_space<semaphore_mem>>)
    } else {
    }
    %gt3A_8 = arith.constant 1 : i32
    %gt3A_9 = arith.cmpi sgt, %min3A, %gt3A_8 : i32
    %convert_element_type3A_10 = arith.extui %gt3A_9 : i1 to i32
    %cond3A_11 = arith.constant 0 : i32
    %cond3A_12 = arith.cmpi ne, %convert_element_type3A_10, %cond3A_11 : i32
    scf.if %cond3A_12 {
      %add3A_28 = arith.constant 1 : i32
      %add3A_29 = arith.addi %mul3A_2, %add3A_28 : i32
      %mul3A_30 = arith.constant 4 : i32
      %mul3A_31 = arith.muli %add3A_29, %mul3A_30 : i32
      %dma_start3A = arith.constant 0 : i32
      %dma_start3A_32 = arith.constant 0 : i32
      %dma_start3A_33 = arith.constant 0 : i32
      %dma_start3A_34 = arith.constant 0 : i32
      %dma_start3A_35 = tpu.memref_slice %arg5[%dma_start3A_32, %dma_start3A_33, %dma_start3A_34] : memref<4x16x136xf32, #tpu.memory_space<vmem>> -> memref<4x8x128xf32, #tpu.memory_space<vmem>>
      %dma_start3A_36 = arith.constant 0 : i32
      %dma_start3A_37 = arith.constant 0 : i32
      %dma_start3A_38 = tpu.memref_slice %arg2[%dma_start3A, %mul3A_31, %dma_start3A_36, %dma_start3A_37] : memref<2x7816x8x128xf32, #tpu.memory_space<hbm>> -> memref<1x4x8x128xf32, #tpu.memory_space<hbm>>
      %dma_start3A_39 = tpu.memref_squeeze %dma_start3A_38 : memref<1x4x8x128xf32, #tpu.memory_space<hbm>> -> memref<4x8x128xf32, #tpu.memory_space<hbm>>
      %dma_start3A_40 = arith.constant 0 : i32
      %dma_start3A_41 = arith.constant 0 : i32
      %dma_start3A_42 = arith.constant 0 : i32
      %dma_start3A_43 = tpu.memref_slice %arg5[%dma_start3A_40, %dma_start3A_41, %dma_start3A_42] : memref<4x16x136xf32, #tpu.memory_space<vmem>> -> memref<4x8x128xf32, #tpu.memory_space<vmem>>
      %dma_start3A_44 = arith.constant 0 : i32
      %dma_start3A_45 = arith.constant 0 : i32
      %dma_start3A_46 = tpu.memref_slice %arg2[%dma_start3A, %mul3A_31, %dma_start3A_44, %dma_start3A_45] : memref<2x7816x8x128xf32, #tpu.memory_space<hbm>> -> memref<1x4x8x128xf32, #tpu.memory_space<hbm>>
      %dma_start3A_47 = tpu.memref_squeeze %dma_start3A_46 : memref<1x4x8x128xf32, #tpu.memory_space<hbm>> -> memref<4x8x128xf32, #tpu.memory_space<hbm>>
      tpu.enqueue_dma source(%dma_start3A_47 : memref<4x8x128xf32, #tpu.memory_space<hbm>>) target(%dma_start3A_43 : memref<4x8x128xf32, #tpu.memory_space<vmem>>) target_semaphore(%arg9 : memref<!tpu.dma_semaphore, #tpu.memory_space<semaphore_mem>>)
      %dma_start3A_48 = arith.constant 1 : i32
      %dma_start3A_49 = arith.constant 0 : i32
      %dma_start3A_50 = arith.constant 8 : i32
      %dma_start3A_51 = arith.constant 0 : i32
      %dma_start3A_52 = tpu.memref_slice %arg5[%dma_start3A_49, %dma_start3A_50, %dma_start3A_51] : memref<4x16x136xf32, #tpu.memory_space<vmem>> -> memref<4x8x128xf32, #tpu.memory_space<vmem>>
      %dma_start3A_53 = arith.constant 0 : i32
      %dma_start3A_54 = arith.constant 0 : i32
      %dma_start3A_55 = tpu.memref_slice %arg2[%dma_start3A_48, %mul3A_31, %dma_start3A_53, %dma_start3A_54] : memref<2x7816x8x128xf32, #tpu.memory_space<hbm>> -> memref<1x4x8x128xf32, #tpu.memory_space<hbm>>
      %dma_start3A_56 = tpu.memref_squeeze %dma_start3A_55 : memref<1x4x8x128xf32, #tpu.memory_space<hbm>> -> memref<4x8x128xf32, #tpu.memory_space<hbm>>
      %dma_start3A_57 = arith.constant 0 : i32
      %dma_start3A_58 = arith.constant 8 : i32
      %dma_start3A_59 = arith.constant 0 : i32
      %dma_start3A_60 = tpu.memref_slice %arg5[%dma_start3A_57, %dma_start3A_58, %dma_start3A_59] : memref<4x16x136xf32, #tpu.memory_space<vmem>> -> memref<4x8x128xf32, #tpu.memory_space<vmem>>
      %dma_start3A_61 = arith.constant 0 : i32
      %dma_start3A_62 = arith.constant 0 : i32
      %dma_start3A_63 = tpu.memref_slice %arg2[%dma_start3A_48, %mul3A_31, %dma_start3A_61, %dma_start3A_62] : memref<2x7816x8x128xf32, #tpu.memory_space<hbm>> -> memref<1x4x8x128xf32, #tpu.memory_space<hbm>>
      %dma_start3A_64 = tpu.memref_squeeze %dma_start3A_63 : memref<1x4x8x128xf32, #tpu.memory_space<hbm>> -> memref<4x8x128xf32, #tpu.memory_space<hbm>>
      tpu.enqueue_dma source(%dma_start3A_64 : memref<4x8x128xf32, #tpu.memory_space<hbm>>) target(%dma_start3A_60 : memref<4x8x128xf32, #tpu.memory_space<vmem>>) target_semaphore(%arg9 : memref<!tpu.dma_semaphore, #tpu.memory_space<semaphore_mem>>)
    } else {
    }
    %scan3A = arith.constant 0 : i32
    %scan3A_13 = arith.constant 0 : i32
    %scan3A_14 = arith.constant 31 : i32
    %scan3A_15 = arith.addi %scan3A_13, %scan3A_14 : i32
    %scan3A_16 = arith.constant 1 : i32
    scf.for %scan3A_28 = %scan3A_13 to %scan3A_15 step %scan3A_16  : i32 {
      %mul3A_29 = arith.constant 2 : i32
      %mul3A_30 = arith.muli %scan3A_28, %mul3A_29 : i32
      %add3A_31 = arith.constant 0 : i32
      %add3A_32 = arith.addi %mul3A_30, %add3A_31 : i32
      %lt3A = arith.cmpi slt, %add3A_32, %min3A : i32
      %convert_element_type3A_33 = arith.extui %lt3A : i1 to i32
      %cond3A_34 = arith.constant 0 : i32
      %cond3A_35 = arith.cmpi ne, %convert_element_type3A_33, %cond3A_34 : i32
      scf.if %cond3A_35 {
        %dma_wait3A = arith.constant 0 : i32
        %dma_wait3A_44 = arith.constant 0 : i32
        %dma_wait3A_45 = arith.constant 0 : i32
        %dma_wait3A_46 = arith.constant 0 : i32
        %dma_wait3A_47 = tpu.memref_slice %arg4[%dma_wait3A_44, %dma_wait3A_45, %dma_wait3A_46] : memref<4x16x136xf32, #tpu.memory_space<vmem>> -> memref<4x8x128xf32, #tpu.memory_space<vmem>>
        %dma_wait3A_48 = arith.constant 0 : i32
        %dma_wait3A_49 = arith.constant 0 : i32
        %dma_wait3A_50 = arith.constant 0 : i32
        %dma_wait3A_51 = tpu.memref_slice %arg2[%dma_wait3A, %dma_wait3A_48, %dma_wait3A_49, %dma_wait3A_50] : memref<2x7816x8x128xf32, #tpu.memory_space<hbm>> -> memref<1x4x8x128xf32, #tpu.memory_space<hbm>>
        %dma_wait3A_52 = tpu.memref_squeeze %dma_wait3A_51 : memref<1x4x8x128xf32, #tpu.memory_space<hbm>> -> memref<4x8x128xf32, #tpu.memory_space<hbm>>
        %dma_wait3A_53 = arith.constant 0 : i32
        %dma_wait3A_54 = arith.constant 0 : i32
        %dma_wait3A_55 = arith.constant 0 : i32
        %dma_wait3A_56 = tpu.memref_slice %arg4[%dma_wait3A_53, %dma_wait3A_54, %dma_wait3A_55] : memref<4x16x136xf32, #tpu.memory_space<vmem>> -> memref<4x8x128xf32, #tpu.memory_space<vmem>>
        %dma_wait3A_57 = arith.constant 0 : i32
        %dma_wait3A_58 = arith.constant 0 : i32
        %dma_wait3A_59 = arith.constant 0 : i32
        %dma_wait3A_60 = tpu.memref_slice %arg2[%dma_wait3A, %dma_wait3A_57, %dma_wait3A_58, %dma_wait3A_59] : memref<2x7816x8x128xf32, #tpu.memory_space<hbm>> -> memref<1x4x8x128xf32, #tpu.memory_space<hbm>>
        %dma_wait3A_61 = tpu.memref_squeeze %dma_wait3A_60 : memref<1x4x8x128xf32, #tpu.memory_space<hbm>> -> memref<4x8x128xf32, #tpu.memory_space<hbm>>
        tpu.wait_dma2 semaphore(%arg8 : memref<!tpu.dma_semaphore, #tpu.memory_space<semaphore_mem>>) src(%dma_wait3A_61 : memref<4x8x128xf32, #tpu.memory_space<hbm>>) dst(%dma_wait3A_56 : memref<4x8x128xf32, #tpu.memory_space<vmem>>)
        %dma_wait3A_62 = arith.constant 1 : i32
        %dma_wait3A_63 = arith.constant 0 : i32
        %dma_wait3A_64 = arith.constant 8 : i32
        %dma_wait3A_65 = arith.constant 0 : i32
        %dma_wait3A_66 = tpu.memref_slice %arg4[%dma_wait3A_63, %dma_wait3A_64, %dma_wait3A_65] : memref<4x16x136xf32, #tpu.memory_space<vmem>> -> memref<4x8x128xf32, #tpu.memory_space<vmem>>
        %dma_wait3A_67 = arith.constant 0 : i32
        %dma_wait3A_68 = arith.constant 0 : i32
        %dma_wait3A_69 = arith.constant 0 : i32
        %dma_wait3A_70 = tpu.memref_slice %arg2[%dma_wait3A_62, %dma_wait3A_67, %dma_wait3A_68, %dma_wait3A_69] : memref<2x7816x8x128xf32, #tpu.memory_space<hbm>> -> memref<1x4x8x128xf32, #tpu.memory_space<hbm>>
        %dma_wait3A_71 = tpu.memref_squeeze %dma_wait3A_70 : memref<1x4x8x128xf32, #tpu.memory_space<hbm>> -> memref<4x8x128xf32, #tpu.memory_space<hbm>>
        %dma_wait3A_72 = arith.constant 0 : i32
        %dma_wait3A_73 = arith.constant 8 : i32
        %dma_wait3A_74 = arith.constant 0 : i32
        %dma_wait3A_75 = tpu.memref_slice %arg4[%dma_wait3A_72, %dma_wait3A_73, %dma_wait3A_74] : memref<4x16x136xf32, #tpu.memory_space<vmem>> -> memref<4x8x128xf32, #tpu.memory_space<vmem>>
        %dma_wait3A_76 = arith.constant 0 : i32
        %dma_wait3A_77 = arith.constant 0 : i32
        %dma_wait3A_78 = arith.constant 0 : i32
        %dma_wait3A_79 = tpu.memref_slice %arg2[%dma_wait3A_62, %dma_wait3A_76, %dma_wait3A_77, %dma_wait3A_78] : memref<2x7816x8x128xf32, #tpu.memory_space<hbm>> -> memref<1x4x8x128xf32, #tpu.memory_space<hbm>>
        %dma_wait3A_80 = tpu.memref_squeeze %dma_wait3A_79 : memref<1x4x8x128xf32, #tpu.memory_space<hbm>> -> memref<4x8x128xf32, #tpu.memory_space<hbm>>
        tpu.wait_dma2 semaphore(%arg8 : memref<!tpu.dma_semaphore, #tpu.memory_space<semaphore_mem>>) src(%dma_wait3A_80 : memref<4x8x128xf32, #tpu.memory_space<hbm>>) dst(%dma_wait3A_75 : memref<4x8x128xf32, #tpu.memory_space<vmem>>)
        %ge3A = arith.constant 2 : i32
        %ge3A_81 = arith.cmpi sge, %add3A_32, %ge3A : i32
        %convert_element_type3A_82 = arith.extui %ge3A_81 : i1 to i32
        %cond3A_83 = arith.constant 0 : i32
        %cond3A_84 = arith.cmpi ne, %convert_element_type3A_82, %cond3A_83 : i32
        scf.if %cond3A_84 {
          %dma_wait3A_112 = arith.constant 0 : i32
          %dma_wait3A_113 = arith.constant 0 : i32
          %dma_wait3A_114 = tpu.memref_slice %arg3[%dma_wait3A_112, %dma_wait3A_113] : memref<1000448x16xf32, #tpu.memory_space<hbm>> -> memref<512x16xf32, #tpu.memory_space<hbm>>
          %dma_wait3A_115 = arith.constant 0 : i32
          %dma_wait3A_116 = arith.constant 0 : i32
          %dma_wait3A_117 = tpu.memref_slice %arg3[%dma_wait3A_115, %dma_wait3A_116] : memref<1000448x16xf32, #tpu.memory_space<hbm>> -> memref<512x16xf32, #tpu.memory_space<hbm>>
          tpu.wait_dma2 semaphore(%arg10 : memref<!tpu.dma_semaphore, #tpu.memory_space<semaphore_mem>>) src(%arg6 : memref<512x16xf32, #tpu.memory_space<vmem>>) dst(%dma_wait3A_117 : memref<512x16xf32, #tpu.memory_space<hbm>>)
        } else {
        }
        %parallel_loop3A = arith.constant 0 : i32
        %parallel_loop3A_85 = arith.constant 128 : i32
        %parallel_loop3A_86 = arith.constant 1 : i32
        %parallel_loop3A_87 = arith.constant 0 : i32
        scf.for %parallel_loop3A_112 = %parallel_loop3A to %parallel_loop3A_85 step %parallel_loop3A_86  : i32 {
          %parallel_loop3A_113 = vector.broadcast %parallel_loop3A_112 : i32 to vector<16xi32>
          %parallel_loop3A_114 = arith.addi %broadcast_in_dim3A_5, %parallel_loop3A_113 : vector<16xi32>
          %parallel_loop3A_115 = arith.constant 0 : i32
          %parallel_loop3A_116 = arith.constant 0 : i32
          %parallel_loop3A_117 = tpu.memref_slice %arg4[%parallel_loop3A_87, %parallel_loop3A_115, %parallel_loop3A_116] : memref<4x16x136xf32, #tpu.memory_space<vmem>> -> memref<1x16x136xf32, #tpu.memory_space<vmem>>
          %parallel_loop3A_118 = tpu.memref_squeeze %parallel_loop3A_117 : memref<1x16x136xf32, #tpu.memory_space<vmem>> -> memref<16x136xf32, #tpu.memory_space<vmem>>
          %parallel_loop3A_119 = tpu.vector_load_idx %parallel_loop3A_118[%iota3A, %parallel_loop3A_114] : memref<16x136xf32, #tpu.memory_space<vmem>>[vector<16xi32>, vector<16xi32>], vector<16xf32>,
          %parallel_loop3A_120 = arith.constant 0 : i32
          %parallel_loop3A_121 = arith.addi %parallel_loop3A_120, %parallel_loop3A_112 : i32
          %parallel_loop3A_122 = arith.index_cast %parallel_loop3A_121 : i32 to index
          %parallel_loop3A_123 = arith.constant 0 : index
          %parallel_loop3A_124 = tpu.vector_load %arg6[%parallel_loop3A_122, %parallel_loop3A_123] {strides = array<i32>} : memref<512x16xf32, #tpu.memory_space<vmem>>, vector<16xf32>,
          tpu.vector_store %arg6[%parallel_loop3A_122, %parallel_loop3A_123], %parallel_loop3A_119 {strides = array<i32>} : memref<512x16xf32, #tpu.memory_space<vmem>>, vector<16xf32>,
        } {sc.loop_unroll_factor = 4 : i64, sc.parallel_access}
        %parallel_loop3A_88 = arith.constant 0 : i32
        %parallel_loop3A_89 = arith.constant 128 : i32
        %parallel_loop3A_90 = arith.constant 1 : i32
        %parallel_loop3A_91 = arith.constant 1 : i32
        scf.for %parallel_loop3A_112 = %parallel_loop3A_88 to %parallel_loop3A_89 step %parallel_loop3A_90  : i32 {
          %parallel_loop3A_113 = vector.broadcast %parallel_loop3A_112 : i32 to vector<16xi32>
          %parallel_loop3A_114 = arith.addi %broadcast_in_dim3A_5, %parallel_loop3A_113 : vector<16xi32>
          %parallel_loop3A_115 = arith.constant 0 : i32
          %parallel_loop3A_116 = arith.constant 0 : i32
          %parallel_loop3A_117 = tpu.memref_slice %arg4[%parallel_loop3A_91, %parallel_loop3A_115, %parallel_loop3A_116] : memref<4x16x136xf32, #tpu.memory_space<vmem>> -> memref<1x16x136xf32, #tpu.memory_space<vmem>>
          %parallel_loop3A_118 = tpu.memref_squeeze %parallel_loop3A_117 : memref<1x16x136xf32, #tpu.memory_space<vmem>> -> memref<16x136xf32, #tpu.memory_space<vmem>>
          %parallel_loop3A_119 = tpu.vector_load_idx %parallel_loop3A_118[%iota3A, %parallel_loop3A_114] : memref<16x136xf32, #tpu.memory_space<vmem>>[vector<16xi32>, vector<16xi32>], vector<16xf32>,
          %parallel_loop3A_120 = arith.constant 128 : i32
          %parallel_loop3A_121 = arith.addi %parallel_loop3A_120, %parallel_loop3A_112 : i32
          %parallel_loop3A_122 = arith.index_cast %parallel_loop3A_121 : i32 to index
          %parallel_loop3A_123 = arith.constant 0 : index
          %parallel_loop3A_124 = tpu.vector_load %arg6[%parallel_loop3A_122, %parallel_loop3A_123] {strides = array<i32>} : memref<512x16xf32, #tpu.memory_space<vmem>>, vector<16xf32>,
          tpu.vector_store %arg6[%parallel_loop3A_122, %parallel_loop3A_123], %parallel_loop3A_119 {strides = array<i32>} : memref<512x16xf32, #tpu.memory_space<vmem>>, vector<16xf32>,
        } {sc.loop_unroll_factor = 4 : i64, sc.parallel_access}
        %parallel_loop3A_92 = arith.constant 0 : i32
        %parallel_loop3A_93 = arith.constant 128 : i32
        %parallel_loop3A_94 = arith.constant 1 : i32
        %parallel_loop3A_95 = arith.constant 2 : i32
        scf.for %parallel_loop3A_112 = %parallel_loop3A_92 to %parallel_loop3A_93 step %parallel_loop3A_94  : i32 {
          %parallel_loop3A_113 = vector.broadcast %parallel_loop3A_112 : i32 to vector<16xi32>
          %parallel_loop3A_114 = arith.addi %broadcast_in_dim3A_5, %parallel_loop3A_113 : vector<16xi32>
          %parallel_loop3A_115 = arith.constant 0 : i32
          %parallel_loop3A_116 = arith.constant 0 : i32
          %parallel_loop3A_117 = tpu.memref_slice %arg4[%parallel_loop3A_95, %parallel_loop3A_115, %parallel_loop3A_116] : memref<4x16x136xf32, #tpu.memory_space<vmem>> -> memref<1x16x136xf32, #tpu.memory_space<vmem>>
          %parallel_loop3A_118 = tpu.memref_squeeze %parallel_loop3A_117 : memref<1x16x136xf32, #tpu.memory_space<vmem>> -> memref<16x136xf32, #tpu.memory_space<vmem>>
          %parallel_loop3A_119 = tpu.vector_load_idx %parallel_loop3A_118[%iota3A, %parallel_loop3A_114] : memref<16x136xf32, #tpu.memory_space<vmem>>[vector<16xi32>, vector<16xi32>], vector<16xf32>,
          %parallel_loop3A_120 = arith.constant 256 : i32
          %parallel_loop3A_121 = arith.addi %parallel_loop3A_120, %parallel_loop3A_112 : i32
          %parallel_loop3A_122 = arith.index_cast %parallel_loop3A_121 : i32 to index
          %parallel_loop3A_123 = arith.constant 0 : index
          %parallel_loop3A_124 = tpu.vector_load %arg6[%parallel_loop3A_122, %parallel_loop3A_123] {strides = array<i32>} : memref<512x16xf32, #tpu.memory_space<vmem>>, vector<16xf32>,
          tpu.vector_store %arg6[%parallel_loop3A_122, %parallel_loop3A_123], %parallel_loop3A_119 {strides = array<i32>} : memref<512x16xf32, #tpu.memory_space<vmem>>, vector<16xf32>,
        } {sc.loop_unroll_factor = 4 : i64, sc.parallel_access}
        %parallel_loop3A_96 = arith.constant 0 : i32
        %parallel_loop3A_97 = arith.constant 128 : i32
        %parallel_loop3A_98 = arith.constant 1 : i32
        %parallel_loop3A_99 = arith.constant 3 : i32
        scf.for %parallel_loop3A_112 = %parallel_loop3A_96 to %parallel_loop3A_97 step %parallel_loop3A_98  : i32 {
          %parallel_loop3A_113 = vector.broadcast %parallel_loop3A_112 : i32 to vector<16xi32>
          %parallel_loop3A_114 = arith.addi %broadcast_in_dim3A_5, %parallel_loop3A_113 : vector<16xi32>
          %parallel_loop3A_115 = arith.constant 0 : i32
          %parallel_loop3A_116 = arith.constant 0 : i32
          %parallel_loop3A_117 = tpu.memref_slice %arg4[%parallel_loop3A_99, %parallel_loop3A_115, %parallel_loop3A_116] : memref<4x16x136xf32, #tpu.memory_space<vmem>> -> memref<1x16x136xf32, #tpu.memory_space<vmem>>
          %parallel_loop3A_118 = tpu.memref_squeeze %parallel_loop3A_117 : memref<1x16x136xf32, #tpu.memory_space<vmem>> -> memref<16x136xf32, #tpu.memory_space<vmem>>
          %parallel_loop3A_119 = tpu.vector_load_idx %parallel_loop3A_118[%iota3A, %parallel_loop3A_114] : memref<16x136xf32, #tpu.memory_space<vmem>>[vector<16xi32>, vector<16xi32>], vector<16xf32>,
          %parallel_loop3A_120 = arith.constant 384 : i32
          %parallel_loop3A_121 = arith.addi %parallel_loop3A_120, %parallel_loop3A_112 : i32
          %parallel_loop3A_122 = arith.index_cast %parallel_loop3A_121 : i32 to index
          %parallel_loop3A_123 = arith.constant 0 : index
          %parallel_loop3A_124 = tpu.vector_load %arg6[%parallel_loop3A_122, %parallel_loop3A_123] {strides = array<i32>} : memref<512x16xf32, #tpu.memory_space<vmem>>, vector<16xf32>,
          tpu.vector_store %arg6[%parallel_loop3A_122, %parallel_loop3A_123], %parallel_loop3A_119 {strides = array<i32>} : memref<512x16xf32, #tpu.memory_space<vmem>>, vector<16xf32>,
        } {sc.loop_unroll_factor = 4 : i64, sc.parallel_access}
        %add3A_100 = arith.constant 2 : i32
        %add3A_101 = arith.addi %add3A_32, %add3A_100 : i32
        %lt3A_102 = arith.cmpi slt, %add3A_101, %min3A : i32
        %convert_element_type3A_103 = arith.extui %lt3A_102 : i1 to i32
        %cond3A_104 = arith.constant 0 : i32
        %cond3A_105 = arith.cmpi ne, %convert_element_type3A_103, %cond3A_104 : i32
        scf.if %cond3A_105 {
          %add3A_112 = arith.constant 2 : i32
          %add3A_113 = arith.addi %add3A_32, %add3A_112 : i32
          %add3A_114 = arith.addi %mul3A_2, %add3A_113 : i32
          %mul3A_115 = arith.constant 4 : i32
          %mul3A_116 = arith.muli %add3A_114, %mul3A_115 : i32
          %dma_start3A_117 = arith.constant 0 : i32
          %dma_start3A_118 = arith.constant 0 : i32
          %dma_start3A_119 = arith.constant 0 : i32
          %dma_start3A_120 = arith.constant 0 : i32
          %dma_start3A_121 = tpu.memref_slice %arg4[%dma_start3A_118, %dma_start3A_119, %dma_start3A_120] : memref<4x16x136xf32, #tpu.memory_space<vmem>> -> memref<4x8x128xf32, #tpu.memory_space<vmem>>
          %dma_start3A_122 = arith.constant 0 : i32
          %dma_start3A_123 = arith.constant 0 : i32
          %dma_start3A_124 = tpu.memref_slice %arg2[%dma_start3A_117, %mul3A_116, %dma_start3A_122, %dma_start3A_123] : memref<2x7816x8x128xf32, #tpu.memory_space<hbm>> -> memref<1x4x8x128xf32, #tpu.memory_space<hbm>>
          %dma_start3A_125 = tpu.memref_squeeze %dma_start3A_124 : memref<1x4x8x128xf32, #tpu.memory_space<hbm>> -> memref<4x8x128xf32, #tpu.memory_space<hbm>>
          %dma_start3A_126 = arith.constant 0 : i32
          %dma_start3A_127 = arith.constant 0 : i32
          %dma_start3A_128 = arith.constant 0 : i32
          %dma_start3A_129 = tpu.memref_slice %arg4[%dma_start3A_126, %dma_start3A_127, %dma_start3A_128] : memref<4x16x136xf32, #tpu.memory_space<vmem>> -> memref<4x8x128xf32, #tpu.memory_space<vmem>>
          %dma_start3A_130 = arith.constant 0 : i32
          %dma_start3A_131 = arith.constant 0 : i32
          %dma_start3A_132 = tpu.memref_slice %arg2[%dma_start3A_117, %mul3A_116, %dma_start3A_130, %dma_start3A_131] : memref<2x7816x8x128xf32, #tpu.memory_space<hbm>> -> memref<1x4x8x128xf32, #tpu.memory_space<hbm>>
          %dma_start3A_133 = tpu.memref_squeeze %dma_start3A_132 : memref<1x4x8x128xf32, #tpu.memory_space<hbm>> -> memref<4x8x128xf32, #tpu.memory_space<hbm>>
          tpu.enqueue_dma source(%dma_start3A_133 : memref<4x8x128xf32, #tpu.memory_space<hbm>>) target(%dma_start3A_129 : memref<4x8x128xf32, #tpu.memory_space<vmem>>) target_semaphore(%arg8 : memref<!tpu.dma_semaphore, #tpu.memory_space<semaphore_mem>>)
          %dma_start3A_134 = arith.constant 1 : i32
          %dma_start3A_135 = arith.constant 0 : i32
          %dma_start3A_136 = arith.constant 8 : i32
          %dma_start3A_137 = arith.constant 0 : i32
          %dma_start3A_138 = tpu.memref_slice %arg4[%dma_start3A_135, %dma_start3A_136, %dma_start3A_137] : memref<4x16x136xf32, #tpu.memory_space<vmem>> -> memref<4x8x128xf32, #tpu.memory_space<vmem>>
          %dma_start3A_139 = arith.constant 0 : i32
          %dma_start3A_140 = arith.constant 0 : i32
          %dma_start3A_141 = tpu.memref_slice %arg2[%dma_start3A_134, %mul3A_116, %dma_start3A_139, %dma_start3A_140] : memref<2x7816x8x128xf32, #tpu.memory_space<hbm>> -> memref<1x4x8x128xf32, #tpu.memory_space<hbm>>
          %dma_start3A_142 = tpu.memref_squeeze %dma_start3A_141 : memref<1x4x8x128xf32, #tpu.memory_space<hbm>> -> memref<4x8x128xf32, #tpu.memory_space<hbm>>
          %dma_start3A_143 = arith.constant 0 : i32
          %dma_start3A_144 = arith.constant 8 : i32
          %dma_start3A_145 = arith.constant 0 : i32
          %dma_start3A_146 = tpu.memref_slice %arg4[%dma_start3A_143, %dma_start3A_144, %dma_start3A_145] : memref<4x16x136xf32, #tpu.memory_space<vmem>> -> memref<4x8x128xf32, #tpu.memory_space<vmem>>
          %dma_start3A_147 = arith.constant 0 : i32
          %dma_start3A_148 = arith.constant 0 : i32
          %dma_start3A_149 = tpu.memref_slice %arg2[%dma_start3A_134, %mul3A_116, %dma_start3A_147, %dma_start3A_148] : memref<2x7816x8x128xf32, #tpu.memory_space<hbm>> -> memref<1x4x8x128xf32, #tpu.memory_space<hbm>>
          %dma_start3A_150 = tpu.memref_squeeze %dma_start3A_149 : memref<1x4x8x128xf32, #tpu.memory_space<hbm>> -> memref<4x8x128xf32, #tpu.memory_space<hbm>>
          tpu.enqueue_dma source(%dma_start3A_150 : memref<4x8x128xf32, #tpu.memory_space<hbm>>) target(%dma_start3A_146 : memref<4x8x128xf32, #tpu.memory_space<vmem>>) target_semaphore(%arg8 : memref<!tpu.dma_semaphore, #tpu.memory_space<semaphore_mem>>)
        } else {
        }
        %add3A_106 = arith.addi %mul3A_2, %add3A_32 : i32
        %mul3A_107 = arith.constant 512 : i32
        %mul3A_108 = arith.muli %add3A_106, %mul3A_107 : i32
        %dma_start3A = arith.constant 0 : i32
        %dma_start3A_109 = tpu.memref_slice %arg3[%mul3A_108, %dma_start3A] : memref<1000448x16xf32, #tpu.memory_space<hbm>> -> memref<512x16xf32, #tpu.memory_space<hbm>>
        %dma_start3A_110 = arith.constant 0 : i32
        %dma_start3A_111 = tpu.memref_slice %arg3[%mul3A_108, %dma_start3A_110] : memref<1000448x16xf32, #tpu.memory_space<hbm>> -> memref<512x16xf32, #tpu.memory_space<hbm>>
        tpu.enqueue_dma source(%arg6 : memref<512x16xf32, #tpu.memory_space<vmem>>) target(%dma_start3A_111 : memref<512x16xf32, #tpu.memory_space<hbm>>) target_semaphore(%arg10 : memref<!tpu.dma_semaphore, #tpu.memory_space<semaphore_mem>>)
      } else {
      }
      %mul3A_36 = arith.constant 2 : i32
      %mul3A_37 = arith.muli %scan3A_28, %mul3A_36 : i32
      %add3A_38 = arith.constant 1 : i32
      %add3A_39 = arith.addi %mul3A_37, %add3A_38 : i32
      %lt3A_40 = arith.cmpi slt, %add3A_39, %min3A : i32
      %convert_element_type3A_41 = arith.extui %lt3A_40 : i1 to i32
      %cond3A_42 = arith.constant 0 : i32
      %cond3A_43 = arith.cmpi ne, %convert_element_type3A_41, %cond3A_42 : i32
      scf.if %cond3A_43 {
        %dma_wait3A = arith.constant 0 : i32
        %dma_wait3A_44 = arith.constant 0 : i32
        %dma_wait3A_45 = arith.constant 0 : i32
        %dma_wait3A_46 = arith.constant 0 : i32
        %dma_wait3A_47 = tpu.memref_slice %arg5[%dma_wait3A_44, %dma_wait3A_45, %dma_wait3A_46] : memref<4x16x136xf32, #tpu.memory_space<vmem>> -> memref<4x8x128xf32, #tpu.memory_space<vmem>>
        %dma_wait3A_48 = arith.constant 0 : i32
        %dma_wait3A_49 = arith.constant 0 : i32
        %dma_wait3A_50 = arith.constant 0 : i32
        %dma_wait3A_51 = tpu.memref_slice %arg2[%dma_wait3A, %dma_wait3A_48, %dma_wait3A_49, %dma_wait3A_50] : memref<2x7816x8x128xf32, #tpu.memory_space<hbm>> -> memref<1x4x8x128xf32, #tpu.memory_space<hbm>>
        %dma_wait3A_52 = tpu.memref_squeeze %dma_wait3A_51 : memref<1x4x8x128xf32, #tpu.memory_space<hbm>> -> memref<4x8x128xf32, #tpu.memory_space<hbm>>
        %dma_wait3A_53 = arith.constant 0 : i32
        %dma_wait3A_54 = arith.constant 0 : i32
        %dma_wait3A_55 = arith.constant 0 : i32
        %dma_wait3A_56 = tpu.memref_slice %arg5[%dma_wait3A_53, %dma_wait3A_54, %dma_wait3A_55] : memref<4x16x136xf32, #tpu.memory_space<vmem>> -> memref<4x8x128xf32, #tpu.memory_space<vmem>>
        %dma_wait3A_57 = arith.constant 0 : i32
        %dma_wait3A_58 = arith.constant 0 : i32
        %dma_wait3A_59 = arith.constant 0 : i32
        %dma_wait3A_60 = tpu.memref_slice %arg2[%dma_wait3A, %dma_wait3A_57, %dma_wait3A_58, %dma_wait3A_59] : memref<2x7816x8x128xf32, #tpu.memory_space<hbm>> -> memref<1x4x8x128xf32, #tpu.memory_space<hbm>>
        %dma_wait3A_61 = tpu.memref_squeeze %dma_wait3A_60 : memref<1x4x8x128xf32, #tpu.memory_space<hbm>> -> memref<4x8x128xf32, #tpu.memory_space<hbm>>
        tpu.wait_dma2 semaphore(%arg9 : memref<!tpu.dma_semaphore, #tpu.memory_space<semaphore_mem>>) src(%dma_wait3A_61 : memref<4x8x128xf32, #tpu.memory_space<hbm>>) dst(%dma_wait3A_56 : memref<4x8x128xf32, #tpu.memory_space<vmem>>)
        %dma_wait3A_62 = arith.constant 1 : i32
        %dma_wait3A_63 = arith.constant 0 : i32
        %dma_wait3A_64 = arith.constant 8 : i32
        %dma_wait3A_65 = arith.constant 0 : i32
        %dma_wait3A_66 = tpu.memref_slice %arg5[%dma_wait3A_63, %dma_wait3A_64, %dma_wait3A_65] : memref<4x16x136xf32, #tpu.memory_space<vmem>> -> memref<4x8x128xf32, #tpu.memory_space<vmem>>
        %dma_wait3A_67 = arith.constant 0 : i32
        %dma_wait3A_68 = arith.constant 0 : i32
        %dma_wait3A_69 = arith.constant 0 : i32
        %dma_wait3A_70 = tpu.memref_slice %arg2[%dma_wait3A_62, %dma_wait3A_67, %dma_wait3A_68, %dma_wait3A_69] : memref<2x7816x8x128xf32, #tpu.memory_space<hbm>> -> memref<1x4x8x128xf32, #tpu.memory_space<hbm>>
        %dma_wait3A_71 = tpu.memref_squeeze %dma_wait3A_70 : memref<1x4x8x128xf32, #tpu.memory_space<hbm>> -> memref<4x8x128xf32, #tpu.memory_space<hbm>>
        %dma_wait3A_72 = arith.constant 0 : i32
        %dma_wait3A_73 = arith.constant 8 : i32
        %dma_wait3A_74 = arith.constant 0 : i32
        %dma_wait3A_75 = tpu.memref_slice %arg5[%dma_wait3A_72, %dma_wait3A_73, %dma_wait3A_74] : memref<4x16x136xf32, #tpu.memory_space<vmem>> -> memref<4x8x128xf32, #tpu.memory_space<vmem>>
        %dma_wait3A_76 = arith.constant 0 : i32
        %dma_wait3A_77 = arith.constant 0 : i32
        %dma_wait3A_78 = arith.constant 0 : i32
        %dma_wait3A_79 = tpu.memref_slice %arg2[%dma_wait3A_62, %dma_wait3A_76, %dma_wait3A_77, %dma_wait3A_78] : memref<2x7816x8x128xf32, #tpu.memory_space<hbm>> -> memref<1x4x8x128xf32, #tpu.memory_space<hbm>>
        %dma_wait3A_80 = tpu.memref_squeeze %dma_wait3A_79 : memref<1x4x8x128xf32, #tpu.memory_space<hbm>> -> memref<4x8x128xf32, #tpu.memory_space<hbm>>
        tpu.wait_dma2 semaphore(%arg9 : memref<!tpu.dma_semaphore, #tpu.memory_space<semaphore_mem>>) src(%dma_wait3A_80 : memref<4x8x128xf32, #tpu.memory_space<hbm>>) dst(%dma_wait3A_75 : memref<4x8x128xf32, #tpu.memory_space<vmem>>)
        %ge3A = arith.constant 2 : i32
        %ge3A_81 = arith.cmpi sge, %add3A_39, %ge3A : i32
        %convert_element_type3A_82 = arith.extui %ge3A_81 : i1 to i32
        %cond3A_83 = arith.constant 0 : i32
        %cond3A_84 = arith.cmpi ne, %convert_element_type3A_82, %cond3A_83 : i32
        scf.if %cond3A_84 {
          %dma_wait3A_112 = arith.constant 0 : i32
          %dma_wait3A_113 = arith.constant 0 : i32
          %dma_wait3A_114 = tpu.memref_slice %arg3[%dma_wait3A_112, %dma_wait3A_113] : memref<1000448x16xf32, #tpu.memory_space<hbm>> -> memref<512x16xf32, #tpu.memory_space<hbm>>
          %dma_wait3A_115 = arith.constant 0 : i32
          %dma_wait3A_116 = arith.constant 0 : i32
          %dma_wait3A_117 = tpu.memref_slice %arg3[%dma_wait3A_115, %dma_wait3A_116] : memref<1000448x16xf32, #tpu.memory_space<hbm>> -> memref<512x16xf32, #tpu.memory_space<hbm>>
          tpu.wait_dma2 semaphore(%arg11 : memref<!tpu.dma_semaphore, #tpu.memory_space<semaphore_mem>>) src(%arg7 : memref<512x16xf32, #tpu.memory_space<vmem>>) dst(%dma_wait3A_117 : memref<512x16xf32, #tpu.memory_space<hbm>>)
        } else {
        }
        %parallel_loop3A = arith.constant 0 : i32
        %parallel_loop3A_85 = arith.constant 128 : i32
        %parallel_loop3A_86 = arith.constant 1 : i32
        %parallel_loop3A_87 = arith.constant 0 : i32
        scf.for %parallel_loop3A_112 = %parallel_loop3A to %parallel_loop3A_85 step %parallel_loop3A_86  : i32 {
          %parallel_loop3A_113 = vector.broadcast %parallel_loop3A_112 : i32 to vector<16xi32>
          %parallel_loop3A_114 = arith.addi %broadcast_in_dim3A_5, %parallel_loop3A_113 : vector<16xi32>
          %parallel_loop3A_115 = arith.constant 0 : i32
          %parallel_loop3A_116 = arith.constant 0 : i32
          %parallel_loop3A_117 = tpu.memref_slice %arg5[%parallel_loop3A_87, %parallel_loop3A_115, %parallel_loop3A_116] : memref<4x16x136xf32, #tpu.memory_space<vmem>> -> memref<1x16x136xf32, #tpu.memory_space<vmem>>
          %parallel_loop3A_118 = tpu.memref_squeeze %parallel_loop3A_117 : memref<1x16x136xf32, #tpu.memory_space<vmem>> -> memref<16x136xf32, #tpu.memory_space<vmem>>
          %parallel_loop3A_119 = tpu.vector_load_idx %parallel_loop3A_118[%iota3A, %parallel_loop3A_114] : memref<16x136xf32, #tpu.memory_space<vmem>>[vector<16xi32>, vector<16xi32>], vector<16xf32>,
          %parallel_loop3A_120 = arith.constant 0 : i32
          %parallel_loop3A_121 = arith.addi %parallel_loop3A_120, %parallel_loop3A_112 : i32
          %parallel_loop3A_122 = arith.index_cast %parallel_loop3A_121 : i32 to index
          %parallel_loop3A_123 = arith.constant 0 : index
          %parallel_loop3A_124 = tpu.vector_load %arg7[%parallel_loop3A_122, %parallel_loop3A_123] {strides = array<i32>} : memref<512x16xf32, #tpu.memory_space<vmem>>, vector<16xf32>,
          tpu.vector_store %arg7[%parallel_loop3A_122, %parallel_loop3A_123], %parallel_loop3A_119 {strides = array<i32>} : memref<512x16xf32, #tpu.memory_space<vmem>>, vector<16xf32>,
        } {sc.loop_unroll_factor = 4 : i64, sc.parallel_access}
        %parallel_loop3A_88 = arith.constant 0 : i32
        %parallel_loop3A_89 = arith.constant 128 : i32
        %parallel_loop3A_90 = arith.constant 1 : i32
        %parallel_loop3A_91 = arith.constant 1 : i32
        scf.for %parallel_loop3A_112 = %parallel_loop3A_88 to %parallel_loop3A_89 step %parallel_loop3A_90  : i32 {
          %parallel_loop3A_113 = vector.broadcast %parallel_loop3A_112 : i32 to vector<16xi32>
          %parallel_loop3A_114 = arith.addi %broadcast_in_dim3A_5, %parallel_loop3A_113 : vector<16xi32>
          %parallel_loop3A_115 = arith.constant 0 : i32
          %parallel_loop3A_116 = arith.constant 0 : i32
          %parallel_loop3A_117 = tpu.memref_slice %arg5[%parallel_loop3A_91, %parallel_loop3A_115, %parallel_loop3A_116] : memref<4x16x136xf32, #tpu.memory_space<vmem>> -> memref<1x16x136xf32, #tpu.memory_space<vmem>>
          %parallel_loop3A_118 = tpu.memref_squeeze %parallel_loop3A_117 : memref<1x16x136xf32, #tpu.memory_space<vmem>> -> memref<16x136xf32, #tpu.memory_space<vmem>>
          %parallel_loop3A_119 = tpu.vector_load_idx %parallel_loop3A_118[%iota3A, %parallel_loop3A_114] : memref<16x136xf32, #tpu.memory_space<vmem>>[vector<16xi32>, vector<16xi32>], vector<16xf32>,
          %parallel_loop3A_120 = arith.constant 128 : i32
          %parallel_loop3A_121 = arith.addi %parallel_loop3A_120, %parallel_loop3A_112 : i32
          %parallel_loop3A_122 = arith.index_cast %parallel_loop3A_121 : i32 to index
          %parallel_loop3A_123 = arith.constant 0 : index
          %parallel_loop3A_124 = tpu.vector_load %arg7[%parallel_loop3A_122, %parallel_loop3A_123] {strides = array<i32>} : memref<512x16xf32, #tpu.memory_space<vmem>>, vector<16xf32>,
          tpu.vector_store %arg7[%parallel_loop3A_122, %parallel_loop3A_123], %parallel_loop3A_119 {strides = array<i32>} : memref<512x16xf32, #tpu.memory_space<vmem>>, vector<16xf32>,
        } {sc.loop_unroll_factor = 4 : i64, sc.parallel_access}
        %parallel_loop3A_92 = arith.constant 0 : i32
        %parallel_loop3A_93 = arith.constant 128 : i32
        %parallel_loop3A_94 = arith.constant 1 : i32
        %parallel_loop3A_95 = arith.constant 2 : i32
        scf.for %parallel_loop3A_112 = %parallel_loop3A_92 to %parallel_loop3A_93 step %parallel_loop3A_94  : i32 {
          %parallel_loop3A_113 = vector.broadcast %parallel_loop3A_112 : i32 to vector<16xi32>
          %parallel_loop3A_114 = arith.addi %broadcast_in_dim3A_5, %parallel_loop3A_113 : vector<16xi32>
          %parallel_loop3A_115 = arith.constant 0 : i32
          %parallel_loop3A_116 = arith.constant 0 : i32
          %parallel_loop3A_117 = tpu.memref_slice %arg5[%parallel_loop3A_95, %parallel_loop3A_115, %parallel_loop3A_116] : memref<4x16x136xf32, #tpu.memory_space<vmem>> -> memref<1x16x136xf32, #tpu.memory_space<vmem>>
          %parallel_loop3A_118 = tpu.memref_squeeze %parallel_loop3A_117 : memref<1x16x136xf32, #tpu.memory_space<vmem>> -> memref<16x136xf32, #tpu.memory_space<vmem>>
          %parallel_loop3A_119 = tpu.vector_load_idx %parallel_loop3A_118[%iota3A, %parallel_loop3A_114] : memref<16x136xf32, #tpu.memory_space<vmem>>[vector<16xi32>, vector<16xi32>], vector<16xf32>,
          %parallel_loop3A_120 = arith.constant 256 : i32
          %parallel_loop3A_121 = arith.addi %parallel_loop3A_120, %parallel_loop3A_112 : i32
          %parallel_loop3A_122 = arith.index_cast %parallel_loop3A_121 : i32 to index
          %parallel_loop3A_123 = arith.constant 0 : index
          %parallel_loop3A_124 = tpu.vector_load %arg7[%parallel_loop3A_122, %parallel_loop3A_123] {strides = array<i32>} : memref<512x16xf32, #tpu.memory_space<vmem>>, vector<16xf32>,
          tpu.vector_store %arg7[%parallel_loop3A_122, %parallel_loop3A_123], %parallel_loop3A_119 {strides = array<i32>} : memref<512x16xf32, #tpu.memory_space<vmem>>, vector<16xf32>,
        } {sc.loop_unroll_factor = 4 : i64, sc.parallel_access}
        %parallel_loop3A_96 = arith.constant 0 : i32
        %parallel_loop3A_97 = arith.constant 128 : i32
        %parallel_loop3A_98 = arith.constant 1 : i32
        %parallel_loop3A_99 = arith.constant 3 : i32
        scf.for %parallel_loop3A_112 = %parallel_loop3A_96 to %parallel_loop3A_97 step %parallel_loop3A_98  : i32 {
          %parallel_loop3A_113 = vector.broadcast %parallel_loop3A_112 : i32 to vector<16xi32>
          %parallel_loop3A_114 = arith.addi %broadcast_in_dim3A_5, %parallel_loop3A_113 : vector<16xi32>
          %parallel_loop3A_115 = arith.constant 0 : i32
          %parallel_loop3A_116 = arith.constant 0 : i32
          %parallel_loop3A_117 = tpu.memref_slice %arg5[%parallel_loop3A_99, %parallel_loop3A_115, %parallel_loop3A_116] : memref<4x16x136xf32, #tpu.memory_space<vmem>> -> memref<1x16x136xf32, #tpu.memory_space<vmem>>
          %parallel_loop3A_118 = tpu.memref_squeeze %parallel_loop3A_117 : memref<1x16x136xf32, #tpu.memory_space<vmem>> -> memref<16x136xf32, #tpu.memory_space<vmem>>
          %parallel_loop3A_119 = tpu.vector_load_idx %parallel_loop3A_118[%iota3A, %parallel_loop3A_114] : memref<16x136xf32, #tpu.memory_space<vmem>>[vector<16xi32>, vector<16xi32>], vector<16xf32>,
          %parallel_loop3A_120 = arith.constant 384 : i32
          %parallel_loop3A_121 = arith.addi %parallel_loop3A_120, %parallel_loop3A_112 : i32
          %parallel_loop3A_122 = arith.index_cast %parallel_loop3A_121 : i32 to index
          %parallel_loop3A_123 = arith.constant 0 : index
          %parallel_loop3A_124 = tpu.vector_load %arg7[%parallel_loop3A_122, %parallel_loop3A_123] {strides = array<i32>} : memref<512x16xf32, #tpu.memory_space<vmem>>, vector<16xf32>,
          tpu.vector_store %arg7[%parallel_loop3A_122, %parallel_loop3A_123], %parallel_loop3A_119 {strides = array<i32>} : memref<512x16xf32, #tpu.memory_space<vmem>>, vector<16xf32>,
        } {sc.loop_unroll_factor = 4 : i64, sc.parallel_access}
        %add3A_100 = arith.constant 2 : i32
        %add3A_101 = arith.addi %add3A_39, %add3A_100 : i32
        %lt3A_102 = arith.cmpi slt, %add3A_101, %min3A : i32
        %convert_element_type3A_103 = arith.extui %lt3A_102 : i1 to i32
        %cond3A_104 = arith.constant 0 : i32
        %cond3A_105 = arith.cmpi ne, %convert_element_type3A_103, %cond3A_104 : i32
        scf.if %cond3A_105 {
          %add3A_112 = arith.constant 2 : i32
          %add3A_113 = arith.addi %add3A_39, %add3A_112 : i32
          %add3A_114 = arith.addi %mul3A_2, %add3A_113 : i32
          %mul3A_115 = arith.constant 4 : i32
          %mul3A_116 = arith.muli %add3A_114, %mul3A_115 : i32
          %dma_start3A_117 = arith.constant 0 : i32
          %dma_start3A_118 = arith.constant 0 : i32
          %dma_start3A_119 = arith.constant 0 : i32
          %dma_start3A_120 = arith.constant 0 : i32
          %dma_start3A_121 = tpu.memref_slice %arg5[%dma_start3A_118, %dma_start3A_119, %dma_start3A_120] : memref<4x16x136xf32, #tpu.memory_space<vmem>> -> memref<4x8x128xf32, #tpu.memory_space<vmem>>
          %dma_start3A_122 = arith.constant 0 : i32
          %dma_start3A_123 = arith.constant 0 : i32
          %dma_start3A_124 = tpu.memref_slice %arg2[%dma_start3A_117, %mul3A_116, %dma_start3A_122, %dma_start3A_123] : memref<2x7816x8x128xf32, #tpu.memory_space<hbm>> -> memref<1x4x8x128xf32, #tpu.memory_space<hbm>>
          %dma_start3A_125 = tpu.memref_squeeze %dma_start3A_124 : memref<1x4x8x128xf32, #tpu.memory_space<hbm>> -> memref<4x8x128xf32, #tpu.memory_space<hbm>>
          %dma_start3A_126 = arith.constant 0 : i32
          %dma_start3A_127 = arith.constant 0 : i32
          %dma_start3A_128 = arith.constant 0 : i32
          %dma_start3A_129 = tpu.memref_slice %arg5[%dma_start3A_126, %dma_start3A_127, %dma_start3A_128] : memref<4x16x136xf32, #tpu.memory_space<vmem>> -> memref<4x8x128xf32, #tpu.memory_space<vmem>>
          %dma_start3A_130 = arith.constant 0 : i32
          %dma_start3A_131 = arith.constant 0 : i32
          %dma_start3A_132 = tpu.memref_slice %arg2[%dma_start3A_117, %mul3A_116, %dma_start3A_130, %dma_start3A_131] : memref<2x7816x8x128xf32, #tpu.memory_space<hbm>> -> memref<1x4x8x128xf32, #tpu.memory_space<hbm>>
          %dma_start3A_133 = tpu.memref_squeeze %dma_start3A_132 : memref<1x4x8x128xf32, #tpu.memory_space<hbm>> -> memref<4x8x128xf32, #tpu.memory_space<hbm>>
          tpu.enqueue_dma source(%dma_start3A_133 : memref<4x8x128xf32, #tpu.memory_space<hbm>>) target(%dma_start3A_129 : memref<4x8x128xf32, #tpu.memory_space<vmem>>) target_semaphore(%arg9 : memref<!tpu.dma_semaphore, #tpu.memory_space<semaphore_mem>>)
          %dma_start3A_134 = arith.constant 1 : i32
          %dma_start3A_135 = arith.constant 0 : i32
          %dma_start3A_136 = arith.constant 8 : i32
          %dma_start3A_137 = arith.constant 0 : i32
          %dma_start3A_138 = tpu.memref_slice %arg5[%dma_start3A_135, %dma_start3A_136, %dma_start3A_137] : memref<4x16x136xf32, #tpu.memory_space<vmem>> -> memref<4x8x128xf32, #tpu.memory_space<vmem>>
          %dma_start3A_139 = arith.constant 0 : i32
          %dma_start3A_140 = arith.constant 0 : i32
          %dma_start3A_141 = tpu.memref_slice %arg2[%dma_start3A_134, %mul3A_116, %dma_start3A_139, %dma_start3A_140] : memref<2x7816x8x128xf32, #tpu.memory_space<hbm>> -> memref<1x4x8x128xf32, #tpu.memory_space<hbm>>
          %dma_start3A_142 = tpu.memref_squeeze %dma_start3A_141 : memref<1x4x8x128xf32, #tpu.memory_space<hbm>> -> memref<4x8x128xf32, #tpu.memory_space<hbm>>
          %dma_start3A_143 = arith.constant 0 : i32
          %dma_start3A_144 = arith.constant 8 : i32
          %dma_start3A_145 = arith.constant 0 : i32
          %dma_start3A_146 = tpu.memref_slice %arg5[%dma_start3A_143, %dma_start3A_144, %dma_start3A_145] : memref<4x16x136xf32, #tpu.memory_space<vmem>> -> memref<4x8x128xf32, #tpu.memory_space<vmem>>
          %dma_start3A_147 = arith.constant 0 : i32
          %dma_start3A_148 = arith.constant 0 : i32
          %dma_start3A_149 = tpu.memref_slice %arg2[%dma_start3A_134, %mul3A_116, %dma_start3A_147, %dma_start3A_148] : memref<2x7816x8x128xf32, #tpu.memory_space<hbm>> -> memref<1x4x8x128xf32, #tpu.memory_space<hbm>>
          %dma_start3A_150 = tpu.memref_squeeze %dma_start3A_149 : memref<1x4x8x128xf32, #tpu.memory_space<hbm>> -> memref<4x8x128xf32, #tpu.memory_space<hbm>>
          tpu.enqueue_dma source(%dma_start3A_150 : memref<4x8x128xf32, #tpu.memory_space<hbm>>) target(%dma_start3A_146 : memref<4x8x128xf32, #tpu.memory_space<vmem>>) target_semaphore(%arg9 : memref<!tpu.dma_semaphore, #tpu.memory_space<semaphore_mem>>)
        } else {
        }
        %add3A_106 = arith.addi %mul3A_2, %add3A_39 : i32
        %mul3A_107 = arith.constant 512 : i32
        %mul3A_108 = arith.muli %add3A_106, %mul3A_107 : i32
        %dma_start3A = arith.constant 0 : i32
        %dma_start3A_109 = tpu.memref_slice %arg3[%mul3A_108, %dma_start3A] : memref<1000448x16xf32, #tpu.memory_space<hbm>> -> memref<512x16xf32, #tpu.memory_space<hbm>>
        %dma_start3A_110 = arith.constant 0 : i32
        %dma_start3A_111 = tpu.memref_slice %arg3[%mul3A_108, %dma_start3A_110] : memref<1000448x16xf32, #tpu.memory_space<hbm>> -> memref<512x16xf32, #tpu.memory_space<hbm>>
        tpu.enqueue_dma source(%arg7 : memref<512x16xf32, #tpu.memory_space<vmem>>) target(%dma_start3A_111 : memref<512x16xf32, #tpu.memory_space<hbm>>) target_semaphore(%arg11 : memref<!tpu.dma_semaphore, #tpu.memory_space<semaphore_mem>>)
      } else {
      }
    }
    %scan3A_17 = arith.constant 31 : i32
    %gt3A_18 = arith.constant 0 : i32
    %gt3A_19 = arith.cmpi sgt, %min3A, %gt3A_18 : i32
    %convert_element_type3A_20 = arith.extui %gt3A_19 : i1 to i32
    %cond3A_21 = arith.constant 0 : i32
    %cond3A_22 = arith.cmpi ne, %convert_element_type3A_20, %cond3A_21 : i32
    scf.if %cond3A_22 {
      %dma_wait3A = arith.constant 0 : i32
      %dma_wait3A_28 = arith.constant 0 : i32
      %dma_wait3A_29 = tpu.memref_slice %arg3[%dma_wait3A, %dma_wait3A_28] : memref<1000448x16xf32, #tpu.memory_space<hbm>> -> memref<512x16xf32, #tpu.memory_space<hbm>>
      %dma_wait3A_30 = arith.constant 0 : i32
      %dma_wait3A_31 = arith.constant 0 : i32
      %dma_wait3A_32 = tpu.memref_slice %arg3[%dma_wait3A_30, %dma_wait3A_31] : memref<1000448x16xf32, #tpu.memory_space<hbm>> -> memref<512x16xf32, #tpu.memory_space<hbm>>
      tpu.wait_dma2 semaphore(%arg10 : memref<!tpu.dma_semaphore, #tpu.memory_space<semaphore_mem>>) src(%arg6 : memref<512x16xf32, #tpu.memory_space<vmem>>) dst(%dma_wait3A_32 : memref<512x16xf32, #tpu.memory_space<hbm>>)
    } else {
    }
    %gt3A_23 = arith.constant 1 : i32
    %gt3A_24 = arith.cmpi sgt, %min3A, %gt3A_23 : i32
    %convert_element_type3A_25 = arith.extui %gt3A_24 : i1 to i32
    %cond3A_26 = arith.constant 0 : i32
    %cond3A_27 = arith.cmpi ne, %convert_element_type3A_25, %cond3A_26 : i32
    scf.if %cond3A_27 {
      %dma_wait3A = arith.constant 0 : i32
      %dma_wait3A_28 = arith.constant 0 : i32
      %dma_wait3A_29 = tpu.memref_slice %arg3[%dma_wait3A, %dma_wait3A_28] : memref<1000448x16xf32, #tpu.memory_space<hbm>> -> memref<512x16xf32, #tpu.memory_space<hbm>>
      %dma_wait3A_30 = arith.constant 0 : i32
      %dma_wait3A_31 = arith.constant 0 : i32
      %dma_wait3A_32 = tpu.memref_slice %arg3[%dma_wait3A_30, %dma_wait3A_31] : memref<1000448x16xf32, #tpu.memory_space<hbm>> -> memref<512x16xf32, #tpu.memory_space<hbm>>
      tpu.wait_dma2 semaphore(%arg11 : memref<!tpu.dma_semaphore, #tpu.memory_space<semaphore_mem>>) src(%arg7 : memref<512x16xf32, #tpu.memory_space<vmem>>) dst(%dma_wait3A_32 : memref<512x16xf32, #tpu.memory_space<hbm>>)
    } else {
    }
    return
  }
}

</mosaic_0001>

<sc_bundles>
// kernel: kernel.4.cloned.1.call-start
scs
__scs_entry_jumppad:
0x0: {  	(pc) =	sbr.rel $0x88, $3  }
0x1: {  	(tag) =	ssettag $0x0;
	lr =	simm.s32 $0x1  }
0x2: {  	[smem:$0x3F9F] =	sst lr;
	_ =	strace $0xD0000000  }
0x3: {  	_ = 	snop  }
0x4: {  	_ = 	snop  }
0x5: {  	_ = 	snop  }
0x6: {  	_ = 	snop  }
0x7: {  	_ = 	snop  }
__scs_overlays_trampoline_lowered:
0x8: {  	[smem:$0x3FAE] =	sst s0  }
0x9: {  	[smem:$0x3FAF] =	sst s1  }
0xa: {  	[smem:$0x3FB0] =	sst s2  }
0xb: {  	[smem:$0x3FB1] =	sst s3  }
0xc: {  	[smem:$0x3FB2] =	sst s4  }
0xd: {  	[smem:$0x3FB3] =	sst s5  }
0xe: {  	[smem:$0x3FB4] =	sst s6  }
0xf: {  	[smem:$0x3FB5] =	sst s7  }
0x10: {  	[smem:$0x3FB6] =	sst s8  }
0x11: {  	[smem:$0x3FB7] =	sst s9;
	s0 =	simm.s32 @!p0 $0x0  }
0x12: {  	s1 =	sld [smem:$0x3F9D];
	s0 =	simm.s32 @p0 $0x1  }
0x13: {  	[smem:$0x3FB8] =	sst s0;
	s0 =	simm.s32 @!p1 $0x0  }
0x14: {  	s2 =	sld [smem:$0x3F9C];
	s0 =	simm.s32 @p1 $0x1  }
0x15: {  	[smem:$0x3FB9] =	sst s0;
	s0 =	simm.s32 @!p2 $0x0  }
0x16: {  	s3 =	sld [smem:$0x3FDB];
	s0 =	simm.s32 @p2 $0x1  }
0x17: {  	s4 =	simm.s32 $0x1BF5;
	[smem:$0x3FBB] =	sst s0  }
0x18: {  	s0 =	sld [smem:$0x3F9E];
	_ =	swait.ge [sflag:s4], $0x0  }
0x19: {  	s7 =	sld [smem:$0x3F9F]  }
0x1a: {  	s8 =	sadd.s32 $0xFFFFE003, lr  }
0x1b: {  	s9 =	sadd.s32 $0xFFFFFEF7, lr;
	s5 =	simm.s32 $0xFFFFFFFF;
	p2 =	slt.u32 s8, $0xFFFFF086  }
0x1c: {  	p1 =	slt.u32 s9, $0xF7A;
	s5 =	simm.s32 @!p2 $0x0  }
0x1d: {  	s5 =	simm.s32 @p1 $0x1;
	p0 =	seq.s32 s7, s2  }
0x1e: {  	s7 =	smul.u32 @!p0 $0xF7A, s2;
	p2 =	seq.s32 @!p0 s5, $0x0  }
0x1f: {  	s9 =	smul.u32 $0xF7A, s1;
	s8 =	simm.s32 @!p0 $0x1BF5;
	p2 =	por !p2, p0  }
0x20: {  	[sflag:s8] =	ssyncset.s32 @!p0 $0xFFFFF086;
	s6 =	sadd.s32 @!p0 s3, s7;
	s7 =	simm.s32 @!p0 $0x108  }
0x21: {  	s3 =	sadd.s32 s3, s9;
	s6 =	sadd.s32 @!p0 $0x88, s6;
	s7 =	simm.s32 @p2 $0x1082  }
0x22: {  	[simem:s7], [sflag:s8] =	dma.local @!p0 [hbm:s6], $0xF7A  }
0x23: {  	s9 =	sor.u32 $0xD0000000, s2;
	s6 =	simm.s32 $0x108;
	_ =	swait.ge @!p0 [sflag:s8], $0x0  }
0x24: {  	s3 =	sadd.s32 $0x88, s3;
	s6 =	simm.s32 @!p1 $0x1082;
	[sflag:s4] =	ssyncset.s32 $0xFFFFF086  }
0x25: {  	[simem:s6], [sflag:s4] =	dma.local [hbm:s3], $0xF7A  }
0x26: {  	[smem:$0x3F9F] =	sst s1;
	(tag) =	ssettag s2;
	_ =	strace s9  }
0x27: {  	s1 =	sld [smem:$0x3FAF]  }
0x28: {  	s2 =	sld [smem:$0x3FB0]  }
0x29: {  	s4 =	sld [smem:$0x3FB2]  }
0x2a: {  	p0 =	seq.s32 s5, $0x0;
	s5 =	sld [smem:$0x3FB3]  }
0x2b: {  	s6 =	sld [smem:$0x3FB4]  }
0x2c: {  	s7 =	sld [smem:$0x3FB5]  }
0x2d: {  	s3 =	simm.s32 $0x108;
	s8 =	sld [smem:$0x3FB6]  }
0x2e: {  	s3 =	simm.s32 @!p0 $0x1082;
	s9 =	sld [smem:$0x3FB7]  }
0x2f: {  	lr =	sadd.s32 s0, s3;
	s0 =	sld [smem:$0x3FAE]  }
0x30: {  	s3 =	sld [smem:$0x3FB1]  }
0x31: {  	[smem:$0x3FBA] =	sst s10  }
0x32: {  	s10 =	sld [smem:$0x3FB8];
	_ =	sdelay $0x3  }
0x33: {  	p0 =	seq.s32 s10, $0x1;
	s10 =	sld [smem:$0x3FBA];
	_ =	sdelay $0x3  }
0x34: {  	[smem:$0x3FBA] =	sst s10  }
0x35: {  	s10 =	sld [smem:$0x3FB9];
	_ =	sdelay $0x3  }
0x36: {  	p1 =	seq.s32 s10, $0x1;
	s10 =	sld [smem:$0x3FBA];
	_ =	sdelay $0x3  }
0x37: {  	[smem:$0x3FBA] =	sst s10  }
0x38: {  	s10 =	sld [smem:$0x3FBB]  }
0x39: {  	_ = 	snop;
	(pc) =	sbr.ind lr, $3  }
0x3a: {  	_ = 	snop  }
0x3b: {  	_ = 	snop  }
0x3c: {  	p2 =	seq.s32 s10, $0x1;
	s10 =	sld [smem:$0x3FBA]  }
0x3d: {  	_ =	shalt  }
0x3e: {  	_ =	shalt  }
0x3f: {  	_ =	shalt  }
0x40: {  	_ =	shalt  }
0x41: {  	_ =	shalt  }
0x42: {  	_ =	shalt  }
0x43: {  	_ =	shalt  }
0x44: {  	_ =	shalt  }
0x45: {  	_ =	shalt  }
0x46: {  	_ =	shalt  }
0x47: {  	_ =	shalt  }
0x48: {  	_ =	shalt  }
0x49: {  	_ =	shalt  }
0x4a: {  	_ =	shalt  }
0x4b: {  	_ =	shalt  }
0x4c: {  	_ =	shalt  }
0x4d: {  	_ =	shalt  }
0x4e: {  	_ =	shalt  }
0x4f: {  	_ =	shalt  }
0x50: {  	_ =	shalt  }
0x51: {  	_ =	shalt  }
0x52: {  	_ =	shalt  }
0x53: {  	_ =	shalt  }
0x54: {  	_ =	shalt  }
0x55: {  	_ =	shalt  }
0x56: {  	_ =	shalt  }
0x57: {  	_ =	shalt  }
0x58: {  	_ =	shalt  }
0x59: {  	_ =	shalt  }
0x5a: {  	_ =	shalt  }
0x5b: {  	_ =	shalt  }
0x5c: {  	_ =	shalt  }
0x5d: {  	_ =	shalt  }
0x5e: {  	_ =	shalt  }
0x5f: {  	_ =	shalt  }
0x60: {  	_ =	shalt  }
0x61: {  	_ =	shalt  }
0x62: {  	_ =	shalt  }
0x63: {  	_ =	shalt  }
0x64: {  	_ =	shalt  }
0x65: {  	_ =	shalt  }
0x66: {  	_ =	shalt  }
0x67: {  	_ =	shalt  }
0x68: {  	_ =	shalt  }
0x69: {  	_ =	shalt  }
0x6a: {  	_ =	shalt  }
0x6b: {  	_ =	shalt  }
0x6c: {  	_ =	shalt  }
0x6d: {  	_ =	shalt  }
0x6e: {  	_ =	shalt  }
0x6f: {  	_ =	shalt  }
0x70: {  	_ =	shalt  }
0x71: {  	_ =	shalt  }
0x72: {  	_ =	shalt  }
0x73: {  	_ =	shalt  }
0x74: {  	_ =	shalt  }
0x75: {  	_ =	shalt  }
0x76: {  	_ =	shalt  }
0x77: {  	_ =	shalt  }
0x78: {  	_ =	shalt  }
0x79: {  	_ =	shalt  }
0x7a: {  	_ =	shalt  }
0x7b: {  	_ =	shalt  }
0x7c: {  	_ =	shalt  }
0x7d: {  	_ =	shalt  }
0x7e: {  	_ =	shalt  }
0x7f: {  	_ =	shalt  }
0x80: {  	_ =	shalt  }
0x81: {  	_ =	shalt  }
0x82: {  	_ =	shalt  }
0x83: {  	_ =	shalt  }
0x84: {  	_ =	shalt  }
0x85: {  	_ =	shalt  }
0x86: {  	_ =	shalt  }
0x87: {  	_ =	shalt  }
.Lfunc_end0:
.L_simem_size_0:
called_computation_lowered:
.L_overlay_start_0:
0x88: {  	s2 =	sld [smem:$0x3FD9]  }
0x89: {  	s3 =	sld [smem:$0x3FFE];
	_ =	sdelay $0x1  }
0x8a: {  	s1 =	srdreg.scid  }
0x8b: {  	s0 =	sand.u32 $0x1, s1  }
0x8c: {  	s17 =	sshll.u32 s0, $0xA;
	s2 =	sadd.s32 s3, s2  }
0x8d: {  	s2 =	sadd.s32 s2, s17  }
0x8e: {  	[smem:$0x3FC6] =	sst s2  }
0x8f: {  	_ = 	snop  }
0x90: {  	s2 =	sld [smem:$0x3FD0];
	(tm) =	ssettm $0x1  }
0x91: {  	s18 =	sld [smem:$0x3FFB];
	_ =	sdelay $0x3  }
0x92: {  	_ =	strace s18  }
0x93: {  	s3 =	sld [smem:$0x3FFC];
	_ =	sdelay $0x3  }
0x94: {  	_ =	strace s3  }
0x95: {  	s3 =	sld [smem:$0x3FFD];
	_ =	sdelay $0x3  }
0x96: {  	_ =	strace s3  }
0x97: {  	_ =	strace $0x8FFFFFFF  }
0x98: {  	s19 =	sld [smem:$0x3FDB];
	_ =	sdelay $0x1  }
0x99: {  	s4 =	simm.s32 $_scs_section_size  }
0x9a: {  	s5 =	simm.s32 $_size__tile_overlayer_lowered;
	s6 =	simm.s32 $_tile_overlayer_lowered  }
0x9b: {  	s22 =	simm.s32 $0x1BFF;
	s21 =	sshll.u32 s6, $0x1;
	s3 =	sadd.s32 s4, s19  }
0x9c: {  	s7 =	simm.s32 $0x0;
	s20 =	sshll.u32 s5, $0x1;
	s5 =	sadd.s32 s21, s3  }
0x9d: {  	[timem:s7], [sflag:s22] =	dma.local [hbm:s5], s20  }
0x9e: {  	_ =	swait.ge [sflag:s22], s20  }
0x9f: {  	s4 =	ssub.s32 $0x0, s20;
	[sflag:s22] =	ssyncset.done $0x0  }
0xa0: {  	[sflag:s22] =	ssyncadd.s32 s4;
	_ =	sdelay $0x1  }
0xa1: {  	s23 =	simm.s32 $0x1B8B  }
0xa2: {  	_ =	swait.ge [sflag:s23], $0x1  }
0xa3: {  	[sflag:s23] =	ssyncset.done $0x0  }
0xa4: {  	s25 =	simm.s32 $0x1B8E;
	s24 =	sld [smem:$0x3FFE];
	[sflag:s23] =	ssyncadd.s32 $0xFFFFFFFF  }
0xa5: {  	s26 =	simm.s32 $execute0_lowered;
	[smem:$0x3FD2] =	sst s25  }
0xa6: {  	s5 =	sshll.u32 s26, $0x1;
	_ =	strace $0x80000046;
	[dreg:$0x1] =	wrdreg $0xFFFFFFFF  }
0xa7: {  	s28 =	simm.s32 $_size_execute0_lowered;
	s3 =	sadd.s32 s3, s5;
	[dreg:$0x0] =	wrdreg $0x0  }
0xa8: {  	s5 =	sshll.u32 s28, $0x1;
	[dreg:$0x2] =	wrdreg s3  }
0xa9: {  	[dreg:$0x3] =	wrdreg s5  }
0xaa: {  	[dreg:$0x4] =	wrdreg $0xC0  }
0xab: {  	_ =	task [dreg:s7], $0x5FFFF  }
0xac: {  	[dreg:$0x1] =	wrdreg $0xFFFFFFFF  }
0xad: {  	[dreg:$0x0] =	wrdreg $0x60  }
0xae: {  	[dreg:$0x2] =	wrdreg s2  }
0xaf: {  	[dreg:$0x3] =	wrdreg s24  }
0xb0: {  	[dreg:$0x4] =	wrdreg $0x9  }
0xb1: {  	_ =	task.clear_ibuf [dreg:s7], $0x5FFFF;
	_ =	strace $0x90000046  }
0xb2: {  	s29 =	simm.s32 $0x9;
	_ =	strace $0x80000048  }
0xb3: {  	_ =	swait.ge [sflag:s29], $0x1  }
0xb4: {  	[sflag:s29] =	ssyncadd.s32 $0xFFFFFFFF  }
0xb5: {  	_ =	strace $0x90000048  }
0xb6: {  	_ =	sfence  }
0xb7: {  	s30 =	sld [smem:$0x0];
	_ =	sdelay $0x2  }
0xb8: {  	s31 =	sshll.u32 s1, $0xD;
	s1 =	sshrl.u32 s1, $0x2  }
0xb9: {  	s3 =	sand.u32 $0x4000, s31;
	s1 =	sadd.s32 s1, s30  }
0xba: {  	s0 =	sor.u32 s3, s0;
	s1 =	sshll.u32 s1, $0x11  }
0xbb: {  	s0 =	sor.u32 s1, s0  }
0xbc: {  	s0 =	sadd.s32 $0x8F2B, s0  }
0xbd: {  	[sflag:s0] =	ssyncadd.remote.s32 $0x1  }
0xbe: {  	_ =	sfence.sel $0xFFFF  }
0xbf: {  	[dreg:$0x0] =	wrdreg $0xFFFFFFFF;
	(pc) =	sbr.abs _section_cstart, $3  }
0xc0: {  	[dreg:$0x1] =	wrdreg $0xFFFFFFFF  }
0xc1: {  	_ =	task.clear_ibuf [dreg:s7], $0x2FFFF;
	_ =	strace $0x9FFFFFFF  }
0xc2: {  	(tm) =	ssettm $0x7FFFFFFF  }
0xc3: {  	_ =	shalt  }
tec
execute0_lowered:
.L_overlay_start_1:
0x0: {  	(tag) =	ssettag $0x1  }
0x1: {  	s0 =	srdreg.scid;
	s3 =	stileid.u32  }
0x2: {  	s0 =	sand.u32 $0x1, s0;
	s4 =	sshll.u32 s3, $0x1  }
0x3: {  	s4 =	sor.u32 s0, s4;
	s0 =	ssub.s32 $0x2, s0  }
0x4: {  	s2 =	rddreg [dreg:$0x0];
	s6 =	smul.u32 $0x3E000, s4;
	s11 =	sshrl.u32 s0, $0x1  }
0x5: {  	s1 =	rddreg [dreg:$0x1];
	s3 =	simm.s32 $0x0;
	s0 =	ssub.s32 s0, s11  }
0x6: {  	[smem:$0x7FF] =	sst s3;
	s6 =	sshrl.u32 s6, $0x3;
	s0 =	smax.u32 s0, $0x1  }
0x7: {  	_ =	strace $0x80000047;
	s6 =	sadd.s32 s2, s6;
	[dreg:$0x7] =	wrdreg s0  }
0x8: {  	s13 =	sadd.s32 $0xF4400, s6;
	[dreg:$0x3] =	wrdreg s6  }
0x9: {  	s14 =	sadd.s32 $0x200, s6;
	[dreg:$0x4] =	wrdreg s13  }
0xa: {  	s15 =	sadd.s32 $0xF4600, s6;
	[dreg:$0x5] =	wrdreg s14  }
0xb: {  	s16 =	sadd.s32 $0x10, s6;
	[dreg:$0x6] =	wrdreg s15  }
0xc: {  	s17 =	sadd.s32 $0x20, s6;
	[dreg:$0x8] =	wrdreg s16  }
0xd: {  	s18 =	sadd.s32 $0x30, s6;
	[dreg:$0x9] =	wrdreg s17  }
0xe: {  	s19 =	sadd.s32 $0x40, s6;
	[dreg:$0xa] =	wrdreg s18  }
0xf: {  	s20 =	sadd.s32 $0x50, s6;
	[dreg:$0xb] =	wrdreg s19  }
0x10: {  	s21 =	sadd.s32 $0x60, s6;
	[dreg:$0xc] =	wrdreg s20  }
0x11: {  	s22 =	sadd.s32 $0x70, s6;
	[dreg:$0xd] =	wrdreg s21  }
0x12: {  	s23 =	sadd.s32 $0x80, s6;
	[dreg:$0xe] =	wrdreg s22  }
0x13: {  	s24 =	sadd.s32 $0x90, s6;
	[dreg:$0xf] =	wrdreg s23  }
0x14: {  	s25 =	sadd.s32 $0xA0, s6;
	[dreg:$0x10] =	wrdreg s24  }
0x15: {  	s26 =	sadd.s32 $0xB0, s6;
	[dreg:$0x11] =	wrdreg s25  }
0x16: {  	s28 =	sadd.s32 $0xC0, s6;
	[dreg:$0x12] =	wrdreg s26  }
0x17: {  	s29 =	sadd.s32 $0xD0, s6;
	[dreg:$0x13] =	wrdreg s28  }
0x18: {  	s31 =	sadd.s32 $0xE0, s6;
	[dreg:$0x14] =	wrdreg s29  }
0x19: {  	s5 =	sadd.s32 $0x800, s1;
	s1 =	sadd.s32 $0xF0, s6;
	[dreg:$0x15] =	wrdreg s31  }
0x1a: {  	s4 =	smul.u32 $0x3E, s4;
	s8 =	sadd.s32 $0x100, s6;
	[dreg:$0x16] =	wrdreg s1  }
0x1b: {  	s9 =	sadd.s32 $0x110, s6;
	[dreg:$0x17] =	wrdreg s8  }
0x1c: {  	s12 =	ssub.s32 $0x7A2, s4;
	s10 =	sadd.s32 $0x120, s6;
	[dreg:$0x18] =	wrdreg s9  }
0x1d: {  	s7 =	smin.u32 s12, $0x3E;
	s12 =	sadd.s32 $0x130, s6;
	[dreg:$0x19] =	wrdreg s10  }
0x1e: {  	[dreg:$0x1a] =	wrdreg s12;
	s13 =	sadd.s32 $0x140, s6  }
0x1f: {  	s14 =	sadd.s32 $0x150, s6;
	[dreg:$0x1b] =	wrdreg s13  }
0x20: {  	s15 =	sadd.s32 $0x160, s6;
	[dreg:$0x1c] =	wrdreg s14  }
0x21: {  	s16 =	sadd.s32 $0x170, s6;
	[dreg:$0x1d] =	wrdreg s15  }
0x22: {  	s17 =	sadd.s32 $0x180, s6;
	[dreg:$0x1e] =	wrdreg s16  }
0x23: {  	s18 =	sadd.s32 $0x190, s6;
	[dreg:$0x1f] =	wrdreg s17  }
0x24: {  	s19 =	sadd.s32 $0x1A0, s6;
	[smem:$0x79A] =	sst s18  }
0x25: {  	s20 =	sadd.s32 $0x1B0, s6;
	[smem:$0x79B] =	sst s19  }
0x26: {  	s21 =	sadd.s32 $0x1C0, s6;
	[smem:$0x79C] =	sst s20  }
0x27: {  	s22 =	sadd.s32 $0x1D0, s6;
	[smem:$0x79D] =	sst s21  }
0x28: {  	s23 =	sadd.s32 $0x1E0, s6;
	[smem:$0x79E] =	sst s22  }
0x29: {  	s24 =	sadd.s32 $0x1F0, s6;
	[smem:$0x79F] =	sst s23  }
0x2a: {  	s25 =	sadd.s32 $0xF4410, s6;
	[smem:$0x7A0] =	sst s24  }
0x2b: {  	s26 =	sadd.s32 $0xF4420, s6;
	[smem:$0x7A1] =	sst s25  }
0x2c: {  	s28 =	sadd.s32 $0xF4430, s6;
	[smem:$0x7A2] =	sst s26  }
0x2d: {  	s29 =	sadd.s32 $0xF4440, s6;
	[smem:$0x7A3] =	sst s28  }
0x2e: {  	s31 =	sadd.s32 $0xF4450, s6;
	[smem:$0x7A4] =	sst s29  }
0x2f: {  	s1 =	sadd.s32 $0xF4460, s6;
	[smem:$0x7A5] =	sst s31  }
0x30: {  	s8 =	sadd.s32 $0xF4470, s6;
	[smem:$0x7A6] =	sst s1  }
0x31: {  	s9 =	sadd.s32 $0xF4480, s6;
	[smem:$0x7A7] =	sst s8  }
0x32: {  	s10 =	sadd.s32 $0xF4490, s6;
	[smem:$0x7A8] =	sst s9  }
0x33: {  	s12 =	sadd.s32 $0xF44A0, s6;
	[smem:$0x7A9] =	sst s10  }
0x34: {  	[smem:$0x7AA] =	sst s12;
	s13 =	sadd.s32 $0xF44B0, s6  }
0x35: {  	s14 =	sadd.s32 $0xF44C0, s6;
	[smem:$0x7AB] =	sst s13  }
0x36: {  	s15 =	sadd.s32 $0xF44D0, s6;
	[smem:$0x7AC] =	sst s14  }
0x37: {  	s16 =	sadd.s32 $0xF44E0, s6;
	[smem:$0x7AD] =	sst s15  }
0x38: {  	s17 =	sadd.s32 $0xF44F0, s6;
	[smem:$0x7AE] =	sst s16  }
0x39: {  	s18 =	sadd.s32 $0xF4500, s6;
	[smem:$0x7AF] =	sst s17  }
0x3a: {  	s19 =	sadd.s32 $0xF4510, s6;
	[smem:$0x7B0] =	sst s18  }
0x3b: {  	s20 =	sadd.s32 $0xF4520, s6;
	[smem:$0x7B1] =	sst s19  }
0x3c: {  	s21 =	sadd.s32 $0xF4530, s6;
	[smem:$0x7B2] =	sst s20  }
0x3d: {  	s22 =	sadd.s32 $0xF4540, s6;
	[smem:$0x7B3] =	sst s21  }
0x3e: {  	s23 =	sadd.s32 $0xF4550, s6;
	[smem:$0x7B4] =	sst s22  }
0x3f: {  	s24 =	sadd.s32 $0xF4560, s6;
	[smem:$0x7B5] =	sst s23  }
0x40: {  	s25 =	sadd.s32 $0xF4570, s6;
	[smem:$0x7B6] =	sst s24  }
0x41: {  	s26 =	sadd.s32 $0xF4580, s6;
	[smem:$0x7B7] =	sst s25  }
0x42: {  	s28 =	sadd.s32 $0xF4590, s6;
	[smem:$0x7B8] =	sst s26  }
0x43: {  	s29 =	sadd.s32 $0xF45A0, s6;
	[smem:$0x7B9] =	sst s28  }
0x44: {  	s31 =	sadd.s32 $0xF45B0, s6;
	[smem:$0x7BA] =	sst s29  }
0x45: {  	s1 =	sadd.s32 $0xF45C0, s6;
	[smem:$0x7BB] =	sst s31  }
0x46: {  	s8 =	sadd.s32 $0xF45D0, s6;
	[smem:$0x7BC] =	sst s1  }
0x47: {  	s9 =	sadd.s32 $0xF45E0, s6;
	[smem:$0x7BD] =	sst s8  }
0x48: {  	s10 =	sadd.s32 $0xF45F0, s6;
	[smem:$0x7BE] =	sst s9  }
0x49: {  	s12 =	sadd.s32 $0x210, s6;
	[smem:$0x7BF] =	sst s10  }
0x4a: {  	[smem:$0x7C0] =	sst s12;
	s13 =	sadd.s32 $0x220, s6  }
0x4b: {  	s14 =	sadd.s32 $0x230, s6;
	[smem:$0x7C1] =	sst s13  }
0x4c: {  	s15 =	sadd.s32 $0x240, s6;
	[smem:$0x7C2] =	sst s14  }
0x4d: {  	s16 =	sadd.s32 $0x250, s6;
	[smem:$0x7C3] =	sst s15  }
0x4e: {  	s17 =	sadd.s32 $0x260, s6;
	[smem:$0x7C4] =	sst s16  }
0x4f: {  	s18 =	sadd.s32 $0x270, s6;
	[smem:$0x7C5] =	sst s17  }
0x50: {  	s19 =	sadd.s32 $0x280, s6;
	[smem:$0x7C6] =	sst s18  }
0x51: {  	s20 =	sadd.s32 $0x290, s6;
	[smem:$0x7C7] =	sst s19  }
0x52: {  	s21 =	sadd.s32 $0x2A0, s6;
	[smem:$0x7C8] =	sst s20  }
0x53: {  	s22 =	sadd.s32 $0x2B0, s6;
	[smem:$0x7C9] =	sst s21  }
0x54: {  	s23 =	sadd.s32 $0x2C0, s6;
	[smem:$0x7CA] =	sst s22  }
0x55: {  	s24 =	sadd.s32 $0x2D0, s6;
	[smem:$0x7CB] =	sst s23  }
0x56: {  	s25 =	sadd.s32 $0x2E0, s6;
	[smem:$0x7CC] =	sst s24  }
0x57: {  	s26 =	sadd.s32 $0x2F0, s6;
	[smem:$0x7CD] =	sst s25  }
0x58: {  	s28 =	sadd.s32 $0x300, s6;
	[smem:$0x7CE] =	sst s26  }
0x59: {  	s29 =	sadd.s32 $0x310, s6;
	[smem:$0x7CF] =	sst s28  }
0x5a: {  	s31 =	sadd.s32 $0x320, s6;
	[smem:$0x7D0] =	sst s29  }
0x5b: {  	s1 =	sadd.s32 $0x330, s6;
	[smem:$0x7D1] =	sst s31  }
0x5c: {  	s8 =	sadd.s32 $0x340, s6;
	[smem:$0x7D2] =	sst s1  }
0x5d: {  	s9 =	sadd.s32 $0x350, s6;
	[smem:$0x7D3] =	sst s8  }
0x5e: {  	s10 =	sadd.s32 $0x360, s6;
	[smem:$0x7D4] =	sst s9  }
0x5f: {  	s12 =	sadd.s32 $0x370, s6;
	[smem:$0x7D5] =	sst s10  }
0x60: {  	[smem:$0x7D6] =	sst s12;
	s13 =	sadd.s32 $0x380, s6  }
0x61: {  	s14 =	sadd.s32 $0x390, s6;
	[smem:$0x7D7] =	sst s13  }
0x62: {  	s15 =	sadd.s32 $0x3A0, s6;
	[smem:$0x7D8] =	sst s14  }
0x63: {  	s16 =	sadd.s32 $0x3B0, s6;
	[smem:$0x7D9] =	sst s15  }
0x64: {  	s17 =	sadd.s32 $0x3C0, s6;
	[smem:$0x7DA] =	sst s16  }
0x65: {  	s18 =	sadd.s32 $0x3D0, s6;
	[smem:$0x7DB] =	sst s17  }
0x66: {  	s19 =	sadd.s32 $0x3E0, s6;
	[smem:$0x7DC] =	sst s18  }
0x67: {  	s20 =	sadd.s32 $0x3F0, s6;
	[smem:$0x7DD] =	sst s19  }
0x68: {  	s21 =	sadd.s32 $0xF4610, s6;
	[smem:$0x7DE] =	sst s20  }
0x69: {  	s22 =	sadd.s32 $0xF4620, s6;
	[smem:$0x7DF] =	sst s21  }
0x6a: {  	s23 =	sadd.s32 $0xF4630, s6;
	[smem:$0x7E0] =	sst s22  }
0x6b: {  	s24 =	sadd.s32 $0xF4640, s6;
	[smem:$0x7E1] =	sst s23  }
0x6c: {  	s25 =	sadd.s32 $0xF4650, s6;
	[smem:$0x7E2] =	sst s24  }
0x6d: {  	s26 =	sadd.s32 $0xF4660, s6;
	[smem:$0x7E3] =	sst s25  }
0x6e: {  	s28 =	sadd.s32 $0xF4670, s6;
	[smem:$0x7E4] =	sst s26  }
0x6f: {  	s29 =	sadd.s32 $0xF4680, s6;
	[smem:$0x7E5] =	sst s28  }
0x70: {  	s31 =	sadd.s32 $0xF4690, s6;
	[smem:$0x7E6] =	sst s29  }
0x71: {  	s1 =	sadd.s32 $0xF46A0, s6;
	[smem:$0x7E7] =	sst s31  }
0x72: {  	s8 =	sadd.s32 $0xF46B0, s6;
	[smem:$0x7E8] =	sst s1  }
0x73: {  	s9 =	sadd.s32 $0xF46C0, s6;
	[smem:$0x7E9] =	sst s8  }
0x74: {  	s10 =	sadd.s32 $0xF46D0, s6;
	[smem:$0x7EA] =	sst s9  }
0x75: {  	s12 =	sadd.s32 $0xF46E0, s6;
	[smem:$0x7EB] =	sst s10  }
0x76: {  	[smem:$0x7EC] =	sst s12;
	s13 =	sadd.s32 $0xF46F0, s6  }
0x77: {  	s14 =	sadd.s32 $0xF4700, s6;
	[smem:$0x7ED] =	sst s13  }
0x78: {  	s15 =	sadd.s32 $0xF4710, s6;
	[smem:$0x7EE] =	sst s14  }
0x79: {  	s16 =	sadd.s32 $0xF4720, s6;
	[smem:$0x7EF] =	sst s15  }
0x7a: {  	s17 =	sadd.s32 $0xF4730, s6;
	[smem:$0x7F0] =	sst s16  }
0x7b: {  	s18 =	sadd.s32 $0xF4740, s6;
	[smem:$0x7F1] =	sst s17  }
0x7c: {  	s19 =	sadd.s32 $0xF4750, s6;
	[smem:$0x7F2] =	sst s18  }
0x7d: {  	s20 =	sadd.s32 $0xF4760, s6;
	[smem:$0x7F3] =	sst s19  }
0x7e: {  	s21 =	sadd.s32 $0xF4770, s6;
	[smem:$0x7F4] =	sst s20  }
0x7f: {  	s22 =	sadd.s32 $0xF4780, s6;
	[smem:$0x7F5] =	sst s21  }
0x80: {  	s23 =	sadd.s32 $0xF4790, s6;
	[smem:$0x7F6] =	sst s22  }
0x81: {  	s24 =	sadd.s32 $0xF47A0, s6;
	[smem:$0x7F7] =	sst s23  }
0x82: {  	s25 =	sadd.s32 $0xF47B0, s6;
	[smem:$0x7F8] =	sst s24  }
0x83: {  	s26 =	sadd.s32 $0xF47C0, s6;
	[smem:$0x7F9] =	sst s25  }
0x84: {  	s30 =	simm.s32 $0x3300;
	s28 =	sadd.s32 $0xF47D0, s6;
	[smem:$0x7FA] =	sst s26  }
0x85: {  	s11 =	sadd.s32 $0xF4400, s2;
	s29 =	sadd.s32 $0xF47E0, s6;
	[smem:$0x7FB] =	sst s28  }
0x86: {  	s0 =	simm.s32 $0x1100;
	s31 =	sadd.s32 $0xF47F0, s6;
	[smem:$0x7FC] =	sst s29  }
.Ltmp0:
0x87: {  	s12 =	simm.s32 $0x2200;
	[smem:$0x7FD] =	sst s31;
	(pc) =	sbr.rel .LBB2_1-.Ltmp0, $4  }
0x88: {  	s24 =	simm.s32 $0x880;
	s16 =	simm.s32 $0x1980;
	s21 =	simm.s32 $0x2A80  }
0x89: {  	s15 =	simm.s32 $0x3B80;
	s17 =	simm.s32 $0x4268;
	s18 =	simm.s32 $0x42F0  }
0x8a: {  	v0 =	vlaneseq.u32;
	s19 =	simm.s32 $0x4378;
	s20 =	simm.s32 $0x1;
	s22 =	simm.s32 $0x4400  }
0x8b: {  	v0 =	vmul.u32 $0x88, v0;
	s23 =	simm.s32 $0x2;
	s25 =	simm.s32 $0x6400;
	s26 =	simm.s32 $0x0  }
.LBB2_49:
0x8c: {  	s1 =	simm.s32 $0x3  }
0x8d: {  	_ =	swait.ge [sflag:s1], $0x2000  }
0x8e: {  	[sflag:s1] =	ssyncset.done $0x0  }
0x8f: {  	s6 =	simm.s32 $0x4;
	[sflag:s1] =	ssyncadd.s32 $0xFFFFE000  }
0x90: {  	_ =	swait.ge [sflag:s6], $0x2000  }
0x91: {  	s26 =	sadd.s32 $0x1, s26;
	s31 =	rddreg [dreg:$0x7]  }
0x92: {  	p0 =	sne.s32 s26, s31  }
.Ltmp1:
0x93: {  	_ = 	snop;
	(pc) =	sbr.rel @!p0 .LBB2_50-.Ltmp1, $3  }
0x94: {  	_ =	sdelay $0x1  }
0x95: {  	[sflag:s6] =	ssyncset.done $0x0  }
0x96: {  	[sflag:s6] =	ssyncadd.s32 $0xFFFFE000  }
.LBB2_1:
0x97: {  	s1 =	rddreg [dreg:$0x3]  }
0x98: {  	s28 =	rddreg [dreg:$0x8]  }
0x99: {  	[tilespmem:s3], [sflag:$0x1] =	stream.linear.gather [hbm4b:s1+s3], $0x80, $0x38;
	[tilespmem:$0x8400] =	vst v63  }
0x9a: {  	s6 =	simm.s32 $0x88;
	s29 =	rddreg [dreg:$0x9]  }
0x9b: {  	[tilespmem:s6], [sflag:$0x1] =	stream.linear.gather [hbm4b:s28+s3], $0x80, $0x38;
	[tilespmem:$0x8400] =	vst v63  }
0x9c: {  	s31 =	simm.s32 $0x110;
	s8 =	rddreg [dreg:$0xa]  }
0x9d: {  	[tilespmem:s31], [sflag:$0x1] =	stream.linear.gather [hbm4b:s29+s3], $0x80, $0x38;
	[tilespmem:$0x8400] =	vst v63  }
0x9e: {  	s9 =	simm.s32 $0x198;
	s10 =	rddreg [dreg:$0xb]  }
0x9f: {  	[tilespmem:s9], [sflag:$0x1] =	stream.linear.gather [hbm4b:s8+s3], $0x80, $0x38;
	[tilespmem:$0x8400] =	vst v63  }
0xa0: {  	s13 =	simm.s32 $0x220;
	s14 =	rddreg [dreg:$0xc]  }
0xa1: {  	[tilespmem:s13], [sflag:$0x1] =	stream.linear.gather [hbm4b:s10+s3], $0x80, $0x38;
	[tilespmem:$0x8400] =	vst v63  }
0xa2: {  	s28 =	simm.s32 $0x2A8;
	s6 =	rddreg [dreg:$0xe]  }
0xa3: {  	[tilespmem:s28], [sflag:$0x1] =	stream.linear.gather [hbm4b:s14+s3], $0x80, $0x38;
	[tilespmem:$0x8400] =	vst v63  }
0xa4: {  	s29 =	rddreg [dreg:$0xd];
	s31 =	simm.s32 $0x330  }
0xa5: {  	[tilespmem:s31], [sflag:$0x1] =	stream.linear.gather [hbm4b:s29+s3], $0x80, $0x38;
	[tilespmem:$0x8400] =	vst v63  }
0xa6: {  	s8 =	simm.s32 $0x3B8;
	s9 =	rddreg [dreg:$0xf]  }
0xa7: {  	[tilespmem:s8], [sflag:$0x1] =	stream.linear.gather [hbm4b:s6+s3], $0x80, $0x38;
	[tilespmem:$0x8400] =	vst v63  }
0xa8: {  	s10 =	rddreg [dreg:$0x10]  }
0xa9: {  	[tilespmem:s24], [sflag:$0x1] =	stream.linear.gather [hbm4b:s9+s3], $0x80, $0x38;
	[tilespmem:$0x8400] =	vst v63  }
0xaa: {  	s13 =	simm.s32 $0x908;
	s14 =	rddreg [dreg:$0x11]  }
0xab: {  	[tilespmem:s13], [sflag:$0x1] =	stream.linear.gather [hbm4b:s10+s3], $0x80, $0x38;
	[tilespmem:$0x8400] =	vst v63  }
0xac: {  	s28 =	simm.s32 $0x990;
	s29 =	rddreg [dreg:$0x12]  }
0xad: {  	[tilespmem:s28], [sflag:$0x1] =	stream.linear.gather [hbm4b:s14+s3], $0x80, $0x38;
	[tilespmem:$0x8400] =	vst v63  }
0xae: {  	s31 =	simm.s32 $0xA18;
	s8 =	rddreg [dreg:$0x13]  }
0xaf: {  	[tilespmem:s31], [sflag:$0x1] =	stream.linear.gather [hbm4b:s29+s3], $0x80, $0x38;
	[tilespmem:$0x8400] =	vst v63  }
0xb0: {  	s6 =	rddreg [dreg:$0x17];
	s9 =	simm.s32 $0xAA0  }
0xb1: {  	[tilespmem:s9], [sflag:$0x1] =	stream.linear.gather [hbm4b:s8+s3], $0x80, $0x38;
	[tilespmem:$0x8400] =	vst v63  }
0xb2: {  	s10 =	rddreg [dreg:$0x14];
	s13 =	simm.s32 $0xB28  }
0xb3: {  	[tilespmem:s13], [sflag:$0x1] =	stream.linear.gather [hbm4b:s10+s3], $0x80, $0x38;
	[tilespmem:$0x8400] =	vst v63  }
0xb4: {  	s14 =	rddreg [dreg:$0x15];
	s28 =	simm.s32 $0xBB0  }
0xb5: {  	[tilespmem:s28], [sflag:$0x1] =	stream.linear.gather [hbm4b:s14+s3], $0x80, $0x38;
	[tilespmem:$0x8400] =	vst v63  }
0xb6: {  	s29 =	rddreg [dreg:$0x16];
	s31 =	simm.s32 $0xC38  }
0xb7: {  	[tilespmem:s31], [sflag:$0x1] =	stream.linear.gather [hbm4b:s29+s3], $0x80, $0x38;
	[tilespmem:$0x8400] =	vst v63  }
0xb8: {  	s8 =	rddreg [dreg:$0x18]  }
0xb9: {  	[tilespmem:s0], [sflag:$0x1] =	stream.linear.gather [hbm4b:s6+s3], $0x80, $0x38;
	[tilespmem:$0x8400] =	vst v63  }
0xba: {  	s9 =	simm.s32 $0x1188;
	s10 =	rddreg [dreg:$0x19]  }
0xbb: {  	[tilespmem:s9], [sflag:$0x1] =	stream.linear.gather [hbm4b:s8+s3], $0x80, $0x38;
	[tilespmem:$0x8400] =	vst v63  }
0xbc: {  	s13 =	simm.s32 $0x1210;
	s14 =	rddreg [dreg:$0x1a]  }
0xbd: {  	[tilespmem:s13], [sflag:$0x1] =	stream.linear.gather [hbm4b:s10+s3], $0x80, $0x38;
	[tilespmem:$0x8400] =	vst v63  }
0xbe: {  	s28 =	simm.s32 $0x1298;
	s29 =	rddreg [dreg:$0x1b]  }
0xbf: {  	[tilespmem:s28], [sflag:$0x1] =	stream.linear.gather [hbm4b:s14+s3], $0x80, $0x38;
	[tilespmem:$0x8400] =	vst v63  }
0xc0: {  	s31 =	simm.s32 $0x1320;
	s6 =	rddreg [dreg:$0x1c]  }
0xc1: {  	[tilespmem:s31], [sflag:$0x1] =	stream.linear.gather [hbm4b:s29+s3], $0x80, $0x38;
	[tilespmem:$0x8400] =	vst v63  }
0xc2: {  	s8 =	simm.s32 $0x13A8;
	s9 =	rddreg [dreg:$0x1d]  }
0xc3: {  	[tilespmem:s8], [sflag:$0x1] =	stream.linear.gather [hbm4b:s6+s3], $0x80, $0x38;
	[tilespmem:$0x8400] =	vst v63  }
0xc4: {  	s10 =	simm.s32 $0x1430;
	s13 =	rddreg [dreg:$0x1e]  }
0xc5: {  	[tilespmem:s10], [sflag:$0x1] =	stream.linear.gather [hbm4b:s9+s3], $0x80, $0x38;
	[tilespmem:$0x8400] =	vst v63  }
0xc6: {  	s14 =	simm.s32 $0x14B8;
	s28 =	rddreg [dreg:$0x1f]  }
0xc7: {  	[tilespmem:s14], [sflag:$0x1] =	stream.linear.gather [hbm4b:s13+s3], $0x80, $0x38;
	[tilespmem:$0x8400] =	vst v63  }
0xc8: {  	s29 =	sld [smem:$0x79A]  }
0xc9: {  	[tilespmem:s16], [sflag:$0x1] =	stream.linear.gather [hbm4b:s28+s3], $0x80, $0x38;
	[tilespmem:$0x8400] =	vst v63  }
0xca: {  	s31 =	simm.s32 $0x1A08;
	s8 =	sld [smem:$0x79B]  }
0xcb: {  	[tilespmem:s31], [sflag:$0x1] =	stream.linear.gather [hbm4b:s29+s3], $0x80, $0x38;
	[tilespmem:$0x8400] =	vst v63  }
0xcc: {  	s9 =	simm.s32 $0x1A90;
	s10 =	sld [smem:$0x79C]  }
0xcd: {  	[tilespmem:s9], [sflag:$0x1] =	stream.linear.gather [hbm4b:s8+s3], $0x80, $0x38;
	[tilespmem:$0x8400] =	vst v63  }
0xce: {  	s13 =	simm.s32 $0x1B18;
	s14 =	sld [smem:$0x79D]  }
0xcf: {  	[tilespmem:s13], [sflag:$0x1] =	stream.linear.gather [hbm4b:s10+s3], $0x80, $0x38;
	[tilespmem:$0x8400] =	vst v63  }
0xd0: {  	s28 =	simm.s32 $0x1BA0;
	s29 =	sld [smem:$0x79E]  }
0xd1: {  	[tilespmem:s28], [sflag:$0x1] =	stream.linear.gather [hbm4b:s14+s3], $0x80, $0x38;
	[tilespmem:$0x8400] =	vst v63  }
0xd2: {  	s31 =	simm.s32 $0x1C28;
	s8 =	sld [smem:$0x79F]  }
0xd3: {  	[tilespmem:s31], [sflag:$0x1] =	stream.linear.gather [hbm4b:s29+s3], $0x80, $0x38;
	[tilespmem:$0x8400] =	vst v63  }
0xd4: {  	s9 =	simm.s32 $0x1CB0;
	s10 =	sld [smem:$0x7A0]  }
0xd5: {  	[tilespmem:s9], [sflag:$0x1] =	stream.linear.gather [hbm4b:s8+s3], $0x80, $0x38;
	[tilespmem:$0x8400] =	vst v63  }
0xd6: {  	s13 =	simm.s32 $0x1D38;
	s14 =	rddreg [dreg:$0x4]  }
0xd7: {  	[tilespmem:s13], [sflag:$0x1] =	stream.linear.gather [hbm4b:s10+s3], $0x80, $0x38;
	[tilespmem:$0x8400] =	vst v63  }
0xd8: {  	s28 =	simm.s32 $0x440;
	s29 =	sld [smem:$0x7A1]  }
0xd9: {  	[tilespmem:s28], [sflag:$0x1] =	stream.linear.gather [hbm4b:s14+s3], $0x80, $0x38;
	[tilespmem:$0x8400] =	vst v63  }
0xda: {  	s31 =	simm.s32 $0x4C8;
	s8 =	sld [smem:$0x7A2]  }
0xdb: {  	[tilespmem:s31], [sflag:$0x1] =	stream.linear.gather [hbm4b:s29+s3], $0x80, $0x38;
	[tilespmem:$0x8400] =	vst v63  }
0xdc: {  	s9 =	simm.s32 $0x550;
	s10 =	sld [smem:$0x7A3]  }
0xdd: {  	[tilespmem:s9], [sflag:$0x1] =	stream.linear.gather [hbm4b:s8+s3], $0x80, $0x38;
	[tilespmem:$0x8400] =	vst v63  }
0xde: {  	s13 =	simm.s32 $0x5D8;
	s14 =	sld [smem:$0x7A4]  }
0xdf: {  	[tilespmem:s13], [sflag:$0x1] =	stream.linear.gather [hbm4b:s10+s3], $0x80, $0x38;
	[tilespmem:$0x8400] =	vst v63  }
0xe0: {  	s28 =	simm.s32 $0x660;
	s29 =	sld [smem:$0x7A5]  }
0xe1: {  	[tilespmem:s28], [sflag:$0x1] =	stream.linear.gather [hbm4b:s14+s3], $0x80, $0x38;
	[tilespmem:$0x8400] =	vst v63  }
0xe2: {  	s31 =	simm.s32 $0x6E8;
	s8 =	sld [smem:$0x7A6]  }
0xe3: {  	[tilespmem:s31], [sflag:$0x1] =	stream.linear.gather [hbm4b:s29+s3], $0x80, $0x38;
	[tilespmem:$0x8400] =	vst v63  }
0xe4: {  	s9 =	simm.s32 $0x770;
	s10 =	sld [smem:$0x7A7]  }
0xe5: {  	[tilespmem:s9], [sflag:$0x1] =	stream.linear.gather [hbm4b:s8+s3], $0x80, $0x38;
	[tilespmem:$0x8400] =	vst v63  }
0xe6: {  	s13 =	simm.s32 $0x7F8;
	s14 =	sld [smem:$0x7A8]  }
0xe7: {  	[tilespmem:s13], [sflag:$0x1] =	stream.linear.gather [hbm4b:s10+s3], $0x80, $0x38;
	[tilespmem:$0x8400] =	vst v63  }
0xe8: {  	s28 =	simm.s32 $0xCC0;
	s29 =	sld [smem:$0x7A9]  }
0xe9: {  	[tilespmem:s28], [sflag:$0x1] =	stream.linear.gather [hbm4b:s14+s3], $0x80, $0x38;
	[tilespmem:$0x8400] =	vst v63  }
0xea: {  	s31 =	simm.s32 $0xD48;
	s8 =	sld [smem:$0x7AA]  }
0xeb: {  	[tilespmem:s31], [sflag:$0x1] =	stream.linear.gather [hbm4b:s29+s3], $0x80, $0x38;
	[tilespmem:$0x8400] =	vst v63  }
0xec: {  	s9 =	simm.s32 $0xDD0;
	s10 =	sld [smem:$0x7AB]  }
0xed: {  	[tilespmem:s9], [sflag:$0x1] =	stream.linear.gather [hbm4b:s8+s3], $0x80, $0x38;
	[tilespmem:$0x8400] =	vst v63  }
0xee: {  	s13 =	simm.s32 $0xE58;
	s14 =	sld [smem:$0x7AC]  }
0xef: {  	[tilespmem:s13], [sflag:$0x1] =	stream.linear.gather [hbm4b:s10+s3], $0x80, $0x38;
	[tilespmem:$0x8400] =	vst v63  }
0xf0: {  	s28 =	simm.s32 $0xEE0;
	s29 =	sld [smem:$0x7AD]  }
0xf1: {  	[tilespmem:s28], [sflag:$0x1] =	stream.linear.gather [hbm4b:s14+s3], $0x80, $0x38;
	[tilespmem:$0x8400] =	vst v63  }
0xf2: {  	s31 =	simm.s32 $0xF68;
	s8 =	sld [smem:$0x7AE]  }
0xf3: {  	[tilespmem:s31], [sflag:$0x1] =	stream.linear.gather [hbm4b:s29+s3], $0x80, $0x38;
	[tilespmem:$0x8400] =	vst v63  }
0xf4: {  	s9 =	simm.s32 $0xFF0;
	s10 =	sld [smem:$0x7AF]  }
0xf5: {  	[tilespmem:s9], [sflag:$0x1] =	stream.linear.gather [hbm4b:s8+s3], $0x80, $0x38;
	[tilespmem:$0x8400] =	vst v63  }
0xf6: {  	s13 =	simm.s32 $0x1078;
	s14 =	sld [smem:$0x7B0]  }
0xf7: {  	[tilespmem:s13], [sflag:$0x1] =	stream.linear.gather [hbm4b:s10+s3], $0x80, $0x38;
	[tilespmem:$0x8400] =	vst v63  }
0xf8: {  	s28 =	simm.s32 $0x1540;
	s29 =	sld [smem:$0x7B1]  }
0xf9: {  	[tilespmem:s28], [sflag:$0x1] =	stream.linear.gather [hbm4b:s14+s3], $0x80, $0x38;
	[tilespmem:$0x8400] =	vst v63  }
0xfa: {  	s31 =	simm.s32 $0x15C8;
	s8 =	sld [smem:$0x7B2]  }
0xfb: {  	[tilespmem:s31], [sflag:$0x1] =	stream.linear.gather [hbm4b:s29+s3], $0x80, $0x38;
	[tilespmem:$0x8400] =	vst v63  }
0xfc: {  	s9 =	simm.s32 $0x1650;
	s10 =	sld [smem:$0x7B3]  }
0xfd: {  	[tilespmem:s9], [sflag:$0x1] =	stream.linear.gather [hbm4b:s8+s3], $0x80, $0x38;
	[tilespmem:$0x8400] =	vst v63  }
0xfe: {  	s13 =	simm.s32 $0x16D8;
	s14 =	sld [smem:$0x7B4]  }
0xff: {  	[tilespmem:s13], [sflag:$0x1] =	stream.linear.gather [hbm4b:s10+s3], $0x80, $0x38;
	[tilespmem:$0x8400] =	vst v63  }
0x100: {  	s28 =	simm.s32 $0x1760;
	s29 =	sld [smem:$0x7B5]  }
0x101: {  	[tilespmem:s28], [sflag:$0x1] =	stream.linear.gather [hbm4b:s14+s3], $0x80, $0x38;
	[tilespmem:$0x8400] =	vst v63  }
0x102: {  	s31 =	simm.s32 $0x17E8;
	s8 =	sld [smem:$0x7B6]  }
0x103: {  	[tilespmem:s31], [sflag:$0x1] =	stream.linear.gather [hbm4b:s29+s3], $0x80, $0x38;
	[tilespmem:$0x8400] =	vst v63  }
0x104: {  	s9 =	simm.s32 $0x1870;
	s10 =	sld [smem:$0x7B7]  }
0x105: {  	[tilespmem:s9], [sflag:$0x1] =	stream.linear.gather [hbm4b:s8+s3], $0x80, $0x38;
	[tilespmem:$0x8400] =	vst v63  }
0x106: {  	s13 =	simm.s32 $0x18F8;
	s14 =	sld [smem:$0x7B8]  }
0x107: {  	[tilespmem:s13], [sflag:$0x1] =	stream.linear.gather [hbm4b:s10+s3], $0x80, $0x38;
	[tilespmem:$0x8400] =	vst v63  }
0x108: {  	s28 =	simm.s32 $0x1DC0;
	s29 =	sld [smem:$0x7B9]  }
0x109: {  	[tilespmem:s28], [sflag:$0x1] =	stream.linear.gather [hbm4b:s14+s3], $0x80, $0x38;
	[tilespmem:$0x8400] =	vst v63  }
0x10a: {  	s31 =	simm.s32 $0x1E48;
	s8 =	sld [smem:$0x7BA]  }
0x10b: {  	[tilespmem:s31], [sflag:$0x1] =	stream.linear.gather [hbm4b:s29+s3], $0x80, $0x38;
	[tilespmem:$0x8400] =	vst v63  }
0x10c: {  	s9 =	simm.s32 $0x1ED0;
	s10 =	sld [smem:$0x7BB]  }
0x10d: {  	[tilespmem:s9], [sflag:$0x1] =	stream.linear.gather [hbm4b:s8+s3], $0x80, $0x38;
	[tilespmem:$0x8400] =	vst v63  }
0x10e: {  	s13 =	simm.s32 $0x1F58;
	s14 =	sld [smem:$0x7BC]  }
0x10f: {  	[tilespmem:s13], [sflag:$0x1] =	stream.linear.gather [hbm4b:s10+s3], $0x80, $0x38;
	[tilespmem:$0x8400] =	vst v63  }
0x110: {  	s28 =	simm.s32 $0x1FE0;
	s29 =	sld [smem:$0x7BD]  }
0x111: {  	[tilespmem:s28], [sflag:$0x1] =	stream.linear.gather [hbm4b:s14+s3], $0x80, $0x38;
	[tilespmem:$0x8400] =	vst v63  }
0x112: {  	s6 =	sld [smem:$0x7BE];
	s31 =	simm.s32 $0x2068  }
0x113: {  	[tilespmem:s31], [sflag:$0x1] =	stream.linear.gather [hbm4b:s29+s3], $0x80, $0x38;
	[tilespmem:$0x8400] =	vst v63  }
0x114: {  	s8 =	simm.s32 $0x20F0;
	s9 =	sld [smem:$0x7BF]  }
0x115: {  	[tilespmem:s8], [sflag:$0x1] =	stream.linear.gather [hbm4b:s6+s3], $0x80, $0x38;
	[tilespmem:$0x8400] =	vst v63  }
0x116: {  	s10 =	simm.s32 $0x2178;
	s13 =	rddreg [dreg:$0x5]  }
0x117: {  	[tilespmem:s10], [sflag:$0x1] =	stream.linear.gather [hbm4b:s9+s3], $0x80, $0x38;
	[tilespmem:$0x8400] =	vst v63  }
0x118: {  	s14 =	sld [smem:$0x7C0]  }
0x119: {  	[tilespmem:s12], [sflag:$0x2] =	stream.linear.gather [hbm4b:s13+s3], $0x80, $0x38;
	[tilespmem:$0x8400] =	vst v63  }
0x11a: {  	s28 =	simm.s32 $0x2288;
	s29 =	sld [smem:$0x7C1]  }
0x11b: {  	[tilespmem:s28], [sflag:$0x2] =	stream.linear.gather [hbm4b:s14+s3], $0x80, $0x38;
	[tilespmem:$0x8400] =	vst v63  }
0x11c: {  	s31 =	simm.s32 $0x2310;
	s8 =	sld [smem:$0x7C2]  }
0x11d: {  	[tilespmem:s31], [sflag:$0x2] =	stream.linear.gather [hbm4b:s29+s3], $0x80, $0x38;
	[tilespmem:$0x8400] =	vst v63  }
0x11e: {  	s9 =	simm.s32 $0x2398;
	s10 =	sld [smem:$0x7C3]  }
0x11f: {  	[tilespmem:s9], [sflag:$0x2] =	stream.linear.gather [hbm4b:s8+s3], $0x80, $0x38;
	[tilespmem:$0x8400] =	vst v63  }
0x120: {  	s13 =	simm.s32 $0x2420;
	s14 =	sld [smem:$0x7C4]  }
0x121: {  	[tilespmem:s13], [sflag:$0x2] =	stream.linear.gather [hbm4b:s10+s3], $0x80, $0x38;
	[tilespmem:$0x8400] =	vst v63  }
0x122: {  	s28 =	simm.s32 $0x24A8;
	s29 =	sld [smem:$0x7C5]  }
0x123: {  	[tilespmem:s28], [sflag:$0x2] =	stream.linear.gather [hbm4b:s14+s3], $0x80, $0x38;
	[tilespmem:$0x8400] =	vst v63  }
0x124: {  	s6 =	sld [smem:$0x7C6];
	s31 =	simm.s32 $0x2530  }
0x125: {  	[tilespmem:s31], [sflag:$0x2] =	stream.linear.gather [hbm4b:s29+s3], $0x80, $0x38;
	[tilespmem:$0x8400] =	vst v63  }
0x126: {  	s8 =	simm.s32 $0x25B8;
	s9 =	sld [smem:$0x7C7]  }
0x127: {  	[tilespmem:s8], [sflag:$0x2] =	stream.linear.gather [hbm4b:s6+s3], $0x80, $0x38;
	[tilespmem:$0x8400] =	vst v63  }
0x128: {  	s10 =	sld [smem:$0x7C8]  }
0x129: {  	[tilespmem:s21], [sflag:$0x2] =	stream.linear.gather [hbm4b:s9+s3], $0x80, $0x38;
	[tilespmem:$0x8400] =	vst v63  }
0x12a: {  	s13 =	simm.s32 $0x2B08;
	s14 =	sld [smem:$0x7C9]  }
0x12b: {  	[tilespmem:s13], [sflag:$0x2] =	stream.linear.gather [hbm4b:s10+s3], $0x80, $0x38;
	[tilespmem:$0x8400] =	vst v63  }
0x12c: {  	s28 =	simm.s32 $0x2B90;
	s29 =	sld [smem:$0x7CA]  }
0x12d: {  	[tilespmem:s28], [sflag:$0x2] =	stream.linear.gather [hbm4b:s14+s3], $0x80, $0x38;
	[tilespmem:$0x8400] =	vst v63  }
0x12e: {  	s31 =	simm.s32 $0x2C18;
	s8 =	sld [smem:$0x7CB]  }
0x12f: {  	[tilespmem:s31], [sflag:$0x2] =	stream.linear.gather [hbm4b:s29+s3], $0x80, $0x38;
	[tilespmem:$0x8400] =	vst v63  }
0x130: {  	s9 =	simm.s32 $0x2CA0;
	s10 =	sld [smem:$0x7CC]  }
0x131: {  	[tilespmem:s9], [sflag:$0x2] =	stream.linear.gather [hbm4b:s8+s3], $0x80, $0x38;
	[tilespmem:$0x8400] =	vst v63  }
0x132: {  	s13 =	simm.s32 $0x2D28;
	s14 =	sld [smem:$0x7CD]  }
0x133: {  	[tilespmem:s13], [sflag:$0x2] =	stream.linear.gather [hbm4b:s10+s3], $0x80, $0x38;
	[tilespmem:$0x8400] =	vst v63  }
0x134: {  	s28 =	simm.s32 $0x2DB0;
	s29 =	sld [smem:$0x7CE]  }
0x135: {  	[tilespmem:s28], [sflag:$0x2] =	stream.linear.gather [hbm4b:s14+s3], $0x80, $0x38;
	[tilespmem:$0x8400] =	vst v63  }
0x136: {  	s6 =	sld [smem:$0x7CF];
	s31 =	simm.s32 $0x2E38  }
0x137: {  	[tilespmem:s31], [sflag:$0x2] =	stream.linear.gather [hbm4b:s29+s3], $0x80, $0x38;
	[tilespmem:$0x8400] =	vst v63  }
0x138: {  	s8 =	sld [smem:$0x7D0]  }
0x139: {  	[tilespmem:s30], [sflag:$0x2] =	stream.linear.gather [hbm4b:s6+s3], $0x80, $0x38;
	[tilespmem:$0x8400] =	vst v63  }
0x13a: {  	s9 =	simm.s32 $0x3388;
	s10 =	sld [smem:$0x7D1]  }
0x13b: {  	[tilespmem:s9], [sflag:$0x2] =	stream.linear.gather [hbm4b:s8+s3], $0x80, $0x38;
	[tilespmem:$0x8400] =	vst v63  }
0x13c: {  	s13 =	simm.s32 $0x3410;
	s14 =	sld [smem:$0x7D2]  }
0x13d: {  	[tilespmem:s13], [sflag:$0x2] =	stream.linear.gather [hbm4b:s10+s3], $0x80, $0x38;
	[tilespmem:$0x8400] =	vst v63  }
0x13e: {  	s28 =	simm.s32 $0x3498;
	s29 =	sld [smem:$0x7D3]  }
0x13f: {  	[tilespmem:s28], [sflag:$0x2] =	stream.linear.gather [hbm4b:s14+s3], $0x80, $0x38;
	[tilespmem:$0x8400] =	vst v63  }
0x140: {  	s31 =	simm.s32 $0x3520;
	s6 =	sld [smem:$0x7D4]  }
0x141: {  	[tilespmem:s31], [sflag:$0x2] =	stream.linear.gather [hbm4b:s29+s3], $0x80, $0x38;
	[tilespmem:$0x8400] =	vst v63  }
0x142: {  	s8 =	simm.s32 $0x35A8;
	s9 =	sld [smem:$0x7D5]  }
0x143: {  	[tilespmem:s8], [sflag:$0x2] =	stream.linear.gather [hbm4b:s6+s3], $0x80, $0x38;
	[tilespmem:$0x8400] =	vst v63  }
0x144: {  	s10 =	simm.s32 $0x3630;
	s13 =	sld [smem:$0x7D6]  }
0x145: {  	[tilespmem:s10], [sflag:$0x2] =	stream.linear.gather [hbm4b:s9+s3], $0x80, $0x38;
	[tilespmem:$0x8400] =	vst v63  }
0x146: {  	s14 =	simm.s32 $0x36B8;
	s28 =	sld [smem:$0x7D7]  }
0x147: {  	[tilespmem:s14], [sflag:$0x2] =	stream.linear.gather [hbm4b:s13+s3], $0x80, $0x38;
	[tilespmem:$0x8400] =	vst v63  }
0x148: {  	s29 =	sld [smem:$0x7D8]  }
0x149: {  	[tilespmem:s15], [sflag:$0x2] =	stream.linear.gather [hbm4b:s28+s3], $0x80, $0x38;
	[tilespmem:$0x8400] =	vst v63  }
0x14a: {  	s31 =	simm.s32 $0x3C08;
	s8 =	sld [smem:$0x7D9]  }
0x14b: {  	[tilespmem:s31], [sflag:$0x2] =	stream.linear.gather [hbm4b:s29+s3], $0x80, $0x38;
	[tilespmem:$0x8400] =	vst v63  }
0x14c: {  	s9 =	simm.s32 $0x3C90;
	s10 =	sld [smem:$0x7DA]  }
0x14d: {  	[tilespmem:s9], [sflag:$0x2] =	stream.linear.gather [hbm4b:s8+s3], $0x80, $0x38;
	[tilespmem:$0x8400] =	vst v63  }
0x14e: {  	s13 =	simm.s32 $0x3D18;
	s14 =	sld [smem:$0x7DB]  }
0x14f: {  	[tilespmem:s13], [sflag:$0x2] =	stream.linear.gather [hbm4b:s10+s3], $0x80, $0x38;
	[tilespmem:$0x8400] =	vst v63  }
0x150: {  	s28 =	simm.s32 $0x3DA0;
	s29 =	sld [smem:$0x7DC]  }
0x151: {  	[tilespmem:s28], [sflag:$0x2] =	stream.linear.gather [hbm4b:s14+s3], $0x80, $0x38;
	[tilespmem:$0x8400] =	vst v63  }
0x152: {  	s31 =	simm.s32 $0x3E28;
	s8 =	sld [smem:$0x7DD]  }
0x153: {  	[tilespmem:s31], [sflag:$0x2] =	stream.linear.gather [hbm4b:s29+s3], $0x80, $0x38;
	[tilespmem:$0x8400] =	vst v63  }
0x154: {  	s9 =	simm.s32 $0x3EB0;
	s10 =	sld [smem:$0x7DE]  }
0x155: {  	[tilespmem:s9], [sflag:$0x2] =	stream.linear.gather [hbm4b:s8+s3], $0x80, $0x38;
	[tilespmem:$0x8400] =	vst v63  }
0x156: {  	s13 =	simm.s32 $0x3F38;
	s14 =	rddreg [dreg:$0x6]  }
0x157: {  	[tilespmem:s13], [sflag:$0x2] =	stream.linear.gather [hbm4b:s10+s3], $0x80, $0x38;
	[tilespmem:$0x8400] =	vst v63  }
0x158: {  	s28 =	simm.s32 $0x2640;
	s29 =	sld [smem:$0x7DF]  }
0x159: {  	[tilespmem:s28], [sflag:$0x2] =	stream.linear.gather [hbm4b:s14+s3], $0x80, $0x38;
	[tilespmem:$0x8400] =	vst v63  }
0x15a: {  	s31 =	simm.s32 $0x26C8;
	s8 =	sld [smem:$0x7E0]  }
0x15b: {  	[tilespmem:s31], [sflag:$0x2] =	stream.linear.gather [hbm4b:s29+s3], $0x80, $0x38;
	[tilespmem:$0x8400] =	vst v63  }
0x15c: {  	s9 =	simm.s32 $0x2750;
	s10 =	sld [smem:$0x7E1]  }
0x15d: {  	[tilespmem:s9], [sflag:$0x2] =	stream.linear.gather [hbm4b:s8+s3], $0x80, $0x38;
	[tilespmem:$0x8400] =	vst v63  }
0x15e: {  	s13 =	simm.s32 $0x27D8;
	s14 =	sld [smem:$0x7E2]  }
0x15f: {  	[tilespmem:s13], [sflag:$0x2] =	stream.linear.gather [hbm4b:s10+s3], $0x80, $0x38;
	[tilespmem:$0x8400] =	vst v63  }
0x160: {  	s28 =	simm.s32 $0x2860;
	s29 =	sld [smem:$0x7E3]  }
0x161: {  	[tilespmem:s28], [sflag:$0x2] =	stream.linear.gather [hbm4b:s14+s3], $0x80, $0x38;
	[tilespmem:$0x8400] =	vst v63  }
0x162: {  	s31 =	simm.s32 $0x28E8;
	s8 =	sld [smem:$0x7E4]  }
0x163: {  	[tilespmem:s31], [sflag:$0x2] =	stream.linear.gather [hbm4b:s29+s3], $0x80, $0x38;
	[tilespmem:$0x8400] =	vst v63  }
0x164: {  	s9 =	simm.s32 $0x2970;
	s10 =	sld [smem:$0x7E5]  }
0x165: {  	[tilespmem:s9], [sflag:$0x2] =	stream.linear.gather [hbm4b:s8+s3], $0x80, $0x38;
	[tilespmem:$0x8400] =	vst v63  }
0x166: {  	s13 =	simm.s32 $0x29F8;
	s14 =	sld [smem:$0x7E6]  }
0x167: {  	[tilespmem:s13], [sflag:$0x2] =	stream.linear.gather [hbm4b:s10+s3], $0x80, $0x38;
	[tilespmem:$0x8400] =	vst v63  }
0x168: {  	s28 =	simm.s32 $0x2EC0;
	s29 =	sld [smem:$0x7E7]  }
0x169: {  	[tilespmem:s28], [sflag:$0x2] =	stream.linear.gather [hbm4b:s14+s3], $0x80, $0x38;
	[tilespmem:$0x8400] =	vst v63  }
0x16a: {  	s31 =	simm.s32 $0x2F48;
	s8 =	sld [smem:$0x7E8]  }
0x16b: {  	[tilespmem:s31], [sflag:$0x2] =	stream.linear.gather [hbm4b:s29+s3], $0x80, $0x38;
	[tilespmem:$0x8400] =	vst v63  }
0x16c: {  	s9 =	simm.s32 $0x2FD0;
	s10 =	sld [smem:$0x7E9]  }
0x16d: {  	[tilespmem:s9], [sflag:$0x2] =	stream.linear.gather [hbm4b:s8+s3], $0x80, $0x38;
	[tilespmem:$0x8400] =	vst v63  }
0x16e: {  	s13 =	simm.s32 $0x3058;
	s14 =	sld [smem:$0x7EA]  }
0x16f: {  	[tilespmem:s13], [sflag:$0x2] =	stream.linear.gather [hbm4b:s10+s3], $0x80, $0x38;
	[tilespmem:$0x8400] =	vst v63  }
0x170: {  	s28 =	simm.s32 $0x30E0;
	s29 =	sld [smem:$0x7EB]  }
0x171: {  	[tilespmem:s28], [sflag:$0x2] =	stream.linear.gather [hbm4b:s14+s3], $0x80, $0x38;
	[tilespmem:$0x8400] =	vst v63  }
0x172: {  	s31 =	simm.s32 $0x3168;
	s8 =	sld [smem:$0x7EC]  }
0x173: {  	[tilespmem:s31], [sflag:$0x2] =	stream.linear.gather [hbm4b:s29+s3], $0x80, $0x38;
	[tilespmem:$0x8400] =	vst v63  }
0x174: {  	s9 =	simm.s32 $0x31F0;
	s10 =	sld [smem:$0x7ED]  }
0x175: {  	[tilespmem:s9], [sflag:$0x2] =	stream.linear.gather [hbm4b:s8+s3], $0x80, $0x38;
	[tilespmem:$0x8400] =	vst v63  }
0x176: {  	s13 =	simm.s32 $0x3278;
	s14 =	sld [smem:$0x7EE]  }
0x177: {  	[tilespmem:s13], [sflag:$0x2] =	stream.linear.gather [hbm4b:s10+s3], $0x80, $0x38;
	[tilespmem:$0x8400] =	vst v63  }
0x178: {  	s28 =	simm.s32 $0x3740;
	s29 =	sld [smem:$0x7EF]  }
0x179: {  	[tilespmem:s28], [sflag:$0x2] =	stream.linear.gather [hbm4b:s14+s3], $0x80, $0x38;
	[tilespmem:$0x8400] =	vst v63  }
0x17a: {  	s31 =	simm.s32 $0x37C8;
	s8 =	sld [smem:$0x7F0]  }
0x17b: {  	[tilespmem:s31], [sflag:$0x2] =	stream.linear.gather [hbm4b:s29+s3], $0x80, $0x38;
	[tilespmem:$0x8400] =	vst v63  }
0x17c: {  	s9 =	simm.s32 $0x3850;
	s10 =	sld [smem:$0x7F1]  }
0x17d: {  	[tilespmem:s9], [sflag:$0x2] =	stream.linear.gather [hbm4b:s8+s3], $0x80, $0x38;
	[tilespmem:$0x8400] =	vst v63  }
0x17e: {  	s13 =	simm.s32 $0x38D8;
	s14 =	sld [smem:$0x7F2]  }
0x17f: {  	[tilespmem:s13], [sflag:$0x2] =	stream.linear.gather [hbm4b:s10+s3], $0x80, $0x38;
	[tilespmem:$0x8400] =	vst v63  }
0x180: {  	s28 =	simm.s32 $0x3960;
	s29 =	sld [smem:$0x7F3]  }
0x181: {  	[tilespmem:s28], [sflag:$0x2] =	stream.linear.gather [hbm4b:s14+s3], $0x80, $0x38;
	[tilespmem:$0x8400] =	vst v63  }
0x182: {  	s31 =	simm.s32 $0x39E8;
	s8 =	sld [smem:$0x7F4]  }
0x183: {  	[tilespmem:s31], [sflag:$0x2] =	stream.linear.gather [hbm4b:s29+s3], $0x80, $0x38;
	[tilespmem:$0x8400] =	vst v63  }
0x184: {  	s9 =	simm.s32 $0x3A70;
	s10 =	sld [smem:$0x7F5]  }
0x185: {  	[tilespmem:s9], [sflag:$0x2] =	stream.linear.gather [hbm4b:s8+s3], $0x80, $0x38;
	[tilespmem:$0x8400] =	vst v63  }
0x186: {  	s13 =	simm.s32 $0x3AF8;
	s14 =	sld [smem:$0x7F6]  }
0x187: {  	[tilespmem:s13], [sflag:$0x2] =	stream.linear.gather [hbm4b:s10+s3], $0x80, $0x38;
	[tilespmem:$0x8400] =	vst v63  }
0x188: {  	s28 =	simm.s32 $0x3FC0;
	s29 =	sld [smem:$0x7F7]  }
0x189: {  	[tilespmem:s28], [sflag:$0x2] =	stream.linear.gather [hbm4b:s14+s3], $0x80, $0x38;
	[tilespmem:$0x8400] =	vst v63  }
0x18a: {  	s6 =	sld [smem:$0x7F8];
	s31 =	simm.s32 $0x4048  }
0x18b: {  	[tilespmem:s31], [sflag:$0x2] =	stream.linear.gather [hbm4b:s29+s3], $0x80, $0x38;
	[tilespmem:$0x8400] =	vst v63  }
0x18c: {  	s8 =	simm.s32 $0x40D0;
	s9 =	sld [smem:$0x7F9]  }
0x18d: {  	[tilespmem:s8], [sflag:$0x2] =	stream.linear.gather [hbm4b:s6+s3], $0x80, $0x38;
	[tilespmem:$0x8400] =	vst v63  }
0x18e: {  	s10 =	simm.s32 $0x4158;
	s13 =	sld [smem:$0x7FA]  }
0x18f: {  	[tilespmem:s10], [sflag:$0x2] =	stream.linear.gather [hbm4b:s9+s3], $0x80, $0x38;
	[tilespmem:$0x8400] =	vst v63  }
0x190: {  	s14 =	simm.s32 $0x41E0;
	s28 =	sld [smem:$0x7FB]  }
0x191: {  	[tilespmem:s14], [sflag:$0x2] =	stream.linear.gather [hbm4b:s13+s3], $0x80, $0x38;
	[tilespmem:$0x8400] =	vst v63  }
0x192: {  	s29 =	sld [smem:$0x7FC]  }
0x193: {  	[tilespmem:s17], [sflag:$0x2] =	stream.linear.gather [hbm4b:s28+s3], $0x80, $0x38;
	[tilespmem:$0x8400] =	vst v63  }
.Ltmp2:
0x194: {  	_ = 	snop;
	(pc) =	sbr.rel .LBB2_2-.Ltmp2, $4  }
0x195: {  	s31 =	sld [smem:$0x7FD]  }
0x196: {  	[tilespmem:s18], [sflag:$0x2] =	stream.linear.gather [hbm4b:s29+s3], $0x80, $0x38;
	[tilespmem:$0x8400] =	vst v63  }
0x197: {  	s6 =	simm.s32 $0x0  }
0x198: {  	[tilespmem:s19], [sflag:$0x2] =	stream.linear.gather [hbm4b:s31+s3], $0x80, $0x38;
	[tilespmem:$0x8400] =	vst v63  }
.LBB2_47:
0x199: {  	s1 =	sadd.s32 s4, s29  }
0x19a: {  	s1 =	sshll.u32 s1, $0xA  }
0x19b: {  	s1 =	sand.u32 $0x1FFFFC00, s1  }
0x19c: {  	s1 =	sadd.s32 s5, s1  }
0x19d: {  	[hbm4b:s1+s3] =	stream.linear.scatter [tilespmem:s25], [sflag:$0x4], $0x2000, $0x38;
	[tilespmem:$0x8400] =	vst v63  }
.LBB2_48:
0x19e: {  	s6 =	sadd.s32 $0x1, s6  }
0x19f: {  	p0 =	sne.s32 s6, $0x1F  }
.Ltmp3:
0x1a0: {  	_ = 	snop;
	(pc) =	sbr.rel @!p0 .LBB2_49-.Ltmp3, $1  }
0x1a1: {  	_ =	sdelay $0x3  }
.LBB2_2:
0x1a2: {  	s28 =	sshll.u32 s6, $0x1  }
0x1a3: {  	p0 =	sge.u32 s28, s7  }
.Ltmp4:
0x1a4: {  	_ = 	snop;
	(pc) =	sbr.rel @p0 .LBB2_25-.Ltmp4, $1  }
0x1a5: {  	_ =	sdelay $0x3  }
0x1a6: {  	_ =	swait.ge [sflag:s20], $0x1000  }
0x1a7: {  	s1 =	simm.s32 $0x3;
	[sflag:s20] =	ssyncset.done $0x0  }
0x1a8: {  	s8 =	simm.s32 $0x1;
	v1 =	vmov s1;
	[sflag:s20] =	ssyncadd.s32 $0xFFFFF000  }
0x1a9: {  	s14 =	simm.s32 $0x2;
	v2 =	vmov s8;
	v1 =	vand.u32 $0x7F, v1;
	_ =	swait.ge [sflag:s20], $0x1000  }
0x1aa: {  	p0 =	seq.s32 s6, $0x0;
	s1 =	simm.s32 $0x0;
	v3 =	vmov s14;
	v2 =	vand.u32 $0x7D, v2;
	v1 =	vadd.s32 v0, v1;
	[sflag:s20] =	ssyncset.done $0x0  }
0x1ab: {  	s8 =	simm.s32 @!p0 $0x3;
	v4 =	vmov s1;
	v3 =	vand.u32 $0x7E, v3;
	v2 =	vadd.s32 v0, v2;
	[sflag:s20] =	ssyncadd.s32 $0xFFFFF000  }
0x1ac: {  	s9 =	simm.s32 $0x7;
	v4 =	vand.u32 $0x7C, v4;
	v3 =	vadd.s32 v0, v3;
	_ =	swait.ge @!p0 [sflag:s8], $0x2000  }
0x1ad: {  	s29 =	simm.s32 $0x5;
	v5 =	vmov s9;
	v4 =	vadd.s32 v0, v4;
	[sflag:s8] =	ssyncset.done @!p0 $0x0  }
0x1ae: {  	v6 =	vmov s29;
	s29 =	simm.s32 $0x6;
	v5 =	vand.u32 $0x7F, v5;
	[sflag:s8] =	ssyncadd.s32 @!p0 $0xFFFFE000  }
0x1af: {  	s31 =	simm.s32 $0x4;
	v7 =	vand.u32 $0x7D, v6;
	v8 =	vmov s29;
	v6 =	vadd.s32 v0, v5;
	v9 =	vld.idx.msk [tilespmem:v1+s1+$0x0], $0xffff  }
0x1b0: {  	v5 =	vmov s31;
	v7 =	vadd.s32 v0, v7;
	v8 =	vand.u32 $0x7E, v8;
	v11 =	vld.idx.msk [tilespmem:v2+s1+$0x0], $0xffff  }
0x1b1: {  	v5 =	vand.u32 $0x7C, v5;
	v8 =	vadd.s32 v0, v8;
	v16 =	vld.idx.msk [tilespmem:v3+s1+$0x0], $0xffff  }
0x1b2: {  	v5 =	vadd.s32 v0, v5;
	v21 =	vld.idx.msk [tilespmem:v4+s1+$0x0], $0xffff  }
0x1b3: {  	s10 =	simm.s32 $0xB;
	s13 =	simm.s32 $0x9;
	s8 =	simm.s32 $0x4420  }
0x1b4: {  	v10 =	vmov s10;
	v12 =	vmov s13;
	s14 =	simm.s32 $0xA;
	v13 =	vld.idx.msk [tilespmem:v6+s1+$0x0], $0xffff;
	[tilespmem:s8+$0x10] =	vst v9  }
0x1b5: {  	v10 =	vand.u32 $0x7F, v10;
	s31 =	simm.s32 $0x8;
	v14 =	vld.idx.msk [tilespmem:v7+s1+$0x0], $0xffff;
	v9 =	vand.u32 $0x7D, v12;
	v12 =	vmov s14;
	[tilespmem:s8+$0xFFFFFFF0] =	vst v11  }
0x1b6: {  	v17 =	vadd.s32 v0, v10;
	v15 =	vld.idx.msk [tilespmem:v8+s1+$0x0], $0xffff;
	v11 =	vmov s31;
	[tilespmem:s8+$0x0] =	vst v16;
	v12 =	vand.u32 $0x7E, v12  }
0x1b7: {  	s9 =	simm.s32 $0xC;
	v16 =	vld.idx.msk [tilespmem:v5+s1+$0x0], $0xffff;
	[tilespmem:s8+$0xFFFFFFE0] =	vst v21;
	v18 =	vadd.s32 v0, v9;
	v20 =	vand.u32 $0x7C, v11;
	v19 =	vadd.s32 v0, v12  }
.LBB2_4:
0x1b8: {  	s29 =	sadd.s32 $0x3, s9  }
0x1b9: {  	p0 =	slt.u32 s9, $0x7C;
	v21 =	vadd.s32 v0, v20;
	s31 =	smov.u32 s9;
	s9 =	sadd.s32 $0x4, s9  }
.Ltmp5:
0x1ba: {  	s8 =	sadd.s32 $0x40, s8;
	s10 =	sadd.s32 $0x1, s31;
	v20 =	vmov s29;
	(pc) =	sbr.rel @p0 .LBB2_4-.Ltmp5, $4  }
0x1bb: {  	v22 =	vmov s10;
	s10 =	sadd.s32 $0x2, s31;
	v20 =	vand.u32 $0x7F, v20;
	[tilespmem:s8+$0x10] =	vst v13;
	v13 =	vld.idx.msk [tilespmem:v17+s1+$0x0], $0xffff  }
0x1bc: {  	v22 =	vand.u32 $0x7D, v22;
	v23 =	vmov s10;
	v17 =	vadd.s32 v0, v20;
	[tilespmem:s8+$0xFFFFFFF0] =	vst v14;
	v14 =	vld.idx.msk [tilespmem:v18+s1+$0x0], $0xffff  }
0x1bd: {  	v20 =	vmov s31;
	v18 =	vadd.s32 v0, v22;
	v22 =	vand.u32 $0x7E, v23;
	[tilespmem:s8+$0x0] =	vst v15;
	v15 =	vld.idx.msk [tilespmem:v19+s1+$0x0], $0xffff  }
0x1be: {  	v20 =	vand.u32 $0x7C, v20;
	v19 =	vadd.s32 v0, v22;
	[tilespmem:s8+$0xFFFFFFE0] =	vst v16;
	v16 =	vld.idx.msk [tilespmem:v21+s1+$0x0], $0xffff  }
0x1bf: {  	_ =	sdelay $0x1  }
0x1c0: {  	v20 =	vadd.s32 v0, v20;
	_ =	sdelay $0x1  }
0x1c1: {  	s8 =	sadd.s32 $0x40, s8;
	v17 =	vld.idx.msk [tilespmem:v17+s1+$0x0], $0xffff  }
0x1c2: {  	v61 =	vld.idx.msk [tilespmem:v18+s1+$0x0], $0xffff;
	[tilespmem:s8+$0x10] =	vst v13  }
0x1c3: {  	v62 =	vld.idx.msk [tilespmem:v19+s1+$0x0], $0xffff;
	[tilespmem:s8+$0xFFFFFFF0] =	vst v14  }
0x1c4: {  	[tilespmem:s8+$0x0] =	vst v15;
	v63 =	vld.idx.msk [tilespmem:v20+s1+$0x0], $0xffff  }
0x1c5: {  	s31 =	sadd.s32 $0x40, s8;
	[tilespmem:s8+$0xFFFFFFE0] =	vst v16  }
0x1c6: {  	[tilespmem:s31+$0x10] =	vst v17  }
0x1c7: {  	[tilespmem:s31+$0xFFFFFFF0] =	vst v61  }
0x1c8: {  	[tilespmem:s31+$0x0] =	vst v62  }
0x1c9: {  	[tilespmem:s31+$0xFFFFFFE0] =	vst v63  }
0x1ca: {  	v13 =	vld.idx.msk [tilespmem:v1+s24+$0x0], $0xffff  }
0x1cb: {  	v14 =	vld.idx.msk [tilespmem:v2+s24+$0x0], $0xffff  }
0x1cc: {  	v15 =	vld.idx.msk [tilespmem:v3+s24+$0x0], $0xffff  }
0x1cd: {  	v16 =	vld.idx.msk [tilespmem:v4+s24+$0x0], $0xffff  }
0x1ce: {  	s1 =	simm.s32 $0x4C30  }
0x1cf: {  	v1 =	vld.idx.msk [tilespmem:v6+s24+$0x0], $0xffff;
	[tilespmem:s1+$0x0] =	vst v13  }
0x1d0: {  	v2 =	vld.idx.msk [tilespmem:v7+s24+$0x0], $0xffff;
	[tilespmem:s1+$0xFFFFFFE0] =	vst v14  }
0x1d1: {  	v6 =	vadd.s32 v0, v10;
	v3 =	vld.idx.msk [tilespmem:v8+s24+$0x0], $0xffff;
	[tilespmem:s1+$0xFFFFFFF0] =	vst v15  }
0x1d2: {  	s8 =	simm.s32 $0xC;
	v7 =	vadd.s32 v0, v9;
	v9 =	vand.u32 $0x7C, v11;
	v8 =	vadd.s32 v0, v12;
	v4 =	vld.idx.msk [tilespmem:v5+s24+$0x0], $0xffff;
	[tilespmem:s1+$0xFFFFFFD0] =	vst v16  }
.LBB2_6:
0x1d3: {  	s9 =	sadd.s32 $0x3, s8  }
0x1d4: {  	p0 =	slt.u32 s8, $0x7C;
	v5 =	vadd.s32 v0, v9;
	s10 =	smov.u32 s8;
	s8 =	sadd.s32 $0x4, s8  }
.Ltmp6:
0x1d5: {  	s1 =	sadd.s32 $0x40, s1;
	s29 =	sadd.s32 $0x1, s10;
	v9 =	vmov s9;
	(pc) =	sbr.rel @p0 .LBB2_6-.Ltmp6, $4  }
0x1d6: {  	s9 =	sadd.s32 $0x2, s10;
	v10 =	vmov s29;
	v9 =	vand.u32 $0x7F, v9;
	[tilespmem:s1+$0x0] =	vst v1;
	v1 =	vld.idx.msk [tilespmem:v6+s24+$0x0], $0xffff  }
0x1d7: {  	v11 =	vmov s9;
	v10 =	vand.u32 $0x7D, v10;
	v6 =	vadd.s32 v0, v9;
	[tilespmem:s1+$0xFFFFFFE0] =	vst v2;
	v2 =	vld.idx.msk [tilespmem:v7+s24+$0x0], $0xffff  }
0x1d8: {  	v9 =	vmov s10;
	v7 =	vadd.s32 v0, v10;
	v10 =	vand.u32 $0x7E, v11;
	[tilespmem:s1+$0xFFFFFFF0] =	vst v3;
	v3 =	vld.idx.msk [tilespmem:v8+s24+$0x0], $0xffff  }
0x1d9: {  	v9 =	vand.u32 $0x7C, v9;
	v8 =	vadd.s32 v0, v10;
	[tilespmem:s1+$0xFFFFFFD0] =	vst v4;
	v4 =	vld.idx.msk [tilespmem:v5+s24+$0x0], $0xffff  }
0x1da: {  	_ =	sdelay $0x1  }
0x1db: {  	v5 =	vadd.s32 v0, v9;
	_ =	sdelay $0x1  }
0x1dc: {  	s1 =	sadd.s32 $0x40, s1;
	v6 =	vld.idx.msk [tilespmem:v6+s24+$0x0], $0xffff  }
0x1dd: {  	[tilespmem:s1+$0x0] =	vst v1;
	v1 =	vld.idx.msk [tilespmem:v7+s24+$0x0], $0xffff  }
0x1de: {  	v7 =	vld.idx.msk [tilespmem:v8+s24+$0x0], $0xffff;
	[tilespmem:s1+$0xFFFFFFE0] =	vst v2  }
0x1df: {  	s8 =	simm.s32 $0x3;
	s13 =	simm.s32 $0x2;
	p1 =	por $0x1, $0x1;
	[tilespmem:s1+$0xFFFFFFF0] =	vst v3;
	v5 =	vld.idx.msk [tilespmem:v5+s24+$0x0], $0xffff  }
.Ltmp7:
0x1e0: {  	s9 =	simm.s32 $0x1;
	v2 =	vmov s8;
	[tilespmem:s1+$0xFFFFFFD0] =	vst v4;
	s1 =	sadd.s32 $0x40, s1;
	v4 =	vmov s13;
	(pc) =	sbr.rel @!p1 .LBB2_14-.Ltmp7, $4  }
0x1e1: {  	s14 =	simm.s32 $0x0;
	v3 =	vmov s9;
	v2 =	vand.u32 $0x7F, v2;
	[tilespmem:s1+$0x0] =	vst v6;
	v6 =	vand.u32 $0x7E, v4  }
0x1e2: {  	v3 =	vand.u32 $0x7D, v3;
	v2 =	vadd.s32 v0, v2;
	[tilespmem:s1+$0xFFFFFFE0] =	vst v1;
	v1 =	vmov s14  }
0x1e3: {  	s31 =	simm.s32 $0x5430;
	s29 =	simm.s32 $0x4;
	p2 =	por $0x0, $0x0;
	v3 =	vadd.s32 v0, v3;
	[tilespmem:s1+$0xFFFFFFF0] =	vst v7;
	v4 =	vand.u32 $0x7C, v1;
	v1 =	vadd.s32 v0, v6  }
0x1e4: {  	p0 =	por $0x0, $0x0;
	p3 =	por $0x0, $0x0;
	v7 =	vmovc v3;
	v14 =	vmov v4;
	v6 =	vmov v1;
	[tilespmem:s1+$0xFFFFFFD0] =	vst v5;
	s1 =	simm.s32 $0x5430;
	v5 =	vmov v2  }
0x1e5: {  	_ =	sdelay $0x1  }
0x1e6: {  	v8 =	vadd.s32 v0, v4;
	p3 =	por $0x1, $0x1  }
.Ltmp8:
0x1e7: {  	s1 =	simm.s32 $0x7;
	(pc) =	sbr.rel @!p3 .LBB2_9-.Ltmp8, $4  }
0x1e8: {  	s8 =	simm.s32 $0x5;
	s14 =	simm.s32 $0x6;
	v10 =	vld.idx.msk [tilespmem:v2+s0+$0x0], $0xffff;
	v9 =	vmov s29;
	v5 =	vmov s1  }
0x1e9: {  	v12 =	vld.idx.msk [tilespmem:v3+s0+$0x0], $0xffff;
	v6 =	vmov s8;
	v7 =	vmov s14;
	v14 =	vand.u32 $0x7C, v9  }
0x1ea: {  	v15 =	vld.idx.msk [tilespmem:v1+s0+$0x0], $0xffff;
	v5 =	vand.u32 $0x7F, v5;
	v6 =	vand.u32 $0x7D, v6;
	v11 =	vand.u32 $0x7E, v7  }
0x1eb: {  	p2 =	por $0x1, $0x1;
	s1 =	simm.s32 $0x8;
	v5 =	vadd.s32 v0, v5;
	v7 =	vadd.s32 v0, v6;
	v6 =	vadd.s32 v0, v11;
	v13 =	vld.idx.msk [tilespmem:v8+s0+$0x0], $0xffff  }
0x1ec: {  	_ =	sdelay $0x1  }
0x1ed: {  	v16 =	vadd.s32 v0, v14;
	p4 =	por $0x1, $0x1  }
.Ltmp9:
0x1ee: {  	s8 =	simm.s32 $0xB;
	s9 =	simm.s32 $0x9;
	(pc) =	sbr.rel @!p4 .LBB2_11-.Ltmp9, $4  }
0x1ef: {  	s14 =	simm.s32 $0xA;
	v8 =	vld.idx.msk [tilespmem:v5+s0+$0x0], $0xffff;
	v9 =	vmov s8;
	v11 =	vmov s9;
	[tilespmem:s31+$0x0] =	vst v10  }
0x1f0: {  	v5 =	vand.u32 $0x7F, v9;
	v10 =	vand.u32 $0x7D, v11;
	v11 =	vmov s14;
	v9 =	vld.idx.msk [tilespmem:v7+s0+$0x0], $0xffff;
	[tilespmem:s31+$0xFFFFFFE0] =	vst v12  }
0x1f1: {  	v12 =	vmov s1;
	v5 =	vadd.s32 v0, v5;
	v17 =	vand.u32 $0x7E, v11;
	v11 =	vld.idx.msk [tilespmem:v6+s0+$0x0], $0xffff;
	[tilespmem:s31+$0xFFFFFFF0] =	vst v15  }
0x1f2: {  	p3 =	por $0x1, $0x1;
	s8 =	simm.s32 $0xC;
	s1 =	simm.s32 $0x5430;
	v7 =	vadd.s32 v0, v10;
	v14 =	vand.u32 $0x7C, v12;
	v6 =	vadd.s32 v0, v17;
	[tilespmem:s31+$0xFFFFFFD0] =	vst v13;
	v16 =	vld.idx.msk [tilespmem:v16+s0+$0x0], $0xffff  }
.LBB2_12:
0x1f3: {  	s9 =	sadd.s32 $0x3, s8  }
0x1f4: {  	p4 =	slt.u32 s8, $0x7C;
	v10 =	vadd.s32 v0, v14;
	s10 =	smov.u32 s8;
	s8 =	sadd.s32 $0x4, s8  }
.Ltmp10:
0x1f5: {  	s1 =	sadd.s32 $0x40, s1;
	s13 =	sadd.s32 $0x1, s10;
	v12 =	vmov s9;
	(pc) =	sbr.rel @p4 .LBB2_12-.Ltmp10, $4  }
0x1f6: {  	s9 =	sadd.s32 $0x2, s10;
	v13 =	vmov s13;
	v12 =	vand.u32 $0x7F, v12;
	[tilespmem:s1+$0x0] =	vst v8;
	v8 =	vld.idx.msk [tilespmem:v5+s0+$0x0], $0xffff  }
0x1f7: {  	v14 =	vmov s9;
	v13 =	vand.u32 $0x7D, v13;
	v5 =	vadd.s32 v0, v12;
	[tilespmem:s1+$0xFFFFFFE0] =	vst v9;
	v9 =	vld.idx.msk [tilespmem:v7+s0+$0x0], $0xffff  }
0x1f8: {  	v12 =	vmov s10;
	v7 =	vadd.s32 v0, v13;
	v13 =	vand.u32 $0x7E, v14;
	[tilespmem:s1+$0xFFFFFFF0] =	vst v11;
	v11 =	vld.idx.msk [tilespmem:v6+s0+$0x0], $0xffff  }
0x1f9: {  	v14 =	vand.u32 $0x7C, v12;
	v6 =	vadd.s32 v0, v13;
	[tilespmem:s1+$0xFFFFFFD0] =	vst v16;
	v16 =	vld.idx.msk [tilespmem:v10+s0+$0x0], $0xffff  }
0x1fa: {  	_ =	sdelay $0x3  }
0x1fb: {  	v10 =	vmovc v8;
	v12 =	vmov v9;
	v15 =	vmov v11;
	v13 =	vmov v16  }
.LBB2_14:
0x1fc: {  	_ =	sdelay $0x1  }
0x1fd: {  	v8 =	vadd.s32 v0, v14  }
0x1fe: {  	s1 =	sadd.s32 @p3 $0x40, s1;
	s8 =	simm.s32 $0x5430  }
0x1ff: {  	v5 =	vld.idx.msk [tilespmem:v5+s0+$0x0], $0xffff;
	s8 =	smov.u32 @p3 s1  }
0x200: {  	v7 =	vld.idx.msk [tilespmem:v7+s0+$0x0], $0xffff;
	[tilespmem:s8+$0x0] =	vst @p2 v10  }
0x201: {  	v6 =	vld.idx.msk [tilespmem:v6+s0+$0x0], $0xffff;
	[tilespmem:s8+$0xFFFFFFE0] =	vst @p2 v12  }
0x202: {  	[tilespmem:s8+$0xFFFFFFF0] =	vst @p2 v15;
	s1 =	sadd.s32 @p2 $0x40, s8;
	v8 =	vld.idx.msk [tilespmem:v8+s0+$0x0], $0xffff  }
.Ltmp11:
0x203: {  	[tilespmem:s8+$0xFFFFFFD0] =	vst @p2 v13;
	s31 =	smov.u32 @p2 s1;
	(pc) =	sbr.rel @!p1 .LBB2_15-.Ltmp11, $4  }
0x204: {  	[tilespmem:s31+$0x0] =	vst v5  }
0x205: {  	[tilespmem:s31+$0xFFFFFFE0] =	vst v7  }
0x206: {  	[tilespmem:s31+$0xFFFFFFF0] =	vst v6  }
0x207: {  	s1 =	simm.s32 $0x5C30;
	[tilespmem:s31+$0xFFFFFFD0] =	vst v8  }
0x208: {  	_ =	sdelay $0x1  }
0x209: {  	v5 =	vadd.s32 v0, v4;
	p2 =	por $0x1, $0x1  }
.Ltmp12:
0x20a: {  	s8 =	simm.s32 $0x7;
	s9 =	simm.s32 $0x5;
	(pc) =	sbr.rel @!p2 .LBB2_17-.Ltmp12, $4  }
0x20b: {  	s31 =	simm.s32 $0x6;
	v9 =	vld.idx.msk [tilespmem:v2+s16+$0x0], $0xffff;
	v4 =	vmov s8;
	v6 =	vmov s9  }
0x20c: {  	v10 =	vld.idx.msk [tilespmem:v3+s16+$0x0], $0xffff;
	v2 =	vand.u32 $0x7F, v4;
	v4 =	vand.u32 $0x7D, v6;
	v6 =	vmov s31  }
0x20d: {  	v7 =	vmov s29;
	v11 =	vld.idx.msk [tilespmem:v1+s16+$0x0], $0xffff;
	v2 =	vadd.s32 v0, v2;
	v6 =	vand.u32 $0x7E, v6  }
0x20e: {  	p1 =	por $0x1, $0x1;
	s8 =	simm.s32 $0x8;
	v3 =	vadd.s32 v0, v4;
	v4 =	vand.u32 $0x7C, v7;
	v1 =	vadd.s32 v0, v6;
	v8 =	vld.idx.msk [tilespmem:v5+s16+$0x0], $0xffff  }
0x20f: {  	_ =	sdelay $0x1  }
0x210: {  	v12 =	vadd.s32 v0, v4;
	p2 =	por $0x1, $0x1  }
.Ltmp13:
0x211: {  	s9 =	simm.s32 $0xB;
	s10 =	simm.s32 $0x9;
	(pc) =	sbr.rel @!p2 .LBB2_19-.Ltmp13, $4  }
0x212: {  	s31 =	simm.s32 $0xA;
	v5 =	vld.idx.msk [tilespmem:v2+s16+$0x0], $0xffff;
	v4 =	vmov s9;
	v6 =	vmov s10;
	[tilespmem:s1+$0x0] =	vst v9  }
0x213: {  	v7 =	vmov s31;
	v2 =	vand.u32 $0x7F, v4;
	v4 =	vand.u32 $0x7D, v6;
	v6 =	vld.idx.msk [tilespmem:v3+s16+$0x0], $0xffff;
	[tilespmem:s1+$0xFFFFFFE0] =	vst v10  }
0x214: {  	v62 =	vmov s8;
	v63 =	vand.u32 $0x7E, v7;
	v7 =	vld.idx.msk [tilespmem:v1+s16+$0x0], $0xffff;
	v2 =	vadd.s32 v0, v2;
	[tilespmem:s1+$0xFFFFFFF0] =	vst v11  }
0x215: {  	s29 =	simm.s32 $0xC;
	p0 =	por $0x1, $0x1;
	s8 =	simm.s32 $0x5C30;
	v3 =	vadd.s32 v0, v4;
	v4 =	vand.u32 $0x7C, v62;
	v1 =	vadd.s32 v0, v63;
	[tilespmem:s1+$0xFFFFFFD0] =	vst v8;
	v12 =	vld.idx.msk [tilespmem:v12+s16+$0x0], $0xffff  }
.LBB2_20:
0x216: {  	s9 =	sadd.s32 $0x3, s29  }
0x217: {  	p2 =	slt.u32 s29, $0x7C;
	v8 =	vadd.s32 v0, v4;
	s10 =	smov.u32 s29;
	s29 =	sadd.s32 $0x4, s29  }
.Ltmp14:
0x218: {  	s8 =	sadd.s32 $0x40, s8;
	s13 =	sadd.s32 $0x1, s10;
	v4 =	vmov s9;
	(pc) =	sbr.rel @p2 .LBB2_20-.Ltmp14, $4  }
0x219: {  	s9 =	sadd.s32 $0x2, s10;
	v9 =	vmov s13;
	v4 =	vand.u32 $0x7F, v4;
	[tilespmem:s8+$0x0] =	vst v5;
	v5 =	vld.idx.msk [tilespmem:v2+s16+$0x0], $0xffff  }
0x21a: {  	v10 =	vmov s9;
	v9 =	vand.u32 $0x7D, v9;
	v2 =	vadd.s32 v0, v4;
	[tilespmem:s8+$0xFFFFFFE0] =	vst v6;
	v6 =	vld.idx.msk [tilespmem:v3+s16+$0x0], $0xffff  }
0x21b: {  	v4 =	vmov s10;
	v3 =	vadd.s32 v0, v9;
	v9 =	vand.u32 $0x7E, v10;
	[tilespmem:s8+$0xFFFFFFF0] =	vst v7;
	v7 =	vld.idx.msk [tilespmem:v1+s16+$0x0], $0xffff  }
0x21c: {  	v4 =	vand.u32 $0x7C, v4;
	v1 =	vadd.s32 v0, v9;
	[tilespmem:s8+$0xFFFFFFD0] =	vst v12;
	v12 =	vld.idx.msk [tilespmem:v8+s16+$0x0], $0xffff  }
0x21d: {  	_ =	sdelay $0x3  }
0x21e: {  	v9 =	vmovc v5;
	v10 =	vmov v6;
	v11 =	vmov v7;
	v8 =	vmov v12  }
.LBB2_22:
0x21f: {  	_ =	sdelay $0x1  }
0x220: {  	v4 =	vadd.s32 v0, v4  }
0x221: {  	s8 =	sadd.s32 @p0 $0x40, s8;
	s9 =	simm.s32 $0x5C30  }
0x222: {  	v2 =	vld.idx.msk [tilespmem:v2+s16+$0x0], $0xffff;
	s9 =	smov.u32 @p0 s8  }
0x223: {  	v3 =	vld.idx.msk [tilespmem:v3+s16+$0x0], $0xffff;
	[tilespmem:s9+$0x0] =	vst @p1 v9;
	s8 =	sadd.s32 @p1 $0x40, s9  }
0x224: {  	v1 =	vld.idx.msk [tilespmem:v1+s16+$0x0], $0xffff;
	[tilespmem:s9+$0xFFFFFFE0] =	vst @p1 v10;
	s1 =	smov.u32 @p1 s8;
	s8 =	sadd.s32 $0x2, s28  }
0x225: {  	[tilespmem:s9+$0xFFFFFFF0] =	vst @p1 v11;
	p0 =	sge.u32 s8, s7;
	v4 =	vld.idx.msk [tilespmem:v4+s16+$0x0], $0xffff  }
.Ltmp15:
0x226: {  	[tilespmem:s9+$0xFFFFFFD0] =	vst @p1 v8;
	(pc) =	sbr.rel @p0 .LBB2_24-.Ltmp15, $4  }
0x227: {  	[tilespmem:s1+$0x0] =	vst v2  }
0x228: {  	[tilespmem:s1+$0xFFFFFFE0] =	vst v3  }
0x229: {  	[tilespmem:s1+$0xFFFFFFF0] =	vst v1  }
0x22a: {  	[tilespmem:s1+$0xFFFFFFD0] =	vst v4  }
0x22b: {  	s1 =	sadd.s32 s4, s8  }
0x22c: {  	s1 =	sshll.u32 s1, $0x9  }
0x22d: {  	s8 =	sadd.s32 s2, s1  }
0x22e: {  	[tilespmem:s3], [sflag:$0x1] =	stream.linear.gather [hbm4b:s8+s3], $0x80, $0x38;
	[tilespmem:$0x8400] =	vst v63  }
0x22f: {  	s10 =	simm.s32 $0x88;
	s9 =	sadd.s32 $0x10, s8  }
0x230: {  	[tilespmem:s10], [sflag:$0x1] =	stream.linear.gather [hbm4b:s9+s3], $0x80, $0x38;
	[tilespmem:$0x8400] =	vst v63  }
0x231: {  	s14 =	simm.s32 $0x110;
	s13 =	sadd.s32 $0x20, s8  }
0x232: {  	[tilespmem:s14], [sflag:$0x1] =	stream.linear.gather [hbm4b:s13+s3], $0x80, $0x38;
	[tilespmem:$0x8400] =	vst v63  }
0x233: {  	s31 =	simm.s32 $0x198;
	s29 =	sadd.s32 $0x30, s8  }
0x234: {  	[tilespmem:s31], [sflag:$0x1] =	stream.linear.gather [hbm4b:s29+s3], $0x80, $0x38;
	[tilespmem:$0x8400] =	vst v63  }
0x235: {  	s13 =	sadd.s32 $0x40, s8;
	s14 =	simm.s32 $0x220  }
0x236: {  	[tilespmem:s14], [sflag:$0x1] =	stream.linear.gather [hbm4b:s13+s3], $0x80, $0x38;
	[tilespmem:$0x8400] =	vst v63  }
0x237: {  	s29 =	sadd.s32 $0x50, s8;
	s31 =	simm.s32 $0x2A8  }
0x238: {  	[tilespmem:s31], [sflag:$0x1] =	stream.linear.gather [hbm4b:s29+s3], $0x80, $0x38;
	[tilespmem:$0x8400] =	vst v63  }
0x239: {  	s13 =	sadd.s32 $0x60, s8;
	s14 =	simm.s32 $0x330  }
0x23a: {  	[tilespmem:s14], [sflag:$0x1] =	stream.linear.gather [hbm4b:s13+s3], $0x80, $0x38;
	[tilespmem:$0x8400] =	vst v63  }
0x23b: {  	s29 =	sadd.s32 $0x70, s8;
	s31 =	simm.s32 $0x3B8  }
0x23c: {  	[tilespmem:s31], [sflag:$0x1] =	stream.linear.gather [hbm4b:s29+s3], $0x80, $0x38;
	[tilespmem:$0x8400] =	vst v63  }
0x23d: {  	s10 =	sadd.s32 $0x80, s8  }
0x23e: {  	[tilespmem:s24], [sflag:$0x1] =	stream.linear.gather [hbm4b:s10+s3], $0x80, $0x38;
	[tilespmem:$0x8400] =	vst v63  }
0x23f: {  	s13 =	sadd.s32 $0x90, s8;
	s14 =	simm.s32 $0x908  }
0x240: {  	[tilespmem:s14], [sflag:$0x1] =	stream.linear.gather [hbm4b:s13+s3], $0x80, $0x38;
	[tilespmem:$0x8400] =	vst v63  }
0x241: {  	s29 =	sadd.s32 $0xA0, s8;
	s31 =	simm.s32 $0x990  }
0x242: {  	[tilespmem:s31], [sflag:$0x1] =	stream.linear.gather [hbm4b:s29+s3], $0x80, $0x38;
	[tilespmem:$0x8400] =	vst v63  }
0x243: {  	s13 =	sadd.s32 $0xB0, s8;
	s14 =	simm.s32 $0xA18  }
0x244: {  	[tilespmem:s14], [sflag:$0x1] =	stream.linear.gather [hbm4b:s13+s3], $0x80, $0x38;
	[tilespmem:$0x8400] =	vst v63  }
0x245: {  	s29 =	sadd.s32 $0xC0, s8;
	s31 =	simm.s32 $0xAA0  }
0x246: {  	[tilespmem:s31], [sflag:$0x1] =	stream.linear.gather [hbm4b:s29+s3], $0x80, $0x38;
	[tilespmem:$0x8400] =	vst v63  }
0x247: {  	s13 =	sadd.s32 $0xD0, s8;
	s14 =	simm.s32 $0xB28  }
0x248: {  	[tilespmem:s14], [sflag:$0x1] =	stream.linear.gather [hbm4b:s13+s3], $0x80, $0x38;
	[tilespmem:$0x8400] =	vst v63  }
0x249: {  	s29 =	sadd.s32 $0xE0, s8;
	s31 =	simm.s32 $0xBB0  }
0x24a: {  	[tilespmem:s31], [sflag:$0x1] =	stream.linear.gather [hbm4b:s29+s3], $0x80, $0x38;
	[tilespmem:$0x8400] =	vst v63  }
0x24b: {  	s10 =	sadd.s32 $0xF0, s8;
	s13 =	simm.s32 $0xC38  }
0x24c: {  	[tilespmem:s13], [sflag:$0x1] =	stream.linear.gather [hbm4b:s10+s3], $0x80, $0x38;
	[tilespmem:$0x8400] =	vst v63  }
0x24d: {  	s14 =	sadd.s32 $0x100, s8  }
0x24e: {  	[tilespmem:s0], [sflag:$0x1] =	stream.linear.gather [hbm4b:s14+s3], $0x80, $0x38;
	[tilespmem:$0x8400] =	vst v63  }
0x24f: {  	s29 =	sadd.s32 $0x110, s8;
	s31 =	simm.s32 $0x1188  }
0x250: {  	[tilespmem:s31], [sflag:$0x1] =	stream.linear.gather [hbm4b:s29+s3], $0x80, $0x38;
	[tilespmem:$0x8400] =	vst v63  }
0x251: {  	s13 =	sadd.s32 $0x120, s8;
	s14 =	simm.s32 $0x1210  }
0x252: {  	[tilespmem:s14], [sflag:$0x1] =	stream.linear.gather [hbm4b:s13+s3], $0x80, $0x38;
	[tilespmem:$0x8400] =	vst v63  }
0x253: {  	s29 =	sadd.s32 $0x130, s8;
	s31 =	simm.s32 $0x1298  }
0x254: {  	[tilespmem:s31], [sflag:$0x1] =	stream.linear.gather [hbm4b:s29+s3], $0x80, $0x38;
	[tilespmem:$0x8400] =	vst v63  }
0x255: {  	s13 =	sadd.s32 $0x140, s8;
	s14 =	simm.s32 $0x1320  }
0x256: {  	[tilespmem:s14], [sflag:$0x1] =	stream.linear.gather [hbm4b:s13+s3], $0x80, $0x38;
	[tilespmem:$0x8400] =	vst v63  }
0x257: {  	s29 =	sadd.s32 $0x150, s8;
	s31 =	simm.s32 $0x13A8  }
0x258: {  	[tilespmem:s31], [sflag:$0x1] =	stream.linear.gather [hbm4b:s29+s3], $0x80, $0x38;
	[tilespmem:$0x8400] =	vst v63  }
0x259: {  	s13 =	sadd.s32 $0x160, s8;
	s14 =	simm.s32 $0x1430  }
0x25a: {  	[tilespmem:s14], [sflag:$0x1] =	stream.linear.gather [hbm4b:s13+s3], $0x80, $0x38;
	[tilespmem:$0x8400] =	vst v63  }
0x25b: {  	s29 =	sadd.s32 $0x170, s8;
	s31 =	simm.s32 $0x14B8  }
0x25c: {  	[tilespmem:s31], [sflag:$0x1] =	stream.linear.gather [hbm4b:s29+s3], $0x80, $0x38;
	[tilespmem:$0x8400] =	vst v63  }
0x25d: {  	s10 =	sadd.s32 $0x180, s8  }
0x25e: {  	[tilespmem:s16], [sflag:$0x1] =	stream.linear.gather [hbm4b:s10+s3], $0x80, $0x38;
	[tilespmem:$0x8400] =	vst v63  }
0x25f: {  	s13 =	sadd.s32 $0x190, s8;
	s14 =	simm.s32 $0x1A08  }
0x260: {  	[tilespmem:s14], [sflag:$0x1] =	stream.linear.gather [hbm4b:s13+s3], $0x80, $0x38;
	[tilespmem:$0x8400] =	vst v63  }
0x261: {  	s29 =	sadd.s32 $0x1A0, s8;
	s31 =	simm.s32 $0x1A90  }
0x262: {  	[tilespmem:s31], [sflag:$0x1] =	stream.linear.gather [hbm4b:s29+s3], $0x80, $0x38;
	[tilespmem:$0x8400] =	vst v63  }
0x263: {  	s13 =	sadd.s32 $0x1B0, s8;
	s14 =	simm.s32 $0x1B18  }
0x264: {  	[tilespmem:s14], [sflag:$0x1] =	stream.linear.gather [hbm4b:s13+s3], $0x80, $0x38;
	[tilespmem:$0x8400] =	vst v63  }
0x265: {  	s29 =	sadd.s32 $0x1C0, s8;
	s31 =	simm.s32 $0x1BA0  }
0x266: {  	[tilespmem:s31], [sflag:$0x1] =	stream.linear.gather [hbm4b:s29+s3], $0x80, $0x38;
	[tilespmem:$0x8400] =	vst v63  }
0x267: {  	s13 =	sadd.s32 $0x1D0, s8;
	s14 =	simm.s32 $0x1C28  }
0x268: {  	[tilespmem:s14], [sflag:$0x1] =	stream.linear.gather [hbm4b:s13+s3], $0x80, $0x38;
	[tilespmem:$0x8400] =	vst v63  }
0x269: {  	s29 =	sadd.s32 $0x1E0, s8;
	s31 =	simm.s32 $0x1CB0  }
0x26a: {  	[tilespmem:s31], [sflag:$0x1] =	stream.linear.gather [hbm4b:s29+s3], $0x80, $0x38;
	[tilespmem:$0x8400] =	vst v63  }
0x26b: {  	s8 =	sadd.s32 $0x1F0, s8;
	s13 =	simm.s32 $0x1D38  }
0x26c: {  	[tilespmem:s13], [sflag:$0x1] =	stream.linear.gather [hbm4b:s8+s3], $0x80, $0x38;
	[tilespmem:$0x8400] =	vst v63  }
0x26d: {  	s1 =	sadd.s32 s1, s11;
	s14 =	simm.s32 $0x440  }
0x26e: {  	[tilespmem:s14], [sflag:$0x1] =	stream.linear.gather [hbm4b:s1+s3], $0x80, $0x38;
	[tilespmem:$0x8400] =	vst v63  }
0x26f: {  	s29 =	sadd.s32 $0x10, s1;
	s31 =	simm.s32 $0x4C8  }
0x270: {  	[tilespmem:s31], [sflag:$0x1] =	stream.linear.gather [hbm4b:s29+s3], $0x80, $0x38;
	[tilespmem:$0x8400] =	vst v63  }
0x271: {  	s9 =	sadd.s32 $0x20, s1;
	s10 =	simm.s32 $0x550  }
0x272: {  	[tilespmem:s10], [sflag:$0x1] =	stream.linear.gather [hbm4b:s9+s3], $0x80, $0x38;
	[tilespmem:$0x8400] =	vst v63  }
0x273: {  	s13 =	sadd.s32 $0x30, s1;
	s14 =	simm.s32 $0x5D8  }
0x274: {  	[tilespmem:s14], [sflag:$0x1] =	stream.linear.gather [hbm4b:s13+s3], $0x80, $0x38;
	[tilespmem:$0x8400] =	vst v63  }
0x275: {  	s29 =	sadd.s32 $0x40, s1;
	s31 =	simm.s32 $0x660  }
0x276: {  	[tilespmem:s31], [sflag:$0x1] =	stream.linear.gather [hbm4b:s29+s3], $0x80, $0x38;
	[tilespmem:$0x8400] =	vst v63  }
0x277: {  	s9 =	sadd.s32 $0x50, s1;
	s10 =	simm.s32 $0x6E8  }
0x278: {  	[tilespmem:s10], [sflag:$0x1] =	stream.linear.gather [hbm4b:s9+s3], $0x80, $0x38;
	[tilespmem:$0x8400] =	vst v63  }
0x279: {  	s13 =	sadd.s32 $0x60, s1;
	s14 =	simm.s32 $0x770  }
0x27a: {  	[tilespmem:s14], [sflag:$0x1] =	stream.linear.gather [hbm4b:s13+s3], $0x80, $0x38;
	[tilespmem:$0x8400] =	vst v63  }
0x27b: {  	s29 =	sadd.s32 $0x70, s1;
	s31 =	simm.s32 $0x7F8  }
0x27c: {  	[tilespmem:s31], [sflag:$0x1] =	stream.linear.gather [hbm4b:s29+s3], $0x80, $0x38;
	[tilespmem:$0x8400] =	vst v63  }
0x27d: {  	s9 =	sadd.s32 $0x80, s1;
	s10 =	simm.s32 $0xCC0  }
0x27e: {  	[tilespmem:s10], [sflag:$0x1] =	stream.linear.gather [hbm4b:s9+s3], $0x80, $0x38;
	[tilespmem:$0x8400] =	vst v63  }
0x27f: {  	s13 =	sadd.s32 $0x90, s1;
	s14 =	simm.s32 $0xD48  }
0x280: {  	[tilespmem:s14], [sflag:$0x1] =	stream.linear.gather [hbm4b:s13+s3], $0x80, $0x38;
	[tilespmem:$0x8400] =	vst v63  }
0x281: {  	s29 =	sadd.s32 $0xA0, s1;
	s31 =	simm.s32 $0xDD0  }
0x282: {  	[tilespmem:s31], [sflag:$0x1] =	stream.linear.gather [hbm4b:s29+s3], $0x80, $0x38;
	[tilespmem:$0x8400] =	vst v63  }
0x283: {  	s9 =	sadd.s32 $0xB0, s1;
	s10 =	simm.s32 $0xE58  }
0x284: {  	[tilespmem:s10], [sflag:$0x1] =	stream.linear.gather [hbm4b:s9+s3], $0x80, $0x38;
	[tilespmem:$0x8400] =	vst v63  }
0x285: {  	s13 =	sadd.s32 $0xC0, s1;
	s14 =	simm.s32 $0xEE0  }
0x286: {  	[tilespmem:s14], [sflag:$0x1] =	stream.linear.gather [hbm4b:s13+s3], $0x80, $0x38;
	[tilespmem:$0x8400] =	vst v63  }
0x287: {  	s29 =	sadd.s32 $0xD0, s1;
	s31 =	simm.s32 $0xF68  }
0x288: {  	[tilespmem:s31], [sflag:$0x1] =	stream.linear.gather [hbm4b:s29+s3], $0x80, $0x38;
	[tilespmem:$0x8400] =	vst v63  }
0x289: {  	s9 =	sadd.s32 $0xE0, s1;
	s10 =	simm.s32 $0xFF0  }
0x28a: {  	[tilespmem:s10], [sflag:$0x1] =	stream.linear.gather [hbm4b:s9+s3], $0x80, $0x38;
	[tilespmem:$0x8400] =	vst v63  }
0x28b: {  	s13 =	sadd.s32 $0xF0, s1;
	s14 =	simm.s32 $0x1078  }
0x28c: {  	[tilespmem:s14], [sflag:$0x1] =	stream.linear.gather [hbm4b:s13+s3], $0x80, $0x38;
	[tilespmem:$0x8400] =	vst v63  }
0x28d: {  	s29 =	sadd.s32 $0x100, s1;
	s31 =	simm.s32 $0x1540  }
0x28e: {  	[tilespmem:s31], [sflag:$0x1] =	stream.linear.gather [hbm4b:s29+s3], $0x80, $0x38;
	[tilespmem:$0x8400] =	vst v63  }
0x28f: {  	s9 =	sadd.s32 $0x110, s1;
	s10 =	simm.s32 $0x15C8  }
0x290: {  	[tilespmem:s10], [sflag:$0x1] =	stream.linear.gather [hbm4b:s9+s3], $0x80, $0x38;
	[tilespmem:$0x8400] =	vst v63  }
0x291: {  	s13 =	sadd.s32 $0x120, s1;
	s14 =	simm.s32 $0x1650  }
0x292: {  	[tilespmem:s14], [sflag:$0x1] =	stream.linear.gather [hbm4b:s13+s3], $0x80, $0x38;
	[tilespmem:$0x8400] =	vst v63  }
0x293: {  	s29 =	sadd.s32 $0x130, s1;
	s31 =	simm.s32 $0x16D8  }
0x294: {  	[tilespmem:s31], [sflag:$0x1] =	stream.linear.gather [hbm4b:s29+s3], $0x80, $0x38;
	[tilespmem:$0x8400] =	vst v63  }
0x295: {  	s9 =	sadd.s32 $0x140, s1;
	s10 =	simm.s32 $0x1760  }
0x296: {  	[tilespmem:s10], [sflag:$0x1] =	stream.linear.gather [hbm4b:s9+s3], $0x80, $0x38;
	[tilespmem:$0x8400] =	vst v63  }
0x297: {  	s13 =	sadd.s32 $0x150, s1;
	s14 =	simm.s32 $0x17E8  }
0x298: {  	[tilespmem:s14], [sflag:$0x1] =	stream.linear.gather [hbm4b:s13+s3], $0x80, $0x38;
	[tilespmem:$0x8400] =	vst v63  }
0x299: {  	s29 =	sadd.s32 $0x160, s1;
	s31 =	simm.s32 $0x1870  }
0x29a: {  	[tilespmem:s31], [sflag:$0x1] =	stream.linear.gather [hbm4b:s29+s3], $0x80, $0x38;
	[tilespmem:$0x8400] =	vst v63  }
0x29b: {  	s9 =	sadd.s32 $0x170, s1;
	s10 =	simm.s32 $0x18F8  }
0x29c: {  	[tilespmem:s10], [sflag:$0x1] =	stream.linear.gather [hbm4b:s9+s3], $0x80, $0x38;
	[tilespmem:$0x8400] =	vst v63  }
0x29d: {  	s13 =	sadd.s32 $0x180, s1;
	s14 =	simm.s32 $0x1DC0  }
0x29e: {  	[tilespmem:s14], [sflag:$0x1] =	stream.linear.gather [hbm4b:s13+s3], $0x80, $0x38;
	[tilespmem:$0x8400] =	vst v63  }
0x29f: {  	s29 =	sadd.s32 $0x190, s1;
	s31 =	simm.s32 $0x1E48  }
0x2a0: {  	[tilespmem:s31], [sflag:$0x1] =	stream.linear.gather [hbm4b:s29+s3], $0x80, $0x38;
	[tilespmem:$0x8400] =	vst v63  }
0x2a1: {  	s9 =	sadd.s32 $0x1A0, s1;
	s10 =	simm.s32 $0x1ED0  }
0x2a2: {  	[tilespmem:s10], [sflag:$0x1] =	stream.linear.gather [hbm4b:s9+s3], $0x80, $0x38;
	[tilespmem:$0x8400] =	vst v63  }
0x2a3: {  	s13 =	sadd.s32 $0x1B0, s1;
	s14 =	simm.s32 $0x1F58  }
0x2a4: {  	[tilespmem:s14], [sflag:$0x1] =	stream.linear.gather [hbm4b:s13+s3], $0x80, $0x38;
	[tilespmem:$0x8400] =	vst v63  }
0x2a5: {  	s29 =	sadd.s32 $0x1C0, s1;
	s31 =	simm.s32 $0x1FE0  }
0x2a6: {  	[tilespmem:s31], [sflag:$0x1] =	stream.linear.gather [hbm4b:s29+s3], $0x80, $0x38;
	[tilespmem:$0x8400] =	vst v63  }
0x2a7: {  	s10 =	sadd.s32 $0x1D0, s1;
	s13 =	simm.s32 $0x2068  }
0x2a8: {  	[tilespmem:s13], [sflag:$0x1] =	stream.linear.gather [hbm4b:s10+s3], $0x80, $0x38;
	[tilespmem:$0x8400] =	vst v63  }
0x2a9: {  	s14 =	sadd.s32 $0x1E0, s1;
	s29 =	simm.s32 $0x20F0  }
0x2aa: {  	[tilespmem:s29], [sflag:$0x1] =	stream.linear.gather [hbm4b:s14+s3], $0x80, $0x38;
	[tilespmem:$0x8400] =	vst v63  }
0x2ab: {  	s1 =	sadd.s32 $0x1F0, s1;
	s31 =	simm.s32 $0x2178  }
0x2ac: {  	[tilespmem:s31], [sflag:$0x1] =	stream.linear.gather [hbm4b:s1+s3], $0x80, $0x38;
	[tilespmem:$0x8400] =	vst v63  }
.LBB2_24:
0x2ad: {  	s1 =	sadd.s32 s4, s28  }
0x2ae: {  	s1 =	sshll.u32 s1, $0xA  }
0x2af: {  	s1 =	sadd.s32 s5, s1  }
0x2b0: {  	[hbm4b:s1+s3] =	stream.linear.scatter [tilespmem:s22], [sflag:$0x3], $0x2000, $0x38;
	[tilespmem:$0x8400] =	vst v63  }
.LBB2_25:
0x2b1: {  	s29 =	sor.u32 $0x1, s28  }
0x2b2: {  	p0 =	sge.u32 s29, s7  }
.Ltmp16:
0x2b3: {  	_ = 	snop;
	(pc) =	sbr.rel @p0 .LBB2_48-.Ltmp16, $1  }
0x2b4: {  	_ =	sdelay $0x3  }
0x2b5: {  	_ =	swait.ge [sflag:s23], $0x1000  }
0x2b6: {  	s1 =	simm.s32 $0x3;
	[sflag:s23] =	ssyncset.done $0x0  }
0x2b7: {  	s8 =	simm.s32 $0x1;
	v1 =	vmov s1;
	[sflag:s23] =	ssyncadd.s32 $0xFFFFF000  }
0x2b8: {  	s13 =	simm.s32 $0x2;
	v2 =	vmov s8;
	v1 =	vand.u32 $0x7F, v1;
	_ =	swait.ge [sflag:s23], $0x1000  }
0x2b9: {  	p0 =	seq.s32 s6, $0x0;
	s14 =	simm.s32 $0x0;
	v3 =	vmov s13;
	v2 =	vand.u32 $0x7D, v2;
	v1 =	vadd.s32 v0, v1;
	[sflag:s23] =	ssyncset.done $0x0  }
0x2ba: {  	s1 =	simm.s32 @!p0 $0x4;
	v4 =	vmov s14;
	v3 =	vand.u32 $0x7E, v3;
	v2 =	vadd.s32 v0, v2;
	[sflag:s23] =	ssyncadd.s32 $0xFFFFF000  }
0x2bb: {  	s31 =	simm.s32 $0x7;
	v4 =	vand.u32 $0x7C, v4;
	v3 =	vadd.s32 v0, v3;
	_ =	swait.ge @!p0 [sflag:s1], $0x2000  }
0x2bc: {  	s9 =	simm.s32 $0x5;
	v5 =	vmov s31;
	v4 =	vadd.s32 v0, v4;
	[sflag:s1] =	ssyncset.done @!p0 $0x0  }
0x2bd: {  	v6 =	vmov s9;
	s8 =	simm.s32 $0x6;
	v5 =	vand.u32 $0x7F, v5;
	[sflag:s1] =	ssyncadd.s32 @!p0 $0xFFFFE000  }
0x2be: {  	s9 =	simm.s32 $0x4;
	v7 =	vand.u32 $0x7D, v6;
	v8 =	vmov s8;
	v6 =	vadd.s32 v0, v5;
	v9 =	vld.idx.msk [tilespmem:v1+s12+$0x0], $0xffff  }
0x2bf: {  	v5 =	vmov s9;
	v7 =	vadd.s32 v0, v7;
	v8 =	vand.u32 $0x7E, v8;
	v11 =	vld.idx.msk [tilespmem:v2+s12+$0x0], $0xffff  }
0x2c0: {  	v5 =	vand.u32 $0x7C, v5;
	v8 =	vadd.s32 v0, v8;
	v16 =	vld.idx.msk [tilespmem:v3+s12+$0x0], $0xffff  }
0x2c1: {  	v5 =	vadd.s32 v0, v5;
	v21 =	vld.idx.msk [tilespmem:v4+s12+$0x0], $0xffff  }
0x2c2: {  	s10 =	simm.s32 $0xB;
	s13 =	simm.s32 $0x9;
	s1 =	simm.s32 $0x6420  }
0x2c3: {  	v10 =	vmov s10;
	s14 =	simm.s32 $0xA;
	v12 =	vmov s13;
	v13 =	vld.idx.msk [tilespmem:v6+s12+$0x0], $0xffff;
	[tilespmem:s1+$0x10] =	vst v9  }
0x2c4: {  	s31 =	simm.s32 $0x8;
	v10 =	vand.u32 $0x7F, v10;
	v14 =	vld.idx.msk [tilespmem:v7+s12+$0x0], $0xffff;
	v9 =	vand.u32 $0x7D, v12;
	v12 =	vmov s14;
	[tilespmem:s1+$0xFFFFFFF0] =	vst v11  }
0x2c5: {  	v17 =	vadd.s32 v0, v10;
	v15 =	vld.idx.msk [tilespmem:v8+s12+$0x0], $0xffff;
	v11 =	vmov s31;
	[tilespmem:s1+$0x0] =	vst v16;
	v12 =	vand.u32 $0x7E, v12  }
0x2c6: {  	s8 =	simm.s32 $0xC;
	v16 =	vld.idx.msk [tilespmem:v5+s12+$0x0], $0xffff;
	[tilespmem:s1+$0xFFFFFFE0] =	vst v21;
	v18 =	vadd.s32 v0, v9;
	v20 =	vand.u32 $0x7C, v11;
	v19 =	vadd.s32 v0, v12  }
.LBB2_27:
0x2c7: {  	s9 =	sadd.s32 $0x3, s8  }
0x2c8: {  	p0 =	slt.u32 s8, $0x7C;
	v21 =	vadd.s32 v0, v20;
	s10 =	smov.u32 s8;
	s8 =	sadd.s32 $0x4, s8  }
.Ltmp17:
0x2c9: {  	s1 =	sadd.s32 $0x40, s1;
	s13 =	sadd.s32 $0x1, s10;
	v20 =	vmov s9;
	(pc) =	sbr.rel @p0 .LBB2_27-.Ltmp17, $4  }
0x2ca: {  	s9 =	sadd.s32 $0x2, s10;
	v22 =	vmov s13;
	v20 =	vand.u32 $0x7F, v20;
	[tilespmem:s1+$0x10] =	vst v13;
	v13 =	vld.idx.msk [tilespmem:v17+s12+$0x0], $0xffff  }
0x2cb: {  	v23 =	vmov s9;
	v22 =	vand.u32 $0x7D, v22;
	v17 =	vadd.s32 v0, v20;
	[tilespmem:s1+$0xFFFFFFF0] =	vst v14;
	v14 =	vld.idx.msk [tilespmem:v18+s12+$0x0], $0xffff  }
0x2cc: {  	v20 =	vmov s10;
	v18 =	vadd.s32 v0, v22;
	v22 =	vand.u32 $0x7E, v23;
	[tilespmem:s1+$0x0] =	vst v15;
	v15 =	vld.idx.msk [tilespmem:v19+s12+$0x0], $0xffff  }
0x2cd: {  	v20 =	vand.u32 $0x7C, v20;
	v19 =	vadd.s32 v0, v22;
	[tilespmem:s1+$0xFFFFFFE0] =	vst v16;
	v16 =	vld.idx.msk [tilespmem:v21+s12+$0x0], $0xffff  }
0x2ce: {  	_ =	sdelay $0x1  }
0x2cf: {  	v20 =	vadd.s32 v0, v20;
	_ =	sdelay $0x1  }
0x2d0: {  	s1 =	sadd.s32 $0x40, s1;
	v17 =	vld.idx.msk [tilespmem:v17+s12+$0x0], $0xffff  }
0x2d1: {  	v61 =	vld.idx.msk [tilespmem:v18+s12+$0x0], $0xffff;
	[tilespmem:s1+$0x10] =	vst v13  }
0x2d2: {  	v62 =	vld.idx.msk [tilespmem:v19+s12+$0x0], $0xffff;
	[tilespmem:s1+$0xFFFFFFF0] =	vst v14  }
0x2d3: {  	[tilespmem:s1+$0x0] =	vst v15;
	v63 =	vld.idx.msk [tilespmem:v20+s12+$0x0], $0xffff  }
0x2d4: {  	[tilespmem:s1+$0xFFFFFFE0] =	vst v16;
	s1 =	sadd.s32 $0x40, s1  }
0x2d5: {  	[tilespmem:s1+$0x10] =	vst v17  }
0x2d6: {  	[tilespmem:s1+$0xFFFFFFF0] =	vst v61  }
0x2d7: {  	[tilespmem:s1+$0x0] =	vst v62  }
0x2d8: {  	[tilespmem:s1+$0xFFFFFFE0] =	vst v63  }
0x2d9: {  	v13 =	vld.idx.msk [tilespmem:v1+s21+$0x0], $0xffff  }
0x2da: {  	v14 =	vld.idx.msk [tilespmem:v2+s21+$0x0], $0xffff  }
0x2db: {  	v15 =	vld.idx.msk [tilespmem:v3+s21+$0x0], $0xffff  }
0x2dc: {  	v16 =	vld.idx.msk [tilespmem:v4+s21+$0x0], $0xffff  }
0x2dd: {  	s1 =	simm.s32 $0x6C30  }
0x2de: {  	v1 =	vld.idx.msk [tilespmem:v6+s21+$0x0], $0xffff;
	[tilespmem:s1+$0x0] =	vst v13  }
0x2df: {  	v2 =	vld.idx.msk [tilespmem:v7+s21+$0x0], $0xffff;
	[tilespmem:s1+$0xFFFFFFE0] =	vst v14  }
0x2e0: {  	v6 =	vadd.s32 v0, v10;
	v3 =	vld.idx.msk [tilespmem:v8+s21+$0x0], $0xffff;
	[tilespmem:s1+$0xFFFFFFF0] =	vst v15  }
0x2e1: {  	s8 =	simm.s32 $0xC;
	v7 =	vadd.s32 v0, v9;
	v9 =	vand.u32 $0x7C, v11;
	v8 =	vadd.s32 v0, v12;
	v4 =	vld.idx.msk [tilespmem:v5+s21+$0x0], $0xffff;
	[tilespmem:s1+$0xFFFFFFD0] =	vst v16  }
.LBB2_29:
0x2e2: {  	s9 =	sadd.s32 $0x3, s8  }
0x2e3: {  	p0 =	slt.u32 s8, $0x7C;
	v5 =	vadd.s32 v0, v9;
	s10 =	smov.u32 s8;
	s8 =	sadd.s32 $0x4, s8  }
.Ltmp18:
0x2e4: {  	s1 =	sadd.s32 $0x40, s1;
	s13 =	sadd.s32 $0x1, s10;
	v9 =	vmov s9;
	(pc) =	sbr.rel @p0 .LBB2_29-.Ltmp18, $4  }
0x2e5: {  	s9 =	sadd.s32 $0x2, s10;
	v10 =	vmov s13;
	v9 =	vand.u32 $0x7F, v9;
	[tilespmem:s1+$0x0] =	vst v1;
	v1 =	vld.idx.msk [tilespmem:v6+s21+$0x0], $0xffff  }
0x2e6: {  	v11 =	vmov s9;
	v10 =	vand.u32 $0x7D, v10;
	v6 =	vadd.s32 v0, v9;
	[tilespmem:s1+$0xFFFFFFE0] =	vst v2;
	v2 =	vld.idx.msk [tilespmem:v7+s21+$0x0], $0xffff  }
0x2e7: {  	v9 =	vmov s10;
	v7 =	vadd.s32 v0, v10;
	v10 =	vand.u32 $0x7E, v11;
	[tilespmem:s1+$0xFFFFFFF0] =	vst v3;
	v3 =	vld.idx.msk [tilespmem:v8+s21+$0x0], $0xffff  }
0x2e8: {  	v9 =	vand.u32 $0x7C, v9;
	v8 =	vadd.s32 v0, v10;
	[tilespmem:s1+$0xFFFFFFD0] =	vst v4;
	v4 =	vld.idx.msk [tilespmem:v5+s21+$0x0], $0xffff  }
0x2e9: {  	_ =	sdelay $0x1  }
0x2ea: {  	v5 =	vadd.s32 v0, v9;
	_ =	sdelay $0x1  }
0x2eb: {  	s1 =	sadd.s32 $0x40, s1;
	v6 =	vld.idx.msk [tilespmem:v6+s21+$0x0], $0xffff  }
0x2ec: {  	[tilespmem:s1+$0x0] =	vst v1;
	v1 =	vld.idx.msk [tilespmem:v7+s21+$0x0], $0xffff  }
0x2ed: {  	v7 =	vld.idx.msk [tilespmem:v8+s21+$0x0], $0xffff;
	[tilespmem:s1+$0xFFFFFFE0] =	vst v2  }
0x2ee: {  	s8 =	simm.s32 $0x3;
	s13 =	simm.s32 $0x2;
	p1 =	por $0x1, $0x1;
	[tilespmem:s1+$0xFFFFFFF0] =	vst v3;
	v5 =	vld.idx.msk [tilespmem:v5+s21+$0x0], $0xffff  }
.Ltmp19:
0x2ef: {  	s9 =	simm.s32 $0x1;
	s10 =	sadd.s32 $0x40, s1;
	v2 =	vmov s8;
	[tilespmem:s1+$0xFFFFFFD0] =	vst v4;
	v4 =	vmov s13;
	(pc) =	sbr.rel @!p1 .LBB2_37-.Ltmp19, $4  }
0x2f0: {  	s14 =	simm.s32 $0x0;
	v3 =	vmov s9;
	v2 =	vand.u32 $0x7F, v2;
	[tilespmem:s10+$0x0] =	vst v6;
	v6 =	vand.u32 $0x7E, v4  }
0x2f1: {  	v3 =	vand.u32 $0x7D, v3;
	v2 =	vadd.s32 v0, v2;
	[tilespmem:s10+$0xFFFFFFE0] =	vst v1;
	v1 =	vmov s14  }
0x2f2: {  	s31 =	simm.s32 $0x4;
	p2 =	por $0x0, $0x0;
	p0 =	por $0x0, $0x0;
	v3 =	vadd.s32 v0, v3;
	[tilespmem:s10+$0xFFFFFFF0] =	vst v7;
	v4 =	vand.u32 $0x7C, v1;
	v1 =	vadd.s32 v0, v6  }
0x2f3: {  	p3 =	por $0x0, $0x0;
	s8 =	simm.s32 $0x7430;
	s1 =	simm.s32 $0x7430;
	v7 =	vmovc v3;
	v14 =	vmov v4;
	v6 =	vmov v1;
	[tilespmem:s10+$0xFFFFFFD0] =	vst v5;
	v5 =	vmov v2  }
0x2f4: {  	_ =	sdelay $0x1  }
0x2f5: {  	v8 =	vadd.s32 v0, v4;
	p3 =	por $0x1, $0x1  }
.Ltmp20:
0x2f6: {  	s8 =	simm.s32 $0x7;
	(pc) =	sbr.rel @!p3 .LBB2_32-.Ltmp20, $4  }
0x2f7: {  	s9 =	simm.s32 $0x5;
	s14 =	simm.s32 $0x6;
	v10 =	vld.idx.msk [tilespmem:v2+s30+$0x0], $0xffff;
	v9 =	vmov s31;
	v5 =	vmov s8  }
0x2f8: {  	v12 =	vld.idx.msk [tilespmem:v3+s30+$0x0], $0xffff;
	v6 =	vmov s9;
	v7 =	vmov s14;
	v14 =	vand.u32 $0x7C, v9  }
0x2f9: {  	v15 =	vld.idx.msk [tilespmem:v1+s30+$0x0], $0xffff;
	v5 =	vand.u32 $0x7F, v5;
	v6 =	vand.u32 $0x7D, v6;
	v11 =	vand.u32 $0x7E, v7  }
0x2fa: {  	p2 =	por $0x1, $0x1;
	s8 =	simm.s32 $0x8;
	v5 =	vadd.s32 v0, v5;
	v7 =	vadd.s32 v0, v6;
	v6 =	vadd.s32 v0, v11;
	v13 =	vld.idx.msk [tilespmem:v8+s30+$0x0], $0xffff  }
0x2fb: {  	_ =	sdelay $0x1  }
0x2fc: {  	v16 =	vadd.s32 v0, v14;
	p4 =	por $0x1, $0x1  }
.Ltmp21:
0x2fd: {  	s9 =	simm.s32 $0xB;
	s10 =	simm.s32 $0x9;
	(pc) =	sbr.rel @!p4 .LBB2_34-.Ltmp21, $4  }
0x2fe: {  	s14 =	simm.s32 $0xA;
	v8 =	vld.idx.msk [tilespmem:v5+s30+$0x0], $0xffff;
	v9 =	vmov s9;
	v11 =	vmov s10;
	[tilespmem:s1+$0x0] =	vst v10  }
0x2ff: {  	v5 =	vand.u32 $0x7F, v9;
	v10 =	vand.u32 $0x7D, v11;
	v11 =	vmov s14;
	v9 =	vld.idx.msk [tilespmem:v7+s30+$0x0], $0xffff;
	[tilespmem:s1+$0xFFFFFFE0] =	vst v12  }
0x300: {  	v12 =	vmov s8;
	v5 =	vadd.s32 v0, v5;
	v17 =	vand.u32 $0x7E, v11;
	v11 =	vld.idx.msk [tilespmem:v6+s30+$0x0], $0xffff;
	[tilespmem:s1+$0xFFFFFFF0] =	vst v15  }
0x301: {  	p3 =	por $0x1, $0x1;
	s9 =	simm.s32 $0xC;
	s8 =	simm.s32 $0x7430;
	v7 =	vadd.s32 v0, v10;
	v14 =	vand.u32 $0x7C, v12;
	v6 =	vadd.s32 v0, v17;
	[tilespmem:s1+$0xFFFFFFD0] =	vst v13;
	v16 =	vld.idx.msk [tilespmem:v16+s30+$0x0], $0xffff  }
.LBB2_35:
0x302: {  	s10 =	sadd.s32 $0x3, s9  }
0x303: {  	p4 =	slt.u32 s9, $0x7C;
	v10 =	vadd.s32 v0, v14;
	s13 =	smov.u32 s9;
	s9 =	sadd.s32 $0x4, s9  }
.Ltmp22:
0x304: {  	s8 =	sadd.s32 $0x40, s8;
	s14 =	sadd.s32 $0x1, s13;
	v12 =	vmov s10;
	(pc) =	sbr.rel @p4 .LBB2_35-.Ltmp22, $4  }
0x305: {  	s10 =	sadd.s32 $0x2, s13;
	v13 =	vmov s14;
	v12 =	vand.u32 $0x7F, v12;
	[tilespmem:s8+$0x0] =	vst v8;
	v8 =	vld.idx.msk [tilespmem:v5+s30+$0x0], $0xffff  }
0x306: {  	v14 =	vmov s10;
	v13 =	vand.u32 $0x7D, v13;
	v5 =	vadd.s32 v0, v12;
	[tilespmem:s8+$0xFFFFFFE0] =	vst v9;
	v9 =	vld.idx.msk [tilespmem:v7+s30+$0x0], $0xffff  }
0x307: {  	v12 =	vmov s13;
	v7 =	vadd.s32 v0, v13;
	v13 =	vand.u32 $0x7E, v14;
	[tilespmem:s8+$0xFFFFFFF0] =	vst v11;
	v11 =	vld.idx.msk [tilespmem:v6+s30+$0x0], $0xffff  }
0x308: {  	v14 =	vand.u32 $0x7C, v12;
	v6 =	vadd.s32 v0, v13;
	[tilespmem:s8+$0xFFFFFFD0] =	vst v16;
	v16 =	vld.idx.msk [tilespmem:v10+s30+$0x0], $0xffff  }
0x309: {  	_ =	sdelay $0x3  }
0x30a: {  	v10 =	vmovc v8;
	v12 =	vmov v9;
	v15 =	vmov v11;
	v13 =	vmov v16  }
.LBB2_37:
0x30b: {  	_ =	sdelay $0x1  }
0x30c: {  	v8 =	vadd.s32 v0, v14  }
0x30d: {  	s8 =	sadd.s32 @p3 $0x40, s8;
	s9 =	simm.s32 $0x7430  }
0x30e: {  	v5 =	vld.idx.msk [tilespmem:v5+s30+$0x0], $0xffff;
	s9 =	smov.u32 @p3 s8  }
0x30f: {  	v7 =	vld.idx.msk [tilespmem:v7+s30+$0x0], $0xffff;
	[tilespmem:s9+$0x0] =	vst @p2 v10  }
0x310: {  	v6 =	vld.idx.msk [tilespmem:v6+s30+$0x0], $0xffff;
	[tilespmem:s9+$0xFFFFFFE0] =	vst @p2 v12  }
0x311: {  	[tilespmem:s9+$0xFFFFFFF0] =	vst @p2 v15;
	s8 =	sadd.s32 @p2 $0x40, s9;
	v8 =	vld.idx.msk [tilespmem:v8+s30+$0x0], $0xffff  }
.Ltmp23:
0x312: {  	[tilespmem:s9+$0xFFFFFFD0] =	vst @p2 v13;
	s1 =	smov.u32 @p2 s8;
	(pc) =	sbr.rel @!p1 .LBB2_38-.Ltmp23, $4  }
0x313: {  	[tilespmem:s1+$0x0] =	vst v5  }
0x314: {  	[tilespmem:s1+$0xFFFFFFE0] =	vst v7  }
0x315: {  	[tilespmem:s1+$0xFFFFFFF0] =	vst v6  }
0x316: {  	s8 =	simm.s32 $0x7C30;
	[tilespmem:s1+$0xFFFFFFD0] =	vst v8  }
0x317: {  	_ =	sdelay $0x1  }
0x318: {  	v5 =	vadd.s32 v0, v4;
	p2 =	por $0x1, $0x1  }
.Ltmp24:
0x319: {  	s1 =	simm.s32 $0x7;
	s9 =	simm.s32 $0x5;
	(pc) =	sbr.rel @!p2 .LBB2_40-.Ltmp24, $4  }
0x31a: {  	s14 =	simm.s32 $0x6;
	v9 =	vld.idx.msk [tilespmem:v2+s15+$0x0], $0xffff;
	v4 =	vmov s1;
	v6 =	vmov s9  }
0x31b: {  	v10 =	vld.idx.msk [tilespmem:v3+s15+$0x0], $0xffff;
	v2 =	vand.u32 $0x7F, v4;
	v4 =	vand.u32 $0x7D, v6;
	v6 =	vmov s14  }
0x31c: {  	v7 =	vmov s31;
	v11 =	vld.idx.msk [tilespmem:v1+s15+$0x0], $0xffff;
	v2 =	vadd.s32 v0, v2;
	v6 =	vand.u32 $0x7E, v6  }
0x31d: {  	p1 =	por $0x1, $0x1;
	s1 =	simm.s32 $0x8;
	v3 =	vadd.s32 v0, v4;
	v4 =	vand.u32 $0x7C, v7;
	v1 =	vadd.s32 v0, v6;
	v8 =	vld.idx.msk [tilespmem:v5+s15+$0x0], $0xffff  }
0x31e: {  	_ =	sdelay $0x1  }
0x31f: {  	v12 =	vadd.s32 v0, v4;
	p2 =	por $0x1, $0x1  }
.Ltmp25:
0x320: {  	s9 =	simm.s32 $0xB;
	s10 =	simm.s32 $0x9;
	(pc) =	sbr.rel @!p2 .LBB2_42-.Ltmp25, $4  }
0x321: {  	s31 =	simm.s32 $0xA;
	v5 =	vld.idx.msk [tilespmem:v2+s15+$0x0], $0xffff;
	v4 =	vmov s9;
	v6 =	vmov s10;
	[tilespmem:s8+$0x0] =	vst v9  }
0x322: {  	v7 =	vmov s31;
	v2 =	vand.u32 $0x7F, v4;
	v4 =	vand.u32 $0x7D, v6;
	v6 =	vld.idx.msk [tilespmem:v3+s15+$0x0], $0xffff;
	[tilespmem:s8+$0xFFFFFFE0] =	vst v10  }
0x323: {  	v62 =	vmov s1;
	v63 =	vand.u32 $0x7E, v7;
	v7 =	vld.idx.msk [tilespmem:v1+s15+$0x0], $0xffff;
	v2 =	vadd.s32 v0, v2;
	[tilespmem:s8+$0xFFFFFFF0] =	vst v11  }
0x324: {  	p0 =	por $0x1, $0x1;
	s1 =	simm.s32 $0x7C30;
	s9 =	simm.s32 $0xC;
	v3 =	vadd.s32 v0, v4;
	v4 =	vand.u32 $0x7C, v62;
	v1 =	vadd.s32 v0, v63;
	[tilespmem:s8+$0xFFFFFFD0] =	vst v8;
	v12 =	vld.idx.msk [tilespmem:v12+s15+$0x0], $0xffff  }
.LBB2_43:
0x325: {  	s10 =	sadd.s32 $0x3, s9  }
0x326: {  	p2 =	slt.u32 s9, $0x7C;
	v8 =	vadd.s32 v0, v4;
	s13 =	smov.u32 s9;
	s9 =	sadd.s32 $0x4, s9  }
.Ltmp26:
0x327: {  	s1 =	sadd.s32 $0x40, s1;
	s14 =	sadd.s32 $0x1, s13;
	v4 =	vmov s10;
	(pc) =	sbr.rel @p2 .LBB2_43-.Ltmp26, $4  }
0x328: {  	s10 =	sadd.s32 $0x2, s13;
	v9 =	vmov s14;
	v4 =	vand.u32 $0x7F, v4;
	[tilespmem:s1+$0x0] =	vst v5;
	v5 =	vld.idx.msk [tilespmem:v2+s15+$0x0], $0xffff  }
0x329: {  	v10 =	vmov s10;
	v9 =	vand.u32 $0x7D, v9;
	v2 =	vadd.s32 v0, v4;
	[tilespmem:s1+$0xFFFFFFE0] =	vst v6;
	v6 =	vld.idx.msk [tilespmem:v3+s15+$0x0], $0xffff  }
0x32a: {  	v4 =	vmov s13;
	v3 =	vadd.s32 v0, v9;
	v9 =	vand.u32 $0x7E, v10;
	[tilespmem:s1+$0xFFFFFFF0] =	vst v7;
	v7 =	vld.idx.msk [tilespmem:v1+s15+$0x0], $0xffff  }
0x32b: {  	v4 =	vand.u32 $0x7C, v4;
	v1 =	vadd.s32 v0, v9;
	[tilespmem:s1+$0xFFFFFFD0] =	vst v12;
	v12 =	vld.idx.msk [tilespmem:v8+s15+$0x0], $0xffff  }
0x32c: {  	_ =	sdelay $0x3  }
0x32d: {  	v9 =	vmovc v5;
	v10 =	vmov v6;
	v11 =	vmov v7;
	v8 =	vmov v12  }
.LBB2_45:
0x32e: {  	_ =	sdelay $0x1  }
0x32f: {  	v4 =	vadd.s32 v0, v4  }
0x330: {  	s1 =	sadd.s32 @p0 $0x40, s1;
	s9 =	simm.s32 $0x7C30  }
0x331: {  	v2 =	vld.idx.msk [tilespmem:v2+s15+$0x0], $0xffff;
	s9 =	smov.u32 @p0 s1  }
0x332: {  	v3 =	vld.idx.msk [tilespmem:v3+s15+$0x0], $0xffff;
	[tilespmem:s9+$0x0] =	vst @p1 v9;
	s1 =	sadd.s32 @p1 $0x40, s9  }
0x333: {  	v1 =	vld.idx.msk [tilespmem:v1+s15+$0x0], $0xffff;
	[tilespmem:s9+$0xFFFFFFE0] =	vst @p1 v10;
	s8 =	smov.u32 @p1 s1;
	s1 =	sadd.s32 $0x3, s28  }
0x334: {  	[tilespmem:s9+$0xFFFFFFF0] =	vst @p1 v11;
	p0 =	sge.u32 s1, s7;
	v4 =	vld.idx.msk [tilespmem:v4+s15+$0x0], $0xffff  }
.Ltmp27:
0x335: {  	[tilespmem:s9+$0xFFFFFFD0] =	vst @p1 v8;
	(pc) =	sbr.rel @p0 .LBB2_47-.Ltmp27, $4  }
0x336: {  	[tilespmem:s8+$0x0] =	vst v2  }
0x337: {  	[tilespmem:s8+$0xFFFFFFE0] =	vst v3  }
0x338: {  	[tilespmem:s8+$0xFFFFFFF0] =	vst v1  }
0x339: {  	[tilespmem:s8+$0xFFFFFFD0] =	vst v4  }
0x33a: {  	s1 =	sadd.s32 s4, s1  }
0x33b: {  	s1 =	sshll.u32 s1, $0x9  }
0x33c: {  	s8 =	sadd.s32 s2, s1  }
0x33d: {  	[tilespmem:s12], [sflag:$0x2] =	stream.linear.gather [hbm4b:s8+s3], $0x80, $0x38;
	[tilespmem:$0x8400] =	vst v63  }
0x33e: {  	s10 =	simm.s32 $0x2288;
	s9 =	sadd.s32 $0x10, s8  }
0x33f: {  	[tilespmem:s10], [sflag:$0x2] =	stream.linear.gather [hbm4b:s9+s3], $0x80, $0x38;
	[tilespmem:$0x8400] =	vst v63  }
0x340: {  	s14 =	simm.s32 $0x2310;
	s13 =	sadd.s32 $0x20, s8  }
0x341: {  	[tilespmem:s14], [sflag:$0x2] =	stream.linear.gather [hbm4b:s13+s3], $0x80, $0x38;
	[tilespmem:$0x8400] =	vst v63  }
0x342: {  	s31 =	simm.s32 $0x2398;
	s28 =	sadd.s32 $0x30, s8  }
0x343: {  	[tilespmem:s31], [sflag:$0x2] =	stream.linear.gather [hbm4b:s28+s3], $0x80, $0x38;
	[tilespmem:$0x8400] =	vst v63  }
0x344: {  	s13 =	sadd.s32 $0x40, s8;
	s14 =	simm.s32 $0x2420  }
0x345: {  	[tilespmem:s14], [sflag:$0x2] =	stream.linear.gather [hbm4b:s13+s3], $0x80, $0x38;
	[tilespmem:$0x8400] =	vst v63  }
0x346: {  	s28 =	sadd.s32 $0x50, s8;
	s31 =	simm.s32 $0x24A8  }
0x347: {  	[tilespmem:s31], [sflag:$0x2] =	stream.linear.gather [hbm4b:s28+s3], $0x80, $0x38;
	[tilespmem:$0x8400] =	vst v63  }
0x348: {  	s13 =	sadd.s32 $0x60, s8;
	s14 =	simm.s32 $0x2530  }
0x349: {  	[tilespmem:s14], [sflag:$0x2] =	stream.linear.gather [hbm4b:s13+s3], $0x80, $0x38;
	[tilespmem:$0x8400] =	vst v63  }
0x34a: {  	s28 =	sadd.s32 $0x70, s8;
	s31 =	simm.s32 $0x25B8  }
0x34b: {  	[tilespmem:s31], [sflag:$0x2] =	stream.linear.gather [hbm4b:s28+s3], $0x80, $0x38;
	[tilespmem:$0x8400] =	vst v63  }
0x34c: {  	s10 =	sadd.s32 $0x80, s8  }
0x34d: {  	[tilespmem:s21], [sflag:$0x2] =	stream.linear.gather [hbm4b:s10+s3], $0x80, $0x38;
	[tilespmem:$0x8400] =	vst v63  }
0x34e: {  	s13 =	sadd.s32 $0x90, s8;
	s14 =	simm.s32 $0x2B08  }
0x34f: {  	[tilespmem:s14], [sflag:$0x2] =	stream.linear.gather [hbm4b:s13+s3], $0x80, $0x38;
	[tilespmem:$0x8400] =	vst v63  }
0x350: {  	s28 =	sadd.s32 $0xA0, s8;
	s31 =	simm.s32 $0x2B90  }
0x351: {  	[tilespmem:s31], [sflag:$0x2] =	stream.linear.gather [hbm4b:s28+s3], $0x80, $0x38;
	[tilespmem:$0x8400] =	vst v63  }
0x352: {  	s13 =	sadd.s32 $0xB0, s8;
	s14 =	simm.s32 $0x2C18  }
0x353: {  	[tilespmem:s14], [sflag:$0x2] =	stream.linear.gather [hbm4b:s13+s3], $0x80, $0x38;
	[tilespmem:$0x8400] =	vst v63  }
0x354: {  	s28 =	sadd.s32 $0xC0, s8;
	s31 =	simm.s32 $0x2CA0  }
0x355: {  	[tilespmem:s31], [sflag:$0x2] =	stream.linear.gather [hbm4b:s28+s3], $0x80, $0x38;
	[tilespmem:$0x8400] =	vst v63  }
0x356: {  	s13 =	sadd.s32 $0xD0, s8;
	s14 =	simm.s32 $0x2D28  }
0x357: {  	[tilespmem:s14], [sflag:$0x2] =	stream.linear.gather [hbm4b:s13+s3], $0x80, $0x38;
	[tilespmem:$0x8400] =	vst v63  }
0x358: {  	s28 =	sadd.s32 $0xE0, s8;
	s31 =	simm.s32 $0x2DB0  }
0x359: {  	[tilespmem:s31], [sflag:$0x2] =	stream.linear.gather [hbm4b:s28+s3], $0x80, $0x38;
	[tilespmem:$0x8400] =	vst v63  }
0x35a: {  	s10 =	sadd.s32 $0xF0, s8;
	s13 =	simm.s32 $0x2E38  }
0x35b: {  	[tilespmem:s13], [sflag:$0x2] =	stream.linear.gather [hbm4b:s10+s3], $0x80, $0x38;
	[tilespmem:$0x8400] =	vst v63  }
0x35c: {  	s14 =	sadd.s32 $0x100, s8  }
0x35d: {  	[tilespmem:s30], [sflag:$0x2] =	stream.linear.gather [hbm4b:s14+s3], $0x80, $0x38;
	[tilespmem:$0x8400] =	vst v63  }
0x35e: {  	s28 =	sadd.s32 $0x110, s8;
	s31 =	simm.s32 $0x3388  }
0x35f: {  	[tilespmem:s31], [sflag:$0x2] =	stream.linear.gather [hbm4b:s28+s3], $0x80, $0x38;
	[tilespmem:$0x8400] =	vst v63  }
0x360: {  	s13 =	sadd.s32 $0x120, s8;
	s14 =	simm.s32 $0x3410  }
0x361: {  	[tilespmem:s14], [sflag:$0x2] =	stream.linear.gather [hbm4b:s13+s3], $0x80, $0x38;
	[tilespmem:$0x8400] =	vst v63  }
0x362: {  	s28 =	sadd.s32 $0x130, s8;
	s31 =	simm.s32 $0x3498  }
0x363: {  	[tilespmem:s31], [sflag:$0x2] =	stream.linear.gather [hbm4b:s28+s3], $0x80, $0x38;
	[tilespmem:$0x8400] =	vst v63  }
0x364: {  	s13 =	sadd.s32 $0x140, s8;
	s14 =	simm.s32 $0x3520  }
0x365: {  	[tilespmem:s14], [sflag:$0x2] =	stream.linear.gather [hbm4b:s13+s3], $0x80, $0x38;
	[tilespmem:$0x8400] =	vst v63  }
0x366: {  	s28 =	sadd.s32 $0x150, s8;
	s31 =	simm.s32 $0x35A8  }
0x367: {  	[tilespmem:s31], [sflag:$0x2] =	stream.linear.gather [hbm4b:s28+s3], $0x80, $0x38;
	[tilespmem:$0x8400] =	vst v63  }
0x368: {  	s13 =	sadd.s32 $0x160, s8;
	s14 =	simm.s32 $0x3630  }
0x369: {  	[tilespmem:s14], [sflag:$0x2] =	stream.linear.gather [hbm4b:s13+s3], $0x80, $0x38;
	[tilespmem:$0x8400] =	vst v63  }
0x36a: {  	s28 =	sadd.s32 $0x170, s8;
	s31 =	simm.s32 $0x36B8  }
0x36b: {  	[tilespmem:s31], [sflag:$0x2] =	stream.linear.gather [hbm4b:s28+s3], $0x80, $0x38;
	[tilespmem:$0x8400] =	vst v63  }
0x36c: {  	s10 =	sadd.s32 $0x180, s8  }
0x36d: {  	[tilespmem:s15], [sflag:$0x2] =	stream.linear.gather [hbm4b:s10+s3], $0x80, $0x38;
	[tilespmem:$0x8400] =	vst v63  }
0x36e: {  	s13 =	sadd.s32 $0x190, s8;
	s14 =	simm.s32 $0x3C08  }
0x36f: {  	[tilespmem:s14], [sflag:$0x2] =	stream.linear.gather [hbm4b:s13+s3], $0x80, $0x38;
	[tilespmem:$0x8400] =	vst v63  }
0x370: {  	s28 =	sadd.s32 $0x1A0, s8;
	s31 =	simm.s32 $0x3C90  }
0x371: {  	[tilespmem:s31], [sflag:$0x2] =	stream.linear.gather [hbm4b:s28+s3], $0x80, $0x38;
	[tilespmem:$0x8400] =	vst v63  }
0x372: {  	s13 =	sadd.s32 $0x1B0, s8;
	s14 =	simm.s32 $0x3D18  }
0x373: {  	[tilespmem:s14], [sflag:$0x2] =	stream.linear.gather [hbm4b:s13+s3], $0x80, $0x38;
	[tilespmem:$0x8400] =	vst v63  }
0x374: {  	s28 =	sadd.s32 $0x1C0, s8;
	s31 =	simm.s32 $0x3DA0  }
0x375: {  	[tilespmem:s31], [sflag:$0x2] =	stream.linear.gather [hbm4b:s28+s3], $0x80, $0x38;
	[tilespmem:$0x8400] =	vst v63  }
0x376: {  	s10 =	sadd.s32 $0x1D0, s8;
	s13 =	simm.s32 $0x3E28  }
0x377: {  	[tilespmem:s13], [sflag:$0x2] =	stream.linear.gather [hbm4b:s10+s3], $0x80, $0x38;
	[tilespmem:$0x8400] =	vst v63  }
0x378: {  	s14 =	sadd.s32 $0x1E0, s8;
	s28 =	simm.s32 $0x3EB0  }
0x379: {  	[tilespmem:s28], [sflag:$0x2] =	stream.linear.gather [hbm4b:s14+s3], $0x80, $0x38;
	[tilespmem:$0x8400] =	vst v63  }
0x37a: {  	s8 =	sadd.s32 $0x1F0, s8;
	s31 =	simm.s32 $0x3F38  }
0x37b: {  	[tilespmem:s31], [sflag:$0x2] =	stream.linear.gather [hbm4b:s8+s3], $0x80, $0x38;
	[tilespmem:$0x8400] =	vst v63  }
0x37c: {  	s1 =	sadd.s32 s1, s11;
	s10 =	simm.s32 $0x2640  }
0x37d: {  	[tilespmem:s10], [sflag:$0x2] =	stream.linear.gather [hbm4b:s1+s3], $0x80, $0x38;
	[tilespmem:$0x8400] =	vst v63  }
0x37e: {  	s13 =	sadd.s32 $0x10, s1;
	s14 =	simm.s32 $0x26C8  }
0x37f: {  	[tilespmem:s14], [sflag:$0x2] =	stream.linear.gather [hbm4b:s13+s3], $0x80, $0x38;
	[tilespmem:$0x8400] =	vst v63  }
0x380: {  	s28 =	sadd.s32 $0x20, s1;
	s31 =	simm.s32 $0x2750  }
0x381: {  	[tilespmem:s31], [sflag:$0x2] =	stream.linear.gather [hbm4b:s28+s3], $0x80, $0x38;
	[tilespmem:$0x8400] =	vst v63  }
0x382: {  	s9 =	sadd.s32 $0x30, s1;
	s10 =	simm.s32 $0x27D8  }
0x383: {  	[tilespmem:s10], [sflag:$0x2] =	stream.linear.gather [hbm4b:s9+s3], $0x80, $0x38;
	[tilespmem:$0x8400] =	vst v63  }
0x384: {  	s13 =	sadd.s32 $0x40, s1;
	s14 =	simm.s32 $0x2860  }
0x385: {  	[tilespmem:s14], [sflag:$0x2] =	stream.linear.gather [hbm4b:s13+s3], $0x80, $0x38;
	[tilespmem:$0x8400] =	vst v63  }
0x386: {  	s28 =	sadd.s32 $0x50, s1;
	s31 =	simm.s32 $0x28E8  }
0x387: {  	[tilespmem:s31], [sflag:$0x2] =	stream.linear.gather [hbm4b:s28+s3], $0x80, $0x38;
	[tilespmem:$0x8400] =	vst v63  }
0x388: {  	s9 =	sadd.s32 $0x60, s1;
	s10 =	simm.s32 $0x2970  }
0x389: {  	[tilespmem:s10], [sflag:$0x2] =	stream.linear.gather [hbm4b:s9+s3], $0x80, $0x38;
	[tilespmem:$0x8400] =	vst v63  }
0x38a: {  	s13 =	sadd.s32 $0x70, s1;
	s14 =	simm.s32 $0x29F8  }
0x38b: {  	[tilespmem:s14], [sflag:$0x2] =	stream.linear.gather [hbm4b:s13+s3], $0x80, $0x38;
	[tilespmem:$0x8400] =	vst v63  }
0x38c: {  	s28 =	sadd.s32 $0x80, s1;
	s31 =	simm.s32 $0x2EC0  }
0x38d: {  	[tilespmem:s31], [sflag:$0x2] =	stream.linear.gather [hbm4b:s28+s3], $0x80, $0x38;
	[tilespmem:$0x8400] =	vst v63  }
0x38e: {  	s9 =	sadd.s32 $0x90, s1;
	s10 =	simm.s32 $0x2F48  }
0x38f: {  	[tilespmem:s10], [sflag:$0x2] =	stream.linear.gather [hbm4b:s9+s3], $0x80, $0x38;
	[tilespmem:$0x8400] =	vst v63  }
0x390: {  	s13 =	sadd.s32 $0xA0, s1;
	s14 =	simm.s32 $0x2FD0  }
0x391: {  	[tilespmem:s14], [sflag:$0x2] =	stream.linear.gather [hbm4b:s13+s3], $0x80, $0x38;
	[tilespmem:$0x8400] =	vst v63  }
0x392: {  	s28 =	sadd.s32 $0xB0, s1;
	s31 =	simm.s32 $0x3058  }
0x393: {  	[tilespmem:s31], [sflag:$0x2] =	stream.linear.gather [hbm4b:s28+s3], $0x80, $0x38;
	[tilespmem:$0x8400] =	vst v63  }
0x394: {  	s9 =	sadd.s32 $0xC0, s1;
	s10 =	simm.s32 $0x30E0  }
0x395: {  	[tilespmem:s10], [sflag:$0x2] =	stream.linear.gather [hbm4b:s9+s3], $0x80, $0x38;
	[tilespmem:$0x8400] =	vst v63  }
0x396: {  	s13 =	sadd.s32 $0xD0, s1;
	s14 =	simm.s32 $0x3168  }
0x397: {  	[tilespmem:s14], [sflag:$0x2] =	stream.linear.gather [hbm4b:s13+s3], $0x80, $0x38;
	[tilespmem:$0x8400] =	vst v63  }
0x398: {  	s28 =	sadd.s32 $0xE0, s1;
	s31 =	simm.s32 $0x31F0  }
0x399: {  	[tilespmem:s31], [sflag:$0x2] =	stream.linear.gather [hbm4b:s28+s3], $0x80, $0x38;
	[tilespmem:$0x8400] =	vst v63  }
0x39a: {  	s9 =	sadd.s32 $0xF0, s1;
	s10 =	simm.s32 $0x3278  }
0x39b: {  	[tilespmem:s10], [sflag:$0x2] =	stream.linear.gather [hbm4b:s9+s3], $0x80, $0x38;
	[tilespmem:$0x8400] =	vst v63  }
0x39c: {  	s13 =	sadd.s32 $0x100, s1;
	s14 =	simm.s32 $0x3740  }
0x39d: {  	[tilespmem:s14], [sflag:$0x2] =	stream.linear.gather [hbm4b:s13+s3], $0x80, $0x38;
	[tilespmem:$0x8400] =	vst v63  }
0x39e: {  	s28 =	sadd.s32 $0x110, s1;
	s31 =	simm.s32 $0x37C8  }
0x39f: {  	[tilespmem:s31], [sflag:$0x2] =	stream.linear.gather [hbm4b:s28+s3], $0x80, $0x38;
	[tilespmem:$0x8400] =	vst v63  }
0x3a0: {  	s9 =	sadd.s32 $0x120, s1;
	s10 =	simm.s32 $0x3850  }
0x3a1: {  	[tilespmem:s10], [sflag:$0x2] =	stream.linear.gather [hbm4b:s9+s3], $0x80, $0x38;
	[tilespmem:$0x8400] =	vst v63  }
0x3a2: {  	s13 =	sadd.s32 $0x130, s1;
	s14 =	simm.s32 $0x38D8  }
0x3a3: {  	[tilespmem:s14], [sflag:$0x2] =	stream.linear.gather [hbm4b:s13+s3], $0x80, $0x38;
	[tilespmem:$0x8400] =	vst v63  }
0x3a4: {  	s28 =	sadd.s32 $0x140, s1;
	s31 =	simm.s32 $0x3960  }
0x3a5: {  	[tilespmem:s31], [sflag:$0x2] =	stream.linear.gather [hbm4b:s28+s3], $0x80, $0x38;
	[tilespmem:$0x8400] =	vst v63  }
0x3a6: {  	s9 =	sadd.s32 $0x150, s1;
	s10 =	simm.s32 $0x39E8  }
0x3a7: {  	[tilespmem:s10], [sflag:$0x2] =	stream.linear.gather [hbm4b:s9+s3], $0x80, $0x38;
	[tilespmem:$0x8400] =	vst v63  }
0x3a8: {  	s13 =	sadd.s32 $0x160, s1;
	s14 =	simm.s32 $0x3A70  }
0x3a9: {  	[tilespmem:s14], [sflag:$0x2] =	stream.linear.gather [hbm4b:s13+s3], $0x80, $0x38;
	[tilespmem:$0x8400] =	vst v63  }
0x3aa: {  	s28 =	sadd.s32 $0x170, s1;
	s31 =	simm.s32 $0x3AF8  }
0x3ab: {  	[tilespmem:s31], [sflag:$0x2] =	stream.linear.gather [hbm4b:s28+s3], $0x80, $0x38;
	[tilespmem:$0x8400] =	vst v63  }
0x3ac: {  	s9 =	sadd.s32 $0x180, s1;
	s10 =	simm.s32 $0x3FC0  }
0x3ad: {  	[tilespmem:s10], [sflag:$0x2] =	stream.linear.gather [hbm4b:s9+s3], $0x80, $0x38;
	[tilespmem:$0x8400] =	vst v63  }
0x3ae: {  	s13 =	sadd.s32 $0x190, s1;
	s14 =	simm.s32 $0x4048  }
0x3af: {  	[tilespmem:s14], [sflag:$0x2] =	stream.linear.gather [hbm4b:s13+s3], $0x80, $0x38;
	[tilespmem:$0x8400] =	vst v63  }
0x3b0: {  	s28 =	sadd.s32 $0x1A0, s1;
	s31 =	simm.s32 $0x40D0  }
0x3b1: {  	[tilespmem:s31], [sflag:$0x2] =	stream.linear.gather [hbm4b:s28+s3], $0x80, $0x38;
	[tilespmem:$0x8400] =	vst v63  }
0x3b2: {  	s9 =	sadd.s32 $0x1B0, s1;
	s10 =	simm.s32 $0x4158  }
0x3b3: {  	[tilespmem:s10], [sflag:$0x2] =	stream.linear.gather [hbm4b:s9+s3], $0x80, $0x38;
	[tilespmem:$0x8400] =	vst v63  }
0x3b4: {  	s13 =	sadd.s32 $0x1C0, s1;
	s14 =	simm.s32 $0x41E0  }
0x3b5: {  	[tilespmem:s14], [sflag:$0x2] =	stream.linear.gather [hbm4b:s13+s3], $0x80, $0x38;
	[tilespmem:$0x8400] =	vst v63  }
0x3b6: {  	s28 =	sadd.s32 $0x1D0, s1  }
0x3b7: {  	[tilespmem:s17], [sflag:$0x2] =	stream.linear.gather [hbm4b:s28+s3], $0x80, $0x38;
	[tilespmem:$0x8400] =	vst v63  }
.Ltmp28:
0x3b8: {  	_ = 	snop;
	(pc) =	sbr.rel .LBB2_47-.Ltmp28, $4  }
0x3b9: {  	s31 =	sadd.s32 $0x1E0, s1  }
0x3ba: {  	[tilespmem:s18], [sflag:$0x2] =	stream.linear.gather [hbm4b:s31+s3], $0x80, $0x38;
	[tilespmem:$0x8400] =	vst v63  }
0x3bb: {  	s1 =	sadd.s32 $0x1F0, s1  }
0x3bc: {  	[tilespmem:s19], [sflag:$0x2] =	stream.linear.gather [hbm4b:s1+s3], $0x80, $0x38;
	[tilespmem:$0x8400] =	vst v63  }
.LBB2_15:
.Ltmp29:
0x3bd: {  	(pc) =	sbr.rel .LBB2_22-.Ltmp29, $2  }
0x3be: {  	_ =	sdelay $0x2  }
0x3bf: {  	s8 =	simm.s32 $0x5C30;
	p1 =	por $0x0, $0x0  }
.LBB2_38:
.Ltmp30:
0x3c0: {  	(pc) =	sbr.rel .LBB2_45-.Ltmp30, $2  }
0x3c1: {  	_ =	sdelay $0x2  }
0x3c2: {  	s1 =	simm.s32 $0x7C30;
	p1 =	por $0x0, $0x0  }
.LBB2_9:
.Ltmp31:
0x3c3: {  	(pc) =	sbr.rel .LBB2_14-.Ltmp31, $2  }
0x3c4: {  	_ =	sdelay $0x2  }
0x3c5: {  	s1 =	simm.s32 $0x5430;
	p3 =	por $0x0, $0x0  }
.LBB2_17:
.Ltmp32:
0x3c6: {  	(pc) =	sbr.rel .LBB2_22-.Ltmp32, $2  }
0x3c7: {  	_ =	sdelay $0x2  }
0x3c8: {  	s8 =	simm.s32 $0x5C30  }
.LBB2_32:
.Ltmp33:
0x3c9: {  	(pc) =	sbr.rel .LBB2_37-.Ltmp33, $2  }
0x3ca: {  	_ =	sdelay $0x2  }
0x3cb: {  	s8 =	simm.s32 $0x7430;
	p3 =	por $0x0, $0x0  }
.LBB2_40:
.Ltmp34:
0x3cc: {  	(pc) =	sbr.rel .LBB2_45-.Ltmp34, $2  }
0x3cd: {  	_ =	sdelay $0x2  }
0x3ce: {  	s1 =	simm.s32 $0x7C30  }
.LBB2_11:
.Ltmp35:
0x3cf: {  	_ = 	snop;
	(pc) =	sbr.rel .LBB2_14-.Ltmp35, $2  }
0x3d0: {  	_ =	sdelay $0x2  }
0x3d1: {  	s1 =	simm.s32 $0x5430;
	v10 =	vmovc v8;
	v12 =	vmov v9;
	v15 =	vmov v11;
	v13 =	vmov v16  }
.LBB2_19:
.Ltmp36:
0x3d2: {  	_ = 	snop;
	(pc) =	sbr.rel .LBB2_22-.Ltmp36, $2  }
0x3d3: {  	_ =	sdelay $0x2  }
0x3d4: {  	s8 =	simm.s32 $0x5C30;
	v9 =	vmovc v5;
	v10 =	vmov v6;
	v11 =	vmov v7;
	v8 =	vmov v12  }
.LBB2_34:
.Ltmp37:
0x3d5: {  	_ = 	snop;
	(pc) =	sbr.rel .LBB2_37-.Ltmp37, $2  }
0x3d6: {  	_ =	sdelay $0x2  }
0x3d7: {  	s8 =	simm.s32 $0x7430;
	v10 =	vmovc v8;
	v12 =	vmov v9;
	v15 =	vmov v11;
	v13 =	vmov v16  }
.LBB2_42:
.Ltmp38:
0x3d8: {  	_ = 	snop;
	(pc) =	sbr.rel .LBB2_45-.Ltmp38, $2  }
0x3d9: {  	_ =	sdelay $0x2  }
0x3da: {  	s1 =	simm.s32 $0x7C30;
	v9 =	vmovc v5;
	v10 =	vmov v6;
	v11 =	vmov v7;
	v8 =	vmov v12  }
.LBB2_50:
0x3db: {  	_ =	sfence.sel $0x180000  }
0x3dc: {  	[bflag:$0x0] =	sbarrier.arrive $0xFFFF  }
0x3dd: {  	_ =	strace $0x90000047  }
0x3de: {  	s0 =	stileid.u32;
	[bflag:$0x2] =	sbarrier.arrive $0xFFFF  }
0x3df: {  	p0 =	sne.s32 s0, $0x0;
	s0 =	rddreg [dreg:$0x2]  }
0x3e0: {  	s0 =	sadd.s32 @!p0 $0x100000, s0  }
0x3e1: {  	[sflag:s0] =	ssyncadd.tile.s32 @!p0 $0x1;
	_ =	shalt  }
.Lfunc_end2:
_tile_overlayer_lowered:
.L_overlay_start_2:
0x3e2: {  	(tag) =	ssettag $0x2  }
0x3e3: {  	s0 =	rddreg [dreg:$0x0];
	s2 =	stileid.u32  }
0x3e4: {  	s1 =	rddreg [dreg:$0x1];
	p0 =	sne.s32 s2, $0x0  }
0x3e5: {  	s3 =	rddreg [dreg:$0x2];
	[bflag:$0x3] =	sbarrier.arrive $0xFFFF;
	s2 =	simm.s32 @!p0 $0x1C05  }
0x3e6: {  	[timem:s3], [sflag:s2] =	dma.local @!p0 [hbm:s0], s1  }
0x3e7: {  	s0 =	simm.s32 @!p0 $0x5  }
0x3e8: {  	_ =	swait.ge @!p0 [sflag:s0], s1  }
0x3e9: {  	s1 =	ssub.s32 @!p0 $0x0, s1;
	[sflag:s0] =	ssyncset.done @!p0 $0x0  }
0x3ea: {  	[sflag:s0] =	ssyncadd.s32 @!p0 s1  }
0x3eb: {  	[bflag:$0x3] =	sbarrier.arrive $0xFFFF  }
0x3ec: {  	_ =	shalt  }

// kernel: kernel.7.cloned.1.call-start
scs
__scs_entry_jumppad:
0x0: {  	(pc) =	sbr.rel $0x88, $3  }
0x1: {  	(tag) =	ssettag $0x0;
	lr =	simm.s32 $0x1  }
0x2: {  	[smem:$0x3F9F] =	sst lr;
	_ =	strace $0xD0000000  }
0x3: {  	_ = 	snop  }
0x4: {  	_ = 	snop  }
0x5: {  	_ = 	snop  }
0x6: {  	_ = 	snop  }
0x7: {  	_ = 	snop  }
__scs_overlays_trampoline_lowered:
0x8: {  	[smem:$0x3FAE] =	sst s0  }
0x9: {  	[smem:$0x3FAF] =	sst s1  }
0xa: {  	[smem:$0x3FB0] =	sst s2  }
0xb: {  	[smem:$0x3FB1] =	sst s3  }
0xc: {  	[smem:$0x3FB2] =	sst s4  }
0xd: {  	[smem:$0x3FB3] =	sst s5  }
0xe: {  	[smem:$0x3FB4] =	sst s6  }
0xf: {  	[smem:$0x3FB5] =	sst s7  }
0x10: {  	[smem:$0x3FB6] =	sst s8  }
0x11: {  	[smem:$0x3FB7] =	sst s9;
	s0 =	simm.s32 @!p0 $0x0  }
0x12: {  	s1 =	sld [smem:$0x3F9D];
	s0 =	simm.s32 @p0 $0x1  }
0x13: {  	[smem:$0x3FB8] =	sst s0;
	s0 =	simm.s32 @!p1 $0x0  }
0x14: {  	s2 =	sld [smem:$0x3F9C];
	s0 =	simm.s32 @p1 $0x1  }
0x15: {  	[smem:$0x3FB9] =	sst s0;
	s0 =	simm.s32 @!p2 $0x0  }
0x16: {  	s3 =	sld [smem:$0x3FDB];
	s0 =	simm.s32 @p2 $0x1  }
0x17: {  	s4 =	simm.s32 $0x1BF5;
	[smem:$0x3FBB] =	sst s0  }
0x18: {  	s0 =	sld [smem:$0x3F9E];
	_ =	swait.ge [sflag:s4], $0x0  }
0x19: {  	s7 =	sld [smem:$0x3F9F]  }
0x1a: {  	s8 =	sadd.s32 $0xFFFFE003, lr  }
0x1b: {  	s9 =	sadd.s32 $0xFFFFFEF7, lr;
	s5 =	simm.s32 $0xFFFFFFFF;
	p2 =	slt.u32 s8, $0xFFFFF086  }
0x1c: {  	p1 =	slt.u32 s9, $0xF7A;
	s5 =	simm.s32 @!p2 $0x0  }
0x1d: {  	s5 =	simm.s32 @p1 $0x1;
	p0 =	seq.s32 s7, s2  }
0x1e: {  	s7 =	smul.u32 @!p0 $0xF7A, s2;
	p2 =	seq.s32 @!p0 s5, $0x0  }
0x1f: {  	s9 =	smul.u32 $0xF7A, s1;
	s8 =	simm.s32 @!p0 $0x1BF5;
	p2 =	por !p2, p0  }
0x20: {  	[sflag:s8] =	ssyncset.s32 @!p0 $0xFFFFF086;
	s6 =	sadd.s32 @!p0 s3, s7;
	s7 =	simm.s32 @!p0 $0x108  }
0x21: {  	s3 =	sadd.s32 s3, s9;
	s6 =	sadd.s32 @!p0 $0x88, s6;
	s7 =	simm.s32 @p2 $0x1082  }
0x22: {  	[simem:s7], [sflag:s8] =	dma.local @!p0 [hbm:s6], $0xF7A  }
0x23: {  	s9 =	sor.u32 $0xD0000000, s2;
	s6 =	simm.s32 $0x108;
	_ =	swait.ge @!p0 [sflag:s8], $0x0  }
0x24: {  	s3 =	sadd.s32 $0x88, s3;
	s6 =	simm.s32 @!p1 $0x1082;
	[sflag:s4] =	ssyncset.s32 $0xFFFFF086  }
0x25: {  	[simem:s6], [sflag:s4] =	dma.local [hbm:s3], $0xF7A  }
0x26: {  	[smem:$0x3F9F] =	sst s1;
	(tag) =	ssettag s2;
	_ =	strace s9  }
0x27: {  	s1 =	sld [smem:$0x3FAF]  }
0x28: {  	s2 =	sld [smem:$0x3FB0]  }
0x29: {  	s4 =	sld [smem:$0x3FB2]  }
0x2a: {  	p0 =	seq.s32 s5, $0x0;
	s5 =	sld [smem:$0x3FB3]  }
0x2b: {  	s6 =	sld [smem:$0x3FB4]  }
0x2c: {  	s7 =	sld [smem:$0x3FB5]  }
0x2d: {  	s3 =	simm.s32 $0x108;
	s8 =	sld [smem:$0x3FB6]  }
0x2e: {  	s3 =	simm.s32 @!p0 $0x1082;
	s9 =	sld [smem:$0x3FB7]  }
0x2f: {  	lr =	sadd.s32 s0, s3;
	s0 =	sld [smem:$0x3FAE]  }
0x30: {  	s3 =	sld [smem:$0x3FB1]  }
0x31: {  	[smem:$0x3FBA] =	sst s10  }
0x32: {  	s10 =	sld [smem:$0x3FB8];
	_ =	sdelay $0x3  }
0x33: {  	p0 =	seq.s32 s10, $0x1;
	s10 =	sld [smem:$0x3FBA];
	_ =	sdelay $0x3  }
0x34: {  	[smem:$0x3FBA] =	sst s10  }
0x35: {  	s10 =	sld [smem:$0x3FB9];
	_ =	sdelay $0x3  }
0x36: {  	p1 =	seq.s32 s10, $0x1;
	s10 =	sld [smem:$0x3FBA];
	_ =	sdelay $0x3  }
0x37: {  	[smem:$0x3FBA] =	sst s10  }
0x38: {  	s10 =	sld [smem:$0x3FBB]  }
0x39: {  	_ = 	snop;
	(pc) =	sbr.ind lr, $3  }
0x3a: {  	_ = 	snop  }
0x3b: {  	_ = 	snop  }
0x3c: {  	p2 =	seq.s32 s10, $0x1;
	s10 =	sld [smem:$0x3FBA]  }
0x3d: {  	_ =	shalt  }
0x3e: {  	_ =	shalt  }
0x3f: {  	_ =	shalt  }
0x40: {  	_ =	shalt  }
0x41: {  	_ =	shalt  }
0x42: {  	_ =	shalt  }
0x43: {  	_ =	shalt  }
0x44: {  	_ =	shalt  }
0x45: {  	_ =	shalt  }
0x46: {  	_ =	shalt  }
0x47: {  	_ =	shalt  }
0x48: {  	_ =	shalt  }
0x49: {  	_ =	shalt  }
0x4a: {  	_ =	shalt  }
0x4b: {  	_ =	shalt  }
0x4c: {  	_ =	shalt  }
0x4d: {  	_ =	shalt  }
0x4e: {  	_ =	shalt  }
0x4f: {  	_ =	shalt  }
0x50: {  	_ =	shalt  }
0x51: {  	_ =	shalt  }
0x52: {  	_ =	shalt  }
0x53: {  	_ =	shalt  }
0x54: {  	_ =	shalt  }
0x55: {  	_ =	shalt  }
0x56: {  	_ =	shalt  }
0x57: {  	_ =	shalt  }
0x58: {  	_ =	shalt  }
0x59: {  	_ =	shalt  }
0x5a: {  	_ =	shalt  }
0x5b: {  	_ =	shalt  }
0x5c: {  	_ =	shalt  }
0x5d: {  	_ =	shalt  }
0x5e: {  	_ =	shalt  }
0x5f: {  	_ =	shalt  }
0x60: {  	_ =	shalt  }
0x61: {  	_ =	shalt  }
0x62: {  	_ =	shalt  }
0x63: {  	_ =	shalt  }
0x64: {  	_ =	shalt  }
0x65: {  	_ =	shalt  }
0x66: {  	_ =	shalt  }
0x67: {  	_ =	shalt  }
0x68: {  	_ =	shalt  }
0x69: {  	_ =	shalt  }
0x6a: {  	_ =	shalt  }
0x6b: {  	_ =	shalt  }
0x6c: {  	_ =	shalt  }
0x6d: {  	_ =	shalt  }
0x6e: {  	_ =	shalt  }
0x6f: {  	_ =	shalt  }
0x70: {  	_ =	shalt  }
0x71: {  	_ =	shalt  }
0x72: {  	_ =	shalt  }
0x73: {  	_ =	shalt  }
0x74: {  	_ =	shalt  }
0x75: {  	_ =	shalt  }
0x76: {  	_ =	shalt  }
0x77: {  	_ =	shalt  }
0x78: {  	_ =	shalt  }
0x79: {  	_ =	shalt  }
0x7a: {  	_ =	shalt  }
0x7b: {  	_ =	shalt  }
0x7c: {  	_ =	shalt  }
0x7d: {  	_ =	shalt  }
0x7e: {  	_ =	shalt  }
0x7f: {  	_ =	shalt  }
0x80: {  	_ =	shalt  }
0x81: {  	_ =	shalt  }
0x82: {  	_ =	shalt  }
0x83: {  	_ =	shalt  }
0x84: {  	_ =	shalt  }
0x85: {  	_ =	shalt  }
0x86: {  	_ =	shalt  }
0x87: {  	_ =	shalt  }
.Lfunc_end0:
.L_simem_size_0:
called_computation.1_lowered:
.L_overlay_start_0:
0x88: {  	s2 =	sld [smem:$0x3FD9]  }
0x89: {  	s3 =	sld [smem:$0x3FFE];
	_ =	sdelay $0x1  }
0x8a: {  	s1 =	srdreg.scid  }
0x8b: {  	s0 =	sand.u32 $0x1, s1  }
0x8c: {  	s17 =	sshll.u32 s0, $0xA;
	s2 =	sadd.s32 s3, s2  }
0x8d: {  	s2 =	sadd.s32 s2, s17  }
0x8e: {  	[smem:$0x3FC6] =	sst s2  }
0x8f: {  	_ = 	snop  }
0x90: {  	s2 =	sld [smem:$0x3FC9]  }
0x91: {  	s18 =	sld [smem:$0x3FD0];
	(tm) =	ssettm $0x1  }
0x92: {  	s4 =	sld [smem:$0x3FFB];
	_ =	sdelay $0x3  }
0x93: {  	_ =	strace s4  }
0x94: {  	s4 =	sld [smem:$0x3FFC];
	_ =	sdelay $0x3  }
0x95: {  	_ =	strace s4  }
0x96: {  	s4 =	sld [smem:$0x3FFD];
	_ =	sdelay $0x3  }
0x97: {  	_ =	strace s4  }
0x98: {  	_ =	strace $0x8FFFFFFF  }
0x99: {  	s19 =	sld [smem:$0x3FDB];
	_ =	sdelay $0x1  }
0x9a: {  	s5 =	simm.s32 $_scs_section_size  }
0x9b: {  	s6 =	simm.s32 $_size__tile_overlayer_lowered;
	s7 =	simm.s32 $_tile_overlayer_lowered  }
0x9c: {  	s22 =	simm.s32 $0x1BFF;
	s21 =	sshll.u32 s7, $0x1;
	s4 =	sadd.s32 s5, s19  }
0x9d: {  	s8 =	simm.s32 $0x0;
	s20 =	sshll.u32 s6, $0x1;
	s6 =	sadd.s32 s21, s4  }
0x9e: {  	[timem:s8], [sflag:s22] =	dma.local [hbm:s6], s20  }
0x9f: {  	_ =	swait.ge [sflag:s22], s20  }
0xa0: {  	s5 =	ssub.s32 $0x0, s20;
	[sflag:s22] =	ssyncset.done $0x0  }
0xa1: {  	[sflag:s22] =	ssyncadd.s32 s5;
	_ =	sdelay $0x1  }
0xa2: {  	s23 =	simm.s32 $0x1B8B  }
0xa3: {  	_ =	swait.ge [sflag:s23], $0x1  }
0xa4: {  	[sflag:s23] =	ssyncset.done $0x0  }
0xa5: {  	s25 =	simm.s32 $0x1B8E;
	s24 =	sld [smem:$0x3FFE];
	[sflag:s23] =	ssyncadd.s32 $0xFFFFFFFF  }
0xa6: {  	s26 =	simm.s32 $execute0_lowered;
	[smem:$0x3FD2] =	sst s25  }
0xa7: {  	s6 =	sshll.u32 s26, $0x1;
	_ =	strace $0x80000049;
	[dreg:$0x1] =	wrdreg $0xFFFFFFFF  }
0xa8: {  	s28 =	simm.s32 $_size_execute0_lowered;
	s4 =	sadd.s32 s4, s6;
	[dreg:$0x0] =	wrdreg $0x0  }
0xa9: {  	s6 =	sshll.u32 s28, $0x1;
	[dreg:$0x2] =	wrdreg s4  }
0xaa: {  	[dreg:$0x3] =	wrdreg s6  }
0xab: {  	[dreg:$0x4] =	wrdreg $0xC0  }
0xac: {  	_ =	task [dreg:s8], $0x5FFFF  }
0xad: {  	[dreg:$0x1] =	wrdreg $0xFFFFFFFF  }
0xae: {  	[dreg:$0x0] =	wrdreg $0x60  }
0xaf: {  	[dreg:$0x2] =	wrdreg s24  }
0xb0: {  	[dreg:$0x3] =	wrdreg s2  }
0xb1: {  	[dreg:$0x4] =	wrdreg s18  }
0xb2: {  	[dreg:$0x5] =	wrdreg $0x9  }
0xb3: {  	_ =	task.clear_ibuf [dreg:s8], $0x6FFFF;
	_ =	strace $0x90000049  }
0xb4: {  	s29 =	simm.s32 $0x9;
	_ =	strace $0x8000004B  }
0xb5: {  	_ =	swait.ge [sflag:s29], $0x1  }
0xb6: {  	[sflag:s29] =	ssyncadd.s32 $0xFFFFFFFF  }
0xb7: {  	_ =	strace $0x9000004B  }
0xb8: {  	_ =	sfence  }
0xb9: {  	s30 =	sld [smem:$0x0];
	_ =	sdelay $0x2  }
0xba: {  	s31 =	sshll.u32 s1, $0xD;
	s1 =	sshrl.u32 s1, $0x2  }
0xbb: {  	s3 =	sand.u32 $0x4000, s31;
	s1 =	sadd.s32 s1, s30  }
0xbc: {  	s0 =	sor.u32 s3, s0;
	s1 =	sshll.u32 s1, $0x11  }
0xbd: {  	s0 =	sor.u32 s1, s0  }
0xbe: {  	s0 =	sadd.s32 $0x8F2B, s0  }
0xbf: {  	[sflag:s0] =	ssyncadd.remote.s32 $0x1  }
0xc0: {  	_ =	sfence.sel $0xFFFF  }
0xc1: {  	[dreg:$0x0] =	wrdreg $0xFFFFFFFF;
	(pc) =	sbr.abs _section_cstart, $3  }
0xc2: {  	[dreg:$0x1] =	wrdreg $0xFFFFFFFF  }
0xc3: {  	_ =	task.clear_ibuf [dreg:s8], $0x2FFFF;
	_ =	strace $0x9FFFFFFF  }
0xc4: {  	(tm) =	ssettm $0x7FFFFFFF  }
0xc5: {  	_ =	shalt  }
tec
execute0_lowered:
.L_overlay_start_1:
0x0: {  	(tag) =	ssettag $0x1  }
0x1: {  	s0 =	rddreg [dreg:$0x0]  }
0x2: {  	s1 =	rddreg [dreg:$0x1];
	s2 =	srdreg.scid  }
0x3: {  	s3 =	stileid.u32;
	s4 =	simm.s32 $0x0;
	s10 =	simm.s32 $0x400  }
0x4: {  	s12 =	simm.s32 $0x800;
	s2 =	sand.u32 $0x1, s2;
	s3 =	sshll.u32 s3, $0x1  }
0x5: {  	s13 =	simm.s32 $0x3;
	s14 =	simm.s32 $0x2;
	s3 =	sor.u32 s2, s3  }
0x6: {  	s15 =	simm.s32 $0x4800;
	s2 =	ssub.s32 $0x2, s2;
	s5 =	smul.u32 $0x3200, s3  }
0x7: {  	s18 =	simm.s32 $0x4;
	[smem:$0x7FF] =	sst s4;
	s30 =	sshrl.u32 s2, $0x1  }
0x8: {  	s4 =	sadd.s32 $0x800, s0;
	s0 =	ssub.s32 s2, s30;
	s5 =	sadd.s32 s1, s5  }
0x9: {  	_ =	strace $0x8000004A;
	s0 =	smax.u32 s0, $0x1;
	[dreg:$0x4] =	wrdreg s5  }
0xa: {  	v0 =	vlaneseq.u32;
	s9 =	sadd.s32 $0x100, s1;
	s31 =	sadd.s32 $0x80, s5;
	[dreg:$0x6] =	wrdreg s0  }
0xb: {  	v0 =	vmul.u32 $0x10, v0;
	s6 =	smul.u32 $0x64, s3;
	s2 =	simm.s32 $0x0;
	[dreg:$0x5] =	wrdreg s31  }
.LBB2_1:
0xc: {  	[dreg:$0x7] =	wrdreg s2  }
0xd: {  	s0 =	simm.s32 $0x0;
	s1 =	rddreg [dreg:$0x4]  }
0xe: {  	[tilespmem:s0], [sflag:$0x1] =	stream.linear.gather [hbm4b:s1+s0], $0x400, $0x38;
	[tilespmem:$0x10800] =	vst v63  }
0xf: {  	s30 =	rddreg [dreg:$0x5];
	s31 =	simm.s32 $0x1  }
0x10: {  	[tilespmem:s10], [sflag:$0x2] =	stream.linear.gather [hbm4b:s30+s0], $0x400, $0x38;
	[tilespmem:$0x10800] =	vst v63  }
0x11: {  	_ =	swait.ge [sflag:s31], $0x400  }
0x12: {  	[sflag:s31] =	ssyncset.done $0x0  }
0x13: {  	s23 =	simm.s32 $0x0;
	[sflag:s31] =	ssyncadd.s32 $0xFFFFFC00  }
0x14: {  	[tilespmem:s12], [sflag:$0x3] =	stream.indirect.gather [hbm4b:s4+s10], $0x10, s0, s10, $0xb8;
	[tilespmem:$0x10800] =	vst v63  }
.LBB2_2:
0x15: {  	_ =	swait.ge [sflag:s13], $0x4000  }
0x16: {  	p0 =	seq.s32 s23, $0x31;
	[sflag:s13] =	ssyncset.done $0x0  }
0x17: {  	p1 =	seq.s32 @!p0 s23, $0x0;
	[sflag:s13] =	ssyncadd.s32 $0xFFFFC000  }
0x18: {  	s25 =	sshll.u32 s23, $0x1;
	p1 =	por p0, !p1;
	_ =	swait.ge [sflag:s14], $0x400  }
.Ltmp0:
0x19: {  	s0 =	sadd.s32 @!p0 s6, s25;
	[sflag:s14] =	ssyncset.done $0x0;
	(pc) =	sbr.rel @!p1 .LBB2_3-.Ltmp0, $4  }
0x1a: {  	s0 =	sshll.u32 @!p0 s0, $0x7;
	[sflag:s14] =	ssyncadd.s32 $0xFFFFFC00  }
0x1b: {  	[tilespmem:s15], [sflag:$0x4] =	stream.indirect.gather [hbm4b:s4+s10], $0x10, s10, s10, $0xb8;
	[tilespmem:$0x10800] =	vst v63  }
0x1c: {  	s1 =	simm.s32 @!p0 $0x0;
	s0 =	sadd.s32 @!p0 s9, s0  }
0x1d: {  	[tilespmem:s1], [sflag:$0x1] =	stream.linear.gather @!p0 [hbm4b:s0+s1], $0x400, $0x38;
	[tilespmem:$0x10800] =	vst v63  }
.Ltmp1:
0x1e: {  	(pc) =	sbr.rel .LBB2_5-.Ltmp1, $4  }
0x1f: {  	s0 =	simm.s32 $0x5  }
0x20: {  	_ =	swait.ge [sflag:s0], $0x4000  }
0x21: {  	[sflag:s0] =	ssyncset.done $0x0  }
0x22: {  	p1 =	por $0x0, $0x0;
	[sflag:s0] =	ssyncadd.s32 $0xFFFFC000  }
.LBB2_3:
0x23: {  	p1 =	por @!p0 $0x1, $0x1  }
.LBB2_5:
0x24: {  	s0 =	simm.s32 $0x0  }
0x25: {  	v1 =	vmov s0  }
0x26: {  	v1 =	vshll.u32 v1, $0x4  }
0x27: {  	v5 =	vor.u32 v0, v1;
	_ =	sdelay $0x1  }
0x28: {  	s1 =	simm.s32 $0x10  }
0x29: {  	v1 =	vmov s1  }
0x2a: {  	v1 =	vshll.u32 v1, $0x4  }
0x2b: {  	v4 =	vor.u32 v0, v1;
	v1 =	vld.idx.msk [tilespmem:v5+s12+$0x0], $0xffff  }
0x2c: {  	s2 =	simm.s32 $0x0;
	v2 =	vor.u32 $0x1, v5  }
0x2d: {  	s8 =	sand.u32 $0x3800, s2  }
0x2e: {  	s5 =	sand.u32 $0x60, s0;
	s19 =	sadd.s32 $0x8800, s8  }
0x2f: {  	s24 =	sor.u32 s5, s19  }
0x30: {  	v3 =	vld.idx.msk [tilespmem:v4+s12+$0x0], $0xffff;
	[tilespmem:s24+$0x0] =	vst v1  }
0x31: {  	v1 =	vor.u32 $0x1, v4;
	v2 =	vld.idx.msk [tilespmem:v2+s12+$0x0], $0xffff  }
0x32: {  	v6 =	vor.u32 $0x2, v5  }
0x33: {  	s1 =	sand.u32 $0x70, s1  }
0x34: {  	s26 =	sor.u32 s1, s19  }
0x35: {  	[tilespmem:s26+$0x0] =	vst v3  }
0x36: {  	v1 =	vld.idx.msk [tilespmem:v1+s12+$0x0], $0xffff;
	[tilespmem:s24+$0x80] =	vst v2  }
0x37: {  	v2 =	vor.u32 $0x2, v4;
	v3 =	vld.idx.msk [tilespmem:v6+s12+$0x0], $0xffff  }
0x38: {  	v6 =	vor.u32 $0x3, v5;
	_ =	sdelay $0x2  }
0x39: {  	[tilespmem:s26+$0x80] =	vst v1  }
0x3a: {  	v1 =	vld.idx.msk [tilespmem:v2+s12+$0x0], $0xffff;
	[tilespmem:s24+$0x100] =	vst v3  }
0x3b: {  	v2 =	vor.u32 $0x3, v4;
	v3 =	vld.idx.msk [tilespmem:v6+s12+$0x0], $0xffff  }
0x3c: {  	s20 =	simm.s32 $0x20;
	v7 =	vor.u32 $0x4, v5  }
0x3d: {  	s21 =	simm.s32 $0x30;
	v6 =	vmov s20  }
0x3e: {  	v8 =	vmov s21;
	v6 =	vshll.u32 v6, $0x4  }
0x3f: {  	v8 =	vshll.u32 v8, $0x4;
	[tilespmem:s26+$0x100] =	vst v1;
	v1 =	vor.u32 v0, v6  }
0x40: {  	v6 =	vor.u32 v0, v8;
	v2 =	vld.idx.msk [tilespmem:v2+s12+$0x0], $0xffff;
	[tilespmem:s24+$0x180] =	vst v3  }
0x41: {  	v3 =	vor.u32 $0x4, v4;
	v7 =	vld.idx.msk [tilespmem:v7+s12+$0x0], $0xffff  }
0x42: {  	v8 =	vor.u32 $0x5, v5;
	_ =	sdelay $0x1  }
0x43: {  	v9 =	vld.idx.msk [tilespmem:v1+s12+$0x0], $0xffff  }
0x44: {  	s3 =	simm.s32 $0x200;
	v10 =	vor.u32 $0x1, v1;
	[tilespmem:s26+$0x180] =	vst v2;
	v2 =	vld.idx.msk [tilespmem:v6+s12+$0x0], $0xffff  }
0x45: {  	s3 =	sand.u32 $0x3800, s3;
	v11 =	vor.u32 $0x1, v6;
	v3 =	vld.idx.msk [tilespmem:v3+s12+$0x0], $0xffff;
	[tilespmem:s24+$0x200] =	vst v7  }
0x46: {  	s7 =	sand.u32 $0x60, s20;
	s11 =	sadd.s32 $0x8800, s3;
	v7 =	vor.u32 $0x5, v4;
	v8 =	vld.idx.msk [tilespmem:v8+s12+$0x0], $0xffff  }
0x47: {  	s22 =	sand.u32 $0x70, s21;
	s28 =	sor.u32 s7, s11;
	v12 =	vor.u32 $0x6, v5  }
0x48: {  	s29 =	sor.u32 s22, s11;
	[tilespmem:s28+$0x0] =	vst v9  }
0x49: {  	v9 =	vld.idx.msk [tilespmem:v10+s12+$0x0], $0xffff;
	[tilespmem:s29+$0x0] =	vst v2  }
0x4a: {  	[tilespmem:s26+$0x200] =	vst v3;
	v2 =	vld.idx.msk [tilespmem:v11+s12+$0x0], $0xffff;
	v3 =	vor.u32 $0x2, v1  }
0x4b: {  	v10 =	vor.u32 $0x2, v6;
	v7 =	vld.idx.msk [tilespmem:v7+s12+$0x0], $0xffff;
	[tilespmem:s24+$0x280] =	vst v8  }
0x4c: {  	v8 =	vor.u32 $0x6, v4;
	v11 =	vld.idx.msk [tilespmem:v12+s12+$0x0], $0xffff  }
0x4d: {  	v12 =	vor.u32 $0x7, v5  }
0x4e: {  	[tilespmem:s28+$0x80] =	vst v9  }
0x4f: {  	v3 =	vld.idx.msk [tilespmem:v3+s12+$0x0], $0xffff;
	[tilespmem:s29+$0x80] =	vst v2  }
0x50: {  	[tilespmem:s26+$0x280] =	vst v7;
	v2 =	vld.idx.msk [tilespmem:v10+s12+$0x0], $0xffff;
	v7 =	vor.u32 $0x3, v1  }
0x51: {  	v9 =	vor.u32 $0x3, v6;
	v8 =	vld.idx.msk [tilespmem:v8+s12+$0x0], $0xffff;
	[tilespmem:s24+$0x300] =	vst v11  }
0x52: {  	v10 =	vor.u32 $0x7, v4;
	v11 =	vld.idx.msk [tilespmem:v12+s12+$0x0], $0xffff  }
0x53: {  	v12 =	vor.u32 $0x8, v5  }
0x54: {  	[tilespmem:s28+$0x100] =	vst v3  }
0x55: {  	v3 =	vld.idx.msk [tilespmem:v7+s12+$0x0], $0xffff;
	[tilespmem:s29+$0x100] =	vst v2  }
0x56: {  	[tilespmem:s26+$0x300] =	vst v8;
	v7 =	vld.idx.msk [tilespmem:v9+s12+$0x0], $0xffff;
	v8 =	vor.u32 $0x4, v1  }
0x57: {  	s11 =	simm.s32 $0x40;
	v9 =	vor.u32 $0x4, v6;
	v13 =	vld.idx.msk [tilespmem:v10+s12+$0x0], $0xffff;
	[tilespmem:s24+$0x380] =	vst v11  }
0x58: {  	s16 =	simm.s32 $0x50;
	v2 =	vmov s11;
	v11 =	vor.u32 $0x8, v4;
	v12 =	vld.idx.msk [tilespmem:v12+s12+$0x0], $0xffff  }
0x59: {  	v14 =	vor.u32 $0x9, v5;
	v2 =	vshll.u32 v2, $0x4;
	v10 =	vmov s16  }
0x5a: {  	v2 =	vor.u32 v0, v2;
	v10 =	vshll.u32 v10, $0x4;
	[tilespmem:s28+$0x180] =	vst v3  }
0x5b: {  	s8 =	sadd.s32 $0x8C00, s8;
	v10 =	vor.u32 v0, v10;
	v3 =	vld.idx.msk [tilespmem:v8+s12+$0x0], $0xffff;
	[tilespmem:s29+$0x180] =	vst v7  }
0x5c: {  	s5 =	sor.u32 s5, s8;
	v8 =	vor.u32 $0x5, v1;
	[tilespmem:s26+$0x380] =	vst v13;
	v7 =	vld.idx.msk [tilespmem:v9+s12+$0x0], $0xffff  }
0x5d: {  	v9 =	vor.u32 $0x5, v6;
	v11 =	vld.idx.msk [tilespmem:v11+s12+$0x0], $0xffff;
	[tilespmem:s5+$0x0] =	vst v12  }
0x5e: {  	v12 =	vor.u32 $0x9, v4;
	v13 =	vld.idx.msk [tilespmem:v14+s12+$0x0], $0xffff  }
0x5f: {  	v15 =	vor.u32 $0xA, v5;
	v14 =	vld.idx.msk [tilespmem:v2+s12+$0x0], $0xffff  }
0x60: {  	s17 =	simm.s32 $0x400;
	v17 =	vor.u32 $0x1, v2;
	v16 =	vld.idx.msk [tilespmem:v10+s12+$0x0], $0xffff;
	[tilespmem:s28+$0x200] =	vst v3  }
0x61: {  	s8 =	sor.u32 s1, s8;
	s1 =	sand.u32 $0x3800, s17;
	v3 =	vor.u32 $0x1, v10;
	v8 =	vld.idx.msk [tilespmem:v8+s12+$0x0], $0xffff;
	[tilespmem:s29+$0x200] =	vst v7  }
0x62: {  	s19 =	sadd.s32 $0x8800, s1;
	s5 =	sand.u32 $0x60, s11;
	[tilespmem:s8+$0x0] =	vst v11;
	v7 =	vld.idx.msk [tilespmem:v9+s12+$0x0], $0xffff;
	v9 =	vor.u32 $0x6, v1  }
0x63: {  	s30 =	sor.u32 s5, s19;
	v11 =	vor.u32 $0x6, v6;
	s8 =	sand.u32 $0x70, s16;
	v12 =	vld.idx.msk [tilespmem:v12+s12+$0x0], $0xffff;
	[tilespmem:s24+$0x480] =	vst v13  }
0x64: {  	s31 =	sor.u32 s8, s19;
	v13 =	vor.u32 $0xA, v4;
	[tilespmem:s30+$0x0] =	vst v14;
	v14 =	vld.idx.msk [tilespmem:v15+s12+$0x0], $0xffff  }
0x65: {  	[tilespmem:s31+$0x0] =	vst v16;
	v16 =	vor.u32 $0xB, v5;
	v15 =	vld.idx.msk [tilespmem:v17+s12+$0x0], $0xffff  }
0x66: {  	v3 =	vld.idx.msk [tilespmem:v3+s12+$0x0], $0xffff;
	v17 =	vor.u32 $0x2, v2;
	[tilespmem:s28+$0x280] =	vst v8  }
0x67: {  	v8 =	vor.u32 $0x2, v10;
	v9 =	vld.idx.msk [tilespmem:v9+s12+$0x0], $0xffff;
	[tilespmem:s29+$0x280] =	vst v7  }
0x68: {  	v7 =	vld.idx.msk [tilespmem:v11+s12+$0x0], $0xffff;
	[tilespmem:s26+$0x480] =	vst v12;
	v11 =	vor.u32 $0x7, v1  }
0x69: {  	v12 =	vor.u32 $0x7, v6;
	v13 =	vld.idx.msk [tilespmem:v13+s12+$0x0], $0xffff;
	[tilespmem:s24+$0x500] =	vst v14  }
0x6a: {  	v14 =	vor.u32 $0xB, v4;
	[tilespmem:s30+$0x80] =	vst v15;
	v15 =	vld.idx.msk [tilespmem:v16+s12+$0x0], $0xffff  }
0x6b: {  	s19 =	simm.s32 $0x70;
	[tilespmem:s31+$0x80] =	vst v3;
	v3 =	vor.u32 $0xC, v5;
	v16 =	vld.idx.msk [tilespmem:v17+s12+$0x0], $0xffff  }
0x6c: {  	v18 =	vmov s19;
	v8 =	vld.idx.msk [tilespmem:v8+s12+$0x0], $0xffff;
	v17 =	vor.u32 $0x3, v2;
	[tilespmem:s28+$0x300] =	vst v9  }
0x6d: {  	v18 =	vshll.u32 v18, $0x4;
	v9 =	vor.u32 $0x3, v10;
	v11 =	vld.idx.msk [tilespmem:v11+s12+$0x0], $0xffff;
	[tilespmem:s29+$0x300] =	vst v7  }
0x6e: {  	v29 =	vor.u32 v0, v18;
	v7 =	vld.idx.msk [tilespmem:v12+s12+$0x0], $0xffff;
	[tilespmem:s26+$0x500] =	vst v13  }
0x6f: {  	v12 =	vor.u32 $0x8, v1;
	v14 =	vld.idx.msk [tilespmem:v14+s12+$0x0], $0xffff;
	[tilespmem:s24+$0x580] =	vst v15  }
0x70: {  	v13 =	vor.u32 $0x8, v6;
	[tilespmem:s30+$0x100] =	vst v16;
	v3 =	vld.idx.msk [tilespmem:v3+s12+$0x0], $0xffff  }
0x71: {  	[tilespmem:s31+$0x100] =	vst v8;
	v8 =	vor.u32 $0xD, v5;
	v16 =	vld.idx.msk [tilespmem:v17+s12+$0x0], $0xffff  }
0x72: {  	v9 =	vld.idx.msk [tilespmem:v9+s12+$0x0], $0xffff;
	v17 =	vor.u32 $0x4, v2;
	[tilespmem:s28+$0x380] =	vst v11  }
0x73: {  	s20 =	simm.s32 $0x60;
	v18 =	vld.idx.msk [tilespmem:v29+s12+$0x0], $0xffff;
	v11 =	vor.u32 $0x4, v10;
	[tilespmem:s29+$0x380] =	vst v7  }
0x74: {  	v15 =	vor.u32 $0xC, v4;
	v12 =	vld.idx.msk [tilespmem:v12+s12+$0x0], $0xffff;
	v7 =	vmov s20;
	[tilespmem:s26+$0x580] =	vst v14  }
0x75: {  	v13 =	vld.idx.msk [tilespmem:v13+s12+$0x0], $0xffff;
	v7 =	vshll.u32 v7, $0x4;
	v14 =	vor.u32 $0x9, v1;
	[tilespmem:s24+$0x600] =	vst v3  }
0x76: {  	v3 =	vor.u32 v0, v7;
	[tilespmem:s30+$0x180] =	vst v16;
	v7 =	vld.idx.msk [tilespmem:v8+s12+$0x0], $0xffff  }
0x77: {  	s3 =	sadd.s32 $0x8C00, s3;
	[tilespmem:s31+$0x180] =	vst v9;
	v9 =	vor.u32 $0xE, v5;
	v8 =	vld.idx.msk [tilespmem:v17+s12+$0x0], $0xffff  }
0x78: {  	s7 =	sor.u32 s7, s3;
	v16 =	vor.u32 $0x5, v2;
	v11 =	vld.idx.msk [tilespmem:v11+s12+$0x0], $0xffff  }
0x79: {  	s0 =	sor.u32 s22, s3;
	v15 =	vld.idx.msk [tilespmem:v15+s12+$0x0], $0xffff;
	[tilespmem:s7+$0x0] =	vst v12;
	v12 =	vor.u32 $0x5, v10  }
0x7a: {  	v17 =	vor.u32 $0x9, v6;
	v14 =	vld.idx.msk [tilespmem:v14+s12+$0x0], $0xffff;
	[tilespmem:s0+$0x0] =	vst v13  }
0x7b: {  	v19 =	vor.u32 $0xA, v1;
	v13 =	vld.idx.msk [tilespmem:v3+s12+$0x0], $0xffff;
	[tilespmem:s24+$0x680] =	vst v7  }
0x7c: {  	s22 =	simm.s32 $0x600;
	v7 =	vor.u32 $0x1, v3;
	[tilespmem:s30+$0x200] =	vst v8;
	v8 =	vld.idx.msk [tilespmem:v9+s12+$0x0], $0xffff  }
0x7d: {  	s17 =	sand.u32 $0x3800, s22;
	[tilespmem:s31+$0x200] =	vst v11;
	v9 =	vor.u32 $0x1, v29;
	v16 =	vld.idx.msk [tilespmem:v16+s12+$0x0], $0xffff  }
0x7e: {  	s21 =	sadd.s32 $0x8800, s17;
	s11 =	sand.u32 $0x60, s20;
	v5 =	vor.u32 $0xF, v5;
	[tilespmem:s26+$0x600] =	vst v15;
	v11 =	vld.idx.msk [tilespmem:v12+s12+$0x0], $0xffff  }
0x7f: {  	s3 =	sand.u32 $0x70, s19;
	s0 =	sor.u32 s11, s21;
	v12 =	vor.u32 $0x6, v2;
	[tilespmem:s28+$0x480] =	vst v14;
	v14 =	vld.idx.msk [tilespmem:v17+s12+$0x0], $0xffff  }
0x80: {  	s7 =	sor.u32 s3, s21;
	v15 =	vor.u32 $0x6, v10;
	[tilespmem:s0+$0x0] =	vst v13;
	v13 =	vld.idx.msk [tilespmem:v19+s12+$0x0], $0xffff  }
0x81: {  	[tilespmem:s7+$0x0] =	vst v18;
	v17 =	vor.u32 $0xA, v6;
	v19 =	vld.idx.msk [tilespmem:v7+s12+$0x0], $0xffff  }
0x82: {  	v20 =	vor.u32 $0x2, v3;
	v9 =	vld.idx.msk [tilespmem:v9+s12+$0x0], $0xffff;
	[tilespmem:s24+$0x700] =	vst v8  }
0x83: {  	v18 =	vor.u32 $0xB, v1;
	[tilespmem:s30+$0x280] =	vst v16;
	v16 =	vld.idx.msk [tilespmem:v5+s12+$0x0], $0xffff  }
0x84: {  	[tilespmem:s31+$0x280] =	vst v11;
	v11 =	vor.u32 $0xD, v4;
	v12 =	vld.idx.msk [tilespmem:v12+s12+$0x0], $0xffff  }
0x85: {  	v31 =	vor.u32 $0xE, v4;
	v22 =	vor.u32 $0x2, v29;
	v23 =	vld.idx.msk [tilespmem:v15+s12+$0x0], $0xffff;
	[tilespmem:s29+$0x480] =	vst v14  }
0x86: {  	v28 =	vor.u32 $0xB, v6;
	v30 =	vor.u32 $0xC, v1;
	v14 =	vor.u32 $0x7, v2;
	v24 =	vld.idx.msk [tilespmem:v17+s12+$0x0], $0xffff;
	[tilespmem:s0+$0x80] =	vst v19  }
0x87: {  	v25 =	vor.u32 $0x7, v10;
	v21 =	vor.u32 $0x8, v10;
	v38 =	vor.u32 $0x3, v29;
	[tilespmem:s28+$0x500] =	vst v13;
	v20 =	vld.idx.msk [tilespmem:v20+s12+$0x0], $0xffff  }
0x88: {  	v27 =	vor.u32 $0x4, v29;
	v26 =	vor.u32 $0x5, v29;
	v35 =	vor.u32 $0x3, v3;
	v18 =	vld.idx.msk [tilespmem:v18+s12+$0x0], $0xffff;
	[tilespmem:s7+$0x80] =	vst v9  }
0x89: {  	v7 =	vor.u32 $0xF, v4;
	v8 =	vor.u32 $0xD, v6;
	v4 =	vor.u32 $0xF, v6;
	v37 =	vld.idx.msk [tilespmem:v11+s12+$0x0], $0xffff;
	[tilespmem:s24+$0x780] =	vst v16  }
0x8a: {  	v5 =	vor.u32 $0xE, v6;
	v15 =	vor.u32 $0xC, v10;
	v17 =	vor.u32 $0xA, v10;
	v34 =	vld.idx.msk [tilespmem:v22+s12+$0x0], $0xffff;
	[tilespmem:s30+$0x300] =	vst v12  }
0x8b: {  	v13 =	vor.u32 $0xC, v6;
	v6 =	vor.u32 $0xF, v10;
	v19 =	vor.u32 $0x9, v10;
	[tilespmem:s31+$0x300] =	vst v23;
	v39 =	vld.idx.msk [tilespmem:v14+s12+$0x0], $0xffff  }
0x8c: {  	v11 =	vor.u32 $0xD, v10;
	v9 =	vor.u32 $0xE, v10;
	v16 =	vor.u32 $0xB, v10;
	v33 =	vld.idx.msk [tilespmem:v25+s12+$0x0], $0xffff;
	[tilespmem:s0+$0x100] =	vst v20  }
0x8d: {  	v22 =	vor.u32 $0x9, v29;
	v23 =	vor.u32 $0xC, v29;
	[tilespmem:s29+$0x500] =	vst v24;
	v36 =	vld.idx.msk [tilespmem:v35+s12+$0x0], $0xffff;
	v35 =	vor.u32 $0x8, v2  }
0x8e: {  	v12 =	vor.u32 $0xE, v29;
	v10 =	vor.u32 $0xF, v29;
	v25 =	vor.u32 $0x6, v29;
	v32 =	vld.idx.msk [tilespmem:v28+s12+$0x0], $0xffff;
	[tilespmem:s28+$0x580] =	vst v18  }
0x8f: {  	v24 =	vor.u32 $0x7, v29;
	v14 =	vor.u32 $0xD, v29;
	v28 =	vor.u32 $0x8, v29;
	v30 =	vld.idx.msk [tilespmem:v30+s12+$0x0], $0xffff;
	[tilespmem:s26+$0x680] =	vst v37  }
0x90: {  	v18 =	vor.u32 $0xB, v29;
	v20 =	vor.u32 $0xA, v29;
	v29 =	vor.u32 $0xD, v1;
	[tilespmem:s7+$0x100] =	vst v34;
	v31 =	vld.idx.msk [tilespmem:v31+s12+$0x0], $0xffff  }
0x91: {  	s19 =	simm.s32 $0x6;
	s21 =	simm.s32 $0x90;
	s24 =	sshllo.u32 s23, $0x1;
	v37 =	vor.u32 $0x4, v3;
	v34 =	vld.idx.msk [tilespmem:v38+s12+$0x0], $0xffff;
	[tilespmem:s30+$0x380] =	vst v39  }
.LBB2_6:
0x92: {  	s2 =	sadd.s32 $0xFFFFFFF0, s21;
	v38 =	vmov s21;
	s20 =	sand.u32 $0x70, s21;
	s19 =	sadd.s32 $0x2, s19;
	v35 =	vld.idx.msk [tilespmem:v35+s12+$0x0], $0xffff;
	[tilespmem:s31+$0x380] =	vst v33  }
0x93: {  	v33 =	vmov s2;
	v38 =	vshll.u32 v38, $0x4;
	p2 =	slt.u32 s19, $0x3E;
	v39 =	vld.idx.msk [tilespmem:v21+s12+$0x0], $0xffff;
	[tilespmem:s29+$0x580] =	vst v32;
	v21 =	vmov v28  }
0x94: {  	v28 =	vshll.u32 v33, $0x4;
	v32 =	vor.u32 v0, v38;
	v33 =	vor.u32 $0x9, v2;
	[tilespmem:s28+$0x600] =	vst v30;
	v30 =	vld.idx.msk [tilespmem:v13+s12+$0x0], $0xffff;
	v13 =	vmovc v15  }
0x95: {  	v15 =	vmovc v23;
	v38 =	vor.u32 v0, v28;
	v40 =	vor.u32 $0x1, v32;
	v41 =	vor.u32 $0x2, v32;
	[tilespmem:s0+$0x180] =	vst v36;
	v36 =	vld.idx.msk [tilespmem:v29+s12+$0x0], $0xffff  }
0x96: {  	s16 =	sadd.s32 $0x8C00, s1;
	s1 =	smov.u32 s17;
	v29 =	vor.u32 $0x3, v32;
	v23 =	vor.u32 $0x4, v32;
	v42 =	vor.u32 $0x5, v32;
	v37 =	vld.idx.msk [tilespmem:v37+s12+$0x0], $0xffff;
	[tilespmem:s7+$0x180] =	vst v34  }
0x97: {  	v45 =	vor.u32 $0xE, v1;
	s5 =	sor.u32 s5, s16;
	s16 =	sor.u32 s8, s16;
	s8 =	smov.u32 s3;
	v43 =	vor.u32 $0x7, v32;
	v34 =	vor.u32 $0x6, v32;
	v44 =	vld.idx.msk [tilespmem:v27+s12+$0x0], $0xffff;
	[tilespmem:s26+$0x700] =	vst v31;
	v27 =	vmovc v23  }
0x98: {  	v46 =	vor.u32 $0x5, v3;
	s3 =	smov.u32 s20;
	v28 =	vor.u32 $0x8, v32;
	v31 =	vor.u32 $0x9, v32;
	[tilespmem:s5+$0x0] =	vst v35;
	v35 =	vld.idx.msk [tilespmem:v7+s12+$0x0], $0xffff;
	v7 =	vmovc v4;
	v4 =	vmovc v6;
	s5 =	smov.u32 s11  }
0x99: {  	v47 =	vor.u32 $0xA, v32;
	v48 =	vor.u32 $0xB, v32;
	v23 =	vor.u32 $0xC, v32;
	v6 =	vmovc v10;
	v33 =	vld.idx.msk [tilespmem:v33+s12+$0x0], $0xffff;
	[tilespmem:s16+$0x0] =	vst v39  }
0x9a: {  	v49 =	vor.u32 $0xD, v32;
	v50 =	vor.u32 $0xE, v32;
	v10 =	vor.u32 $0xF, v32;
	v39 =	vld.idx.msk [tilespmem:v38+s12+$0x0], $0xffff;
	[tilespmem:s29+$0x600] =	vst v30  }
0x9b: {  	v30 =	vld.idx.msk [tilespmem:v32+s12+$0x0], $0xffff;
	v32 =	vor.u32 $0xA, v2;
	[tilespmem:s28+$0x680] =	vst v36  }
0x9c: {  	s22 =	sadd.s32 $0x200, s22;
	v36 =	vor.u32 $0x1, v38;
	[tilespmem:s0+$0x200] =	vst v37;
	v37 =	vld.idx.msk [tilespmem:v45+s12+$0x0], $0xffff  }
0x9d: {  	s17 =	sand.u32 $0x3800, s22;
	v45 =	vld.idx.msk [tilespmem:v46+s12+$0x0], $0xffff;
	[tilespmem:s7+$0x200] =	vst v44  }
0x9e: {  	s11 =	sand.u32 $0x60, s2;
	s2 =	sadd.s32 $0x8800, s17;
	v46 =	vor.u32 $0xF, v1;
	v1 =	vmovc v2;
	v2 =	vmovc v3;
	v3 =	vmov v38;
	v44 =	vld.idx.msk [tilespmem:v26+s12+$0x0], $0xffff;
	[tilespmem:s26+$0x780] =	vst v35;
	v26 =	vmov v42;
	s26 =	smov.u32 s29  }
0x9f: {  	s16 =	sor.u32 s11, s2;
	s2 =	sor.u32 s3, s2;
	v35 =	vor.u32 $0x6, v2;
	s29 =	smov.u32 s31;
	[tilespmem:s30+$0x480] =	vst v33;
	v33 =	vld.idx.msk [tilespmem:v19+s12+$0x0], $0xffff;
	v19 =	vmov v22;
	v22 =	vmov v31  }
0xa0: {  	s31 =	smov.u32 s7;
	s7 =	smov.u32 s2;
	[tilespmem:s16+$0x0] =	vst v39;
	v31 =	vld.idx.msk [tilespmem:v32+s12+$0x0], $0xffff  }
0xa1: {  	v32 =	vld.idx.msk [tilespmem:v36+s12+$0x0], $0xffff;
	[tilespmem:s7+$0x0] =	vst v30  }
0xa2: {  	v36 =	vor.u32 $0xB, v1;
	v30 =	vld.idx.msk [tilespmem:v40+s12+$0x0], $0xffff;
	[tilespmem:s28+$0x700] =	vst v37  }
0xa3: {  	v37 =	vor.u32 $0x2, v3;
	[tilespmem:s0+$0x280] =	vst v45;
	v38 =	vld.idx.msk [tilespmem:v46+s12+$0x0], $0xffff  }
0xa4: {  	v35 =	vld.idx.msk [tilespmem:v35+s12+$0x0], $0xffff;
	[tilespmem:s31+$0x280] =	vst v44  }
0xa5: {  	v39 =	vld.idx.msk [tilespmem:v25+s12+$0x0], $0xffff;
	[tilespmem:s29+$0x480] =	vst v33;
	v25 =	vmov v34  }
0xa6: {  	v33 =	vor.u32 $0x7, v2;
	[tilespmem:s30+$0x500] =	vst v31;
	v31 =	vld.idx.msk [tilespmem:v17+s12+$0x0], $0xffff;
	v17 =	vmov v20;
	v20 =	vmov v47  }
0xa7: {  	[tilespmem:s16+$0x80] =	vst v32;
	v32 =	vld.idx.msk [tilespmem:v36+s12+$0x0], $0xffff  }
0xa8: {  	v34 =	vld.idx.msk [tilespmem:v37+s12+$0x0], $0xffff;
	[tilespmem:s7+$0x80] =	vst v30  }
0xa9: {  	v30 =	vor.u32 $0xC, v1;
	v37 =	vld.idx.msk [tilespmem:v41+s12+$0x0], $0xffff;
	[tilespmem:s28+$0x780] =	vst v38;
	s28 =	smov.u32 s30;
	s30 =	smov.u32 s0;
	s0 =	smov.u32 s16  }
0xaa: {  	v36 =	vor.u32 $0x3, v3;
	[tilespmem:s30+$0x300] =	vst v35;
	v38 =	vld.idx.msk [tilespmem:v8+s12+$0x0], $0xffff;
	v8 =	vmovc v11;
	v11 =	vmov v14;
	v14 =	vmov v49  }
0xab: {  	v40 =	vld.idx.msk [tilespmem:v33+s12+$0x0], $0xffff;
	[tilespmem:s31+$0x300] =	vst v39  }
0xac: {  	v33 =	vld.idx.msk [tilespmem:v24+s12+$0x0], $0xffff;
	[tilespmem:s29+$0x500] =	vst v31;
	v24 =	vmov v43  }
.Ltmp2:
0xad: {  	v35 =	vor.u32 $0x8, v2;
	[tilespmem:s28+$0x580] =	vst v32;
	v32 =	vld.idx.msk [tilespmem:v16+s12+$0x0], $0xffff;
	v16 =	vmov v18;
	v18 =	vmov v48;
	(pc) =	sbr.rel @p2 .LBB2_6-.Ltmp2, $4  }
0xae: {  	[tilespmem:s0+$0x100] =	vst v34;
	v30 =	vld.idx.msk [tilespmem:v30+s12+$0x0], $0xffff  }
0xaf: {  	v36 =	vld.idx.msk [tilespmem:v36+s12+$0x0], $0xffff;
	[tilespmem:s7+$0x100] =	vst v37  }
0xb0: {  	v34 =	vld.idx.msk [tilespmem:v29+s12+$0x0], $0xffff;
	v29 =	vor.u32 $0xD, v1;
	[tilespmem:s26+$0x680] =	vst v38  }
0xb1: {  	s21 =	sadd.s32 $0x20, s21;
	v37 =	vor.u32 $0x4, v3;
	[tilespmem:s30+$0x380] =	vst v40;
	v31 =	vld.idx.msk [tilespmem:v5+s12+$0x0], $0xffff;
	v5 =	vmovc v9;
	v9 =	vmov v12;
	v12 =	vmov v50  }
0xb2: {  	_ =	sdelay $0x2  }
0xb3: {  	[tilespmem:s0+$0x180] =	vst v36  }
0xb4: {  	v36 =	vld.idx.msk [tilespmem:v37+s12+$0x0], $0xffff;
	[tilespmem:s7+$0x180] =	vst v34  }
0xb5: {  	v59 =	vor.u32 $0x5, v3;
	v27 =	vld.idx.msk [tilespmem:v27+s12+$0x0], $0xffff;
	_ =	sdelay $0x3  }
0xb6: {  	[tilespmem:s0+$0x200] =	vst v36  }
0xb7: {  	v34 =	vld.idx.msk [tilespmem:v59+s12+$0x0], $0xffff;
	[tilespmem:s7+$0x200] =	vst v27  }
0xb8: {  	v27 =	vor.u32 $0x6, v3;
	v26 =	vld.idx.msk [tilespmem:v26+s12+$0x0], $0xffff;
	_ =	sdelay $0x3  }
0xb9: {  	[tilespmem:s0+$0x280] =	vst v34  }
0xba: {  	v27 =	vld.idx.msk [tilespmem:v27+s12+$0x0], $0xffff;
	[tilespmem:s7+$0x280] =	vst v26  }
0xbb: {  	v26 =	vor.u32 $0x7, v3;
	v25 =	vld.idx.msk [tilespmem:v25+s12+$0x0], $0xffff;
	_ =	sdelay $0x3  }
0xbc: {  	[tilespmem:s0+$0x300] =	vst v27  }
0xbd: {  	v26 =	vld.idx.msk [tilespmem:v26+s12+$0x0], $0xffff;
	[tilespmem:s7+$0x300] =	vst v25  }
0xbe: {  	v25 =	vor.u32 $0x8, v3;
	v24 =	vld.idx.msk [tilespmem:v24+s12+$0x0], $0xffff;
	_ =	sdelay $0x1  }
0xbf: {  	[tilespmem:s31+$0x380] =	vst v33  }
0xc0: {  	v21 =	vld.idx.msk [tilespmem:v21+s12+$0x0], $0xffff  }
0xc1: {  	v27 =	vld.idx.msk [tilespmem:v35+s12+$0x0], $0xffff;
	[tilespmem:s0+$0x380] =	vst v26  }
0xc2: {  	v60 =	vor.u32 $0x9, v2;
	v25 =	vld.idx.msk [tilespmem:v25+s12+$0x0], $0xffff;
	[tilespmem:s7+$0x380] =	vst v24  }
0xc3: {  	s1 =	sadd.s32 $0x8C00, s1;
	v26 =	vor.u32 $0x9, v3;
	v24 =	vld.idx.msk [tilespmem:v28+s12+$0x0], $0xffff  }
0xc4: {  	s2 =	sor.u32 s5, s1;
	s1 =	sor.u32 s8, s1  }
0xc5: {  	s21 =	sadd.s32 $0x8C00, s17;
	[tilespmem:s1+$0x0] =	vst v21  }
0xc6: {  	s22 =	sor.u32 s11, s21;
	v19 =	vld.idx.msk [tilespmem:v19+s12+$0x0], $0xffff;
	[tilespmem:s2+$0x0] =	vst v27  }
0xc7: {  	s2 =	sor.u32 s3, s21;
	v27 =	vld.idx.msk [tilespmem:v60+s12+$0x0], $0xffff;
	[tilespmem:s22+$0x0] =	vst v25  }
0xc8: {  	v21 =	vor.u32 $0xA, v2;
	v25 =	vld.idx.msk [tilespmem:v26+s12+$0x0], $0xffff;
	[tilespmem:s2+$0x0] =	vst v24  }
0xc9: {  	v24 =	vor.u32 $0xA, v3;
	v22 =	vld.idx.msk [tilespmem:v22+s12+$0x0], $0xffff;
	_ =	sdelay $0x1  }
0xca: {  	[tilespmem:s31+$0x480] =	vst v19  }
0xcb: {  	v17 =	vld.idx.msk [tilespmem:v17+s12+$0x0], $0xffff;
	[tilespmem:s30+$0x480] =	vst v27  }
0xcc: {  	v21 =	vld.idx.msk [tilespmem:v21+s12+$0x0], $0xffff;
	[tilespmem:s0+$0x480] =	vst v25  }
0xcd: {  	v19 =	vor.u32 $0xB, v2;
	v24 =	vld.idx.msk [tilespmem:v24+s12+$0x0], $0xffff;
	[tilespmem:s7+$0x480] =	vst v22  }
0xce: {  	v22 =	vor.u32 $0xB, v3;
	v20 =	vld.idx.msk [tilespmem:v20+s12+$0x0], $0xffff  }
0xcf: {  	[tilespmem:s29+$0x580] =	vst v32  }
0xd0: {  	[tilespmem:s31+$0x500] =	vst v17  }
0xd1: {  	v16 =	vld.idx.msk [tilespmem:v16+s12+$0x0], $0xffff;
	[tilespmem:s30+$0x500] =	vst v21  }
0xd2: {  	v19 =	vld.idx.msk [tilespmem:v19+s12+$0x0], $0xffff;
	[tilespmem:s0+$0x500] =	vst v24  }
0xd3: {  	v17 =	vor.u32 $0xC, v2;
	v21 =	vld.idx.msk [tilespmem:v22+s12+$0x0], $0xffff;
	[tilespmem:s7+$0x500] =	vst v20  }
0xd4: {  	[tilespmem:s28+$0x600] =	vst v30;
	v20 =	vor.u32 $0xC, v3;
	v18 =	vld.idx.msk [tilespmem:v18+s12+$0x0], $0xffff  }
0xd5: {  	v13 =	vld.idx.msk [tilespmem:v13+s12+$0x0], $0xffff;
	[tilespmem:s26+$0x700] =	vst v31  }
0xd6: {  	v7 =	vld.idx.msk [tilespmem:v7+s12+$0x0], $0xffff;
	[tilespmem:s31+$0x580] =	vst v16  }
0xd7: {  	v15 =	vld.idx.msk [tilespmem:v15+s12+$0x0], $0xffff;
	[tilespmem:s30+$0x580] =	vst v19  }
0xd8: {  	v17 =	vld.idx.msk [tilespmem:v17+s12+$0x0], $0xffff;
	[tilespmem:s0+$0x580] =	vst v21  }
0xd9: {  	v16 =	vor.u32 $0xD, v2;
	v19 =	vld.idx.msk [tilespmem:v20+s12+$0x0], $0xffff;
	[tilespmem:s7+$0x580] =	vst v18  }
0xda: {  	[tilespmem:s29+$0x600] =	vst v13;
	v13 =	vor.u32 $0xD, v3;
	v18 =	vld.idx.msk [tilespmem:v23+s12+$0x0], $0xffff  }
0xdb: {  	[tilespmem:s26+$0x780] =	vst v7;
	v22 =	vld.idx.msk [tilespmem:v29+s12+$0x0], $0xffff  }
0xdc: {  	v8 =	vld.idx.msk [tilespmem:v8+s12+$0x0], $0xffff;
	[tilespmem:s31+$0x600] =	vst v15;
	v20 =	vor.u32 $0xE, v1  }
0xdd: {  	v11 =	vld.idx.msk [tilespmem:v11+s12+$0x0], $0xffff;
	[tilespmem:s30+$0x600] =	vst v17  }
0xde: {  	v16 =	vld.idx.msk [tilespmem:v16+s12+$0x0], $0xffff;
	[tilespmem:s0+$0x600] =	vst v19  }
0xdf: {  	v15 =	vor.u32 $0xE, v2;
	v13 =	vld.idx.msk [tilespmem:v13+s12+$0x0], $0xffff;
	[tilespmem:s7+$0x600] =	vst v18  }
0xe0: {  	v7 =	vor.u32 $0xE, v3;
	[tilespmem:s28+$0x680] =	vst v22;
	v14 =	vld.idx.msk [tilespmem:v14+s12+$0x0], $0xffff  }
0xe1: {  	[tilespmem:s29+$0x680] =	vst v8;
	v17 =	vld.idx.msk [tilespmem:v20+s12+$0x0], $0xffff  }
0xe2: {  	v5 =	vld.idx.msk [tilespmem:v5+s12+$0x0], $0xffff;
	[tilespmem:s31+$0x680] =	vst v11;
	v1 =	vor.u32 $0xF, v1  }
0xe3: {  	v9 =	vld.idx.msk [tilespmem:v9+s12+$0x0], $0xffff;
	[tilespmem:s30+$0x680] =	vst v16  }
0xe4: {  	v8 =	vld.idx.msk [tilespmem:v15+s12+$0x0], $0xffff;
	[tilespmem:s0+$0x680] =	vst v13  }
0xe5: {  	v2 =	vor.u32 $0xF, v2;
	v7 =	vld.idx.msk [tilespmem:v7+s12+$0x0], $0xffff;
	[tilespmem:s7+$0x680] =	vst v14  }
0xe6: {  	v3 =	vor.u32 $0xF, v3;
	[tilespmem:s28+$0x700] =	vst v17;
	v11 =	vld.idx.msk [tilespmem:v12+s12+$0x0], $0xffff  }
0xe7: {  	[tilespmem:s29+$0x700] =	vst v5;
	v1 =	vld.idx.msk [tilespmem:v1+s12+$0x0], $0xffff  }
0xe8: {  	v4 =	vld.idx.msk [tilespmem:v4+s12+$0x0], $0xffff;
	[tilespmem:s31+$0x700] =	vst v9  }
0xe9: {  	v5 =	vld.idx.msk [tilespmem:v6+s12+$0x0], $0xffff;
	[tilespmem:s30+$0x700] =	vst v8  }
0xea: {  	v2 =	vld.idx.msk [tilespmem:v2+s12+$0x0], $0xffff;
	[tilespmem:s0+$0x700] =	vst v7  }
0xeb: {  	v3 =	vld.idx.msk [tilespmem:v3+s12+$0x0], $0xffff;
	[tilespmem:s7+$0x700] =	vst v11  }
0xec: {  	[tilespmem:s28+$0x780] =	vst v1;
	v1 =	vld.idx.msk [tilespmem:v10+s12+$0x0], $0xffff  }
0xed: {  	s25 =	sadd.s32 s6, s25;
	[tilespmem:s29+$0x780] =	vst v4  }
0xee: {  	s26 =	sshll.u32 s25, $0x7;
	[tilespmem:s31+$0x780] =	vst v5  }
0xef: {  	s1 =	sshll.u32 s25, $0xB;
	s3 =	rddreg [dreg:$0x2];
	s2 =	sand.u32 $0x3F00, s26;
	[tilespmem:s30+$0x780] =	vst v2  }
0xf0: {  	s31 =	sand.u32 $0xFFC0000, s1;
	s1 =	sadd.s32 s3, s2;
	[tilespmem:s0+$0x780] =	vst v3  }
0xf1: {  	s5 =	simm.s32 $0x20000;
	s0 =	sadd.s32 s31, s1;
	[tilespmem:s7+$0x780] =	vst v1;
	s7 =	simm.s32 $0x8800  }
0xf2: {  	[hbm4b:s0+s10] =	stream.strided.scatter [tilespmem:s7], [sflag:$0x5], $0x4000, s5, s10, $0x38;
	[tilespmem:$0x10800] =	vst v63  }
0xf3: {  	_ =	swait.ge [sflag:s18], $0x4000  }
0xf4: {  	[sflag:s18] =	ssyncset.done $0x0  }
0xf5: {  	s0 =	simm.s32 @!p0 $0x1;
	[sflag:s18] =	ssyncadd.s32 $0xFFFFC000  }
0xf6: {  	_ =	swait.ge @!p0 [sflag:s0], $0x400  }
0xf7: {  	s2 =	simm.s32 @!p0 $0x800;
	[sflag:s0] =	ssyncset.done @!p0 $0x0  }
0xf8: {  	s1 =	simm.s32 @!p0 $0x0;
	[sflag:s0] =	ssyncadd.s32 @!p0 $0xFFFFFC00;
	s0 =	simm.s32 @!p0 $0x400  }
0xf9: {  	[tilespmem:s2], [sflag:$0x3] =	stream.indirect.gather @!p0 [hbm4b:s4+s0], $0x10, s1, s0, $0xb8;
	[tilespmem:$0x10800] =	vst v63  }
0xfa: {  	s2 =	sadd.s32 @!p0 s6, s24  }
0xfb: {  	s8 =	simm.s32 $0x0;
	s2 =	sshll.u32 @!p0 s2, $0x7  }
0xfc: {  	v1 =	vmov s8;
	s2 =	sadd.s32 @!p0 s9, s2  }
0xfd: {  	v1 =	vshll.u32 v1, $0x4;
	[tilespmem:s0], [sflag:$0x2] =	stream.linear.gather @!p0 [hbm4b:s2+s1], $0x400, $0x38;
	[tilespmem:$0x10800] =	vst v63  }
0xfe: {  	v5 =	vor.u32 v0, v1;
	p0 =	por p0, !p1  }
0xff: {  	s0 =	simm.s32 @p0 $0x6  }
0x100: {  	s11 =	simm.s32 $0x10;
	_ =	swait.ge @p0 [sflag:s0], $0x4000  }
0x101: {  	v1 =	vmov s11;
	[sflag:s0] =	ssyncset.done @p0 $0x0  }
0x102: {  	v1 =	vshll.u32 v1, $0x4;
	[sflag:s0] =	ssyncadd.s32 @p0 $0xFFFFC000  }
0x103: {  	v4 =	vor.u32 v0, v1;
	v1 =	vld.idx.msk [tilespmem:v5+s15+$0x0], $0xffff  }
0x104: {  	s16 =	simm.s32 $0x0;
	v2 =	vor.u32 $0x1, v5  }
0x105: {  	s17 =	sand.u32 $0x3800, s16  }
0x106: {  	s19 =	sand.u32 $0x60, s8;
	s20 =	sadd.s32 $0xC800, s17  }
0x107: {  	s31 =	sor.u32 s19, s20  }
0x108: {  	v3 =	vld.idx.msk [tilespmem:v4+s15+$0x0], $0xffff;
	[tilespmem:s31+$0x0] =	vst v1  }
0x109: {  	v1 =	vor.u32 $0x1, v4;
	v2 =	vld.idx.msk [tilespmem:v2+s15+$0x0], $0xffff  }
0x10a: {  	v6 =	vor.u32 $0x2, v5  }
0x10b: {  	s1 =	sand.u32 $0x70, s11  }
0x10c: {  	s25 =	sor.u32 s1, s20  }
0x10d: {  	[tilespmem:s25+$0x0] =	vst v3  }
0x10e: {  	v1 =	vld.idx.msk [tilespmem:v1+s15+$0x0], $0xffff;
	[tilespmem:s31+$0x80] =	vst v2  }
0x10f: {  	v2 =	vor.u32 $0x2, v4;
	v3 =	vld.idx.msk [tilespmem:v6+s15+$0x0], $0xffff  }
0x110: {  	v6 =	vor.u32 $0x3, v5;
	_ =	sdelay $0x2  }
0x111: {  	[tilespmem:s25+$0x80] =	vst v1  }
0x112: {  	v1 =	vld.idx.msk [tilespmem:v2+s15+$0x0], $0xffff;
	[tilespmem:s31+$0x100] =	vst v3  }
0x113: {  	v2 =	vor.u32 $0x3, v4;
	v3 =	vld.idx.msk [tilespmem:v6+s15+$0x0], $0xffff  }
0x114: {  	s21 =	simm.s32 $0x20;
	v7 =	vor.u32 $0x4, v5  }
0x115: {  	s22 =	simm.s32 $0x30;
	v6 =	vmov s21  }
0x116: {  	v8 =	vmov s22;
	v6 =	vshll.u32 v6, $0x4  }
0x117: {  	v8 =	vshll.u32 v8, $0x4;
	[tilespmem:s25+$0x100] =	vst v1;
	v1 =	vor.u32 v0, v6  }
0x118: {  	v6 =	vor.u32 v0, v8;
	v2 =	vld.idx.msk [tilespmem:v2+s15+$0x0], $0xffff;
	[tilespmem:s31+$0x180] =	vst v3  }
0x119: {  	v3 =	vor.u32 $0x4, v4;
	v7 =	vld.idx.msk [tilespmem:v7+s15+$0x0], $0xffff  }
0x11a: {  	v8 =	vor.u32 $0x5, v5;
	_ =	sdelay $0x1  }
0x11b: {  	v9 =	vld.idx.msk [tilespmem:v1+s15+$0x0], $0xffff  }
0x11c: {  	s26 =	simm.s32 $0x200;
	v10 =	vor.u32 $0x1, v1;
	[tilespmem:s25+$0x180] =	vst v2;
	v2 =	vld.idx.msk [tilespmem:v6+s15+$0x0], $0xffff  }
0x11d: {  	s3 =	sand.u32 $0x3800, s26;
	v11 =	vor.u32 $0x1, v6;
	v3 =	vld.idx.msk [tilespmem:v3+s15+$0x0], $0xffff;
	[tilespmem:s31+$0x200] =	vst v7  }
0x11e: {  	s0 =	sand.u32 $0x60, s21;
	s21 =	sadd.s32 $0xC800, s3;
	v7 =	vor.u32 $0x5, v4;
	v8 =	vld.idx.msk [tilespmem:v8+s15+$0x0], $0xffff  }
0x11f: {  	s22 =	sand.u32 $0x70, s22;
	v12 =	vor.u32 $0x6, v5;
	s26 =	sor.u32 s0, s21  }
0x120: {  	s28 =	sor.u32 s22, s21;
	[tilespmem:s26+$0x0] =	vst v9  }
0x121: {  	v9 =	vld.idx.msk [tilespmem:v10+s15+$0x0], $0xffff;
	[tilespmem:s28+$0x0] =	vst v2  }
0x122: {  	[tilespmem:s25+$0x200] =	vst v3;
	v2 =	vld.idx.msk [tilespmem:v11+s15+$0x0], $0xffff;
	v3 =	vor.u32 $0x2, v1  }
0x123: {  	v10 =	vor.u32 $0x2, v6;
	v7 =	vld.idx.msk [tilespmem:v7+s15+$0x0], $0xffff;
	[tilespmem:s31+$0x280] =	vst v8  }
0x124: {  	v8 =	vor.u32 $0x6, v4;
	v11 =	vld.idx.msk [tilespmem:v12+s15+$0x0], $0xffff  }
0x125: {  	v12 =	vor.u32 $0x7, v5  }
0x126: {  	[tilespmem:s26+$0x80] =	vst v9  }
0x127: {  	v3 =	vld.idx.msk [tilespmem:v3+s15+$0x0], $0xffff;
	[tilespmem:s28+$0x80] =	vst v2  }
0x128: {  	[tilespmem:s25+$0x280] =	vst v7;
	v2 =	vld.idx.msk [tilespmem:v10+s15+$0x0], $0xffff;
	v7 =	vor.u32 $0x3, v1  }
0x129: {  	v9 =	vor.u32 $0x3, v6;
	v8 =	vld.idx.msk [tilespmem:v8+s15+$0x0], $0xffff;
	[tilespmem:s31+$0x300] =	vst v11  }
0x12a: {  	v10 =	vor.u32 $0x7, v4;
	v11 =	vld.idx.msk [tilespmem:v12+s15+$0x0], $0xffff  }
0x12b: {  	v12 =	vor.u32 $0x8, v5  }
0x12c: {  	[tilespmem:s26+$0x100] =	vst v3  }
0x12d: {  	v3 =	vld.idx.msk [tilespmem:v7+s15+$0x0], $0xffff;
	[tilespmem:s28+$0x100] =	vst v2  }
0x12e: {  	[tilespmem:s25+$0x300] =	vst v8;
	v7 =	vld.idx.msk [tilespmem:v9+s15+$0x0], $0xffff;
	v8 =	vor.u32 $0x4, v1  }
0x12f: {  	s11 =	simm.s32 $0x40;
	v9 =	vor.u32 $0x4, v6;
	v13 =	vld.idx.msk [tilespmem:v10+s15+$0x0], $0xffff;
	[tilespmem:s31+$0x380] =	vst v11  }
0x130: {  	s16 =	simm.s32 $0x50;
	v2 =	vmov s11;
	v11 =	vor.u32 $0x8, v4;
	v12 =	vld.idx.msk [tilespmem:v12+s15+$0x0], $0xffff  }
0x131: {  	v14 =	vor.u32 $0x9, v5;
	v2 =	vshll.u32 v2, $0x4;
	v10 =	vmov s16  }
0x132: {  	v2 =	vor.u32 v0, v2;
	v10 =	vshll.u32 v10, $0x4;
	[tilespmem:s26+$0x180] =	vst v3  }
0x133: {  	s8 =	sadd.s32 $0xCC00, s17;
	v10 =	vor.u32 v0, v10;
	v3 =	vld.idx.msk [tilespmem:v8+s15+$0x0], $0xffff;
	[tilespmem:s28+$0x180] =	vst v7  }
0x134: {  	s5 =	sor.u32 s19, s8;
	v8 =	vor.u32 $0x5, v1;
	[tilespmem:s25+$0x380] =	vst v13;
	v7 =	vld.idx.msk [tilespmem:v9+s15+$0x0], $0xffff  }
0x135: {  	v9 =	vor.u32 $0x5, v6;
	v11 =	vld.idx.msk [tilespmem:v11+s15+$0x0], $0xffff;
	[tilespmem:s5+$0x0] =	vst v12  }
0x136: {  	v12 =	vor.u32 $0x9, v4;
	v13 =	vld.idx.msk [tilespmem:v14+s15+$0x0], $0xffff  }
0x137: {  	v15 =	vor.u32 $0xA, v5;
	v14 =	vld.idx.msk [tilespmem:v2+s15+$0x0], $0xffff  }
0x138: {  	s17 =	simm.s32 $0x400;
	v17 =	vor.u32 $0x1, v2;
	v16 =	vld.idx.msk [tilespmem:v10+s15+$0x0], $0xffff;
	[tilespmem:s26+$0x200] =	vst v3  }
0x139: {  	s8 =	sor.u32 s1, s8;
	s1 =	sand.u32 $0x3800, s17;
	v3 =	vor.u32 $0x1, v10;
	v8 =	vld.idx.msk [tilespmem:v8+s15+$0x0], $0xffff;
	[tilespmem:s28+$0x200] =	vst v7  }
0x13a: {  	s19 =	sadd.s32 $0xC800, s1;
	s5 =	sand.u32 $0x60, s11;
	[tilespmem:s8+$0x0] =	vst v11;
	v7 =	vld.idx.msk [tilespmem:v9+s15+$0x0], $0xffff;
	v9 =	vor.u32 $0x6, v1  }
0x13b: {  	s29 =	sor.u32 s5, s19;
	v11 =	vor.u32 $0x6, v6;
	s8 =	sand.u32 $0x70, s16;
	v12 =	vld.idx.msk [tilespmem:v12+s15+$0x0], $0xffff;
	[tilespmem:s31+$0x480] =	vst v13  }
0x13c: {  	s30 =	sor.u32 s8, s19;
	v13 =	vor.u32 $0xA, v4;
	[tilespmem:s29+$0x0] =	vst v14;
	v14 =	vld.idx.msk [tilespmem:v15+s15+$0x0], $0xffff  }
0x13d: {  	[tilespmem:s30+$0x0] =	vst v16;
	v16 =	vor.u32 $0xB, v5;
	v15 =	vld.idx.msk [tilespmem:v17+s15+$0x0], $0xffff  }
0x13e: {  	v3 =	vld.idx.msk [tilespmem:v3+s15+$0x0], $0xffff;
	v17 =	vor.u32 $0x2, v2;
	[tilespmem:s26+$0x280] =	vst v8  }
0x13f: {  	v8 =	vor.u32 $0x2, v10;
	v9 =	vld.idx.msk [tilespmem:v9+s15+$0x0], $0xffff;
	[tilespmem:s28+$0x280] =	vst v7  }
0x140: {  	v7 =	vld.idx.msk [tilespmem:v11+s15+$0x0], $0xffff;
	[tilespmem:s25+$0x480] =	vst v12;
	v11 =	vor.u32 $0x7, v1  }
0x141: {  	v12 =	vor.u32 $0x7, v6;
	v13 =	vld.idx.msk [tilespmem:v13+s15+$0x0], $0xffff;
	[tilespmem:s31+$0x500] =	vst v14  }
0x142: {  	v14 =	vor.u32 $0xB, v4;
	[tilespmem:s29+$0x80] =	vst v15;
	v15 =	vld.idx.msk [tilespmem:v16+s15+$0x0], $0xffff  }
0x143: {  	s16 =	simm.s32 $0x70;
	[tilespmem:s30+$0x80] =	vst v3;
	v3 =	vor.u32 $0xC, v5;
	v16 =	vld.idx.msk [tilespmem:v17+s15+$0x0], $0xffff  }
0x144: {  	v18 =	vmov s16;
	v8 =	vld.idx.msk [tilespmem:v8+s15+$0x0], $0xffff;
	v17 =	vor.u32 $0x3, v2;
	[tilespmem:s26+$0x300] =	vst v9  }
0x145: {  	v18 =	vshll.u32 v18, $0x4;
	v9 =	vor.u32 $0x3, v10;
	v11 =	vld.idx.msk [tilespmem:v11+s15+$0x0], $0xffff;
	[tilespmem:s28+$0x300] =	vst v7  }
0x146: {  	v29 =	vor.u32 v0, v18;
	v7 =	vld.idx.msk [tilespmem:v12+s15+$0x0], $0xffff;
	[tilespmem:s25+$0x500] =	vst v13  }
0x147: {  	v12 =	vor.u32 $0x8, v1;
	v14 =	vld.idx.msk [tilespmem:v14+s15+$0x0], $0xffff;
	[tilespmem:s31+$0x580] =	vst v15  }
0x148: {  	v13 =	vor.u32 $0x8, v6;
	[tilespmem:s29+$0x100] =	vst v16;
	v3 =	vld.idx.msk [tilespmem:v3+s15+$0x0], $0xffff  }
0x149: {  	[tilespmem:s30+$0x100] =	vst v8;
	v8 =	vor.u32 $0xD, v5;
	v16 =	vld.idx.msk [tilespmem:v17+s15+$0x0], $0xffff  }
0x14a: {  	v9 =	vld.idx.msk [tilespmem:v9+s15+$0x0], $0xffff;
	v17 =	vor.u32 $0x4, v2;
	[tilespmem:s26+$0x380] =	vst v11  }
0x14b: {  	s20 =	simm.s32 $0x60;
	v18 =	vld.idx.msk [tilespmem:v29+s15+$0x0], $0xffff;
	v11 =	vor.u32 $0x4, v10;
	[tilespmem:s28+$0x380] =	vst v7  }
0x14c: {  	v15 =	vor.u32 $0xC, v4;
	v12 =	vld.idx.msk [tilespmem:v12+s15+$0x0], $0xffff;
	v7 =	vmov s20;
	[tilespmem:s25+$0x580] =	vst v14  }
0x14d: {  	v13 =	vld.idx.msk [tilespmem:v13+s15+$0x0], $0xffff;
	v7 =	vshll.u32 v7, $0x4;
	v14 =	vor.u32 $0x9, v1;
	[tilespmem:s31+$0x600] =	vst v3  }
0x14e: {  	v3 =	vor.u32 v0, v7;
	[tilespmem:s29+$0x180] =	vst v16;
	v7 =	vld.idx.msk [tilespmem:v8+s15+$0x0], $0xffff  }
0x14f: {  	s3 =	sadd.s32 $0xCC00, s3;
	[tilespmem:s30+$0x180] =	vst v9;
	v9 =	vor.u32 $0xE, v5;
	v8 =	vld.idx.msk [tilespmem:v17+s15+$0x0], $0xffff  }
0x150: {  	s7 =	sor.u32 s0, s3;
	v16 =	vor.u32 $0x5, v2;
	v11 =	vld.idx.msk [tilespmem:v11+s15+$0x0], $0xffff  }
0x151: {  	s0 =	sor.u32 s22, s3;
	v15 =	vld.idx.msk [tilespmem:v15+s15+$0x0], $0xffff;
	[tilespmem:s7+$0x0] =	vst v12;
	v12 =	vor.u32 $0x5, v10  }
0x152: {  	v17 =	vor.u32 $0x9, v6;
	v14 =	vld.idx.msk [tilespmem:v14+s15+$0x0], $0xffff;
	[tilespmem:s0+$0x0] =	vst v13  }
0x153: {  	v19 =	vor.u32 $0xA, v1;
	v13 =	vld.idx.msk [tilespmem:v3+s15+$0x0], $0xffff;
	[tilespmem:s31+$0x680] =	vst v7  }
0x154: {  	s22 =	simm.s32 $0x600;
	v7 =	vor.u32 $0x1, v3;
	[tilespmem:s29+$0x200] =	vst v8;
	v8 =	vld.idx.msk [tilespmem:v9+s15+$0x0], $0xffff  }
0x155: {  	s17 =	sand.u32 $0x3800, s22;
	[tilespmem:s30+$0x200] =	vst v11;
	v9 =	vor.u32 $0x1, v29;
	v16 =	vld.idx.msk [tilespmem:v16+s15+$0x0], $0xffff  }
0x156: {  	s21 =	sadd.s32 $0xC800, s17;
	s11 =	sand.u32 $0x60, s20;
	v5 =	vor.u32 $0xF, v5;
	[tilespmem:s25+$0x600] =	vst v15;
	v11 =	vld.idx.msk [tilespmem:v12+s15+$0x0], $0xffff  }
0x157: {  	s3 =	sand.u32 $0x70, s16;
	s0 =	sor.u32 s11, s21;
	v12 =	vor.u32 $0x6, v2;
	[tilespmem:s26+$0x480] =	vst v14;
	v14 =	vld.idx.msk [tilespmem:v17+s15+$0x0], $0xffff  }
0x158: {  	s7 =	sor.u32 s3, s21;
	v15 =	vor.u32 $0x6, v10;
	[tilespmem:s0+$0x0] =	vst v13;
	v13 =	vld.idx.msk [tilespmem:v19+s15+$0x0], $0xffff  }
0x159: {  	[tilespmem:s7+$0x0] =	vst v18;
	v17 =	vor.u32 $0xA, v6;
	v19 =	vld.idx.msk [tilespmem:v7+s15+$0x0], $0xffff  }
0x15a: {  	v18 =	vor.u32 $0xB, v1;
	v9 =	vld.idx.msk [tilespmem:v9+s15+$0x0], $0xffff;
	[tilespmem:s31+$0x700] =	vst v8  }
0x15b: {  	v20 =	vor.u32 $0x2, v3;
	[tilespmem:s29+$0x280] =	vst v16;
	v16 =	vld.idx.msk [tilespmem:v5+s15+$0x0], $0xffff  }
0x15c: {  	[tilespmem:s30+$0x280] =	vst v11;
	v11 =	vor.u32 $0xD, v4;
	v12 =	vld.idx.msk [tilespmem:v12+s15+$0x0], $0xffff  }
0x15d: {  	v31 =	vor.u32 $0xE, v4;
	v22 =	vor.u32 $0x2, v29;
	v23 =	vld.idx.msk [tilespmem:v15+s15+$0x0], $0xffff;
	[tilespmem:s28+$0x480] =	vst v14  }
0x15e: {  	v28 =	vor.u32 $0xB, v6;
	v30 =	vor.u32 $0xC, v1;
	v14 =	vor.u32 $0x7, v2;
	v24 =	vld.idx.msk [tilespmem:v17+s15+$0x0], $0xffff;
	[tilespmem:s26+$0x500] =	vst v13  }
0x15f: {  	v35 =	vor.u32 $0x8, v2;
	v25 =	vor.u32 $0x7, v10;
	v21 =	vor.u32 $0x8, v10;
	[tilespmem:s0+$0x80] =	vst v19;
	v18 =	vld.idx.msk [tilespmem:v18+s15+$0x0], $0xffff  }
0x160: {  	v38 =	vor.u32 $0x3, v29;
	v27 =	vor.u32 $0x4, v29;
	v26 =	vor.u32 $0x5, v29;
	v20 =	vld.idx.msk [tilespmem:v20+s15+$0x0], $0xffff;
	[tilespmem:s7+$0x80] =	vst v9  }
0x161: {  	v62 =	vor.u32 $0x3, v3;
	v7 =	vor.u32 $0xF, v4;
	v8 =	vor.u32 $0xD, v6;
	v63 =	vld.idx.msk [tilespmem:v11+s15+$0x0], $0xffff;
	[tilespmem:s31+$0x780] =	vst v16  }
0x162: {  	v4 =	vor.u32 $0xF, v6;
	v5 =	vor.u32 $0xE, v6;
	v15 =	vor.u32 $0xC, v10;
	v61 =	vld.idx.msk [tilespmem:v22+s15+$0x0], $0xffff;
	[tilespmem:s29+$0x300] =	vst v12  }
0x163: {  	v17 =	vor.u32 $0xA, v10;
	v13 =	vor.u32 $0xC, v6;
	v6 =	vor.u32 $0xF, v10;
	[tilespmem:s30+$0x300] =	vst v23;
	v39 =	vld.idx.msk [tilespmem:v14+s15+$0x0], $0xffff  }
0x164: {  	v19 =	vor.u32 $0x9, v10;
	v11 =	vor.u32 $0xD, v10;
	v9 =	vor.u32 $0xE, v10;
	v33 =	vld.idx.msk [tilespmem:v25+s15+$0x0], $0xffff;
	[tilespmem:s28+$0x500] =	vst v24  }
0x165: {  	v16 =	vor.u32 $0xB, v10;
	v22 =	vor.u32 $0x9, v29;
	v23 =	vor.u32 $0xC, v29;
	v32 =	vld.idx.msk [tilespmem:v28+s15+$0x0], $0xffff;
	[tilespmem:s26+$0x580] =	vst v18  }
0x166: {  	v12 =	vor.u32 $0xE, v29;
	v10 =	vor.u32 $0xF, v29;
	v25 =	vor.u32 $0x6, v29;
	[tilespmem:s0+$0x100] =	vst v20;
	v30 =	vld.idx.msk [tilespmem:v30+s15+$0x0], $0xffff  }
0x167: {  	v24 =	vor.u32 $0x7, v29;
	v14 =	vor.u32 $0xD, v29;
	v28 =	vor.u32 $0x8, v29;
	[tilespmem:s25+$0x680] =	vst v63;
	v36 =	vld.idx.msk [tilespmem:v62+s15+$0x0], $0xffff  }
0x168: {  	v18 =	vor.u32 $0xB, v29;
	v20 =	vor.u32 $0xA, v29;
	v29 =	vor.u32 $0xD, v1;
	[tilespmem:s7+$0x100] =	vst v61;
	v31 =	vld.idx.msk [tilespmem:v31+s15+$0x0], $0xffff  }
0x169: {  	s19 =	simm.s32 $0x6;
	v37 =	vor.u32 $0x4, v3;
	s21 =	simm.s32 $0x90;
	v34 =	vld.idx.msk [tilespmem:v38+s15+$0x0], $0xffff;
	[tilespmem:s29+$0x380] =	vst v39  }
.LBB2_8:
0x16a: {  	s2 =	sadd.s32 $0xFFFFFFF0, s21;
	v38 =	vmov s21;
	s16 =	sand.u32 $0x70, s21;
	s19 =	sadd.s32 $0x2, s19;
	v35 =	vld.idx.msk [tilespmem:v35+s15+$0x0], $0xffff;
	[tilespmem:s30+$0x380] =	vst v33  }
0x16b: {  	v33 =	vmov s2;
	v38 =	vshll.u32 v38, $0x4;
	p0 =	slt.u32 s19, $0x3E;
	v39 =	vld.idx.msk [tilespmem:v21+s15+$0x0], $0xffff;
	[tilespmem:s28+$0x580] =	vst v32;
	v21 =	vmov v28  }
0x16c: {  	v28 =	vshll.u32 v33, $0x4;
	v32 =	vor.u32 v0, v38;
	v33 =	vor.u32 $0x9, v2;
	[tilespmem:s26+$0x600] =	vst v30;
	v30 =	vld.idx.msk [tilespmem:v13+s15+$0x0], $0xffff;
	v13 =	vmovc v15  }
0x16d: {  	v15 =	vmovc v23;
	v38 =	vor.u32 v0, v28;
	v40 =	vor.u32 $0x1, v32;
	v41 =	vor.u32 $0x2, v32;
	[tilespmem:s0+$0x180] =	vst v36;
	v36 =	vld.idx.msk [tilespmem:v29+s15+$0x0], $0xffff  }
0x16e: {  	s20 =	sadd.s32 $0xCC00, s1;
	s1 =	smov.u32 s17;
	v29 =	vor.u32 $0x3, v32;
	v23 =	vor.u32 $0x4, v32;
	v42 =	vor.u32 $0x5, v32;
	v37 =	vld.idx.msk [tilespmem:v37+s15+$0x0], $0xffff;
	[tilespmem:s7+$0x180] =	vst v34  }
0x16f: {  	v45 =	vor.u32 $0xE, v1;
	s5 =	sor.u32 s5, s20;
	s17 =	sor.u32 s8, s20;
	s8 =	smov.u32 s3;
	v43 =	vor.u32 $0x7, v32;
	v34 =	vor.u32 $0x6, v32;
	v44 =	vld.idx.msk [tilespmem:v27+s15+$0x0], $0xffff;
	[tilespmem:s25+$0x700] =	vst v31;
	v27 =	vmovc v23  }
0x170: {  	v46 =	vor.u32 $0x5, v3;
	s3 =	smov.u32 s16;
	v28 =	vor.u32 $0x8, v32;
	v31 =	vor.u32 $0x9, v32;
	[tilespmem:s5+$0x0] =	vst v35;
	v35 =	vld.idx.msk [tilespmem:v7+s15+$0x0], $0xffff;
	v7 =	vmovc v4;
	v4 =	vmovc v6;
	s5 =	smov.u32 s11  }
0x171: {  	v47 =	vor.u32 $0xA, v32;
	v48 =	vor.u32 $0xB, v32;
	v23 =	vor.u32 $0xC, v32;
	v6 =	vmovc v10;
	v33 =	vld.idx.msk [tilespmem:v33+s15+$0x0], $0xffff;
	[tilespmem:s17+$0x0] =	vst v39  }
0x172: {  	v49 =	vor.u32 $0xD, v32;
	v50 =	vor.u32 $0xE, v32;
	v10 =	vor.u32 $0xF, v32;
	v39 =	vld.idx.msk [tilespmem:v38+s15+$0x0], $0xffff;
	[tilespmem:s28+$0x600] =	vst v30  }
0x173: {  	v30 =	vld.idx.msk [tilespmem:v32+s15+$0x0], $0xffff;
	v32 =	vor.u32 $0xA, v2;
	[tilespmem:s26+$0x680] =	vst v36  }
0x174: {  	s22 =	sadd.s32 $0x200, s22;
	v36 =	vor.u32 $0x1, v38;
	[tilespmem:s0+$0x200] =	vst v37;
	v37 =	vld.idx.msk [tilespmem:v45+s15+$0x0], $0xffff  }
0x175: {  	s17 =	sand.u32 $0x3800, s22;
	v45 =	vld.idx.msk [tilespmem:v46+s15+$0x0], $0xffff;
	[tilespmem:s7+$0x200] =	vst v44  }
0x176: {  	s11 =	sand.u32 $0x60, s2;
	s2 =	sadd.s32 $0xC800, s17;
	v46 =	vor.u32 $0xF, v1;
	v1 =	vmovc v2;
	v2 =	vmovc v3;
	v3 =	vmov v38;
	v44 =	vld.idx.msk [tilespmem:v26+s15+$0x0], $0xffff;
	[tilespmem:s25+$0x780] =	vst v35;
	v26 =	vmov v42;
	s25 =	smov.u32 s28  }
0x177: {  	s16 =	sor.u32 s11, s2;
	s2 =	sor.u32 s3, s2;
	v35 =	vor.u32 $0x6, v2;
	s28 =	smov.u32 s30;
	[tilespmem:s29+$0x480] =	vst v33;
	v33 =	vld.idx.msk [tilespmem:v19+s15+$0x0], $0xffff;
	v19 =	vmov v22;
	v22 =	vmov v31  }
0x178: {  	s30 =	smov.u32 s7;
	s7 =	smov.u32 s2;
	[tilespmem:s16+$0x0] =	vst v39;
	v31 =	vld.idx.msk [tilespmem:v32+s15+$0x0], $0xffff  }
0x179: {  	v32 =	vld.idx.msk [tilespmem:v36+s15+$0x0], $0xffff;
	[tilespmem:s7+$0x0] =	vst v30  }
0x17a: {  	v36 =	vor.u32 $0xB, v1;
	v30 =	vld.idx.msk [tilespmem:v40+s15+$0x0], $0xffff;
	[tilespmem:s26+$0x700] =	vst v37  }
0x17b: {  	v37 =	vor.u32 $0x2, v3;
	[tilespmem:s0+$0x280] =	vst v45;
	v38 =	vld.idx.msk [tilespmem:v46+s15+$0x0], $0xffff  }
0x17c: {  	v35 =	vld.idx.msk [tilespmem:v35+s15+$0x0], $0xffff;
	[tilespmem:s30+$0x280] =	vst v44  }
0x17d: {  	v39 =	vld.idx.msk [tilespmem:v25+s15+$0x0], $0xffff;
	[tilespmem:s28+$0x480] =	vst v33;
	v25 =	vmov v34  }
0x17e: {  	v33 =	vor.u32 $0x7, v2;
	[tilespmem:s29+$0x500] =	vst v31;
	v31 =	vld.idx.msk [tilespmem:v17+s15+$0x0], $0xffff;
	v17 =	vmov v20;
	v20 =	vmov v47  }
0x17f: {  	[tilespmem:s16+$0x80] =	vst v32;
	v32 =	vld.idx.msk [tilespmem:v36+s15+$0x0], $0xffff  }
0x180: {  	v34 =	vld.idx.msk [tilespmem:v37+s15+$0x0], $0xffff;
	[tilespmem:s7+$0x80] =	vst v30  }
0x181: {  	v30 =	vor.u32 $0xC, v1;
	v37 =	vld.idx.msk [tilespmem:v41+s15+$0x0], $0xffff;
	[tilespmem:s26+$0x780] =	vst v38;
	s26 =	smov.u32 s29;
	s29 =	smov.u32 s0;
	s0 =	smov.u32 s16  }
0x182: {  	v36 =	vor.u32 $0x3, v3;
	[tilespmem:s29+$0x300] =	vst v35;
	v38 =	vld.idx.msk [tilespmem:v8+s15+$0x0], $0xffff;
	v8 =	vmovc v11;
	v11 =	vmov v14;
	v14 =	vmov v49  }
0x183: {  	v40 =	vld.idx.msk [tilespmem:v33+s15+$0x0], $0xffff;
	[tilespmem:s30+$0x300] =	vst v39  }
0x184: {  	v33 =	vld.idx.msk [tilespmem:v24+s15+$0x0], $0xffff;
	[tilespmem:s28+$0x500] =	vst v31;
	v24 =	vmov v43  }
.Ltmp3:
0x185: {  	v35 =	vor.u32 $0x8, v2;
	[tilespmem:s26+$0x580] =	vst v32;
	v32 =	vld.idx.msk [tilespmem:v16+s15+$0x0], $0xffff;
	v16 =	vmov v18;
	v18 =	vmov v48;
	(pc) =	sbr.rel @p0 .LBB2_8-.Ltmp3, $4  }
0x186: {  	[tilespmem:s0+$0x100] =	vst v34;
	v30 =	vld.idx.msk [tilespmem:v30+s15+$0x0], $0xffff  }
0x187: {  	v36 =	vld.idx.msk [tilespmem:v36+s15+$0x0], $0xffff;
	[tilespmem:s7+$0x100] =	vst v37  }
0x188: {  	v34 =	vld.idx.msk [tilespmem:v29+s15+$0x0], $0xffff;
	v29 =	vor.u32 $0xD, v1;
	[tilespmem:s25+$0x680] =	vst v38  }
0x189: {  	s21 =	sadd.s32 $0x20, s21;
	v37 =	vor.u32 $0x4, v3;
	[tilespmem:s29+$0x380] =	vst v40;
	v31 =	vld.idx.msk [tilespmem:v5+s15+$0x0], $0xffff;
	v5 =	vmovc v9;
	v9 =	vmov v12;
	v12 =	vmov v50  }
0x18a: {  	_ =	sdelay $0x2  }
0x18b: {  	[tilespmem:s0+$0x180] =	vst v36  }
0x18c: {  	v36 =	vld.idx.msk [tilespmem:v37+s15+$0x0], $0xffff;
	[tilespmem:s7+$0x180] =	vst v34  }
0x18d: {  	v39 =	vor.u32 $0x5, v3;
	v27 =	vld.idx.msk [tilespmem:v27+s15+$0x0], $0xffff;
	_ =	sdelay $0x3  }
0x18e: {  	[tilespmem:s0+$0x200] =	vst v36  }
0x18f: {  	v34 =	vld.idx.msk [tilespmem:v39+s15+$0x0], $0xffff;
	[tilespmem:s7+$0x200] =	vst v27  }
0x190: {  	v40 =	vor.u32 $0x6, v3;
	v26 =	vld.idx.msk [tilespmem:v26+s15+$0x0], $0xffff;
	_ =	sdelay $0x3  }
0x191: {  	[tilespmem:s0+$0x280] =	vst v34  }
0x192: {  	v27 =	vld.idx.msk [tilespmem:v40+s15+$0x0], $0xffff;
	[tilespmem:s7+$0x280] =	vst v26  }
0x193: {  	v41 =	vor.u32 $0x7, v3;
	v25 =	vld.idx.msk [tilespmem:v25+s15+$0x0], $0xffff;
	_ =	sdelay $0x3  }
0x194: {  	[tilespmem:s0+$0x300] =	vst v27  }
0x195: {  	v26 =	vld.idx.msk [tilespmem:v41+s15+$0x0], $0xffff;
	[tilespmem:s7+$0x300] =	vst v25  }
0x196: {  	v42 =	vor.u32 $0x8, v3;
	v24 =	vld.idx.msk [tilespmem:v24+s15+$0x0], $0xffff;
	_ =	sdelay $0x1  }
0x197: {  	[tilespmem:s30+$0x380] =	vst v33  }
0x198: {  	v21 =	vld.idx.msk [tilespmem:v21+s15+$0x0], $0xffff  }
0x199: {  	v43 =	vld.idx.msk [tilespmem:v35+s15+$0x0], $0xffff;
	[tilespmem:s0+$0x380] =	vst v26  }
0x19a: {  	v44 =	vor.u32 $0x9, v2;
	v25 =	vld.idx.msk [tilespmem:v42+s15+$0x0], $0xffff;
	[tilespmem:s7+$0x380] =	vst v24  }
0x19b: {  	s1 =	sadd.s32 $0xCC00, s1;
	v45 =	vor.u32 $0x9, v3;
	v24 =	vld.idx.msk [tilespmem:v28+s15+$0x0], $0xffff  }
0x19c: {  	s2 =	sor.u32 s5, s1;
	s1 =	sor.u32 s8, s1  }
0x19d: {  	s21 =	sadd.s32 $0xCC00, s17;
	[tilespmem:s1+$0x0] =	vst v21  }
0x19e: {  	s22 =	sor.u32 s11, s21;
	[tilespmem:s2+$0x0] =	vst v43;
	v19 =	vld.idx.msk [tilespmem:v19+s15+$0x0], $0xffff  }
0x19f: {  	s2 =	sor.u32 s3, s21;
	v27 =	vld.idx.msk [tilespmem:v44+s15+$0x0], $0xffff;
	[tilespmem:s22+$0x0] =	vst v25  }
0x1a0: {  	v46 =	vor.u32 $0xA, v2;
	v25 =	vld.idx.msk [tilespmem:v45+s15+$0x0], $0xffff;
	[tilespmem:s2+$0x0] =	vst v24  }
0x1a1: {  	v47 =	vor.u32 $0xA, v3;
	v22 =	vld.idx.msk [tilespmem:v22+s15+$0x0], $0xffff;
	_ =	sdelay $0x1  }
0x1a2: {  	[tilespmem:s30+$0x480] =	vst v19  }
0x1a3: {  	v17 =	vld.idx.msk [tilespmem:v17+s15+$0x0], $0xffff;
	[tilespmem:s29+$0x480] =	vst v27  }
0x1a4: {  	v21 =	vld.idx.msk [tilespmem:v46+s15+$0x0], $0xffff;
	[tilespmem:s0+$0x480] =	vst v25  }
0x1a5: {  	v48 =	vor.u32 $0xB, v2;
	v24 =	vld.idx.msk [tilespmem:v47+s15+$0x0], $0xffff;
	[tilespmem:s7+$0x480] =	vst v22  }
0x1a6: {  	v49 =	vor.u32 $0xB, v3;
	v20 =	vld.idx.msk [tilespmem:v20+s15+$0x0], $0xffff  }
0x1a7: {  	[tilespmem:s28+$0x580] =	vst v32  }
0x1a8: {  	[tilespmem:s30+$0x500] =	vst v17  }
0x1a9: {  	v16 =	vld.idx.msk [tilespmem:v16+s15+$0x0], $0xffff;
	[tilespmem:s29+$0x500] =	vst v21  }
0x1aa: {  	v19 =	vld.idx.msk [tilespmem:v48+s15+$0x0], $0xffff;
	[tilespmem:s0+$0x500] =	vst v24  }
0x1ab: {  	v50 =	vor.u32 $0xC, v2;
	v51 =	vld.idx.msk [tilespmem:v49+s15+$0x0], $0xffff;
	[tilespmem:s7+$0x500] =	vst v20  }
0x1ac: {  	v52 =	vor.u32 $0xC, v3;
	[tilespmem:s26+$0x600] =	vst v30;
	v18 =	vld.idx.msk [tilespmem:v18+s15+$0x0], $0xffff  }
0x1ad: {  	v13 =	vld.idx.msk [tilespmem:v13+s15+$0x0], $0xffff;
	[tilespmem:s25+$0x700] =	vst v31  }
0x1ae: {  	v53 =	vld.idx.msk [tilespmem:v29+s15+$0x0], $0xffff;
	[tilespmem:s30+$0x580] =	vst v16  }
0x1af: {  	v15 =	vld.idx.msk [tilespmem:v15+s15+$0x0], $0xffff;
	[tilespmem:s29+$0x580] =	vst v19  }
0x1b0: {  	v17 =	vld.idx.msk [tilespmem:v50+s15+$0x0], $0xffff;
	[tilespmem:s0+$0x580] =	vst v51  }
0x1b1: {  	v54 =	vor.u32 $0xD, v2;
	v55 =	vld.idx.msk [tilespmem:v52+s15+$0x0], $0xffff;
	[tilespmem:s7+$0x580] =	vst v18  }
0x1b2: {  	v56 =	vor.u32 $0xD, v3;
	[tilespmem:s28+$0x600] =	vst v13;
	v18 =	vld.idx.msk [tilespmem:v23+s15+$0x0], $0xffff  }
0x1b3: {  	v7 =	vld.idx.msk [tilespmem:v7+s15+$0x0], $0xffff;
	[tilespmem:s26+$0x680] =	vst v53  }
0x1b4: {  	v57 =	vor.u32 $0xE, v1;
	v8 =	vld.idx.msk [tilespmem:v8+s15+$0x0], $0xffff;
	[tilespmem:s30+$0x600] =	vst v15  }
0x1b5: {  	v11 =	vld.idx.msk [tilespmem:v11+s15+$0x0], $0xffff;
	[tilespmem:s29+$0x600] =	vst v17  }
0x1b6: {  	v16 =	vld.idx.msk [tilespmem:v54+s15+$0x0], $0xffff;
	[tilespmem:s0+$0x600] =	vst v55  }
0x1b7: {  	v58 =	vor.u32 $0xE, v2;
	v13 =	vld.idx.msk [tilespmem:v56+s15+$0x0], $0xffff;
	[tilespmem:s7+$0x600] =	vst v18  }
0x1b8: {  	v59 =	vor.u32 $0xE, v3;
	[tilespmem:s25+$0x780] =	vst v7;
	v14 =	vld.idx.msk [tilespmem:v14+s15+$0x0], $0xffff  }
0x1b9: {  	v60 =	vld.idx.msk [tilespmem:v57+s15+$0x0], $0xffff;
	[tilespmem:s28+$0x680] =	vst v8  }
0x1ba: {  	v1 =	vor.u32 $0xF, v1;
	v5 =	vld.idx.msk [tilespmem:v5+s15+$0x0], $0xffff;
	[tilespmem:s30+$0x680] =	vst v11  }
0x1bb: {  	v9 =	vld.idx.msk [tilespmem:v9+s15+$0x0], $0xffff;
	[tilespmem:s29+$0x680] =	vst v16  }
0x1bc: {  	v61 =	vld.idx.msk [tilespmem:v58+s15+$0x0], $0xffff;
	[tilespmem:s0+$0x680] =	vst v13  }
0x1bd: {  	v2 =	vor.u32 $0xF, v2;
	v7 =	vld.idx.msk [tilespmem:v59+s15+$0x0], $0xffff;
	[tilespmem:s7+$0x680] =	vst v14  }
0x1be: {  	v3 =	vor.u32 $0xF, v3;
	[tilespmem:s26+$0x700] =	vst v60;
	v62 =	vld.idx.msk [tilespmem:v12+s15+$0x0], $0xffff  }
0x1bf: {  	v1 =	vld.idx.msk [tilespmem:v1+s15+$0x0], $0xffff;
	[tilespmem:s28+$0x700] =	vst v5  }
0x1c0: {  	v4 =	vld.idx.msk [tilespmem:v4+s15+$0x0], $0xffff;
	[tilespmem:s30+$0x700] =	vst v9  }
0x1c1: {  	v63 =	vld.idx.msk [tilespmem:v6+s15+$0x0], $0xffff;
	[tilespmem:s29+$0x700] =	vst v61  }
0x1c2: {  	v2 =	vld.idx.msk [tilespmem:v2+s15+$0x0], $0xffff;
	[tilespmem:s0+$0x700] =	vst v7  }
0x1c3: {  	v3 =	vld.idx.msk [tilespmem:v3+s15+$0x0], $0xffff;
	[tilespmem:s7+$0x700] =	vst v62  }
0x1c4: {  	s23 =	sadd.s32 $0x1, s23;
	[tilespmem:s26+$0x780] =	vst v1;
	v1 =	vld.idx.msk [tilespmem:v10+s15+$0x0], $0xffff  }
0x1c5: {  	p0 =	sne.s32 s23, $0x32;
	s25 =	sadd.s32 s6, s24;
	[tilespmem:s28+$0x780] =	vst v4  }
.Ltmp4:
0x1c6: {  	s26 =	sshll.u32 s25, $0x7;
	[tilespmem:s30+$0x780] =	vst v63;
	(pc) =	sbr.rel @p0 .LBB2_2-.Ltmp4, $4  }
0x1c7: {  	s1 =	sshll.u32 s25, $0xB;
	s2 =	sand.u32 $0x3F80, s26;
	[tilespmem:s29+$0x780] =	vst v2;
	s29 =	rddreg [dreg:$0x2]  }
0x1c8: {  	s28 =	sand.u32 $0xFFC0000, s1;
	s1 =	sadd.s32 s29, s2;
	[tilespmem:s0+$0x780] =	vst v3  }
0x1c9: {  	s31 =	simm.s32 $0xC800;
	s30 =	simm.s32 $0x20000;
	s0 =	sadd.s32 s28, s1;
	[tilespmem:s7+$0x780] =	vst v1  }
0x1ca: {  	[hbm4b:s0+s10] =	stream.strided.scatter [tilespmem:s31], [sflag:$0x6], $0x4000, s30, s10, $0x38;
	[tilespmem:$0x10800] =	vst v63  }
0x1cb: {  	s0 =	simm.s32 $0x5  }
0x1cc: {  	_ =	swait.ge [sflag:s0], $0x4000  }
0x1cd: {  	[sflag:s0] =	ssyncset.done $0x0  }
0x1ce: {  	s1 =	simm.s32 $0x6;
	[sflag:s0] =	ssyncadd.s32 $0xFFFFC000  }
0x1cf: {  	_ =	swait.ge [sflag:s1], $0x4000  }
0x1d0: {  	s2 =	rddreg [dreg:$0x7]  }
0x1d1: {  	s31 =	rddreg [dreg:$0x6];
	s2 =	sadd.s32 $0x1, s2  }
0x1d2: {  	p0 =	sne.s32 s2, s31  }
.Ltmp5:
0x1d3: {  	_ = 	snop;
	(pc) =	sbr.rel @p0 .LBB2_1-.Ltmp5, $3  }
0x1d4: {  	_ =	sdelay $0x1  }
0x1d5: {  	[sflag:s1] =	ssyncset.done $0x0  }
0x1d6: {  	[sflag:s1] =	ssyncadd.s32 $0xFFFFC000  }
0x1d7: {  	_ =	sfence.sel $0x180000  }
0x1d8: {  	[bflag:$0x0] =	sbarrier.arrive $0xFFFF  }
0x1d9: {  	_ =	strace $0x9000004A  }
0x1da: {  	s0 =	stileid.u32;
	[bflag:$0x2] =	sbarrier.arrive $0xFFFF  }
0x1db: {  	p0 =	sne.s32 s0, $0x0;
	s0 =	rddreg [dreg:$0x3]  }
0x1dc: {  	s0 =	sadd.s32 @!p0 $0x100000, s0  }
0x1dd: {  	[sflag:s0] =	ssyncadd.tile.s32 @!p0 $0x1;
	_ =	shalt  }
.Lfunc_end2:
_tile_overlayer_lowered:
.L_overlay_start_2:
0x1de: {  	(tag) =	ssettag $0x2  }
0x1df: {  	s0 =	rddreg [dreg:$0x0];
	s2 =	stileid.u32  }
0x1e0: {  	s1 =	rddreg [dreg:$0x1];
	p0 =	sne.s32 s2, $0x0  }
0x1e1: {  	s3 =	rddreg [dreg:$0x2];
	[bflag:$0x3] =	sbarrier.arrive $0xFFFF;
	s2 =	simm.s32 @!p0 $0x1C07  }
0x1e2: {  	[timem:s3], [sflag:s2] =	dma.local @!p0 [hbm:s0], s1  }
0x1e3: {  	s0 =	simm.s32 @!p0 $0x7  }
0x1e4: {  	_ =	swait.ge @!p0 [sflag:s0], s1  }
0x1e5: {  	s1 =	ssub.s32 @!p0 $0x0, s1;
	[sflag:s0] =	ssyncset.done @!p0 $0x0  }
0x1e6: {  	[sflag:s0] =	ssyncadd.s32 @!p0 s1  }
0x1e7: {  	[bflag:$0x3] =	sbarrier.arrive $0xFFFF  }
0x1e8: {  	_ =	shalt  }

</sc_bundles>
